<compile_context>
chip_gen: v7x
topology: tpu7x:2x2x1
jax: 0.10.2.dev20260603
libtpu: 0.0.44.dev20260713+nightly
codegen_flags: <defaults>
</compile_context>

<pallas_src>
import functools

import jax
import jax.numpy as jnp
from jax import lax
from jax.experimental import pallas as pl
from jax.experimental.pallas import tpu as pltpu
from jax.experimental.pallas import tpu_sc as plsc

LOW = -2.0
HIGH = 2.0
D = 64

NC, NS = 2, 16
NW = NC * NS
CHUNK = 128


def _sc_gather(x1, tablep):
    N = x1.shape[0]
    R = N // CHUNK
    rpw = R // NW
    npw = N // NW
    mesh = plsc.VectorSubcoreMesh(core_axis_name="c", subcore_axis_name="s")

    @functools.partial(
        pl.kernel,
        out_type=jax.ShapeDtypeStruct((R, CHUNK, 2 * D), jnp.float32),
        mesh=mesh,
        scratch_types=[
            pltpu.VMEM((npw,), jnp.int32),
            pltpu.VMEM((rpw, CHUNK, 2 * D), jnp.float32),
            pltpu.SemaphoreType.DMA,
        ],
        compiler_params=pltpu.CompilerParams(use_tc_tiling_on_sc=True),
    )
    def k(table_hbm, x_hbm, out_hbm, idx_v, rows_v, sem):
        w = lax.axis_index("s") * NC + lax.axis_index("c")
        pltpu.sync_copy(x_hbm.at[pl.ds(w * npw, npw)], idx_v)
        copies = [
            pltpu.async_copy(
                table_hbm.at[idx_v.at[pl.ds(c * CHUNK, CHUNK)]],
                rows_v.at[c],
                sem,
            )
            for c in range(rpw)
        ]
        for cp in copies:
            cp.wait()
        pltpu.sync_copy(rows_v, out_hbm.at[pl.ds(w * rpw, rpw)])

    return k(tablep, x1)


def _tc_compute(base2, keys, n_l, n_b):
    scale = (D + 1 - 1) / (HIGH - LOW)

    GL = 5

    def body(b_ref, k_ref, o_ref):
        kv = k_ref[...]
        for g in range(GL):
            b = b_ref[pl.ds(g * n_b, n_b), :D]
            yt = ((b - LOW) * scale).T
            rows = []
            for j in range(D):
                sig = jnp.where(yt > (j + 0.5), 1.0, -1.0)
                rows.append(
                    lax.dot_general(kv[:, j:j + 1], sig,
                                    (((0,), (0,)), ((), ())),
                                    preferred_element_type=jnp.float32))
            o_ref[g] = jnp.concatenate(rows, axis=0)

    return pl.pallas_call(
        body,
        grid=(n_l // GL,),
        in_specs=[
            pl.BlockSpec((GL * n_b, 2 * D), lambda i: (i, 0)),
            pl.BlockSpec((D, D), lambda i: (0, 0)),
        ],
        out_specs=pl.BlockSpec((GL, D, n_b), lambda i: (i, 0, 0)),
        out_shape=jax.ShapeDtypeStruct((n_l, D, n_b), jnp.float32),
    )(base2, keys)


def kernel(x, embed_table, keys_hv, therm):
    B, L = x.shape
    N = B * L
    x1 = x.T.reshape(N).astype(jnp.int32)
    tablep = jnp.pad(embed_table, ((0, 0), (0, D)))
    base3 = _sc_gather(x1, tablep)
    out3 = _tc_compute(base3.reshape(N, 2 * D), keys_hv, L, B)
    return jnp.transpose(out3, (2, 0, 1))

# --- scband reference (transcript-rebuilt; emitter-appended) ---
"""Pipeline reference for scband-torch-hd-density-embed-69277822484786 (READ-ONLY COPY).

The authoritative reference and input builder live on the scoring server;
editing this copy changes nothing except your own understanding.
"""

import jax, jax.numpy as jnp
import numpy as np

VOCAB = 100000
D = 64
LOW = -2.0
HIGH = 2.0


def setup_inputs(seed: int = 0) -> dict:
    key = jax.random.key(seed)
    k1, k2, k3 = jax.random.split(key, 3)
    # token indices [B, L]
    x = jax.random.randint(k1, (1024, 20), 0, VOCAB, dtype=jnp.int64) if jax.config.jax_enable_x64 else jax.random.randint(k1, (1024, 20), 0, VOCAB).astype(jnp.int32)
    # base embedding table (nn.Embedding default init ~ N(0,1))
    embed_table = jax.random.normal(k2, (VOCAB, D), dtype=jnp.float32)
    # torchhd Random MAP key hypervectors: values in {-1, +1}
    keys_hv = jnp.where(jax.random.bernoulli(k3, 0.5, (D, D)), 1.0, -1.0).astype(jnp.float32)
    # torchhd Thermometer codebook: (D+1) levels, level i has first i elements +1, rest -1
    levels = jnp.arange(D + 1)[:, None]
    positions = jnp.arange(D)[None, :]
    therm = jnp.where(positions < levels, 1.0, -1.0).astype(jnp.float32)
    return {"x": x, "embed_table": embed_table, "keys_hv": keys_hv, "therm": therm}


def reference(x, embed_table, keys_hv, therm):
    # base embedding lookup: [B, L, D]
    base = jnp.take(embed_table, x, axis=0)
    # torchhd Density = hash_table(keys, Thermometer(base))
    # Thermometer: value_to_index maps [LOW, HIGH] -> [0, num_embeddings-1], round, clamp
    num_emb = therm.shape[0]  # D + 1
    idx = jnp.round((base - LOW) / (HIGH - LOW) * (num_emb - 1))
    idx = jax.lax.stop_gradient(idx).astype(jnp.int32)
    idx = jnp.clip(idx, 0, num_emb - 1)
    # thermometer lookup: [B, L, D, D]
    dens = jnp.take(therm, idx, axis=0)
    # hash_table for MAP VSA: bind = elementwise multiply, multiset bundle = sum over dim -2
    out = jnp.sum(keys_hv * dens, axis=-2)  # [B, L, D]
    return out

if __name__ == "__main__":
    import jax
    _d = setup_inputs()
    print(jax.jit(kernel)(*tuple(_d.values())))

</pallas_src>

<mosaic_0001>
#map = affine_map<(d0, d1) -> (0, 0)>
#map1 = affine_map<(d0, d1) -> (0)>
#map2 = affine_map<(d0, d1) -> (0, 0, 0)>
module attributes {stable_mosaic.version = 14 : i64} {
  func.func @k(%arg0: i32, %arg1: i32, %arg2: memref<100000x128xf32, #tpu.memory_space<hbm>>, %arg3: memref<20480xi32, #tpu.memory_space<hbm>>, %arg4: memref<160x128x128xf32, #tpu.memory_space<hbm>>, %arg5: memref<640xi32, #tpu.memory_space<vmem>>, %arg6: memref<5x128x128xf32, #tpu.memory_space<vmem>>, %arg7: memref<!tpu.dma_semaphore, #tpu.memory_space<semaphore_mem>>) attributes {dimension_semantics = [#tpu.dimension_semantics<core_parallel>, #tpu.dimension_semantics<subcore_parallel>], iteration_bounds = array<i64: 2, 16>, scalar_prefetch = 0 : i64, scratch_operands = 3 : i64, tpu.core_type = #tpu.core_type<sc_vector_subcore>, window_params = [{transform_indices = #map}, {transform_indices = #map1}, {transform_indices = #map2}]} {
    %mul3A = arith.constant 2 : i32
    %mul3A_0 = arith.muli %arg1, %mul3A : i32
    %add3A = arith.addi %mul3A_0, %arg0 : i32
    %mul3A_1 = arith.constant 640 : i32
    %mul3A_2 = arith.muli %add3A, %mul3A_1 : i32
    "tpu.region"() ({
      %run_scoped3A = tpu.sem_alloc : memref<!tpu.dma_semaphore, #tpu.memory_space<semaphore_mem>>
      %dma_start3A_103 = tpu.memref_slice %arg3[%mul3A_2] : memref<20480xi32, #tpu.memory_space<hbm>> -> memref<640xi32, #tpu.memory_space<hbm>>
      %dma_start3A_104 = tpu.memref_slice %arg3[%mul3A_2] : memref<20480xi32, #tpu.memory_space<hbm>> -> memref<640xi32, #tpu.memory_space<hbm>>
      tpu.enqueue_dma source(%dma_start3A_104 : memref<640xi32, #tpu.memory_space<hbm>>) target(%arg5 : memref<640xi32, #tpu.memory_space<vmem>>) target_semaphore(%run_scoped3A : memref<!tpu.dma_semaphore, #tpu.memory_space<semaphore_mem>>)
      %dma_wait3A_105 = tpu.memref_slice %arg3[%mul3A_2] : memref<20480xi32, #tpu.memory_space<hbm>> -> memref<640xi32, #tpu.memory_space<hbm>>
      %dma_wait3A_106 = tpu.memref_slice %arg3[%mul3A_2] : memref<20480xi32, #tpu.memory_space<hbm>> -> memref<640xi32, #tpu.memory_space<hbm>>
      tpu.wait_dma2 semaphore(%run_scoped3A : memref<!tpu.dma_semaphore, #tpu.memory_space<semaphore_mem>>) src(%dma_wait3A_106 : memref<640xi32, #tpu.memory_space<hbm>>) dst(%arg5 : memref<640xi32, #tpu.memory_space<vmem>>)
      tpu.yield
    }) : () -> ()
    %dma_start3A = arith.constant 0 : i32
    %dma_start3A_3 = arith.constant 0 : i32
    %dma_start3A_4 = arith.constant 0 : i32
    %dma_start3A_5 = tpu.memref_slice %arg6[%dma_start3A, %dma_start3A_3, %dma_start3A_4] : memref<5x128x128xf32, #tpu.memory_space<vmem>> -> memref<1x128x128xf32, #tpu.memory_space<vmem>>
    %dma_start3A_6 = tpu.memref_squeeze %dma_start3A_5 : memref<1x128x128xf32, #tpu.memory_space<vmem>> -> memref<128x128xf32, #tpu.memory_space<vmem>>
    %dma_start3A_7 = arith.constant 0 : i32
    %dma_start3A_8 = tpu.memref_slice %arg5[%dma_start3A_7] : memref<640xi32, #tpu.memory_space<vmem>> -> memref<128xi32, #tpu.memory_space<vmem>>
    %dma_start3A_9 = arith.constant 0 : i32
    %dma_start3A_10 = arith.constant 0 : i32
    %dma_start3A_11 = tpu.memref_slice %arg2[%dma_start3A_9, %dma_start3A_10] : memref<100000x128xf32, #tpu.memory_space<hbm>> -> memref<100000x128xf32, #tpu.memory_space<hbm>>
    tpu.enqueue_indirect_dma source(%dma_start3A_11 : memref<100000x128xf32, #tpu.memory_space<hbm>>) target(%dma_start3A_6 : memref<128x128xf32, #tpu.memory_space<vmem>>) offsets(%dma_start3A_8 : memref<128xi32, #tpu.memory_space<vmem>>) semaphore(%arg7 : memref<!tpu.dma_semaphore, #tpu.memory_space<semaphore_mem>>)
    %dma_start3A_12 = arith.constant 1 : i32
    %dma_start3A_13 = arith.constant 0 : i32
    %dma_start3A_14 = arith.constant 0 : i32
    %dma_start3A_15 = tpu.memref_slice %arg6[%dma_start3A_12, %dma_start3A_13, %dma_start3A_14] : memref<5x128x128xf32, #tpu.memory_space<vmem>> -> memref<1x128x128xf32, #tpu.memory_space<vmem>>
    %dma_start3A_16 = tpu.memref_squeeze %dma_start3A_15 : memref<1x128x128xf32, #tpu.memory_space<vmem>> -> memref<128x128xf32, #tpu.memory_space<vmem>>
    %dma_start3A_17 = arith.constant 128 : i32
    %dma_start3A_18 = tpu.memref_slice %arg5[%dma_start3A_17] : memref<640xi32, #tpu.memory_space<vmem>> -> memref<128xi32, #tpu.memory_space<vmem>>
    %dma_start3A_19 = arith.constant 0 : i32
    %dma_start3A_20 = arith.constant 0 : i32
    %dma_start3A_21 = tpu.memref_slice %arg2[%dma_start3A_19, %dma_start3A_20] : memref<100000x128xf32, #tpu.memory_space<hbm>> -> memref<100000x128xf32, #tpu.memory_space<hbm>>
    tpu.enqueue_indirect_dma source(%dma_start3A_21 : memref<100000x128xf32, #tpu.memory_space<hbm>>) target(%dma_start3A_16 : memref<128x128xf32, #tpu.memory_space<vmem>>) offsets(%dma_start3A_18 : memref<128xi32, #tpu.memory_space<vmem>>) semaphore(%arg7 : memref<!tpu.dma_semaphore, #tpu.memory_space<semaphore_mem>>)
    %dma_start3A_22 = arith.constant 2 : i32
    %dma_start3A_23 = arith.constant 0 : i32
    %dma_start3A_24 = arith.constant 0 : i32
    %dma_start3A_25 = tpu.memref_slice %arg6[%dma_start3A_22, %dma_start3A_23, %dma_start3A_24] : memref<5x128x128xf32, #tpu.memory_space<vmem>> -> memref<1x128x128xf32, #tpu.memory_space<vmem>>
    %dma_start3A_26 = tpu.memref_squeeze %dma_start3A_25 : memref<1x128x128xf32, #tpu.memory_space<vmem>> -> memref<128x128xf32, #tpu.memory_space<vmem>>
    %dma_start3A_27 = arith.constant 256 : i32
    %dma_start3A_28 = tpu.memref_slice %arg5[%dma_start3A_27] : memref<640xi32, #tpu.memory_space<vmem>> -> memref<128xi32, #tpu.memory_space<vmem>>
    %dma_start3A_29 = arith.constant 0 : i32
    %dma_start3A_30 = arith.constant 0 : i32
    %dma_start3A_31 = tpu.memref_slice %arg2[%dma_start3A_29, %dma_start3A_30] : memref<100000x128xf32, #tpu.memory_space<hbm>> -> memref<100000x128xf32, #tpu.memory_space<hbm>>
    tpu.enqueue_indirect_dma source(%dma_start3A_31 : memref<100000x128xf32, #tpu.memory_space<hbm>>) target(%dma_start3A_26 : memref<128x128xf32, #tpu.memory_space<vmem>>) offsets(%dma_start3A_28 : memref<128xi32, #tpu.memory_space<vmem>>) semaphore(%arg7 : memref<!tpu.dma_semaphore, #tpu.memory_space<semaphore_mem>>)
    %dma_start3A_32 = arith.constant 3 : i32
    %dma_start3A_33 = arith.constant 0 : i32
    %dma_start3A_34 = arith.constant 0 : i32
    %dma_start3A_35 = tpu.memref_slice %arg6[%dma_start3A_32, %dma_start3A_33, %dma_start3A_34] : memref<5x128x128xf32, #tpu.memory_space<vmem>> -> memref<1x128x128xf32, #tpu.memory_space<vmem>>
    %dma_start3A_36 = tpu.memref_squeeze %dma_start3A_35 : memref<1x128x128xf32, #tpu.memory_space<vmem>> -> memref<128x128xf32, #tpu.memory_space<vmem>>
    %dma_start3A_37 = arith.constant 384 : i32
    %dma_start3A_38 = tpu.memref_slice %arg5[%dma_start3A_37] : memref<640xi32, #tpu.memory_space<vmem>> -> memref<128xi32, #tpu.memory_space<vmem>>
    %dma_start3A_39 = arith.constant 0 : i32
    %dma_start3A_40 = arith.constant 0 : i32
    %dma_start3A_41 = tpu.memref_slice %arg2[%dma_start3A_39, %dma_start3A_40] : memref<100000x128xf32, #tpu.memory_space<hbm>> -> memref<100000x128xf32, #tpu.memory_space<hbm>>
    tpu.enqueue_indirect_dma source(%dma_start3A_41 : memref<100000x128xf32, #tpu.memory_space<hbm>>) target(%dma_start3A_36 : memref<128x128xf32, #tpu.memory_space<vmem>>) offsets(%dma_start3A_38 : memref<128xi32, #tpu.memory_space<vmem>>) semaphore(%arg7 : memref<!tpu.dma_semaphore, #tpu.memory_space<semaphore_mem>>)
    %dma_start3A_42 = arith.constant 4 : i32
    %dma_start3A_43 = arith.constant 0 : i32
    %dma_start3A_44 = arith.constant 0 : i32
    %dma_start3A_45 = tpu.memref_slice %arg6[%dma_start3A_42, %dma_start3A_43, %dma_start3A_44] : memref<5x128x128xf32, #tpu.memory_space<vmem>> -> memref<1x128x128xf32, #tpu.memory_space<vmem>>
    %dma_start3A_46 = tpu.memref_squeeze %dma_start3A_45 : memref<1x128x128xf32, #tpu.memory_space<vmem>> -> memref<128x128xf32, #tpu.memory_space<vmem>>
    %dma_start3A_47 = arith.constant 512 : i32
    %dma_start3A_48 = tpu.memref_slice %arg5[%dma_start3A_47] : memref<640xi32, #tpu.memory_space<vmem>> -> memref<128xi32, #tpu.memory_space<vmem>>
    %dma_start3A_49 = arith.constant 0 : i32
    %dma_start3A_50 = arith.constant 0 : i32
    %dma_start3A_51 = tpu.memref_slice %arg2[%dma_start3A_49, %dma_start3A_50] : memref<100000x128xf32, #tpu.memory_space<hbm>> -> memref<100000x128xf32, #tpu.memory_space<hbm>>
    tpu.enqueue_indirect_dma source(%dma_start3A_51 : memref<100000x128xf32, #tpu.memory_space<hbm>>) target(%dma_start3A_46 : memref<128x128xf32, #tpu.memory_space<vmem>>) offsets(%dma_start3A_48 : memref<128xi32, #tpu.memory_space<vmem>>) semaphore(%arg7 : memref<!tpu.dma_semaphore, #tpu.memory_space<semaphore_mem>>)
    %dma_wait3A = arith.constant 0 : i32
    %dma_wait3A_52 = arith.constant 0 : i32
    %dma_wait3A_53 = arith.constant 0 : i32
    %dma_wait3A_54 = tpu.memref_slice %arg6[%dma_wait3A, %dma_wait3A_52, %dma_wait3A_53] : memref<5x128x128xf32, #tpu.memory_space<vmem>> -> memref<1x128x128xf32, #tpu.memory_space<vmem>>
    %dma_wait3A_55 = tpu.memref_squeeze %dma_wait3A_54 : memref<1x128x128xf32, #tpu.memory_space<vmem>> -> memref<128x128xf32, #tpu.memory_space<vmem>>
    %dma_wait3A_56 = arith.constant 0 : i32
    %dma_wait3A_57 = tpu.memref_slice %arg5[%dma_wait3A_56] : memref<640xi32, #tpu.memory_space<vmem>> -> memref<128xi32, #tpu.memory_space<vmem>>
    %dma_wait3A_58 = arith.constant 0 : i32
    %dma_wait3A_59 = arith.constant 0 : i32
    %dma_wait3A_60 = tpu.memref_slice %arg2[%dma_wait3A_58, %dma_wait3A_59] : memref<100000x128xf32, #tpu.memory_space<hbm>> -> memref<100000x128xf32, #tpu.memory_space<hbm>>
    tpu.wait_indirect_dma semaphore(%arg7 : memref<!tpu.dma_semaphore, #tpu.memory_space<semaphore_mem>>) src(%dma_wait3A_60 : memref<100000x128xf32, #tpu.memory_space<hbm>>) dst(%dma_wait3A_55 : memref<128x128xf32, #tpu.memory_space<vmem>>)
    %dma_wait3A_61 = arith.constant 1 : i32
    %dma_wait3A_62 = arith.constant 0 : i32
    %dma_wait3A_63 = arith.constant 0 : i32
    %dma_wait3A_64 = tpu.memref_slice %arg6[%dma_wait3A_61, %dma_wait3A_62, %dma_wait3A_63] : memref<5x128x128xf32, #tpu.memory_space<vmem>> -> memref<1x128x128xf32, #tpu.memory_space<vmem>>
    %dma_wait3A_65 = tpu.memref_squeeze %dma_wait3A_64 : memref<1x128x128xf32, #tpu.memory_space<vmem>> -> memref<128x128xf32, #tpu.memory_space<vmem>>
    %dma_wait3A_66 = arith.constant 128 : i32
    %dma_wait3A_67 = tpu.memref_slice %arg5[%dma_wait3A_66] : memref<640xi32, #tpu.memory_space<vmem>> -> memref<128xi32, #tpu.memory_space<vmem>>
    %dma_wait3A_68 = arith.constant 0 : i32
    %dma_wait3A_69 = arith.constant 0 : i32
    %dma_wait3A_70 = tpu.memref_slice %arg2[%dma_wait3A_68, %dma_wait3A_69] : memref<100000x128xf32, #tpu.memory_space<hbm>> -> memref<100000x128xf32, #tpu.memory_space<hbm>>
    tpu.wait_indirect_dma semaphore(%arg7 : memref<!tpu.dma_semaphore, #tpu.memory_space<semaphore_mem>>) src(%dma_wait3A_70 : memref<100000x128xf32, #tpu.memory_space<hbm>>) dst(%dma_wait3A_65 : memref<128x128xf32, #tpu.memory_space<vmem>>)
    %dma_wait3A_71 = arith.constant 2 : i32
    %dma_wait3A_72 = arith.constant 0 : i32
    %dma_wait3A_73 = arith.constant 0 : i32
    %dma_wait3A_74 = tpu.memref_slice %arg6[%dma_wait3A_71, %dma_wait3A_72, %dma_wait3A_73] : memref<5x128x128xf32, #tpu.memory_space<vmem>> -> memref<1x128x128xf32, #tpu.memory_space<vmem>>
    %dma_wait3A_75 = tpu.memref_squeeze %dma_wait3A_74 : memref<1x128x128xf32, #tpu.memory_space<vmem>> -> memref<128x128xf32, #tpu.memory_space<vmem>>
    %dma_wait3A_76 = arith.constant 256 : i32
    %dma_wait3A_77 = tpu.memref_slice %arg5[%dma_wait3A_76] : memref<640xi32, #tpu.memory_space<vmem>> -> memref<128xi32, #tpu.memory_space<vmem>>
    %dma_wait3A_78 = arith.constant 0 : i32
    %dma_wait3A_79 = arith.constant 0 : i32
    %dma_wait3A_80 = tpu.memref_slice %arg2[%dma_wait3A_78, %dma_wait3A_79] : memref<100000x128xf32, #tpu.memory_space<hbm>> -> memref<100000x128xf32, #tpu.memory_space<hbm>>
    tpu.wait_indirect_dma semaphore(%arg7 : memref<!tpu.dma_semaphore, #tpu.memory_space<semaphore_mem>>) src(%dma_wait3A_80 : memref<100000x128xf32, #tpu.memory_space<hbm>>) dst(%dma_wait3A_75 : memref<128x128xf32, #tpu.memory_space<vmem>>)
    %dma_wait3A_81 = arith.constant 3 : i32
    %dma_wait3A_82 = arith.constant 0 : i32
    %dma_wait3A_83 = arith.constant 0 : i32
    %dma_wait3A_84 = tpu.memref_slice %arg6[%dma_wait3A_81, %dma_wait3A_82, %dma_wait3A_83] : memref<5x128x128xf32, #tpu.memory_space<vmem>> -> memref<1x128x128xf32, #tpu.memory_space<vmem>>
    %dma_wait3A_85 = tpu.memref_squeeze %dma_wait3A_84 : memref<1x128x128xf32, #tpu.memory_space<vmem>> -> memref<128x128xf32, #tpu.memory_space<vmem>>
    %dma_wait3A_86 = arith.constant 384 : i32
    %dma_wait3A_87 = tpu.memref_slice %arg5[%dma_wait3A_86] : memref<640xi32, #tpu.memory_space<vmem>> -> memref<128xi32, #tpu.memory_space<vmem>>
    %dma_wait3A_88 = arith.constant 0 : i32
    %dma_wait3A_89 = arith.constant 0 : i32
    %dma_wait3A_90 = tpu.memref_slice %arg2[%dma_wait3A_88, %dma_wait3A_89] : memref<100000x128xf32, #tpu.memory_space<hbm>> -> memref<100000x128xf32, #tpu.memory_space<hbm>>
    tpu.wait_indirect_dma semaphore(%arg7 : memref<!tpu.dma_semaphore, #tpu.memory_space<semaphore_mem>>) src(%dma_wait3A_90 : memref<100000x128xf32, #tpu.memory_space<hbm>>) dst(%dma_wait3A_85 : memref<128x128xf32, #tpu.memory_space<vmem>>)
    %dma_wait3A_91 = arith.constant 4 : i32
    %dma_wait3A_92 = arith.constant 0 : i32
    %dma_wait3A_93 = arith.constant 0 : i32
    %dma_wait3A_94 = tpu.memref_slice %arg6[%dma_wait3A_91, %dma_wait3A_92, %dma_wait3A_93] : memref<5x128x128xf32, #tpu.memory_space<vmem>> -> memref<1x128x128xf32, #tpu.memory_space<vmem>>
    %dma_wait3A_95 = tpu.memref_squeeze %dma_wait3A_94 : memref<1x128x128xf32, #tpu.memory_space<vmem>> -> memref<128x128xf32, #tpu.memory_space<vmem>>
    %dma_wait3A_96 = arith.constant 512 : i32
    %dma_wait3A_97 = tpu.memref_slice %arg5[%dma_wait3A_96] : memref<640xi32, #tpu.memory_space<vmem>> -> memref<128xi32, #tpu.memory_space<vmem>>
    %dma_wait3A_98 = arith.constant 0 : i32
    %dma_wait3A_99 = arith.constant 0 : i32
    %dma_wait3A_100 = tpu.memref_slice %arg2[%dma_wait3A_98, %dma_wait3A_99] : memref<100000x128xf32, #tpu.memory_space<hbm>> -> memref<100000x128xf32, #tpu.memory_space<hbm>>
    tpu.wait_indirect_dma semaphore(%arg7 : memref<!tpu.dma_semaphore, #tpu.memory_space<semaphore_mem>>) src(%dma_wait3A_100 : memref<100000x128xf32, #tpu.memory_space<hbm>>) dst(%dma_wait3A_95 : memref<128x128xf32, #tpu.memory_space<vmem>>)
    %mul3A_101 = arith.constant 5 : i32
    %mul3A_102 = arith.muli %add3A, %mul3A_101 : i32
    "tpu.region"() ({
      %run_scoped3A = tpu.sem_alloc : memref<!tpu.dma_semaphore, #tpu.memory_space<semaphore_mem>>
      %dma_start3A_103 = arith.constant 0 : i32
      %dma_start3A_104 = arith.constant 0 : i32
      %dma_start3A_105 = tpu.memref_slice %arg4[%mul3A_102, %dma_start3A_103, %dma_start3A_104] : memref<160x128x128xf32, #tpu.memory_space<hbm>> -> memref<5x128x128xf32, #tpu.memory_space<hbm>>
      %dma_start3A_106 = arith.constant 0 : i32
      %dma_start3A_107 = arith.constant 0 : i32
      %dma_start3A_108 = tpu.memref_slice %arg4[%mul3A_102, %dma_start3A_106, %dma_start3A_107] : memref<160x128x128xf32, #tpu.memory_space<hbm>> -> memref<5x128x128xf32, #tpu.memory_space<hbm>>
      tpu.enqueue_dma source(%arg6 : memref<5x128x128xf32, #tpu.memory_space<vmem>>) target(%dma_start3A_108 : memref<5x128x128xf32, #tpu.memory_space<hbm>>) target_semaphore(%run_scoped3A : memref<!tpu.dma_semaphore, #tpu.memory_space<semaphore_mem>>)
      %dma_wait3A_109 = arith.constant 0 : i32
      %dma_wait3A_110 = arith.constant 0 : i32
      %dma_wait3A_111 = tpu.memref_slice %arg4[%mul3A_102, %dma_wait3A_109, %dma_wait3A_110] : memref<160x128x128xf32, #tpu.memory_space<hbm>> -> memref<5x128x128xf32, #tpu.memory_space<hbm>>
      %dma_wait3A_112 = arith.constant 0 : i32
      %dma_wait3A_113 = arith.constant 0 : i32
      %dma_wait3A_114 = tpu.memref_slice %arg4[%mul3A_102, %dma_wait3A_112, %dma_wait3A_113] : memref<160x128x128xf32, #tpu.memory_space<hbm>> -> memref<5x128x128xf32, #tpu.memory_space<hbm>>
      tpu.wait_dma2 semaphore(%run_scoped3A : memref<!tpu.dma_semaphore, #tpu.memory_space<semaphore_mem>>) src(%arg6 : memref<5x128x128xf32, #tpu.memory_space<vmem>>) dst(%dma_wait3A_114 : memref<5x128x128xf32, #tpu.memory_space<hbm>>)
      tpu.yield
    }) : () -> ()
    return
  }
}

module attributes {stable_mosaic.version = 14 : i64} {
  func.func @body(%arg0: i32, %arg1: memref<5120x128xf32, #tpu.memory_space<vmem>>, %arg2: memref<64x64xf32, #tpu.memory_space<vmem>>, %arg3: memref<5x64x1024xf32, #tpu.memory_space<vmem>>) attributes {dimension_semantics = [#tpu.dimension_semantics<arbitrary>], iteration_bounds = array<i64: 4>, scalar_prefetch = 0 : i64, scratch_operands = 0 : i64, tpu.core_type = #tpu.core_type<tc>, window_params = [{transform_indices = @transform_0, window_bounds = array<i64: 5120, 128>}, {pipeline_mode = #tpu.pipeline_mode<synchronous>, transform_indices = @transform_1, window_bounds = array<i64: 64, 64>}, {transform_indices = @transform_2, window_bounds = array<i64: 5, 64, 1024>}]} {
    %get3A = arith.constant 0 : index
    %get3A_0 = arith.constant 0 : index
    %get3A_1 = vector.load %arg2[%get3A, %get3A_0] : memref<64x64xf32, #tpu.memory_space<vmem>>, vector<64x64xf32>
    %get3A_2 = arith.constant 0 : index
    %get3A_3 = arith.constant 0 : index
    %get3A_4 = vector.load %arg1[%get3A_2, %get3A_3] : memref<5120x128xf32, #tpu.memory_space<vmem>>, vector<1024x64xf32>
    %sub3A = arith.constant -2.000000e+00 : f32
    %sub3A_5 = vector.broadcast %sub3A : f32 to vector<1024x64xf32>
    %sub3A_6 = arith.subf %get3A_4, %sub3A_5 : vector<1024x64xf32>
    %mul3A = arith.constant 1.600000e+01 : f32
    %mul3A_7 = vector.broadcast %mul3A : f32 to vector<1024x64xf32>
    %mul3A_8 = arith.mulf %sub3A_6, %mul3A_7 : vector<1024x64xf32>
    %transpose3A = tpu.transpose %mul3A_8, [1, 0] : vector<1024x64xf32> -> vector<64x1024xf32>
    %gt3A = arith.constant 5.000000e-01 : f32
    %gt3A_9 = vector.broadcast %gt3A : f32 to vector<64x1024xf32>
    %gt3A_10 = arith.cmpf ogt, %transpose3A, %gt3A_9 : vector<64x1024xf32>
    %jit3A = arith.constant 1.000000e+00 : f32
    %jit3A_11 = arith.constant -1.000000e+00 : f32
    %broadcast_in_dim3A = vector.broadcast %jit3A : f32 to vector<64x1024xf32>
    %broadcast_in_dim3A_12 = vector.broadcast %jit3A_11 : f32 to vector<64x1024xf32>
    %select_n3A = arith.select %gt3A_10, %broadcast_in_dim3A, %broadcast_in_dim3A_12 : vector<64x1024xi1>, vector<64x1024xf32>
    %slice3A = vector.extract_strided_slice %get3A_1 {offsets = [0, 0], sizes = [64, 1], strides = [1, 1]} : vector<64x64xf32> to vector<64x1xf32>
    %dot_general3A = arith.constant dense<0.000000e+00> : vector<1x1024xf32>
    %dot_general3A_13 = tpu.matmul %slice3A, %select_n3A, %dot_general3A {dimension_numbers = #tpu.dot_dimension_numbers<[0], [0], [1], [1], [0, 1, 1, 1], [], []>, transpose_lhs_hint = false} : vector<64x1xf32>, vector<64x1024xf32>, vector<1x1024xf32> -> vector<1x1024xf32>
    %gt3A_14 = arith.constant 1.500000e+00 : f32
    %gt3A_15 = vector.broadcast %gt3A_14 : f32 to vector<64x1024xf32>
    %gt3A_16 = arith.cmpf ogt, %transpose3A, %gt3A_15 : vector<64x1024xf32>
    %jit3A_17 = arith.constant 1.000000e+00 : f32
    %jit3A_18 = arith.constant -1.000000e+00 : f32
    %broadcast_in_dim3A_19 = vector.broadcast %jit3A_17 : f32 to vector<64x1024xf32>
    %broadcast_in_dim3A_20 = vector.broadcast %jit3A_18 : f32 to vector<64x1024xf32>
    %select_n3A_21 = arith.select %gt3A_16, %broadcast_in_dim3A_19, %broadcast_in_dim3A_20 : vector<64x1024xi1>, vector<64x1024xf32>
    %slice3A_22 = vector.extract_strided_slice %get3A_1 {offsets = [0, 1], sizes = [64, 1], strides = [1, 1]} : vector<64x64xf32> to vector<64x1xf32>
    %dot_general3A_23 = arith.constant dense<0.000000e+00> : vector<1x1024xf32>
    %dot_general3A_24 = tpu.matmul %slice3A_22, %select_n3A_21, %dot_general3A_23 {dimension_numbers = #tpu.dot_dimension_numbers<[0], [0], [1], [1], [0, 1, 1, 1], [], []>, transpose_lhs_hint = false} : vector<64x1xf32>, vector<64x1024xf32>, vector<1x1024xf32> -> vector<1x1024xf32>
    %gt3A_25 = arith.constant 2.500000e+00 : f32
    %gt3A_26 = vector.broadcast %gt3A_25 : f32 to vector<64x1024xf32>
    %gt3A_27 = arith.cmpf ogt, %transpose3A, %gt3A_26 : vector<64x1024xf32>
    %jit3A_28 = arith.constant 1.000000e+00 : f32
    %jit3A_29 = arith.constant -1.000000e+00 : f32
    %broadcast_in_dim3A_30 = vector.broadcast %jit3A_28 : f32 to vector<64x1024xf32>
    %broadcast_in_dim3A_31 = vector.broadcast %jit3A_29 : f32 to vector<64x1024xf32>
    %select_n3A_32 = arith.select %gt3A_27, %broadcast_in_dim3A_30, %broadcast_in_dim3A_31 : vector<64x1024xi1>, vector<64x1024xf32>
    %slice3A_33 = vector.extract_strided_slice %get3A_1 {offsets = [0, 2], sizes = [64, 1], strides = [1, 1]} : vector<64x64xf32> to vector<64x1xf32>
    %dot_general3A_34 = arith.constant dense<0.000000e+00> : vector<1x1024xf32>
    %dot_general3A_35 = tpu.matmul %slice3A_33, %select_n3A_32, %dot_general3A_34 {dimension_numbers = #tpu.dot_dimension_numbers<[0], [0], [1], [1], [0, 1, 1, 1], [], []>, transpose_lhs_hint = false} : vector<64x1xf32>, vector<64x1024xf32>, vector<1x1024xf32> -> vector<1x1024xf32>
    %gt3A_36 = arith.constant 3.500000e+00 : f32
    %gt3A_37 = vector.broadcast %gt3A_36 : f32 to vector<64x1024xf32>
    %gt3A_38 = arith.cmpf ogt, %transpose3A, %gt3A_37 : vector<64x1024xf32>
    %jit3A_39 = arith.constant 1.000000e+00 : f32
    %jit3A_40 = arith.constant -1.000000e+00 : f32
    %broadcast_in_dim3A_41 = vector.broadcast %jit3A_39 : f32 to vector<64x1024xf32>
    %broadcast_in_dim3A_42 = vector.broadcast %jit3A_40 : f32 to vector<64x1024xf32>
    %select_n3A_43 = arith.select %gt3A_38, %broadcast_in_dim3A_41, %broadcast_in_dim3A_42 : vector<64x1024xi1>, vector<64x1024xf32>
    %slice3A_44 = vector.extract_strided_slice %get3A_1 {offsets = [0, 3], sizes = [64, 1], strides = [1, 1]} : vector<64x64xf32> to vector<64x1xf32>
    %dot_general3A_45 = arith.constant dense<0.000000e+00> : vector<1x1024xf32>
    %dot_general3A_46 = tpu.matmul %slice3A_44, %select_n3A_43, %dot_general3A_45 {dimension_numbers = #tpu.dot_dimension_numbers<[0], [0], [1], [1], [0, 1, 1, 1], [], []>, transpose_lhs_hint = false} : vector<64x1xf32>, vector<64x1024xf32>, vector<1x1024xf32> -> vector<1x1024xf32>
    %gt3A_47 = arith.constant 4.500000e+00 : f32
    %gt3A_48 = vector.broadcast %gt3A_47 : f32 to vector<64x1024xf32>
    %gt3A_49 = arith.cmpf ogt, %transpose3A, %gt3A_48 : vector<64x1024xf32>
    %jit3A_50 = arith.constant 1.000000e+00 : f32
    %jit3A_51 = arith.constant -1.000000e+00 : f32
    %broadcast_in_dim3A_52 = vector.broadcast %jit3A_50 : f32 to vector<64x1024xf32>
    %broadcast_in_dim3A_53 = vector.broadcast %jit3A_51 : f32 to vector<64x1024xf32>
    %select_n3A_54 = arith.select %gt3A_49, %broadcast_in_dim3A_52, %broadcast_in_dim3A_53 : vector<64x1024xi1>, vector<64x1024xf32>
    %slice3A_55 = vector.extract_strided_slice %get3A_1 {offsets = [0, 4], sizes = [64, 1], strides = [1, 1]} : vector<64x64xf32> to vector<64x1xf32>
    %dot_general3A_56 = arith.constant dense<0.000000e+00> : vector<1x1024xf32>
    %dot_general3A_57 = tpu.matmul %slice3A_55, %select_n3A_54, %dot_general3A_56 {dimension_numbers = #tpu.dot_dimension_numbers<[0], [0], [1], [1], [0, 1, 1, 1], [], []>, transpose_lhs_hint = false} : vector<64x1xf32>, vector<64x1024xf32>, vector<1x1024xf32> -> vector<1x1024xf32>
    %gt3A_58 = arith.constant 5.500000e+00 : f32
    %gt3A_59 = vector.broadcast %gt3A_58 : f32 to vector<64x1024xf32>
    %gt3A_60 = arith.cmpf ogt, %transpose3A, %gt3A_59 : vector<64x1024xf32>
    %jit3A_61 = arith.constant 1.000000e+00 : f32
    %jit3A_62 = arith.constant -1.000000e+00 : f32
    %broadcast_in_dim3A_63 = vector.broadcast %jit3A_61 : f32 to vector<64x1024xf32>
    %broadcast_in_dim3A_64 = vector.broadcast %jit3A_62 : f32 to vector<64x1024xf32>
    %select_n3A_65 = arith.select %gt3A_60, %broadcast_in_dim3A_63, %broadcast_in_dim3A_64 : vector<64x1024xi1>, vector<64x1024xf32>
    %slice3A_66 = vector.extract_strided_slice %get3A_1 {offsets = [0, 5], sizes = [64, 1], strides = [1, 1]} : vector<64x64xf32> to vector<64x1xf32>
    %dot_general3A_67 = arith.constant dense<0.000000e+00> : vector<1x1024xf32>
    %dot_general3A_68 = tpu.matmul %slice3A_66, %select_n3A_65, %dot_general3A_67 {dimension_numbers = #tpu.dot_dimension_numbers<[0], [0], [1], [1], [0, 1, 1, 1], [], []>, transpose_lhs_hint = false} : vector<64x1xf32>, vector<64x1024xf32>, vector<1x1024xf32> -> vector<1x1024xf32>
    %gt3A_69 = arith.constant 6.500000e+00 : f32
    %gt3A_70 = vector.broadcast %gt3A_69 : f32 to vector<64x1024xf32>
    %gt3A_71 = arith.cmpf ogt, %transpose3A, %gt3A_70 : vector<64x1024xf32>
    %jit3A_72 = arith.constant 1.000000e+00 : f32
    %jit3A_73 = arith.constant -1.000000e+00 : f32
    %broadcast_in_dim3A_74 = vector.broadcast %jit3A_72 : f32 to vector<64x1024xf32>
    %broadcast_in_dim3A_75 = vector.broadcast %jit3A_73 : f32 to vector<64x1024xf32>
    %select_n3A_76 = arith.select %gt3A_71, %broadcast_in_dim3A_74, %broadcast_in_dim3A_75 : vector<64x1024xi1>, vector<64x1024xf32>
    %slice3A_77 = vector.extract_strided_slice %get3A_1 {offsets = [0, 6], sizes = [64, 1], strides = [1, 1]} : vector<64x64xf32> to vector<64x1xf32>
    %dot_general3A_78 = arith.constant dense<0.000000e+00> : vector<1x1024xf32>
    %dot_general3A_79 = tpu.matmul %slice3A_77, %select_n3A_76, %dot_general3A_78 {dimension_numbers = #tpu.dot_dimension_numbers<[0], [0], [1], [1], [0, 1, 1, 1], [], []>, transpose_lhs_hint = false} : vector<64x1xf32>, vector<64x1024xf32>, vector<1x1024xf32> -> vector<1x1024xf32>
    %gt3A_80 = arith.constant 7.500000e+00 : f32
    %gt3A_81 = vector.broadcast %gt3A_80 : f32 to vector<64x1024xf32>
    %gt3A_82 = arith.cmpf ogt, %transpose3A, %gt3A_81 : vector<64x1024xf32>
    %jit3A_83 = arith.constant 1.000000e+00 : f32
    %jit3A_84 = arith.constant -1.000000e+00 : f32
    %broadcast_in_dim3A_85 = vector.broadcast %jit3A_83 : f32 to vector<64x1024xf32>
    %broadcast_in_dim3A_86 = vector.broadcast %jit3A_84 : f32 to vector<64x1024xf32>
    %select_n3A_87 = arith.select %gt3A_82, %broadcast_in_dim3A_85, %broadcast_in_dim3A_86 : vector<64x1024xi1>, vector<64x1024xf32>
    %slice3A_88 = vector.extract_strided_slice %get3A_1 {offsets = [0, 7], sizes = [64, 1], strides = [1, 1]} : vector<64x64xf32> to vector<64x1xf32>
    %dot_general3A_89 = arith.constant dense<0.000000e+00> : vector<1x1024xf32>
    %dot_general3A_90 = tpu.matmul %slice3A_88, %select_n3A_87, %dot_general3A_89 {dimension_numbers = #tpu.dot_dimension_numbers<[0], [0], [1], [1], [0, 1, 1, 1], [], []>, transpose_lhs_hint = false} : vector<64x1xf32>, vector<64x1024xf32>, vector<1x1024xf32> -> vector<1x1024xf32>
    %gt3A_91 = arith.constant 8.500000e+00 : f32
    %gt3A_92 = vector.broadcast %gt3A_91 : f32 to vector<64x1024xf32>
    %gt3A_93 = arith.cmpf ogt, %transpose3A, %gt3A_92 : vector<64x1024xf32>
    %jit3A_94 = arith.constant 1.000000e+00 : f32
    %jit3A_95 = arith.constant -1.000000e+00 : f32
    %broadcast_in_dim3A_96 = vector.broadcast %jit3A_94 : f32 to vector<64x1024xf32>
    %broadcast_in_dim3A_97 = vector.broadcast %jit3A_95 : f32 to vector<64x1024xf32>
    %select_n3A_98 = arith.select %gt3A_93, %broadcast_in_dim3A_96, %broadcast_in_dim3A_97 : vector<64x1024xi1>, vector<64x1024xf32>
    %slice3A_99 = vector.extract_strided_slice %get3A_1 {offsets = [0, 8], sizes = [64, 1], strides = [1, 1]} : vector<64x64xf32> to vector<64x1xf32>
    %dot_general3A_100 = arith.constant dense<0.000000e+00> : vector<1x1024xf32>
    %dot_general3A_101 = tpu.matmul %slice3A_99, %select_n3A_98, %dot_general3A_100 {dimension_numbers = #tpu.dot_dimension_numbers<[0], [0], [1], [1], [0, 1, 1, 1], [], []>, transpose_lhs_hint = false} : vector<64x1xf32>, vector<64x1024xf32>, vector<1x1024xf32> -> vector<1x1024xf32>
    %gt3A_102 = arith.constant 9.500000e+00 : f32
    %gt3A_103 = vector.broadcast %gt3A_102 : f32 to vector<64x1024xf32>
    %gt3A_104 = arith.cmpf ogt, %transpose3A, %gt3A_103 : vector<64x1024xf32>
    %jit3A_105 = arith.constant 1.000000e+00 : f32
    %jit3A_106 = arith.constant -1.000000e+00 : f32
    %broadcast_in_dim3A_107 = vector.broadcast %jit3A_105 : f32 to vector<64x1024xf32>
    %broadcast_in_dim3A_108 = vector.broadcast %jit3A_106 : f32 to vector<64x1024xf32>
    %select_n3A_109 = arith.select %gt3A_104, %broadcast_in_dim3A_107, %broadcast_in_dim3A_108 : vector<64x1024xi1>, vector<64x1024xf32>
    %slice3A_110 = vector.extract_strided_slice %get3A_1 {offsets = [0, 9], sizes = [64, 1], strides = [1, 1]} : vector<64x64xf32> to vector<64x1xf32>
    %dot_general3A_111 = arith.constant dense<0.000000e+00> : vector<1x1024xf32>
    %dot_general3A_112 = tpu.matmul %slice3A_110, %select_n3A_109, %dot_general3A_111 {dimension_numbers = #tpu.dot_dimension_numbers<[0], [0], [1], [1], [0, 1, 1, 1], [], []>, transpose_lhs_hint = false} : vector<64x1xf32>, vector<64x1024xf32>, vector<1x1024xf32> -> vector<1x1024xf32>
    %gt3A_113 = arith.constant 1.050000e+01 : f32
    %gt3A_114 = vector.broadcast %gt3A_113 : f32 to vector<64x1024xf32>
    %gt3A_115 = arith.cmpf ogt, %transpose3A, %gt3A_114 : vector<64x1024xf32>
    %jit3A_116 = arith.constant 1.000000e+00 : f32
    %jit3A_117 = arith.constant -1.000000e+00 : f32
    %broadcast_in_dim3A_118 = vector.broadcast %jit3A_116 : f32 to vector<64x1024xf32>
    %broadcast_in_dim3A_119 = vector.broadcast %jit3A_117 : f32 to vector<64x1024xf32>
    %select_n3A_120 = arith.select %gt3A_115, %broadcast_in_dim3A_118, %broadcast_in_dim3A_119 : vector<64x1024xi1>, vector<64x1024xf32>
    %slice3A_121 = vector.extract_strided_slice %get3A_1 {offsets = [0, 10], sizes = [64, 1], strides = [1, 1]} : vector<64x64xf32> to vector<64x1xf32>
    %dot_general3A_122 = arith.constant dense<0.000000e+00> : vector<1x1024xf32>
    %dot_general3A_123 = tpu.matmul %slice3A_121, %select_n3A_120, %dot_general3A_122 {dimension_numbers = #tpu.dot_dimension_numbers<[0], [0], [1], [1], [0, 1, 1, 1], [], []>, transpose_lhs_hint = false} : vector<64x1xf32>, vector<64x1024xf32>, vector<1x1024xf32> -> vector<1x1024xf32>
    %gt3A_124 = arith.constant 1.150000e+01 : f32
    %gt3A_125 = vector.broadcast %gt3A_124 : f32 to vector<64x1024xf32>
    %gt3A_126 = arith.cmpf ogt, %transpose3A, %gt3A_125 : vector<64x1024xf32>
    %jit3A_127 = arith.constant 1.000000e+00 : f32
    %jit3A_128 = arith.constant -1.000000e+00 : f32
    %broadcast_in_dim3A_129 = vector.broadcast %jit3A_127 : f32 to vector<64x1024xf32>
    %broadcast_in_dim3A_130 = vector.broadcast %jit3A_128 : f32 to vector<64x1024xf32>
    %select_n3A_131 = arith.select %gt3A_126, %broadcast_in_dim3A_129, %broadcast_in_dim3A_130 : vector<64x1024xi1>, vector<64x1024xf32>
    %slice3A_132 = vector.extract_strided_slice %get3A_1 {offsets = [0, 11], sizes = [64, 1], strides = [1, 1]} : vector<64x64xf32> to vector<64x1xf32>
    %dot_general3A_133 = arith.constant dense<0.000000e+00> : vector<1x1024xf32>
    %dot_general3A_134 = tpu.matmul %slice3A_132, %select_n3A_131, %dot_general3A_133 {dimension_numbers = #tpu.dot_dimension_numbers<[0], [0], [1], [1], [0, 1, 1, 1], [], []>, transpose_lhs_hint = false} : vector<64x1xf32>, vector<64x1024xf32>, vector<1x1024xf32> -> vector<1x1024xf32>
    %gt3A_135 = arith.constant 1.250000e+01 : f32
    %gt3A_136 = vector.broadcast %gt3A_135 : f32 to vector<64x1024xf32>
    %gt3A_137 = arith.cmpf ogt, %transpose3A, %gt3A_136 : vector<64x1024xf32>
    %jit3A_138 = arith.constant 1.000000e+00 : f32
    %jit3A_139 = arith.constant -1.000000e+00 : f32
    %broadcast_in_dim3A_140 = vector.broadcast %jit3A_138 : f32 to vector<64x1024xf32>
    %broadcast_in_dim3A_141 = vector.broadcast %jit3A_139 : f32 to vector<64x1024xf32>
    %select_n3A_142 = arith.select %gt3A_137, %broadcast_in_dim3A_140, %broadcast_in_dim3A_141 : vector<64x1024xi1>, vector<64x1024xf32>
    %slice3A_143 = vector.extract_strided_slice %get3A_1 {offsets = [0, 12], sizes = [64, 1], strides = [1, 1]} : vector<64x64xf32> to vector<64x1xf32>
    %dot_general3A_144 = arith.constant dense<0.000000e+00> : vector<1x1024xf32>
    %dot_general3A_145 = tpu.matmul %slice3A_143, %select_n3A_142, %dot_general3A_144 {dimension_numbers = #tpu.dot_dimension_numbers<[0], [0], [1], [1], [0, 1, 1, 1], [], []>, transpose_lhs_hint = false} : vector<64x1xf32>, vector<64x1024xf32>, vector<1x1024xf32> -> vector<1x1024xf32>
    %gt3A_146 = arith.constant 1.350000e+01 : f32
    %gt3A_147 = vector.broadcast %gt3A_146 : f32 to vector<64x1024xf32>
    %gt3A_148 = arith.cmpf ogt, %transpose3A, %gt3A_147 : vector<64x1024xf32>
    %jit3A_149 = arith.constant 1.000000e+00 : f32
    %jit3A_150 = arith.constant -1.000000e+00 : f32
    %broadcast_in_dim3A_151 = vector.broadcast %jit3A_149 : f32 to vector<64x1024xf32>
    %broadcast_in_dim3A_152 = vector.broadcast %jit3A_150 : f32 to vector<64x1024xf32>
    %select_n3A_153 = arith.select %gt3A_148, %broadcast_in_dim3A_151, %broadcast_in_dim3A_152 : vector<64x1024xi1>, vector<64x1024xf32>
    %slice3A_154 = vector.extract_strided_slice %get3A_1 {offsets = [0, 13], sizes = [64, 1], strides = [1, 1]} : vector<64x64xf32> to vector<64x1xf32>
    %dot_general3A_155 = arith.constant dense<0.000000e+00> : vector<1x1024xf32>
    %dot_general3A_156 = tpu.matmul %slice3A_154, %select_n3A_153, %dot_general3A_155 {dimension_numbers = #tpu.dot_dimension_numbers<[0], [0], [1], [1], [0, 1, 1, 1], [], []>, transpose_lhs_hint = false} : vector<64x1xf32>, vector<64x1024xf32>, vector<1x1024xf32> -> vector<1x1024xf32>
    %gt3A_157 = arith.constant 1.450000e+01 : f32
    %gt3A_158 = vector.broadcast %gt3A_157 : f32 to vector<64x1024xf32>
    %gt3A_159 = arith.cmpf ogt, %transpose3A, %gt3A_158 : vector<64x1024xf32>
    %jit3A_160 = arith.constant 1.000000e+00 : f32
    %jit3A_161 = arith.constant -1.000000e+00 : f32
    %broadcast_in_dim3A_162 = vector.broadcast %jit3A_160 : f32 to vector<64x1024xf32>
    %broadcast_in_dim3A_163 = vector.broadcast %jit3A_161 : f32 to vector<64x1024xf32>
    %select_n3A_164 = arith.select %gt3A_159, %broadcast_in_dim3A_162, %broadcast_in_dim3A_163 : vector<64x1024xi1>, vector<64x1024xf32>
    %slice3A_165 = vector.extract_strided_slice %get3A_1 {offsets = [0, 14], sizes = [64, 1], strides = [1, 1]} : vector<64x64xf32> to vector<64x1xf32>
    %dot_general3A_166 = arith.constant dense<0.000000e+00> : vector<1x1024xf32>
    %dot_general3A_167 = tpu.matmul %slice3A_165, %select_n3A_164, %dot_general3A_166 {dimension_numbers = #tpu.dot_dimension_numbers<[0], [0], [1], [1], [0, 1, 1, 1], [], []>, transpose_lhs_hint = false} : vector<64x1xf32>, vector<64x1024xf32>, vector<1x1024xf32> -> vector<1x1024xf32>
    %gt3A_168 = arith.constant 1.550000e+01 : f32
    %gt3A_169 = vector.broadcast %gt3A_168 : f32 to vector<64x1024xf32>
    %gt3A_170 = arith.cmpf ogt, %transpose3A, %gt3A_169 : vector<64x1024xf32>
    %jit3A_171 = arith.constant 1.000000e+00 : f32
    %jit3A_172 = arith.constant -1.000000e+00 : f32
    %broadcast_in_dim3A_173 = vector.broadcast %jit3A_171 : f32 to vector<64x1024xf32>
    %broadcast_in_dim3A_174 = vector.broadcast %jit3A_172 : f32 to vector<64x1024xf32>
    %select_n3A_175 = arith.select %gt3A_170, %broadcast_in_dim3A_173, %broadcast_in_dim3A_174 : vector<64x1024xi1>, vector<64x1024xf32>
    %slice3A_176 = vector.extract_strided_slice %get3A_1 {offsets = [0, 15], sizes = [64, 1], strides = [1, 1]} : vector<64x64xf32> to vector<64x1xf32>
    %dot_general3A_177 = arith.constant dense<0.000000e+00> : vector<1x1024xf32>
    %dot_general3A_178 = tpu.matmul %slice3A_176, %select_n3A_175, %dot_general3A_177 {dimension_numbers = #tpu.dot_dimension_numbers<[0], [0], [1], [1], [0, 1, 1, 1], [], []>, transpose_lhs_hint = false} : vector<64x1xf32>, vector<64x1024xf32>, vector<1x1024xf32> -> vector<1x1024xf32>
    %gt3A_179 = arith.constant 1.650000e+01 : f32
    %gt3A_180 = vector.broadcast %gt3A_179 : f32 to vector<64x1024xf32>
    %gt3A_181 = arith.cmpf ogt, %transpose3A, %gt3A_180 : vector<64x1024xf32>
    %jit3A_182 = arith.constant 1.000000e+00 : f32
    %jit3A_183 = arith.constant -1.000000e+00 : f32
    %broadcast_in_dim3A_184 = vector.broadcast %jit3A_182 : f32 to vector<64x1024xf32>
    %broadcast_in_dim3A_185 = vector.broadcast %jit3A_183 : f32 to vector<64x1024xf32>
    %select_n3A_186 = arith.select %gt3A_181, %broadcast_in_dim3A_184, %broadcast_in_dim3A_185 : vector<64x1024xi1>, vector<64x1024xf32>
    %slice3A_187 = vector.extract_strided_slice %get3A_1 {offsets = [0, 16], sizes = [64, 1], strides = [1, 1]} : vector<64x64xf32> to vector<64x1xf32>
    %dot_general3A_188 = arith.constant dense<0.000000e+00> : vector<1x1024xf32>
    %dot_general3A_189 = tpu.matmul %slice3A_187, %select_n3A_186, %dot_general3A_188 {dimension_numbers = #tpu.dot_dimension_numbers<[0], [0], [1], [1], [0, 1, 1, 1], [], []>, transpose_lhs_hint = false} : vector<64x1xf32>, vector<64x1024xf32>, vector<1x1024xf32> -> vector<1x1024xf32>
    %gt3A_190 = arith.constant 1.750000e+01 : f32
    %gt3A_191 = vector.broadcast %gt3A_190 : f32 to vector<64x1024xf32>
    %gt3A_192 = arith.cmpf ogt, %transpose3A, %gt3A_191 : vector<64x1024xf32>
    %jit3A_193 = arith.constant 1.000000e+00 : f32
    %jit3A_194 = arith.constant -1.000000e+00 : f32
    %broadcast_in_dim3A_195 = vector.broadcast %jit3A_193 : f32 to vector<64x1024xf32>
    %broadcast_in_dim3A_196 = vector.broadcast %jit3A_194 : f32 to vector<64x1024xf32>
    %select_n3A_197 = arith.select %gt3A_192, %broadcast_in_dim3A_195, %broadcast_in_dim3A_196 : vector<64x1024xi1>, vector<64x1024xf32>
    %slice3A_198 = vector.extract_strided_slice %get3A_1 {offsets = [0, 17], sizes = [64, 1], strides = [1, 1]} : vector<64x64xf32> to vector<64x1xf32>
    %dot_general3A_199 = arith.constant dense<0.000000e+00> : vector<1x1024xf32>
    %dot_general3A_200 = tpu.matmul %slice3A_198, %select_n3A_197, %dot_general3A_199 {dimension_numbers = #tpu.dot_dimension_numbers<[0], [0], [1], [1], [0, 1, 1, 1], [], []>, transpose_lhs_hint = false} : vector<64x1xf32>, vector<64x1024xf32>, vector<1x1024xf32> -> vector<1x1024xf32>
    %gt3A_201 = arith.constant 1.850000e+01 : f32
    %gt3A_202 = vector.broadcast %gt3A_201 : f32 to vector<64x1024xf32>
    %gt3A_203 = arith.cmpf ogt, %transpose3A, %gt3A_202 : vector<64x1024xf32>
    %jit3A_204 = arith.constant 1.000000e+00 : f32
    %jit3A_205 = arith.constant -1.000000e+00 : f32
    %broadcast_in_dim3A_206 = vector.broadcast %jit3A_204 : f32 to vector<64x1024xf32>
    %broadcast_in_dim3A_207 = vector.broadcast %jit3A_205 : f32 to vector<64x1024xf32>
    %select_n3A_208 = arith.select %gt3A_203, %broadcast_in_dim3A_206, %broadcast_in_dim3A_207 : vector<64x1024xi1>, vector<64x1024xf32>
    %slice3A_209 = vector.extract_strided_slice %get3A_1 {offsets = [0, 18], sizes = [64, 1], strides = [1, 1]} : vector<64x64xf32> to vector<64x1xf32>
    %dot_general3A_210 = arith.constant dense<0.000000e+00> : vector<1x1024xf32>
    %dot_general3A_211 = tpu.matmul %slice3A_209, %select_n3A_208, %dot_general3A_210 {dimension_numbers = #tpu.dot_dimension_numbers<[0], [0], [1], [1], [0, 1, 1, 1], [], []>, transpose_lhs_hint = false} : vector<64x1xf32>, vector<64x1024xf32>, vector<1x1024xf32> -> vector<1x1024xf32>
    %gt3A_212 = arith.constant 1.950000e+01 : f32
    %gt3A_213 = vector.broadcast %gt3A_212 : f32 to vector<64x1024xf32>
    %gt3A_214 = arith.cmpf ogt, %transpose3A, %gt3A_213 : vector<64x1024xf32>
    %jit3A_215 = arith.constant 1.000000e+00 : f32
    %jit3A_216 = arith.constant -1.000000e+00 : f32
    %broadcast_in_dim3A_217 = vector.broadcast %jit3A_215 : f32 to vector<64x1024xf32>
    %broadcast_in_dim3A_218 = vector.broadcast %jit3A_216 : f32 to vector<64x1024xf32>
    %select_n3A_219 = arith.select %gt3A_214, %broadcast_in_dim3A_217, %broadcast_in_dim3A_218 : vector<64x1024xi1>, vector<64x1024xf32>
    %slice3A_220 = vector.extract_strided_slice %get3A_1 {offsets = [0, 19], sizes = [64, 1], strides = [1, 1]} : vector<64x64xf32> to vector<64x1xf32>
    %dot_general3A_221 = arith.constant dense<0.000000e+00> : vector<1x1024xf32>
    %dot_general3A_222 = tpu.matmul %slice3A_220, %select_n3A_219, %dot_general3A_221 {dimension_numbers = #tpu.dot_dimension_numbers<[0], [0], [1], [1], [0, 1, 1, 1], [], []>, transpose_lhs_hint = false} : vector<64x1xf32>, vector<64x1024xf32>, vector<1x1024xf32> -> vector<1x1024xf32>
    %gt3A_223 = arith.constant 2.050000e+01 : f32
    %gt3A_224 = vector.broadcast %gt3A_223 : f32 to vector<64x1024xf32>
    %gt3A_225 = arith.cmpf ogt, %transpose3A, %gt3A_224 : vector<64x1024xf32>
    %jit3A_226 = arith.constant 1.000000e+00 : f32
    %jit3A_227 = arith.constant -1.000000e+00 : f32
    %broadcast_in_dim3A_228 = vector.broadcast %jit3A_226 : f32 to vector<64x1024xf32>
    %broadcast_in_dim3A_229 = vector.broadcast %jit3A_227 : f32 to vector<64x1024xf32>
    %select_n3A_230 = arith.select %gt3A_225, %broadcast_in_dim3A_228, %broadcast_in_dim3A_229 : vector<64x1024xi1>, vector<64x1024xf32>
    %slice3A_231 = vector.extract_strided_slice %get3A_1 {offsets = [0, 20], sizes = [64, 1], strides = [1, 1]} : vector<64x64xf32> to vector<64x1xf32>
    %dot_general3A_232 = arith.constant dense<0.000000e+00> : vector<1x1024xf32>
    %dot_general3A_233 = tpu.matmul %slice3A_231, %select_n3A_230, %dot_general3A_232 {dimension_numbers = #tpu.dot_dimension_numbers<[0], [0], [1], [1], [0, 1, 1, 1], [], []>, transpose_lhs_hint = false} : vector<64x1xf32>, vector<64x1024xf32>, vector<1x1024xf32> -> vector<1x1024xf32>
    %gt3A_234 = arith.constant 2.150000e+01 : f32
    %gt3A_235 = vector.broadcast %gt3A_234 : f32 to vector<64x1024xf32>
    %gt3A_236 = arith.cmpf ogt, %transpose3A, %gt3A_235 : vector<64x1024xf32>
    %jit3A_237 = arith.constant 1.000000e+00 : f32
    %jit3A_238 = arith.constant -1.000000e+00 : f32
    %broadcast_in_dim3A_239 = vector.broadcast %jit3A_237 : f32 to vector<64x1024xf32>
    %broadcast_in_dim3A_240 = vector.broadcast %jit3A_238 : f32 to vector<64x1024xf32>
    %select_n3A_241 = arith.select %gt3A_236, %broadcast_in_dim3A_239, %broadcast_in_dim3A_240 : vector<64x1024xi1>, vector<64x1024xf32>
    %slice3A_242 = vector.extract_strided_slice %get3A_1 {offsets = [0, 21], sizes = [64, 1], strides = [1, 1]} : vector<64x64xf32> to vector<64x1xf32>
    %dot_general3A_243 = arith.constant dense<0.000000e+00> : vector<1x1024xf32>
    %dot_general3A_244 = tpu.matmul %slice3A_242, %select_n3A_241, %dot_general3A_243 {dimension_numbers = #tpu.dot_dimension_numbers<[0], [0], [1], [1], [0, 1, 1, 1], [], []>, transpose_lhs_hint = false} : vector<64x1xf32>, vector<64x1024xf32>, vector<1x1024xf32> -> vector<1x1024xf32>
    %gt3A_245 = arith.constant 2.250000e+01 : f32
    %gt3A_246 = vector.broadcast %gt3A_245 : f32 to vector<64x1024xf32>
    %gt3A_247 = arith.cmpf ogt, %transpose3A, %gt3A_246 : vector<64x1024xf32>
    %jit3A_248 = arith.constant 1.000000e+00 : f32
    %jit3A_249 = arith.constant -1.000000e+00 : f32
    %broadcast_in_dim3A_250 = vector.broadcast %jit3A_248 : f32 to vector<64x1024xf32>
    %broadcast_in_dim3A_251 = vector.broadcast %jit3A_249 : f32 to vector<64x1024xf32>
    %select_n3A_252 = arith.select %gt3A_247, %broadcast_in_dim3A_250, %broadcast_in_dim3A_251 : vector<64x1024xi1>, vector<64x1024xf32>
    %slice3A_253 = vector.extract_strided_slice %get3A_1 {offsets = [0, 22], sizes = [64, 1], strides = [1, 1]} : vector<64x64xf32> to vector<64x1xf32>
    %dot_general3A_254 = arith.constant dense<0.000000e+00> : vector<1x1024xf32>
    %dot_general3A_255 = tpu.matmul %slice3A_253, %select_n3A_252, %dot_general3A_254 {dimension_numbers = #tpu.dot_dimension_numbers<[0], [0], [1], [1], [0, 1, 1, 1], [], []>, transpose_lhs_hint = false} : vector<64x1xf32>, vector<64x1024xf32>, vector<1x1024xf32> -> vector<1x1024xf32>
    %gt3A_256 = arith.constant 2.350000e+01 : f32
    %gt3A_257 = vector.broadcast %gt3A_256 : f32 to vector<64x1024xf32>
    %gt3A_258 = arith.cmpf ogt, %transpose3A, %gt3A_257 : vector<64x1024xf32>
    %jit3A_259 = arith.constant 1.000000e+00 : f32
    %jit3A_260 = arith.constant -1.000000e+00 : f32
    %broadcast_in_dim3A_261 = vector.broadcast %jit3A_259 : f32 to vector<64x1024xf32>
    %broadcast_in_dim3A_262 = vector.broadcast %jit3A_260 : f32 to vector<64x1024xf32>
    %select_n3A_263 = arith.select %gt3A_258, %broadcast_in_dim3A_261, %broadcast_in_dim3A_262 : vector<64x1024xi1>, vector<64x1024xf32>
    %slice3A_264 = vector.extract_strided_slice %get3A_1 {offsets = [0, 23], sizes = [64, 1], strides = [1, 1]} : vector<64x64xf32> to vector<64x1xf32>
    %dot_general3A_265 = arith.constant dense<0.000000e+00> : vector<1x1024xf32>
    %dot_general3A_266 = tpu.matmul %slice3A_264, %select_n3A_263, %dot_general3A_265 {dimension_numbers = #tpu.dot_dimension_numbers<[0], [0], [1], [1], [0, 1, 1, 1], [], []>, transpose_lhs_hint = false} : vector<64x1xf32>, vector<64x1024xf32>, vector<1x1024xf32> -> vector<1x1024xf32>
    %gt3A_267 = arith.constant 2.450000e+01 : f32
    %gt3A_268 = vector.broadcast %gt3A_267 : f32 to vector<64x1024xf32>
    %gt3A_269 = arith.cmpf ogt, %transpose3A, %gt3A_268 : vector<64x1024xf32>
    %jit3A_270 = arith.constant 1.000000e+00 : f32
    %jit3A_271 = arith.constant -1.000000e+00 : f32
    %broadcast_in_dim3A_272 = vector.broadcast %jit3A_270 : f32 to vector<64x1024xf32>
    %broadcast_in_dim3A_273 = vector.broadcast %jit3A_271 : f32 to vector<64x1024xf32>
    %select_n3A_274 = arith.select %gt3A_269, %broadcast_in_dim3A_272, %broadcast_in_dim3A_273 : vector<64x1024xi1>, vector<64x1024xf32>
    %slice3A_275 = vector.extract_strided_slice %get3A_1 {offsets = [0, 24], sizes = [64, 1], strides = [1, 1]} : vector<64x64xf32> to vector<64x1xf32>
    %dot_general3A_276 = arith.constant dense<0.000000e+00> : vector<1x1024xf32>
    %dot_general3A_277 = tpu.matmul %slice3A_275, %select_n3A_274, %dot_general3A_276 {dimension_numbers = #tpu.dot_dimension_numbers<[0], [0], [1], [1], [0, 1, 1, 1], [], []>, transpose_lhs_hint = false} : vector<64x1xf32>, vector<64x1024xf32>, vector<1x1024xf32> -> vector<1x1024xf32>
    %gt3A_278 = arith.constant 2.550000e+01 : f32
    %gt3A_279 = vector.broadcast %gt3A_278 : f32 to vector<64x1024xf32>
    %gt3A_280 = arith.cmpf ogt, %transpose3A, %gt3A_279 : vector<64x1024xf32>
    %jit3A_281 = arith.constant 1.000000e+00 : f32
    %jit3A_282 = arith.constant -1.000000e+00 : f32
    %broadcast_in_dim3A_283 = vector.broadcast %jit3A_281 : f32 to vector<64x1024xf32>
    %broadcast_in_dim3A_284 = vector.broadcast %jit3A_282 : f32 to vector<64x1024xf32>
    %select_n3A_285 = arith.select %gt3A_280, %broadcast_in_dim3A_283, %broadcast_in_dim3A_284 : vector<64x1024xi1>, vector<64x1024xf32>
    %slice3A_286 = vector.extract_strided_slice %get3A_1 {offsets = [0, 25], sizes = [64, 1], strides = [1, 1]} : vector<64x64xf32> to vector<64x1xf32>
    %dot_general3A_287 = arith.constant dense<0.000000e+00> : vector<1x1024xf32>
    %dot_general3A_288 = tpu.matmul %slice3A_286, %select_n3A_285, %dot_general3A_287 {dimension_numbers = #tpu.dot_dimension_numbers<[0], [0], [1], [1], [0, 1, 1, 1], [], []>, transpose_lhs_hint = false} : vector<64x1xf32>, vector<64x1024xf32>, vector<1x1024xf32> -> vector<1x1024xf32>
    %gt3A_289 = arith.constant 2.650000e+01 : f32
    %gt3A_290 = vector.broadcast %gt3A_289 : f32 to vector<64x1024xf32>
    %gt3A_291 = arith.cmpf ogt, %transpose3A, %gt3A_290 : vector<64x1024xf32>
    %jit3A_292 = arith.constant 1.000000e+00 : f32
    %jit3A_293 = arith.constant -1.000000e+00 : f32
    %broadcast_in_dim3A_294 = vector.broadcast %jit3A_292 : f32 to vector<64x1024xf32>
    %broadcast_in_dim3A_295 = vector.broadcast %jit3A_293 : f32 to vector<64x1024xf32>
    %select_n3A_296 = arith.select %gt3A_291, %broadcast_in_dim3A_294, %broadcast_in_dim3A_295 : vector<64x1024xi1>, vector<64x1024xf32>
    %slice3A_297 = vector.extract_strided_slice %get3A_1 {offsets = [0, 26], sizes = [64, 1], strides = [1, 1]} : vector<64x64xf32> to vector<64x1xf32>
    %dot_general3A_298 = arith.constant dense<0.000000e+00> : vector<1x1024xf32>
    %dot_general3A_299 = tpu.matmul %slice3A_297, %select_n3A_296, %dot_general3A_298 {dimension_numbers = #tpu.dot_dimension_numbers<[0], [0], [1], [1], [0, 1, 1, 1], [], []>, transpose_lhs_hint = false} : vector<64x1xf32>, vector<64x1024xf32>, vector<1x1024xf32> -> vector<1x1024xf32>
    %gt3A_300 = arith.constant 2.750000e+01 : f32
    %gt3A_301 = vector.broadcast %gt3A_300 : f32 to vector<64x1024xf32>
    %gt3A_302 = arith.cmpf ogt, %transpose3A, %gt3A_301 : vector<64x1024xf32>
    %jit3A_303 = arith.constant 1.000000e+00 : f32
    %jit3A_304 = arith.constant -1.000000e+00 : f32
    %broadcast_in_dim3A_305 = vector.broadcast %jit3A_303 : f32 to vector<64x1024xf32>
    %broadcast_in_dim3A_306 = vector.broadcast %jit3A_304 : f32 to vector<64x1024xf32>
    %select_n3A_307 = arith.select %gt3A_302, %broadcast_in_dim3A_305, %broadcast_in_dim3A_306 : vector<64x1024xi1>, vector<64x1024xf32>
    %slice3A_308 = vector.extract_strided_slice %get3A_1 {offsets = [0, 27], sizes = [64, 1], strides = [1, 1]} : vector<64x64xf32> to vector<64x1xf32>
    %dot_general3A_309 = arith.constant dense<0.000000e+00> : vector<1x1024xf32>
    %dot_general3A_310 = tpu.matmul %slice3A_308, %select_n3A_307, %dot_general3A_309 {dimension_numbers = #tpu.dot_dimension_numbers<[0], [0], [1], [1], [0, 1, 1, 1], [], []>, transpose_lhs_hint = false} : vector<64x1xf32>, vector<64x1024xf32>, vector<1x1024xf32> -> vector<1x1024xf32>
    %gt3A_311 = arith.constant 2.850000e+01 : f32
    %gt3A_312 = vector.broadcast %gt3A_311 : f32 to vector<64x1024xf32>
    %gt3A_313 = arith.cmpf ogt, %transpose3A, %gt3A_312 : vector<64x1024xf32>
    %jit3A_314 = arith.constant 1.000000e+00 : f32
    %jit3A_315 = arith.constant -1.000000e+00 : f32
    %broadcast_in_dim3A_316 = vector.broadcast %jit3A_314 : f32 to vector<64x1024xf32>
    %broadcast_in_dim3A_317 = vector.broadcast %jit3A_315 : f32 to vector<64x1024xf32>
    %select_n3A_318 = arith.select %gt3A_313, %broadcast_in_dim3A_316, %broadcast_in_dim3A_317 : vector<64x1024xi1>, vector<64x1024xf32>
    %slice3A_319 = vector.extract_strided_slice %get3A_1 {offsets = [0, 28], sizes = [64, 1], strides = [1, 1]} : vector<64x64xf32> to vector<64x1xf32>
    %dot_general3A_320 = arith.constant dense<0.000000e+00> : vector<1x1024xf32>
    %dot_general3A_321 = tpu.matmul %slice3A_319, %select_n3A_318, %dot_general3A_320 {dimension_numbers = #tpu.dot_dimension_numbers<[0], [0], [1], [1], [0, 1, 1, 1], [], []>, transpose_lhs_hint = false} : vector<64x1xf32>, vector<64x1024xf32>, vector<1x1024xf32> -> vector<1x1024xf32>
    %gt3A_322 = arith.constant 2.950000e+01 : f32
    %gt3A_323 = vector.broadcast %gt3A_322 : f32 to vector<64x1024xf32>
    %gt3A_324 = arith.cmpf ogt, %transpose3A, %gt3A_323 : vector<64x1024xf32>
    %jit3A_325 = arith.constant 1.000000e+00 : f32
    %jit3A_326 = arith.constant -1.000000e+00 : f32
    %broadcast_in_dim3A_327 = vector.broadcast %jit3A_325 : f32 to vector<64x1024xf32>
    %broadcast_in_dim3A_328 = vector.broadcast %jit3A_326 : f32 to vector<64x1024xf32>
    %select_n3A_329 = arith.select %gt3A_324, %broadcast_in_dim3A_327, %broadcast_in_dim3A_328 : vector<64x1024xi1>, vector<64x1024xf32>
    %slice3A_330 = vector.extract_strided_slice %get3A_1 {offsets = [0, 29], sizes = [64, 1], strides = [1, 1]} : vector<64x64xf32> to vector<64x1xf32>
    %dot_general3A_331 = arith.constant dense<0.000000e+00> : vector<1x1024xf32>
    %dot_general3A_332 = tpu.matmul %slice3A_330, %select_n3A_329, %dot_general3A_331 {dimension_numbers = #tpu.dot_dimension_numbers<[0], [0], [1], [1], [0, 1, 1, 1], [], []>, transpose_lhs_hint = false} : vector<64x1xf32>, vector<64x1024xf32>, vector<1x1024xf32> -> vector<1x1024xf32>
    %gt3A_333 = arith.constant 3.050000e+01 : f32
    %gt3A_334 = vector.broadcast %gt3A_333 : f32 to vector<64x1024xf32>
    %gt3A_335 = arith.cmpf ogt, %transpose3A, %gt3A_334 : vector<64x1024xf32>
    %jit3A_336 = arith.constant 1.000000e+00 : f32
    %jit3A_337 = arith.constant -1.000000e+00 : f32
    %broadcast_in_dim3A_338 = vector.broadcast %jit3A_336 : f32 to vector<64x1024xf32>
    %broadcast_in_dim3A_339 = vector.broadcast %jit3A_337 : f32 to vector<64x1024xf32>
    %select_n3A_340 = arith.select %gt3A_335, %broadcast_in_dim3A_338, %broadcast_in_dim3A_339 : vector<64x1024xi1>, vector<64x1024xf32>
    %slice3A_341 = vector.extract_strided_slice %get3A_1 {offsets = [0, 30], sizes = [64, 1], strides = [1, 1]} : vector<64x64xf32> to vector<64x1xf32>
    %dot_general3A_342 = arith.constant dense<0.000000e+00> : vector<1x1024xf32>
    %dot_general3A_343 = tpu.matmul %slice3A_341, %select_n3A_340, %dot_general3A_342 {dimension_numbers = #tpu.dot_dimension_numbers<[0], [0], [1], [1], [0, 1, 1, 1], [], []>, transpose_lhs_hint = false} : vector<64x1xf32>, vector<64x1024xf32>, vector<1x1024xf32> -> vector<1x1024xf32>
    %gt3A_344 = arith.constant 3.150000e+01 : f32
    %gt3A_345 = vector.broadcast %gt3A_344 : f32 to vector<64x1024xf32>
    %gt3A_346 = arith.cmpf ogt, %transpose3A, %gt3A_345 : vector<64x1024xf32>
    %jit3A_347 = arith.constant 1.000000e+00 : f32
    %jit3A_348 = arith.constant -1.000000e+00 : f32
    %broadcast_in_dim3A_349 = vector.broadcast %jit3A_347 : f32 to vector<64x1024xf32>
    %broadcast_in_dim3A_350 = vector.broadcast %jit3A_348 : f32 to vector<64x1024xf32>
    %select_n3A_351 = arith.select %gt3A_346, %broadcast_in_dim3A_349, %broadcast_in_dim3A_350 : vector<64x1024xi1>, vector<64x1024xf32>
    %slice3A_352 = vector.extract_strided_slice %get3A_1 {offsets = [0, 31], sizes = [64, 1], strides = [1, 1]} : vector<64x64xf32> to vector<64x1xf32>
    %dot_general3A_353 = arith.constant dense<0.000000e+00> : vector<1x1024xf32>
    %dot_general3A_354 = tpu.matmul %slice3A_352, %select_n3A_351, %dot_general3A_353 {dimension_numbers = #tpu.dot_dimension_numbers<[0], [0], [1], [1], [0, 1, 1, 1], [], []>, transpose_lhs_hint = false} : vector<64x1xf32>, vector<64x1024xf32>, vector<1x1024xf32> -> vector<1x1024xf32>
    %gt3A_355 = arith.constant 3.250000e+01 : f32
    %gt3A_356 = vector.broadcast %gt3A_355 : f32 to vector<64x1024xf32>
    %gt3A_357 = arith.cmpf ogt, %transpose3A, %gt3A_356 : vector<64x1024xf32>
    %jit3A_358 = arith.constant 1.000000e+00 : f32
    %jit3A_359 = arith.constant -1.000000e+00 : f32
    %broadcast_in_dim3A_360 = vector.broadcast %jit3A_358 : f32 to vector<64x1024xf32>
    %broadcast_in_dim3A_361 = vector.broadcast %jit3A_359 : f32 to vector<64x1024xf32>
    %select_n3A_362 = arith.select %gt3A_357, %broadcast_in_dim3A_360, %broadcast_in_dim3A_361 : vector<64x1024xi1>, vector<64x1024xf32>
    %slice3A_363 = vector.extract_strided_slice %get3A_1 {offsets = [0, 32], sizes = [64, 1], strides = [1, 1]} : vector<64x64xf32> to vector<64x1xf32>
    %dot_general3A_364 = arith.constant dense<0.000000e+00> : vector<1x1024xf32>
    %dot_general3A_365 = tpu.matmul %slice3A_363, %select_n3A_362, %dot_general3A_364 {dimension_numbers = #tpu.dot_dimension_numbers<[0], [0], [1], [1], [0, 1, 1, 1], [], []>, transpose_lhs_hint = false} : vector<64x1xf32>, vector<64x1024xf32>, vector<1x1024xf32> -> vector<1x1024xf32>
    %gt3A_366 = arith.constant 3.350000e+01 : f32
    %gt3A_367 = vector.broadcast %gt3A_366 : f32 to vector<64x1024xf32>
    %gt3A_368 = arith.cmpf ogt, %transpose3A, %gt3A_367 : vector<64x1024xf32>
    %jit3A_369 = arith.constant 1.000000e+00 : f32
    %jit3A_370 = arith.constant -1.000000e+00 : f32
    %broadcast_in_dim3A_371 = vector.broadcast %jit3A_369 : f32 to vector<64x1024xf32>
    %broadcast_in_dim3A_372 = vector.broadcast %jit3A_370 : f32 to vector<64x1024xf32>
    %select_n3A_373 = arith.select %gt3A_368, %broadcast_in_dim3A_371, %broadcast_in_dim3A_372 : vector<64x1024xi1>, vector<64x1024xf32>
    %slice3A_374 = vector.extract_strided_slice %get3A_1 {offsets = [0, 33], sizes = [64, 1], strides = [1, 1]} : vector<64x64xf32> to vector<64x1xf32>
    %dot_general3A_375 = arith.constant dense<0.000000e+00> : vector<1x1024xf32>
    %dot_general3A_376 = tpu.matmul %slice3A_374, %select_n3A_373, %dot_general3A_375 {dimension_numbers = #tpu.dot_dimension_numbers<[0], [0], [1], [1], [0, 1, 1, 1], [], []>, transpose_lhs_hint = false} : vector<64x1xf32>, vector<64x1024xf32>, vector<1x1024xf32> -> vector<1x1024xf32>
    %gt3A_377 = arith.constant 3.450000e+01 : f32
    %gt3A_378 = vector.broadcast %gt3A_377 : f32 to vector<64x1024xf32>
    %gt3A_379 = arith.cmpf ogt, %transpose3A, %gt3A_378 : vector<64x1024xf32>
    %jit3A_380 = arith.constant 1.000000e+00 : f32
    %jit3A_381 = arith.constant -1.000000e+00 : f32
    %broadcast_in_dim3A_382 = vector.broadcast %jit3A_380 : f32 to vector<64x1024xf32>
    %broadcast_in_dim3A_383 = vector.broadcast %jit3A_381 : f32 to vector<64x1024xf32>
    %select_n3A_384 = arith.select %gt3A_379, %broadcast_in_dim3A_382, %broadcast_in_dim3A_383 : vector<64x1024xi1>, vector<64x1024xf32>
    %slice3A_385 = vector.extract_strided_slice %get3A_1 {offsets = [0, 34], sizes = [64, 1], strides = [1, 1]} : vector<64x64xf32> to vector<64x1xf32>
    %dot_general3A_386 = arith.constant dense<0.000000e+00> : vector<1x1024xf32>
    %dot_general3A_387 = tpu.matmul %slice3A_385, %select_n3A_384, %dot_general3A_386 {dimension_numbers = #tpu.dot_dimension_numbers<[0], [0], [1], [1], [0, 1, 1, 1], [], []>, transpose_lhs_hint = false} : vector<64x1xf32>, vector<64x1024xf32>, vector<1x1024xf32> -> vector<1x1024xf32>
    %gt3A_388 = arith.constant 3.550000e+01 : f32
    %gt3A_389 = vector.broadcast %gt3A_388 : f32 to vector<64x1024xf32>
    %gt3A_390 = arith.cmpf ogt, %transpose3A, %gt3A_389 : vector<64x1024xf32>
    %jit3A_391 = arith.constant 1.000000e+00 : f32
    %jit3A_392 = arith.constant -1.000000e+00 : f32
    %broadcast_in_dim3A_393 = vector.broadcast %jit3A_391 : f32 to vector<64x1024xf32>
    %broadcast_in_dim3A_394 = vector.broadcast %jit3A_392 : f32 to vector<64x1024xf32>
    %select_n3A_395 = arith.select %gt3A_390, %broadcast_in_dim3A_393, %broadcast_in_dim3A_394 : vector<64x1024xi1>, vector<64x1024xf32>
    %slice3A_396 = vector.extract_strided_slice %get3A_1 {offsets = [0, 35], sizes = [64, 1], strides = [1, 1]} : vector<64x64xf32> to vector<64x1xf32>
    %dot_general3A_397 = arith.constant dense<0.000000e+00> : vector<1x1024xf32>
    %dot_general3A_398 = tpu.matmul %slice3A_396, %select_n3A_395, %dot_general3A_397 {dimension_numbers = #tpu.dot_dimension_numbers<[0], [0], [1], [1], [0, 1, 1, 1], [], []>, transpose_lhs_hint = false} : vector<64x1xf32>, vector<64x1024xf32>, vector<1x1024xf32> -> vector<1x1024xf32>
    %gt3A_399 = arith.constant 3.650000e+01 : f32
    %gt3A_400 = vector.broadcast %gt3A_399 : f32 to vector<64x1024xf32>
    %gt3A_401 = arith.cmpf ogt, %transpose3A, %gt3A_400 : vector<64x1024xf32>
    %jit3A_402 = arith.constant 1.000000e+00 : f32
    %jit3A_403 = arith.constant -1.000000e+00 : f32
    %broadcast_in_dim3A_404 = vector.broadcast %jit3A_402 : f32 to vector<64x1024xf32>
    %broadcast_in_dim3A_405 = vector.broadcast %jit3A_403 : f32 to vector<64x1024xf32>
    %select_n3A_406 = arith.select %gt3A_401, %broadcast_in_dim3A_404, %broadcast_in_dim3A_405 : vector<64x1024xi1>, vector<64x1024xf32>
    %slice3A_407 = vector.extract_strided_slice %get3A_1 {offsets = [0, 36], sizes = [64, 1], strides = [1, 1]} : vector<64x64xf32> to vector<64x1xf32>
    %dot_general3A_408 = arith.constant dense<0.000000e+00> : vector<1x1024xf32>
    %dot_general3A_409 = tpu.matmul %slice3A_407, %select_n3A_406, %dot_general3A_408 {dimension_numbers = #tpu.dot_dimension_numbers<[0], [0], [1], [1], [0, 1, 1, 1], [], []>, transpose_lhs_hint = false} : vector<64x1xf32>, vector<64x1024xf32>, vector<1x1024xf32> -> vector<1x1024xf32>
    %gt3A_410 = arith.constant 3.750000e+01 : f32
    %gt3A_411 = vector.broadcast %gt3A_410 : f32 to vector<64x1024xf32>
    %gt3A_412 = arith.cmpf ogt, %transpose3A, %gt3A_411 : vector<64x1024xf32>
    %jit3A_413 = arith.constant 1.000000e+00 : f32
    %jit3A_414 = arith.constant -1.000000e+00 : f32
    %broadcast_in_dim3A_415 = vector.broadcast %jit3A_413 : f32 to vector<64x1024xf32>
    %broadcast_in_dim3A_416 = vector.broadcast %jit3A_414 : f32 to vector<64x1024xf32>
    %select_n3A_417 = arith.select %gt3A_412, %broadcast_in_dim3A_415, %broadcast_in_dim3A_416 : vector<64x1024xi1>, vector<64x1024xf32>
    %slice3A_418 = vector.extract_strided_slice %get3A_1 {offsets = [0, 37], sizes = [64, 1], strides = [1, 1]} : vector<64x64xf32> to vector<64x1xf32>
    %dot_general3A_419 = arith.constant dense<0.000000e+00> : vector<1x1024xf32>
    %dot_general3A_420 = tpu.matmul %slice3A_418, %select_n3A_417, %dot_general3A_419 {dimension_numbers = #tpu.dot_dimension_numbers<[0], [0], [1], [1], [0, 1, 1, 1], [], []>, transpose_lhs_hint = false} : vector<64x1xf32>, vector<64x1024xf32>, vector<1x1024xf32> -> vector<1x1024xf32>
    %gt3A_421 = arith.constant 3.850000e+01 : f32
    %gt3A_422 = vector.broadcast %gt3A_421 : f32 to vector<64x1024xf32>
    %gt3A_423 = arith.cmpf ogt, %transpose3A, %gt3A_422 : vector<64x1024xf32>
    %jit3A_424 = arith.constant 1.000000e+00 : f32
    %jit3A_425 = arith.constant -1.000000e+00 : f32
    %broadcast_in_dim3A_426 = vector.broadcast %jit3A_424 : f32 to vector<64x1024xf32>
    %broadcast_in_dim3A_427 = vector.broadcast %jit3A_425 : f32 to vector<64x1024xf32>
    %select_n3A_428 = arith.select %gt3A_423, %broadcast_in_dim3A_426, %broadcast_in_dim3A_427 : vector<64x1024xi1>, vector<64x1024xf32>
    %slice3A_429 = vector.extract_strided_slice %get3A_1 {offsets = [0, 38], sizes = [64, 1], strides = [1, 1]} : vector<64x64xf32> to vector<64x1xf32>
    %dot_general3A_430 = arith.constant dense<0.000000e+00> : vector<1x1024xf32>
    %dot_general3A_431 = tpu.matmul %slice3A_429, %select_n3A_428, %dot_general3A_430 {dimension_numbers = #tpu.dot_dimension_numbers<[0], [0], [1], [1], [0, 1, 1, 1], [], []>, transpose_lhs_hint = false} : vector<64x1xf32>, vector<64x1024xf32>, vector<1x1024xf32> -> vector<1x1024xf32>
    %gt3A_432 = arith.constant 3.950000e+01 : f32
    %gt3A_433 = vector.broadcast %gt3A_432 : f32 to vector<64x1024xf32>
    %gt3A_434 = arith.cmpf ogt, %transpose3A, %gt3A_433 : vector<64x1024xf32>
    %jit3A_435 = arith.constant 1.000000e+00 : f32
    %jit3A_436 = arith.constant -1.000000e+00 : f32
    %broadcast_in_dim3A_437 = vector.broadcast %jit3A_435 : f32 to vector<64x1024xf32>
    %broadcast_in_dim3A_438 = vector.broadcast %jit3A_436 : f32 to vector<64x1024xf32>
    %select_n3A_439 = arith.select %gt3A_434, %broadcast_in_dim3A_437, %broadcast_in_dim3A_438 : vector<64x1024xi1>, vector<64x1024xf32>
    %slice3A_440 = vector.extract_strided_slice %get3A_1 {offsets = [0, 39], sizes = [64, 1], strides = [1, 1]} : vector<64x64xf32> to vector<64x1xf32>
    %dot_general3A_441 = arith.constant dense<0.000000e+00> : vector<1x1024xf32>
    %dot_general3A_442 = tpu.matmul %slice3A_440, %select_n3A_439, %dot_general3A_441 {dimension_numbers = #tpu.dot_dimension_numbers<[0], [0], [1], [1], [0, 1, 1, 1], [], []>, transpose_lhs_hint = false} : vector<64x1xf32>, vector<64x1024xf32>, vector<1x1024xf32> -> vector<1x1024xf32>
    %gt3A_443 = arith.constant 4.050000e+01 : f32
    %gt3A_444 = vector.broadcast %gt3A_443 : f32 to vector<64x1024xf32>
    %gt3A_445 = arith.cmpf ogt, %transpose3A, %gt3A_444 : vector<64x1024xf32>
    %jit3A_446 = arith.constant 1.000000e+00 : f32
    %jit3A_447 = arith.constant -1.000000e+00 : f32
    %broadcast_in_dim3A_448 = vector.broadcast %jit3A_446 : f32 to vector<64x1024xf32>
    %broadcast_in_dim3A_449 = vector.broadcast %jit3A_447 : f32 to vector<64x1024xf32>
    %select_n3A_450 = arith.select %gt3A_445, %broadcast_in_dim3A_448, %broadcast_in_dim3A_449 : vector<64x1024xi1>, vector<64x1024xf32>
    %slice3A_451 = vector.extract_strided_slice %get3A_1 {offsets = [0, 40], sizes = [64, 1], strides = [1, 1]} : vector<64x64xf32> to vector<64x1xf32>
    %dot_general3A_452 = arith.constant dense<0.000000e+00> : vector<1x1024xf32>
    %dot_general3A_453 = tpu.matmul %slice3A_451, %select_n3A_450, %dot_general3A_452 {dimension_numbers = #tpu.dot_dimension_numbers<[0], [0], [1], [1], [0, 1, 1, 1], [], []>, transpose_lhs_hint = false} : vector<64x1xf32>, vector<64x1024xf32>, vector<1x1024xf32> -> vector<1x1024xf32>
    %gt3A_454 = arith.constant 4.150000e+01 : f32
    %gt3A_455 = vector.broadcast %gt3A_454 : f32 to vector<64x1024xf32>
    %gt3A_456 = arith.cmpf ogt, %transpose3A, %gt3A_455 : vector<64x1024xf32>
    %jit3A_457 = arith.constant 1.000000e+00 : f32
    %jit3A_458 = arith.constant -1.000000e+00 : f32
    %broadcast_in_dim3A_459 = vector.broadcast %jit3A_457 : f32 to vector<64x1024xf32>
    %broadcast_in_dim3A_460 = vector.broadcast %jit3A_458 : f32 to vector<64x1024xf32>
    %select_n3A_461 = arith.select %gt3A_456, %broadcast_in_dim3A_459, %broadcast_in_dim3A_460 : vector<64x1024xi1>, vector<64x1024xf32>
    %slice3A_462 = vector.extract_strided_slice %get3A_1 {offsets = [0, 41], sizes = [64, 1], strides = [1, 1]} : vector<64x64xf32> to vector<64x1xf32>
    %dot_general3A_463 = arith.constant dense<0.000000e+00> : vector<1x1024xf32>
    %dot_general3A_464 = tpu.matmul %slice3A_462, %select_n3A_461, %dot_general3A_463 {dimension_numbers = #tpu.dot_dimension_numbers<[0], [0], [1], [1], [0, 1, 1, 1], [], []>, transpose_lhs_hint = false} : vector<64x1xf32>, vector<64x1024xf32>, vector<1x1024xf32> -> vector<1x1024xf32>
    %gt3A_465 = arith.constant 4.250000e+01 : f32
    %gt3A_466 = vector.broadcast %gt3A_465 : f32 to vector<64x1024xf32>
    %gt3A_467 = arith.cmpf ogt, %transpose3A, %gt3A_466 : vector<64x1024xf32>
    %jit3A_468 = arith.constant 1.000000e+00 : f32
    %jit3A_469 = arith.constant -1.000000e+00 : f32
    %broadcast_in_dim3A_470 = vector.broadcast %jit3A_468 : f32 to vector<64x1024xf32>
    %broadcast_in_dim3A_471 = vector.broadcast %jit3A_469 : f32 to vector<64x1024xf32>
    %select_n3A_472 = arith.select %gt3A_467, %broadcast_in_dim3A_470, %broadcast_in_dim3A_471 : vector<64x1024xi1>, vector<64x1024xf32>
    %slice3A_473 = vector.extract_strided_slice %get3A_1 {offsets = [0, 42], sizes = [64, 1], strides = [1, 1]} : vector<64x64xf32> to vector<64x1xf32>
    %dot_general3A_474 = arith.constant dense<0.000000e+00> : vector<1x1024xf32>
    %dot_general3A_475 = tpu.matmul %slice3A_473, %select_n3A_472, %dot_general3A_474 {dimension_numbers = #tpu.dot_dimension_numbers<[0], [0], [1], [1], [0, 1, 1, 1], [], []>, transpose_lhs_hint = false} : vector<64x1xf32>, vector<64x1024xf32>, vector<1x1024xf32> -> vector<1x1024xf32>
    %gt3A_476 = arith.constant 4.350000e+01 : f32
    %gt3A_477 = vector.broadcast %gt3A_476 : f32 to vector<64x1024xf32>
    %gt3A_478 = arith.cmpf ogt, %transpose3A, %gt3A_477 : vector<64x1024xf32>
    %jit3A_479 = arith.constant 1.000000e+00 : f32
    %jit3A_480 = arith.constant -1.000000e+00 : f32
    %broadcast_in_dim3A_481 = vector.broadcast %jit3A_479 : f32 to vector<64x1024xf32>
    %broadcast_in_dim3A_482 = vector.broadcast %jit3A_480 : f32 to vector<64x1024xf32>
    %select_n3A_483 = arith.select %gt3A_478, %broadcast_in_dim3A_481, %broadcast_in_dim3A_482 : vector<64x1024xi1>, vector<64x1024xf32>
    %slice3A_484 = vector.extract_strided_slice %get3A_1 {offsets = [0, 43], sizes = [64, 1], strides = [1, 1]} : vector<64x64xf32> to vector<64x1xf32>
    %dot_general3A_485 = arith.constant dense<0.000000e+00> : vector<1x1024xf32>
    %dot_general3A_486 = tpu.matmul %slice3A_484, %select_n3A_483, %dot_general3A_485 {dimension_numbers = #tpu.dot_dimension_numbers<[0], [0], [1], [1], [0, 1, 1, 1], [], []>, transpose_lhs_hint = false} : vector<64x1xf32>, vector<64x1024xf32>, vector<1x1024xf32> -> vector<1x1024xf32>
    %gt3A_487 = arith.constant 4.450000e+01 : f32
    %gt3A_488 = vector.broadcast %gt3A_487 : f32 to vector<64x1024xf32>
    %gt3A_489 = arith.cmpf ogt, %transpose3A, %gt3A_488 : vector<64x1024xf32>
    %jit3A_490 = arith.constant 1.000000e+00 : f32
    %jit3A_491 = arith.constant -1.000000e+00 : f32
    %broadcast_in_dim3A_492 = vector.broadcast %jit3A_490 : f32 to vector<64x1024xf32>
    %broadcast_in_dim3A_493 = vector.broadcast %jit3A_491 : f32 to vector<64x1024xf32>
    %select_n3A_494 = arith.select %gt3A_489, %broadcast_in_dim3A_492, %broadcast_in_dim3A_493 : vector<64x1024xi1>, vector<64x1024xf32>
    %slice3A_495 = vector.extract_strided_slice %get3A_1 {offsets = [0, 44], sizes = [64, 1], strides = [1, 1]} : vector<64x64xf32> to vector<64x1xf32>
    %dot_general3A_496 = arith.constant dense<0.000000e+00> : vector<1x1024xf32>
    %dot_general3A_497 = tpu.matmul %slice3A_495, %select_n3A_494, %dot_general3A_496 {dimension_numbers = #tpu.dot_dimension_numbers<[0], [0], [1], [1], [0, 1, 1, 1], [], []>, transpose_lhs_hint = false} : vector<64x1xf32>, vector<64x1024xf32>, vector<1x1024xf32> -> vector<1x1024xf32>
    %gt3A_498 = arith.constant 4.550000e+01 : f32
    %gt3A_499 = vector.broadcast %gt3A_498 : f32 to vector<64x1024xf32>
    %gt3A_500 = arith.cmpf ogt, %transpose3A, %gt3A_499 : vector<64x1024xf32>
    %jit3A_501 = arith.constant 1.000000e+00 : f32
    %jit3A_502 = arith.constant -1.000000e+00 : f32
    %broadcast_in_dim3A_503 = vector.broadcast %jit3A_501 : f32 to vector<64x1024xf32>
    %broadcast_in_dim3A_504 = vector.broadcast %jit3A_502 : f32 to vector<64x1024xf32>
    %select_n3A_505 = arith.select %gt3A_500, %broadcast_in_dim3A_503, %broadcast_in_dim3A_504 : vector<64x1024xi1>, vector<64x1024xf32>
    %slice3A_506 = vector.extract_strided_slice %get3A_1 {offsets = [0, 45], sizes = [64, 1], strides = [1, 1]} : vector<64x64xf32> to vector<64x1xf32>
    %dot_general3A_507 = arith.constant dense<0.000000e+00> : vector<1x1024xf32>
    %dot_general3A_508 = tpu.matmul %slice3A_506, %select_n3A_505, %dot_general3A_507 {dimension_numbers = #tpu.dot_dimension_numbers<[0], [0], [1], [1], [0, 1, 1, 1], [], []>, transpose_lhs_hint = false} : vector<64x1xf32>, vector<64x1024xf32>, vector<1x1024xf32> -> vector<1x1024xf32>
    %gt3A_509 = arith.constant 4.650000e+01 : f32
    %gt3A_510 = vector.broadcast %gt3A_509 : f32 to vector<64x1024xf32>
    %gt3A_511 = arith.cmpf ogt, %transpose3A, %gt3A_510 : vector<64x1024xf32>
    %jit3A_512 = arith.constant 1.000000e+00 : f32
    %jit3A_513 = arith.constant -1.000000e+00 : f32
    %broadcast_in_dim3A_514 = vector.broadcast %jit3A_512 : f32 to vector<64x1024xf32>
    %broadcast_in_dim3A_515 = vector.broadcast %jit3A_513 : f32 to vector<64x1024xf32>
    %select_n3A_516 = arith.select %gt3A_511, %broadcast_in_dim3A_514, %broadcast_in_dim3A_515 : vector<64x1024xi1>, vector<64x1024xf32>
    %slice3A_517 = vector.extract_strided_slice %get3A_1 {offsets = [0, 46], sizes = [64, 1], strides = [1, 1]} : vector<64x64xf32> to vector<64x1xf32>
    %dot_general3A_518 = arith.constant dense<0.000000e+00> : vector<1x1024xf32>
    %dot_general3A_519 = tpu.matmul %slice3A_517, %select_n3A_516, %dot_general3A_518 {dimension_numbers = #tpu.dot_dimension_numbers<[0], [0], [1], [1], [0, 1, 1, 1], [], []>, transpose_lhs_hint = false} : vector<64x1xf32>, vector<64x1024xf32>, vector<1x1024xf32> -> vector<1x1024xf32>
    %gt3A_520 = arith.constant 4.750000e+01 : f32
    %gt3A_521 = vector.broadcast %gt3A_520 : f32 to vector<64x1024xf32>
    %gt3A_522 = arith.cmpf ogt, %transpose3A, %gt3A_521 : vector<64x1024xf32>
    %jit3A_523 = arith.constant 1.000000e+00 : f32
    %jit3A_524 = arith.constant -1.000000e+00 : f32
    %broadcast_in_dim3A_525 = vector.broadcast %jit3A_523 : f32 to vector<64x1024xf32>
    %broadcast_in_dim3A_526 = vector.broadcast %jit3A_524 : f32 to vector<64x1024xf32>
    %select_n3A_527 = arith.select %gt3A_522, %broadcast_in_dim3A_525, %broadcast_in_dim3A_526 : vector<64x1024xi1>, vector<64x1024xf32>
    %slice3A_528 = vector.extract_strided_slice %get3A_1 {offsets = [0, 47], sizes = [64, 1], strides = [1, 1]} : vector<64x64xf32> to vector<64x1xf32>
    %dot_general3A_529 = arith.constant dense<0.000000e+00> : vector<1x1024xf32>
    %dot_general3A_530 = tpu.matmul %slice3A_528, %select_n3A_527, %dot_general3A_529 {dimension_numbers = #tpu.dot_dimension_numbers<[0], [0], [1], [1], [0, 1, 1, 1], [], []>, transpose_lhs_hint = false} : vector<64x1xf32>, vector<64x1024xf32>, vector<1x1024xf32> -> vector<1x1024xf32>
    %gt3A_531 = arith.constant 4.850000e+01 : f32
    %gt3A_532 = vector.broadcast %gt3A_531 : f32 to vector<64x1024xf32>
    %gt3A_533 = arith.cmpf ogt, %transpose3A, %gt3A_532 : vector<64x1024xf32>
    %jit3A_534 = arith.constant 1.000000e+00 : f32
    %jit3A_535 = arith.constant -1.000000e+00 : f32
    %broadcast_in_dim3A_536 = vector.broadcast %jit3A_534 : f32 to vector<64x1024xf32>
    %broadcast_in_dim3A_537 = vector.broadcast %jit3A_535 : f32 to vector<64x1024xf32>
    %select_n3A_538 = arith.select %gt3A_533, %broadcast_in_dim3A_536, %broadcast_in_dim3A_537 : vector<64x1024xi1>, vector<64x1024xf32>
    %slice3A_539 = vector.extract_strided_slice %get3A_1 {offsets = [0, 48], sizes = [64, 1], strides = [1, 1]} : vector<64x64xf32> to vector<64x1xf32>
    %dot_general3A_540 = arith.constant dense<0.000000e+00> : vector<1x1024xf32>
    %dot_general3A_541 = tpu.matmul %slice3A_539, %select_n3A_538, %dot_general3A_540 {dimension_numbers = #tpu.dot_dimension_numbers<[0], [0], [1], [1], [0, 1, 1, 1], [], []>, transpose_lhs_hint = false} : vector<64x1xf32>, vector<64x1024xf32>, vector<1x1024xf32> -> vector<1x1024xf32>
    %gt3A_542 = arith.constant 4.950000e+01 : f32
    %gt3A_543 = vector.broadcast %gt3A_542 : f32 to vector<64x1024xf32>
    %gt3A_544 = arith.cmpf ogt, %transpose3A, %gt3A_543 : vector<64x1024xf32>
    %jit3A_545 = arith.constant 1.000000e+00 : f32
    %jit3A_546 = arith.constant -1.000000e+00 : f32
    %broadcast_in_dim3A_547 = vector.broadcast %jit3A_545 : f32 to vector<64x1024xf32>
    %broadcast_in_dim3A_548 = vector.broadcast %jit3A_546 : f32 to vector<64x1024xf32>
    %select_n3A_549 = arith.select %gt3A_544, %broadcast_in_dim3A_547, %broadcast_in_dim3A_548 : vector<64x1024xi1>, vector<64x1024xf32>
    %slice3A_550 = vector.extract_strided_slice %get3A_1 {offsets = [0, 49], sizes = [64, 1], strides = [1, 1]} : vector<64x64xf32> to vector<64x1xf32>
    %dot_general3A_551 = arith.constant dense<0.000000e+00> : vector<1x1024xf32>
    %dot_general3A_552 = tpu.matmul %slice3A_550, %select_n3A_549, %dot_general3A_551 {dimension_numbers = #tpu.dot_dimension_numbers<[0], [0], [1], [1], [0, 1, 1, 1], [], []>, transpose_lhs_hint = false} : vector<64x1xf32>, vector<64x1024xf32>, vector<1x1024xf32> -> vector<1x1024xf32>
    %gt3A_553 = arith.constant 5.050000e+01 : f32
    %gt3A_554 = vector.broadcast %gt3A_553 : f32 to vector<64x1024xf32>
    %gt3A_555 = arith.cmpf ogt, %transpose3A, %gt3A_554 : vector<64x1024xf32>
    %jit3A_556 = arith.constant 1.000000e+00 : f32
    %jit3A_557 = arith.constant -1.000000e+00 : f32
    %broadcast_in_dim3A_558 = vector.broadcast %jit3A_556 : f32 to vector<64x1024xf32>
    %broadcast_in_dim3A_559 = vector.broadcast %jit3A_557 : f32 to vector<64x1024xf32>
    %select_n3A_560 = arith.select %gt3A_555, %broadcast_in_dim3A_558, %broadcast_in_dim3A_559 : vector<64x1024xi1>, vector<64x1024xf32>
    %slice3A_561 = vector.extract_strided_slice %get3A_1 {offsets = [0, 50], sizes = [64, 1], strides = [1, 1]} : vector<64x64xf32> to vector<64x1xf32>
    %dot_general3A_562 = arith.constant dense<0.000000e+00> : vector<1x1024xf32>
    %dot_general3A_563 = tpu.matmul %slice3A_561, %select_n3A_560, %dot_general3A_562 {dimension_numbers = #tpu.dot_dimension_numbers<[0], [0], [1], [1], [0, 1, 1, 1], [], []>, transpose_lhs_hint = false} : vector<64x1xf32>, vector<64x1024xf32>, vector<1x1024xf32> -> vector<1x1024xf32>
    %gt3A_564 = arith.constant 5.150000e+01 : f32
    %gt3A_565 = vector.broadcast %gt3A_564 : f32 to vector<64x1024xf32>
    %gt3A_566 = arith.cmpf ogt, %transpose3A, %gt3A_565 : vector<64x1024xf32>
    %jit3A_567 = arith.constant 1.000000e+00 : f32
    %jit3A_568 = arith.constant -1.000000e+00 : f32
    %broadcast_in_dim3A_569 = vector.broadcast %jit3A_567 : f32 to vector<64x1024xf32>
    %broadcast_in_dim3A_570 = vector.broadcast %jit3A_568 : f32 to vector<64x1024xf32>
    %select_n3A_571 = arith.select %gt3A_566, %broadcast_in_dim3A_569, %broadcast_in_dim3A_570 : vector<64x1024xi1>, vector<64x1024xf32>
    %slice3A_572 = vector.extract_strided_slice %get3A_1 {offsets = [0, 51], sizes = [64, 1], strides = [1, 1]} : vector<64x64xf32> to vector<64x1xf32>
    %dot_general3A_573 = arith.constant dense<0.000000e+00> : vector<1x1024xf32>
    %dot_general3A_574 = tpu.matmul %slice3A_572, %select_n3A_571, %dot_general3A_573 {dimension_numbers = #tpu.dot_dimension_numbers<[0], [0], [1], [1], [0, 1, 1, 1], [], []>, transpose_lhs_hint = false} : vector<64x1xf32>, vector<64x1024xf32>, vector<1x1024xf32> -> vector<1x1024xf32>
    %gt3A_575 = arith.constant 5.250000e+01 : f32
    %gt3A_576 = vector.broadcast %gt3A_575 : f32 to vector<64x1024xf32>
    %gt3A_577 = arith.cmpf ogt, %transpose3A, %gt3A_576 : vector<64x1024xf32>
    %jit3A_578 = arith.constant 1.000000e+00 : f32
    %jit3A_579 = arith.constant -1.000000e+00 : f32
    %broadcast_in_dim3A_580 = vector.broadcast %jit3A_578 : f32 to vector<64x1024xf32>
    %broadcast_in_dim3A_581 = vector.broadcast %jit3A_579 : f32 to vector<64x1024xf32>
    %select_n3A_582 = arith.select %gt3A_577, %broadcast_in_dim3A_580, %broadcast_in_dim3A_581 : vector<64x1024xi1>, vector<64x1024xf32>
    %slice3A_583 = vector.extract_strided_slice %get3A_1 {offsets = [0, 52], sizes = [64, 1], strides = [1, 1]} : vector<64x64xf32> to vector<64x1xf32>
    %dot_general3A_584 = arith.constant dense<0.000000e+00> : vector<1x1024xf32>
    %dot_general3A_585 = tpu.matmul %slice3A_583, %select_n3A_582, %dot_general3A_584 {dimension_numbers = #tpu.dot_dimension_numbers<[0], [0], [1], [1], [0, 1, 1, 1], [], []>, transpose_lhs_hint = false} : vector<64x1xf32>, vector<64x1024xf32>, vector<1x1024xf32> -> vector<1x1024xf32>
    %gt3A_586 = arith.constant 5.350000e+01 : f32
    %gt3A_587 = vector.broadcast %gt3A_586 : f32 to vector<64x1024xf32>
    %gt3A_588 = arith.cmpf ogt, %transpose3A, %gt3A_587 : vector<64x1024xf32>
    %jit3A_589 = arith.constant 1.000000e+00 : f32
    %jit3A_590 = arith.constant -1.000000e+00 : f32
    %broadcast_in_dim3A_591 = vector.broadcast %jit3A_589 : f32 to vector<64x1024xf32>
    %broadcast_in_dim3A_592 = vector.broadcast %jit3A_590 : f32 to vector<64x1024xf32>
    %select_n3A_593 = arith.select %gt3A_588, %broadcast_in_dim3A_591, %broadcast_in_dim3A_592 : vector<64x1024xi1>, vector<64x1024xf32>
    %slice3A_594 = vector.extract_strided_slice %get3A_1 {offsets = [0, 53], sizes = [64, 1], strides = [1, 1]} : vector<64x64xf32> to vector<64x1xf32>
    %dot_general3A_595 = arith.constant dense<0.000000e+00> : vector<1x1024xf32>
    %dot_general3A_596 = tpu.matmul %slice3A_594, %select_n3A_593, %dot_general3A_595 {dimension_numbers = #tpu.dot_dimension_numbers<[0], [0], [1], [1], [0, 1, 1, 1], [], []>, transpose_lhs_hint = false} : vector<64x1xf32>, vector<64x1024xf32>, vector<1x1024xf32> -> vector<1x1024xf32>
    %gt3A_597 = arith.constant 5.450000e+01 : f32
    %gt3A_598 = vector.broadcast %gt3A_597 : f32 to vector<64x1024xf32>
    %gt3A_599 = arith.cmpf ogt, %transpose3A, %gt3A_598 : vector<64x1024xf32>
    %jit3A_600 = arith.constant 1.000000e+00 : f32
    %jit3A_601 = arith.constant -1.000000e+00 : f32
    %broadcast_in_dim3A_602 = vector.broadcast %jit3A_600 : f32 to vector<64x1024xf32>
    %broadcast_in_dim3A_603 = vector.broadcast %jit3A_601 : f32 to vector<64x1024xf32>
    %select_n3A_604 = arith.select %gt3A_599, %broadcast_in_dim3A_602, %broadcast_in_dim3A_603 : vector<64x1024xi1>, vector<64x1024xf32>
    %slice3A_605 = vector.extract_strided_slice %get3A_1 {offsets = [0, 54], sizes = [64, 1], strides = [1, 1]} : vector<64x64xf32> to vector<64x1xf32>
    %dot_general3A_606 = arith.constant dense<0.000000e+00> : vector<1x1024xf32>
    %dot_general3A_607 = tpu.matmul %slice3A_605, %select_n3A_604, %dot_general3A_606 {dimension_numbers = #tpu.dot_dimension_numbers<[0], [0], [1], [1], [0, 1, 1, 1], [], []>, transpose_lhs_hint = false} : vector<64x1xf32>, vector<64x1024xf32>, vector<1x1024xf32> -> vector<1x1024xf32>
    %gt3A_608 = arith.constant 5.550000e+01 : f32
    %gt3A_609 = vector.broadcast %gt3A_608 : f32 to vector<64x1024xf32>
    %gt3A_610 = arith.cmpf ogt, %transpose3A, %gt3A_609 : vector<64x1024xf32>
    %jit3A_611 = arith.constant 1.000000e+00 : f32
    %jit3A_612 = arith.constant -1.000000e+00 : f32
    %broadcast_in_dim3A_613 = vector.broadcast %jit3A_611 : f32 to vector<64x1024xf32>
    %broadcast_in_dim3A_614 = vector.broadcast %jit3A_612 : f32 to vector<64x1024xf32>
    %select_n3A_615 = arith.select %gt3A_610, %broadcast_in_dim3A_613, %broadcast_in_dim3A_614 : vector<64x1024xi1>, vector<64x1024xf32>
    %slice3A_616 = vector.extract_strided_slice %get3A_1 {offsets = [0, 55], sizes = [64, 1], strides = [1, 1]} : vector<64x64xf32> to vector<64x1xf32>
    %dot_general3A_617 = arith.constant dense<0.000000e+00> : vector<1x1024xf32>
    %dot_general3A_618 = tpu.matmul %slice3A_616, %select_n3A_615, %dot_general3A_617 {dimension_numbers = #tpu.dot_dimension_numbers<[0], [0], [1], [1], [0, 1, 1, 1], [], []>, transpose_lhs_hint = false} : vector<64x1xf32>, vector<64x1024xf32>, vector<1x1024xf32> -> vector<1x1024xf32>
    %gt3A_619 = arith.constant 5.650000e+01 : f32
    %gt3A_620 = vector.broadcast %gt3A_619 : f32 to vector<64x1024xf32>
    %gt3A_621 = arith.cmpf ogt, %transpose3A, %gt3A_620 : vector<64x1024xf32>
    %jit3A_622 = arith.constant 1.000000e+00 : f32
    %jit3A_623 = arith.constant -1.000000e+00 : f32
    %broadcast_in_dim3A_624 = vector.broadcast %jit3A_622 : f32 to vector<64x1024xf32>
    %broadcast_in_dim3A_625 = vector.broadcast %jit3A_623 : f32 to vector<64x1024xf32>
    %select_n3A_626 = arith.select %gt3A_621, %broadcast_in_dim3A_624, %broadcast_in_dim3A_625 : vector<64x1024xi1>, vector<64x1024xf32>
    %slice3A_627 = vector.extract_strided_slice %get3A_1 {offsets = [0, 56], sizes = [64, 1], strides = [1, 1]} : vector<64x64xf32> to vector<64x1xf32>
    %dot_general3A_628 = arith.constant dense<0.000000e+00> : vector<1x1024xf32>
    %dot_general3A_629 = tpu.matmul %slice3A_627, %select_n3A_626, %dot_general3A_628 {dimension_numbers = #tpu.dot_dimension_numbers<[0], [0], [1], [1], [0, 1, 1, 1], [], []>, transpose_lhs_hint = false} : vector<64x1xf32>, vector<64x1024xf32>, vector<1x1024xf32> -> vector<1x1024xf32>
    %gt3A_630 = arith.constant 5.750000e+01 : f32
    %gt3A_631 = vector.broadcast %gt3A_630 : f32 to vector<64x1024xf32>
    %gt3A_632 = arith.cmpf ogt, %transpose3A, %gt3A_631 : vector<64x1024xf32>
    %jit3A_633 = arith.constant 1.000000e+00 : f32
    %jit3A_634 = arith.constant -1.000000e+00 : f32
    %broadcast_in_dim3A_635 = vector.broadcast %jit3A_633 : f32 to vector<64x1024xf32>
    %broadcast_in_dim3A_636 = vector.broadcast %jit3A_634 : f32 to vector<64x1024xf32>
    %select_n3A_637 = arith.select %gt3A_632, %broadcast_in_dim3A_635, %broadcast_in_dim3A_636 : vector<64x1024xi1>, vector<64x1024xf32>
    %slice3A_638 = vector.extract_strided_slice %get3A_1 {offsets = [0, 57], sizes = [64, 1], strides = [1, 1]} : vector<64x64xf32> to vector<64x1xf32>
    %dot_general3A_639 = arith.constant dense<0.000000e+00> : vector<1x1024xf32>
    %dot_general3A_640 = tpu.matmul %slice3A_638, %select_n3A_637, %dot_general3A_639 {dimension_numbers = #tpu.dot_dimension_numbers<[0], [0], [1], [1], [0, 1, 1, 1], [], []>, transpose_lhs_hint = false} : vector<64x1xf32>, vector<64x1024xf32>, vector<1x1024xf32> -> vector<1x1024xf32>
    %gt3A_641 = arith.constant 5.850000e+01 : f32
    %gt3A_642 = vector.broadcast %gt3A_641 : f32 to vector<64x1024xf32>
    %gt3A_643 = arith.cmpf ogt, %transpose3A, %gt3A_642 : vector<64x1024xf32>
    %jit3A_644 = arith.constant 1.000000e+00 : f32
    %jit3A_645 = arith.constant -1.000000e+00 : f32
    %broadcast_in_dim3A_646 = vector.broadcast %jit3A_644 : f32 to vector<64x1024xf32>
    %broadcast_in_dim3A_647 = vector.broadcast %jit3A_645 : f32 to vector<64x1024xf32>
    %select_n3A_648 = arith.select %gt3A_643, %broadcast_in_dim3A_646, %broadcast_in_dim3A_647 : vector<64x1024xi1>, vector<64x1024xf32>
    %slice3A_649 = vector.extract_strided_slice %get3A_1 {offsets = [0, 58], sizes = [64, 1], strides = [1, 1]} : vector<64x64xf32> to vector<64x1xf32>
    %dot_general3A_650 = arith.constant dense<0.000000e+00> : vector<1x1024xf32>
    %dot_general3A_651 = tpu.matmul %slice3A_649, %select_n3A_648, %dot_general3A_650 {dimension_numbers = #tpu.dot_dimension_numbers<[0], [0], [1], [1], [0, 1, 1, 1], [], []>, transpose_lhs_hint = false} : vector<64x1xf32>, vector<64x1024xf32>, vector<1x1024xf32> -> vector<1x1024xf32>
    %gt3A_652 = arith.constant 5.950000e+01 : f32
    %gt3A_653 = vector.broadcast %gt3A_652 : f32 to vector<64x1024xf32>
    %gt3A_654 = arith.cmpf ogt, %transpose3A, %gt3A_653 : vector<64x1024xf32>
    %jit3A_655 = arith.constant 1.000000e+00 : f32
    %jit3A_656 = arith.constant -1.000000e+00 : f32
    %broadcast_in_dim3A_657 = vector.broadcast %jit3A_655 : f32 to vector<64x1024xf32>
    %broadcast_in_dim3A_658 = vector.broadcast %jit3A_656 : f32 to vector<64x1024xf32>
    %select_n3A_659 = arith.select %gt3A_654, %broadcast_in_dim3A_657, %broadcast_in_dim3A_658 : vector<64x1024xi1>, vector<64x1024xf32>
    %slice3A_660 = vector.extract_strided_slice %get3A_1 {offsets = [0, 59], sizes = [64, 1], strides = [1, 1]} : vector<64x64xf32> to vector<64x1xf32>
    %dot_general3A_661 = arith.constant dense<0.000000e+00> : vector<1x1024xf32>
    %dot_general3A_662 = tpu.matmul %slice3A_660, %select_n3A_659, %dot_general3A_661 {dimension_numbers = #tpu.dot_dimension_numbers<[0], [0], [1], [1], [0, 1, 1, 1], [], []>, transpose_lhs_hint = false} : vector<64x1xf32>, vector<64x1024xf32>, vector<1x1024xf32> -> vector<1x1024xf32>
    %gt3A_663 = arith.constant 6.050000e+01 : f32
    %gt3A_664 = vector.broadcast %gt3A_663 : f32 to vector<64x1024xf32>
    %gt3A_665 = arith.cmpf ogt, %transpose3A, %gt3A_664 : vector<64x1024xf32>
    %jit3A_666 = arith.constant 1.000000e+00 : f32
    %jit3A_667 = arith.constant -1.000000e+00 : f32
    %broadcast_in_dim3A_668 = vector.broadcast %jit3A_666 : f32 to vector<64x1024xf32>
    %broadcast_in_dim3A_669 = vector.broadcast %jit3A_667 : f32 to vector<64x1024xf32>
    %select_n3A_670 = arith.select %gt3A_665, %broadcast_in_dim3A_668, %broadcast_in_dim3A_669 : vector<64x1024xi1>, vector<64x1024xf32>
    %slice3A_671 = vector.extract_strided_slice %get3A_1 {offsets = [0, 60], sizes = [64, 1], strides = [1, 1]} : vector<64x64xf32> to vector<64x1xf32>
    %dot_general3A_672 = arith.constant dense<0.000000e+00> : vector<1x1024xf32>
    %dot_general3A_673 = tpu.matmul %slice3A_671, %select_n3A_670, %dot_general3A_672 {dimension_numbers = #tpu.dot_dimension_numbers<[0], [0], [1], [1], [0, 1, 1, 1], [], []>, transpose_lhs_hint = false} : vector<64x1xf32>, vector<64x1024xf32>, vector<1x1024xf32> -> vector<1x1024xf32>
    %gt3A_674 = arith.constant 6.150000e+01 : f32
    %gt3A_675 = vector.broadcast %gt3A_674 : f32 to vector<64x1024xf32>
    %gt3A_676 = arith.cmpf ogt, %transpose3A, %gt3A_675 : vector<64x1024xf32>
    %jit3A_677 = arith.constant 1.000000e+00 : f32
    %jit3A_678 = arith.constant -1.000000e+00 : f32
    %broadcast_in_dim3A_679 = vector.broadcast %jit3A_677 : f32 to vector<64x1024xf32>
    %broadcast_in_dim3A_680 = vector.broadcast %jit3A_678 : f32 to vector<64x1024xf32>
    %select_n3A_681 = arith.select %gt3A_676, %broadcast_in_dim3A_679, %broadcast_in_dim3A_680 : vector<64x1024xi1>, vector<64x1024xf32>
    %slice3A_682 = vector.extract_strided_slice %get3A_1 {offsets = [0, 61], sizes = [64, 1], strides = [1, 1]} : vector<64x64xf32> to vector<64x1xf32>
    %dot_general3A_683 = arith.constant dense<0.000000e+00> : vector<1x1024xf32>
    %dot_general3A_684 = tpu.matmul %slice3A_682, %select_n3A_681, %dot_general3A_683 {dimension_numbers = #tpu.dot_dimension_numbers<[0], [0], [1], [1], [0, 1, 1, 1], [], []>, transpose_lhs_hint = false} : vector<64x1xf32>, vector<64x1024xf32>, vector<1x1024xf32> -> vector<1x1024xf32>
    %gt3A_685 = arith.constant 6.250000e+01 : f32
    %gt3A_686 = vector.broadcast %gt3A_685 : f32 to vector<64x1024xf32>
    %gt3A_687 = arith.cmpf ogt, %transpose3A, %gt3A_686 : vector<64x1024xf32>
    %jit3A_688 = arith.constant 1.000000e+00 : f32
    %jit3A_689 = arith.constant -1.000000e+00 : f32
    %broadcast_in_dim3A_690 = vector.broadcast %jit3A_688 : f32 to vector<64x1024xf32>
    %broadcast_in_dim3A_691 = vector.broadcast %jit3A_689 : f32 to vector<64x1024xf32>
    %select_n3A_692 = arith.select %gt3A_687, %broadcast_in_dim3A_690, %broadcast_in_dim3A_691 : vector<64x1024xi1>, vector<64x1024xf32>
    %slice3A_693 = vector.extract_strided_slice %get3A_1 {offsets = [0, 62], sizes = [64, 1], strides = [1, 1]} : vector<64x64xf32> to vector<64x1xf32>
    %dot_general3A_694 = arith.constant dense<0.000000e+00> : vector<1x1024xf32>
    %dot_general3A_695 = tpu.matmul %slice3A_693, %select_n3A_692, %dot_general3A_694 {dimension_numbers = #tpu.dot_dimension_numbers<[0], [0], [1], [1], [0, 1, 1, 1], [], []>, transpose_lhs_hint = false} : vector<64x1xf32>, vector<64x1024xf32>, vector<1x1024xf32> -> vector<1x1024xf32>
    %gt3A_696 = arith.constant 6.350000e+01 : f32
    %gt3A_697 = vector.broadcast %gt3A_696 : f32 to vector<64x1024xf32>
    %gt3A_698 = arith.cmpf ogt, %transpose3A, %gt3A_697 : vector<64x1024xf32>
    %jit3A_699 = arith.constant 1.000000e+00 : f32
    %jit3A_700 = arith.constant -1.000000e+00 : f32
    %broadcast_in_dim3A_701 = vector.broadcast %jit3A_699 : f32 to vector<64x1024xf32>
    %broadcast_in_dim3A_702 = vector.broadcast %jit3A_700 : f32 to vector<64x1024xf32>
    %select_n3A_703 = arith.select %gt3A_698, %broadcast_in_dim3A_701, %broadcast_in_dim3A_702 : vector<64x1024xi1>, vector<64x1024xf32>
    %slice3A_704 = vector.extract_strided_slice %get3A_1 {offsets = [0, 63], sizes = [64, 1], strides = [1, 1]} : vector<64x64xf32> to vector<64x1xf32>
    %dot_general3A_705 = arith.constant dense<0.000000e+00> : vector<1x1024xf32>
    %dot_general3A_706 = tpu.matmul %slice3A_704, %select_n3A_703, %dot_general3A_705 {dimension_numbers = #tpu.dot_dimension_numbers<[0], [0], [1], [1], [0, 1, 1, 1], [], []>, transpose_lhs_hint = false} : vector<64x1xf32>, vector<64x1024xf32>, vector<1x1024xf32> -> vector<1x1024xf32>
    %concatenate3A = tpu.concatenate %dot_general3A_13, %dot_general3A_24, %dot_general3A_35, %dot_general3A_46, %dot_general3A_57, %dot_general3A_68, %dot_general3A_79, %dot_general3A_90, %dot_general3A_101, %dot_general3A_112, %dot_general3A_123, %dot_general3A_134, %dot_general3A_145, %dot_general3A_156, %dot_general3A_167, %dot_general3A_178, %dot_general3A_189, %dot_general3A_200, %dot_general3A_211, %dot_general3A_222, %dot_general3A_233, %dot_general3A_244, %dot_general3A_255, %dot_general3A_266, %dot_general3A_277, %dot_general3A_288, %dot_general3A_299, %dot_general3A_310, %dot_general3A_321, %dot_general3A_332, %dot_general3A_343, %dot_general3A_354, %dot_general3A_365, %dot_general3A_376, %dot_general3A_387, %dot_general3A_398, %dot_general3A_409, %dot_general3A_420, %dot_general3A_431, %dot_general3A_442, %dot_general3A_453, %dot_general3A_464, %dot_general3A_475, %dot_general3A_486, %dot_general3A_497, %dot_general3A_508, %dot_general3A_519, %dot_general3A_530, %dot_general3A_541, %dot_general3A_552, %dot_general3A_563, %dot_general3A_574, %dot_general3A_585, %dot_general3A_596, %dot_general3A_607, %dot_general3A_618, %dot_general3A_629, %dot_general3A_640, %dot_general3A_651, %dot_general3A_662, %dot_general3A_673, %dot_general3A_684, %dot_general3A_695, %dot_general3A_706 in 0 : vector<1x1024xf32>, vector<1x1024xf32>, vector<1x1024xf32>, vector<1x1024xf32>, vector<1x1024xf32>, vector<1x1024xf32>, vector<1x1024xf32>, vector<1x1024xf32>, vector<1x1024xf32>, vector<1x1024xf32>, vector<1x1024xf32>, vector<1x1024xf32>, vector<1x1024xf32>, vector<1x1024xf32>, vector<1x1024xf32>, vector<1x1024xf32>, vector<1x1024xf32>, vector<1x1024xf32>, vector<1x1024xf32>, vector<1x1024xf32>, vector<1x1024xf32>, vector<1x1024xf32>, vector<1x1024xf32>, vector<1x1024xf32>, vector<1x1024xf32>, vector<1x1024xf32>, vector<1x1024xf32>, vector<1x1024xf32>, vector<1x1024xf32>, vector<1x1024xf32>, vector<1x1024xf32>, vector<1x1024xf32>, vector<1x1024xf32>, vector<1x1024xf32>, vector<1x1024xf32>, vector<1x1024xf32>, vector<1x1024xf32>, vector<1x1024xf32>, vector<1x1024xf32>, vector<1x1024xf32>, vector<1x1024xf32>, vector<1x1024xf32>, vector<1x1024xf32>, vector<1x1024xf32>, vector<1x1024xf32>, vector<1x1024xf32>, vector<1x1024xf32>, vector<1x1024xf32>, vector<1x1024xf32>, vector<1x1024xf32>, vector<1x1024xf32>, vector<1x1024xf32>, vector<1x1024xf32>, vector<1x1024xf32>, vector<1x1024xf32>, vector<1x1024xf32>, vector<1x1024xf32>, vector<1x1024xf32>, vector<1x1024xf32>, vector<1x1024xf32>, vector<1x1024xf32>, vector<1x1024xf32>, vector<1x1024xf32>, vector<1x1024xf32> -> vector<64x1024xf32>
    %swap3A = arith.constant 0 : index
    %swap3A_707 = arith.constant 0 : index
    %swap3A_708 = arith.constant 0 : index
    %swap3A_709 = vector.load %arg3[%swap3A, %swap3A_707, %swap3A_708] : memref<5x64x1024xf32, #tpu.memory_space<vmem>>, vector<1x64x1024xf32>
    %swap3A_710 = vector.shape_cast %swap3A_709 : vector<1x64x1024xf32> to vector<64x1024xf32>
    %swap3A_711 = vector.shape_cast %concatenate3A : vector<64x1024xf32> to vector<1x64x1024xf32>
    tpu.vector_store %arg3[%swap3A, %swap3A_707, %swap3A_708], %swap3A_711 {strides = array<i32>} : memref<5x64x1024xf32, #tpu.memory_space<vmem>>, vector<1x64x1024xf32>,
    %get3A_712 = arith.constant 1024 : index
    %get3A_713 = arith.constant 0 : index
    %get3A_714 = vector.load %arg1[%get3A_712, %get3A_713] : memref<5120x128xf32, #tpu.memory_space<vmem>>, vector<1024x64xf32>
    %sub3A_715 = arith.constant -2.000000e+00 : f32
    %sub3A_716 = vector.broadcast %sub3A_715 : f32 to vector<1024x64xf32>
    %sub3A_717 = arith.subf %get3A_714, %sub3A_716 : vector<1024x64xf32>
    %mul3A_718 = arith.constant 1.600000e+01 : f32
    %mul3A_719 = vector.broadcast %mul3A_718 : f32 to vector<1024x64xf32>
    %mul3A_720 = arith.mulf %sub3A_717, %mul3A_719 : vector<1024x64xf32>
    %transpose3A_721 = tpu.transpose %mul3A_720, [1, 0] : vector<1024x64xf32> -> vector<64x1024xf32>
    %gt3A_722 = arith.constant 5.000000e-01 : f32
    %gt3A_723 = vector.broadcast %gt3A_722 : f32 to vector<64x1024xf32>
    %gt3A_724 = arith.cmpf ogt, %transpose3A_721, %gt3A_723 : vector<64x1024xf32>
    %jit3A_725 = arith.constant 1.000000e+00 : f32
    %jit3A_726 = arith.constant -1.000000e+00 : f32
    %broadcast_in_dim3A_727 = vector.broadcast %jit3A_725 : f32 to vector<64x1024xf32>
    %broadcast_in_dim3A_728 = vector.broadcast %jit3A_726 : f32 to vector<64x1024xf32>
    %select_n3A_729 = arith.select %gt3A_724, %broadcast_in_dim3A_727, %broadcast_in_dim3A_728 : vector<64x1024xi1>, vector<64x1024xf32>
    %slice3A_730 = vector.extract_strided_slice %get3A_1 {offsets = [0, 0], sizes = [64, 1], strides = [1, 1]} : vector<64x64xf32> to vector<64x1xf32>
    %dot_general3A_731 = arith.constant dense<0.000000e+00> : vector<1x1024xf32>
    %dot_general3A_732 = tpu.matmul %slice3A_730, %select_n3A_729, %dot_general3A_731 {dimension_numbers = #tpu.dot_dimension_numbers<[0], [0], [1], [1], [0, 1, 1, 1], [], []>, transpose_lhs_hint = false} : vector<64x1xf32>, vector<64x1024xf32>, vector<1x1024xf32> -> vector<1x1024xf32>
    %gt3A_733 = arith.constant 1.500000e+00 : f32
    %gt3A_734 = vector.broadcast %gt3A_733 : f32 to vector<64x1024xf32>
    %gt3A_735 = arith.cmpf ogt, %transpose3A_721, %gt3A_734 : vector<64x1024xf32>
    %jit3A_736 = arith.constant 1.000000e+00 : f32
    %jit3A_737 = arith.constant -1.000000e+00 : f32
    %broadcast_in_dim3A_738 = vector.broadcast %jit3A_736 : f32 to vector<64x1024xf32>
    %broadcast_in_dim3A_739 = vector.broadcast %jit3A_737 : f32 to vector<64x1024xf32>
    %select_n3A_740 = arith.select %gt3A_735, %broadcast_in_dim3A_738, %broadcast_in_dim3A_739 : vector<64x1024xi1>, vector<64x1024xf32>
    %slice3A_741 = vector.extract_strided_slice %get3A_1 {offsets = [0, 1], sizes = [64, 1], strides = [1, 1]} : vector<64x64xf32> to vector<64x1xf32>
    %dot_general3A_742 = arith.constant dense<0.000000e+00> : vector<1x1024xf32>
    %dot_general3A_743 = tpu.matmul %slice3A_741, %select_n3A_740, %dot_general3A_742 {dimension_numbers = #tpu.dot_dimension_numbers<[0], [0], [1], [1], [0, 1, 1, 1], [], []>, transpose_lhs_hint = false} : vector<64x1xf32>, vector<64x1024xf32>, vector<1x1024xf32> -> vector<1x1024xf32>
    %gt3A_744 = arith.constant 2.500000e+00 : f32
    %gt3A_745 = vector.broadcast %gt3A_744 : f32 to vector<64x1024xf32>
    %gt3A_746 = arith.cmpf ogt, %transpose3A_721, %gt3A_745 : vector<64x1024xf32>
    %jit3A_747 = arith.constant 1.000000e+00 : f32
    %jit3A_748 = arith.constant -1.000000e+00 : f32
    %broadcast_in_dim3A_749 = vector.broadcast %jit3A_747 : f32 to vector<64x1024xf32>
    %broadcast_in_dim3A_750 = vector.broadcast %jit3A_748 : f32 to vector<64x1024xf32>
    %select_n3A_751 = arith.select %gt3A_746, %broadcast_in_dim3A_749, %broadcast_in_dim3A_750 : vector<64x1024xi1>, vector<64x1024xf32>
    %slice3A_752 = vector.extract_strided_slice %get3A_1 {offsets = [0, 2], sizes = [64, 1], strides = [1, 1]} : vector<64x64xf32> to vector<64x1xf32>
    %dot_general3A_753 = arith.constant dense<0.000000e+00> : vector<1x1024xf32>
    %dot_general3A_754 = tpu.matmul %slice3A_752, %select_n3A_751, %dot_general3A_753 {dimension_numbers = #tpu.dot_dimension_numbers<[0], [0], [1], [1], [0, 1, 1, 1], [], []>, transpose_lhs_hint = false} : vector<64x1xf32>, vector<64x1024xf32>, vector<1x1024xf32> -> vector<1x1024xf32>
    %gt3A_755 = arith.constant 3.500000e+00 : f32
    %gt3A_756 = vector.broadcast %gt3A_755 : f32 to vector<64x1024xf32>
    %gt3A_757 = arith.cmpf ogt, %transpose3A_721, %gt3A_756 : vector<64x1024xf32>
    %jit3A_758 = arith.constant 1.000000e+00 : f32
    %jit3A_759 = arith.constant -1.000000e+00 : f32
    %broadcast_in_dim3A_760 = vector.broadcast %jit3A_758 : f32 to vector<64x1024xf32>
    %broadcast_in_dim3A_761 = vector.broadcast %jit3A_759 : f32 to vector<64x1024xf32>
    %select_n3A_762 = arith.select %gt3A_757, %broadcast_in_dim3A_760, %broadcast_in_dim3A_761 : vector<64x1024xi1>, vector<64x1024xf32>
    %slice3A_763 = vector.extract_strided_slice %get3A_1 {offsets = [0, 3], sizes = [64, 1], strides = [1, 1]} : vector<64x64xf32> to vector<64x1xf32>
    %dot_general3A_764 = arith.constant dense<0.000000e+00> : vector<1x1024xf32>
    %dot_general3A_765 = tpu.matmul %slice3A_763, %select_n3A_762, %dot_general3A_764 {dimension_numbers = #tpu.dot_dimension_numbers<[0], [0], [1], [1], [0, 1, 1, 1], [], []>, transpose_lhs_hint = false} : vector<64x1xf32>, vector<64x1024xf32>, vector<1x1024xf32> -> vector<1x1024xf32>
    %gt3A_766 = arith.constant 4.500000e+00 : f32
    %gt3A_767 = vector.broadcast %gt3A_766 : f32 to vector<64x1024xf32>
    %gt3A_768 = arith.cmpf ogt, %transpose3A_721, %gt3A_767 : vector<64x1024xf32>
    %jit3A_769 = arith.constant 1.000000e+00 : f32
    %jit3A_770 = arith.constant -1.000000e+00 : f32
    %broadcast_in_dim3A_771 = vector.broadcast %jit3A_769 : f32 to vector<64x1024xf32>
    %broadcast_in_dim3A_772 = vector.broadcast %jit3A_770 : f32 to vector<64x1024xf32>
    %select_n3A_773 = arith.select %gt3A_768, %broadcast_in_dim3A_771, %broadcast_in_dim3A_772 : vector<64x1024xi1>, vector<64x1024xf32>
    %slice3A_774 = vector.extract_strided_slice %get3A_1 {offsets = [0, 4], sizes = [64, 1], strides = [1, 1]} : vector<64x64xf32> to vector<64x1xf32>
    %dot_general3A_775 = arith.constant dense<0.000000e+00> : vector<1x1024xf32>
    %dot_general3A_776 = tpu.matmul %slice3A_774, %select_n3A_773, %dot_general3A_775 {dimension_numbers = #tpu.dot_dimension_numbers<[0], [0], [1], [1], [0, 1, 1, 1], [], []>, transpose_lhs_hint = false} : vector<64x1xf32>, vector<64x1024xf32>, vector<1x1024xf32> -> vector<1x1024xf32>
    %gt3A_777 = arith.constant 5.500000e+00 : f32
    %gt3A_778 = vector.broadcast %gt3A_777 : f32 to vector<64x1024xf32>
    %gt3A_779 = arith.cmpf ogt, %transpose3A_721, %gt3A_778 : vector<64x1024xf32>
    %jit3A_780 = arith.constant 1.000000e+00 : f32
    %jit3A_781 = arith.constant -1.000000e+00 : f32
    %broadcast_in_dim3A_782 = vector.broadcast %jit3A_780 : f32 to vector<64x1024xf32>
    %broadcast_in_dim3A_783 = vector.broadcast %jit3A_781 : f32 to vector<64x1024xf32>
    %select_n3A_784 = arith.select %gt3A_779, %broadcast_in_dim3A_782, %broadcast_in_dim3A_783 : vector<64x1024xi1>, vector<64x1024xf32>
    %slice3A_785 = vector.extract_strided_slice %get3A_1 {offsets = [0, 5], sizes = [64, 1], strides = [1, 1]} : vector<64x64xf32> to vector<64x1xf32>
    %dot_general3A_786 = arith.constant dense<0.000000e+00> : vector<1x1024xf32>
    %dot_general3A_787 = tpu.matmul %slice3A_785, %select_n3A_784, %dot_general3A_786 {dimension_numbers = #tpu.dot_dimension_numbers<[0], [0], [1], [1], [0, 1, 1, 1], [], []>, transpose_lhs_hint = false} : vector<64x1xf32>, vector<64x1024xf32>, vector<1x1024xf32> -> vector<1x1024xf32>
    %gt3A_788 = arith.constant 6.500000e+00 : f32
    %gt3A_789 = vector.broadcast %gt3A_788 : f32 to vector<64x1024xf32>
    %gt3A_790 = arith.cmpf ogt, %transpose3A_721, %gt3A_789 : vector<64x1024xf32>
    %jit3A_791 = arith.constant 1.000000e+00 : f32
    %jit3A_792 = arith.constant -1.000000e+00 : f32
    %broadcast_in_dim3A_793 = vector.broadcast %jit3A_791 : f32 to vector<64x1024xf32>
    %broadcast_in_dim3A_794 = vector.broadcast %jit3A_792 : f32 to vector<64x1024xf32>
    %select_n3A_795 = arith.select %gt3A_790, %broadcast_in_dim3A_793, %broadcast_in_dim3A_794 : vector<64x1024xi1>, vector<64x1024xf32>
    %slice3A_796 = vector.extract_strided_slice %get3A_1 {offsets = [0, 6], sizes = [64, 1], strides = [1, 1]} : vector<64x64xf32> to vector<64x1xf32>
    %dot_general3A_797 = arith.constant dense<0.000000e+00> : vector<1x1024xf32>
    %dot_general3A_798 = tpu.matmul %slice3A_796, %select_n3A_795, %dot_general3A_797 {dimension_numbers = #tpu.dot_dimension_numbers<[0], [0], [1], [1], [0, 1, 1, 1], [], []>, transpose_lhs_hint = false} : vector<64x1xf32>, vector<64x1024xf32>, vector<1x1024xf32> -> vector<1x1024xf32>
    %gt3A_799 = arith.constant 7.500000e+00 : f32
    %gt3A_800 = vector.broadcast %gt3A_799 : f32 to vector<64x1024xf32>
    %gt3A_801 = arith.cmpf ogt, %transpose3A_721, %gt3A_800 : vector<64x1024xf32>
    %jit3A_802 = arith.constant 1.000000e+00 : f32
    %jit3A_803 = arith.constant -1.000000e+00 : f32
    %broadcast_in_dim3A_804 = vector.broadcast %jit3A_802 : f32 to vector<64x1024xf32>
    %broadcast_in_dim3A_805 = vector.broadcast %jit3A_803 : f32 to vector<64x1024xf32>
    %select_n3A_806 = arith.select %gt3A_801, %broadcast_in_dim3A_804, %broadcast_in_dim3A_805 : vector<64x1024xi1>, vector<64x1024xf32>
    %slice3A_807 = vector.extract_strided_slice %get3A_1 {offsets = [0, 7], sizes = [64, 1], strides = [1, 1]} : vector<64x64xf32> to vector<64x1xf32>
    %dot_general3A_808 = arith.constant dense<0.000000e+00> : vector<1x1024xf32>
    %dot_general3A_809 = tpu.matmul %slice3A_807, %select_n3A_806, %dot_general3A_808 {dimension_numbers = #tpu.dot_dimension_numbers<[0], [0], [1], [1], [0, 1, 1, 1], [], []>, transpose_lhs_hint = false} : vector<64x1xf32>, vector<64x1024xf32>, vector<1x1024xf32> -> vector<1x1024xf32>
    %gt3A_810 = arith.constant 8.500000e+00 : f32
    %gt3A_811 = vector.broadcast %gt3A_810 : f32 to vector<64x1024xf32>
    %gt3A_812 = arith.cmpf ogt, %transpose3A_721, %gt3A_811 : vector<64x1024xf32>
    %jit3A_813 = arith.constant 1.000000e+00 : f32
    %jit3A_814 = arith.constant -1.000000e+00 : f32
    %broadcast_in_dim3A_815 = vector.broadcast %jit3A_813 : f32 to vector<64x1024xf32>
    %broadcast_in_dim3A_816 = vector.broadcast %jit3A_814 : f32 to vector<64x1024xf32>
    %select_n3A_817 = arith.select %gt3A_812, %broadcast_in_dim3A_815, %broadcast_in_dim3A_816 : vector<64x1024xi1>, vector<64x1024xf32>
    %slice3A_818 = vector.extract_strided_slice %get3A_1 {offsets = [0, 8], sizes = [64, 1], strides = [1, 1]} : vector<64x64xf32> to vector<64x1xf32>
    %dot_general3A_819 = arith.constant dense<0.000000e+00> : vector<1x1024xf32>
    %dot_general3A_820 = tpu.matmul %slice3A_818, %select_n3A_817, %dot_general3A_819 {dimension_numbers = #tpu.dot_dimension_numbers<[0], [0], [1], [1], [0, 1, 1, 1], [], []>, transpose_lhs_hint = false} : vector<64x1xf32>, vector<64x1024xf32>, vector<1x1024xf32> -> vector<1x1024xf32>
    %gt3A_821 = arith.constant 9.500000e+00 : f32
    %gt3A_822 = vector.broadcast %gt3A_821 : f32 to vector<64x1024xf32>
    %gt3A_823 = arith.cmpf ogt, %transpose3A_721, %gt3A_822 : vector<64x1024xf32>
    %jit3A_824 = arith.constant 1.000000e+00 : f32
    %jit3A_825 = arith.constant -1.000000e+00 : f32
    %broadcast_in_dim3A_826 = vector.broadcast %jit3A_824 : f32 to vector<64x1024xf32>
    %broadcast_in_dim3A_827 = vector.broadcast %jit3A_825 : f32 to vector<64x1024xf32>
    %select_n3A_828 = arith.select %gt3A_823, %broadcast_in_dim3A_826, %broadcast_in_dim3A_827 : vector<64x1024xi1>, vector<64x1024xf32>
    %slice3A_829 = vector.extract_strided_slice %get3A_1 {offsets = [0, 9], sizes = [64, 1], strides = [1, 1]} : vector<64x64xf32> to vector<64x1xf32>
    %dot_general3A_830 = arith.constant dense<0.000000e+00> : vector<1x1024xf32>
    %dot_general3A_831 = tpu.matmul %slice3A_829, %select_n3A_828, %dot_general3A_830 {dimension_numbers = #tpu.dot_dimension_numbers<[0], [0], [1], [1], [0, 1, 1, 1], [], []>, transpose_lhs_hint = false} : vector<64x1xf32>, vector<64x1024xf32>, vector<1x1024xf32> -> vector<1x1024xf32>
    %gt3A_832 = arith.constant 1.050000e+01 : f32
    %gt3A_833 = vector.broadcast %gt3A_832 : f32 to vector<64x1024xf32>
    %gt3A_834 = arith.cmpf ogt, %transpose3A_721, %gt3A_833 : vector<64x1024xf32>
    %jit3A_835 = arith.constant 1.000000e+00 : f32
    %jit3A_836 = arith.constant -1.000000e+00 : f32
    %broadcast_in_dim3A_837 = vector.broadcast %jit3A_835 : f32 to vector<64x1024xf32>
    %broadcast_in_dim3A_838 = vector.broadcast %jit3A_836 : f32 to vector<64x1024xf32>
    %select_n3A_839 = arith.select %gt3A_834, %broadcast_in_dim3A_837, %broadcast_in_dim3A_838 : vector<64x1024xi1>, vector<64x1024xf32>
    %slice3A_840 = vector.extract_strided_slice %get3A_1 {offsets = [0, 10], sizes = [64, 1], strides = [1, 1]} : vector<64x64xf32> to vector<64x1xf32>
    %dot_general3A_841 = arith.constant dense<0.000000e+00> : vector<1x1024xf32>
    %dot_general3A_842 = tpu.matmul %slice3A_840, %select_n3A_839, %dot_general3A_841 {dimension_numbers = #tpu.dot_dimension_numbers<[0], [0], [1], [1], [0, 1, 1, 1], [], []>, transpose_lhs_hint = false} : vector<64x1xf32>, vector<64x1024xf32>, vector<1x1024xf32> -> vector<1x1024xf32>
    %gt3A_843 = arith.constant 1.150000e+01 : f32
    %gt3A_844 = vector.broadcast %gt3A_843 : f32 to vector<64x1024xf32>
    %gt3A_845 = arith.cmpf ogt, %transpose3A_721, %gt3A_844 : vector<64x1024xf32>
    %jit3A_846 = arith.constant 1.000000e+00 : f32
    %jit3A_847 = arith.constant -1.000000e+00 : f32
    %broadcast_in_dim3A_848 = vector.broadcast %jit3A_846 : f32 to vector<64x1024xf32>
    %broadcast_in_dim3A_849 = vector.broadcast %jit3A_847 : f32 to vector<64x1024xf32>
    %select_n3A_850 = arith.select %gt3A_845, %broadcast_in_dim3A_848, %broadcast_in_dim3A_849 : vector<64x1024xi1>, vector<64x1024xf32>
    %slice3A_851 = vector.extract_strided_slice %get3A_1 {offsets = [0, 11], sizes = [64, 1], strides = [1, 1]} : vector<64x64xf32> to vector<64x1xf32>
    %dot_general3A_852 = arith.constant dense<0.000000e+00> : vector<1x1024xf32>
    %dot_general3A_853 = tpu.matmul %slice3A_851, %select_n3A_850, %dot_general3A_852 {dimension_numbers = #tpu.dot_dimension_numbers<[0], [0], [1], [1], [0, 1, 1, 1], [], []>, transpose_lhs_hint = false} : vector<64x1xf32>, vector<64x1024xf32>, vector<1x1024xf32> -> vector<1x1024xf32>
    %gt3A_854 = arith.constant 1.250000e+01 : f32
    %gt3A_855 = vector.broadcast %gt3A_854 : f32 to vector<64x1024xf32>
    %gt3A_856 = arith.cmpf ogt, %transpose3A_721, %gt3A_855 : vector<64x1024xf32>
    %jit3A_857 = arith.constant 1.000000e+00 : f32
    %jit3A_858 = arith.constant -1.000000e+00 : f32
    %broadcast_in_dim3A_859 = vector.broadcast %jit3A_857 : f32 to vector<64x1024xf32>
    %broadcast_in_dim3A_860 = vector.broadcast %jit3A_858 : f32 to vector<64x1024xf32>
    %select_n3A_861 = arith.select %gt3A_856, %broadcast_in_dim3A_859, %broadcast_in_dim3A_860 : vector<64x1024xi1>, vector<64x1024xf32>
    %slice3A_862 = vector.extract_strided_slice %get3A_1 {offsets = [0, 12], sizes = [64, 1], strides = [1, 1]} : vector<64x64xf32> to vector<64x1xf32>
    %dot_general3A_863 = arith.constant dense<0.000000e+00> : vector<1x1024xf32>
    %dot_general3A_864 = tpu.matmul %slice3A_862, %select_n3A_861, %dot_general3A_863 {dimension_numbers = #tpu.dot_dimension_numbers<[0], [0], [1], [1], [0, 1, 1, 1], [], []>, transpose_lhs_hint = false} : vector<64x1xf32>, vector<64x1024xf32>, vector<1x1024xf32> -> vector<1x1024xf32>
    %gt3A_865 = arith.constant 1.350000e+01 : f32
    %gt3A_866 = vector.broadcast %gt3A_865 : f32 to vector<64x1024xf32>
    %gt3A_867 = arith.cmpf ogt, %transpose3A_721, %gt3A_866 : vector<64x1024xf32>
    %jit3A_868 = arith.constant 1.000000e+00 : f32
    %jit3A_869 = arith.constant -1.000000e+00 : f32
    %broadcast_in_dim3A_870 = vector.broadcast %jit3A_868 : f32 to vector<64x1024xf32>
    %broadcast_in_dim3A_871 = vector.broadcast %jit3A_869 : f32 to vector<64x1024xf32>
    %select_n3A_872 = arith.select %gt3A_867, %broadcast_in_dim3A_870, %broadcast_in_dim3A_871 : vector<64x1024xi1>, vector<64x1024xf32>
    %slice3A_873 = vector.extract_strided_slice %get3A_1 {offsets = [0, 13], sizes = [64, 1], strides = [1, 1]} : vector<64x64xf32> to vector<64x1xf32>
    %dot_general3A_874 = arith.constant dense<0.000000e+00> : vector<1x1024xf32>
    %dot_general3A_875 = tpu.matmul %slice3A_873, %select_n3A_872, %dot_general3A_874 {dimension_numbers = #tpu.dot_dimension_numbers<[0], [0], [1], [1], [0, 1, 1, 1], [], []>, transpose_lhs_hint = false} : vector<64x1xf32>, vector<64x1024xf32>, vector<1x1024xf32> -> vector<1x1024xf32>
    %gt3A_876 = arith.constant 1.450000e+01 : f32
    %gt3A_877 = vector.broadcast %gt3A_876 : f32 to vector<64x1024xf32>
    %gt3A_878 = arith.cmpf ogt, %transpose3A_721, %gt3A_877 : vector<64x1024xf32>
    %jit3A_879 = arith.constant 1.000000e+00 : f32
    %jit3A_880 = arith.constant -1.000000e+00 : f32
    %broadcast_in_dim3A_881 = vector.broadcast %jit3A_879 : f32 to vector<64x1024xf32>
    %broadcast_in_dim3A_882 = vector.broadcast %jit3A_880 : f32 to vector<64x1024xf32>
    %select_n3A_883 = arith.select %gt3A_878, %broadcast_in_dim3A_881, %broadcast_in_dim3A_882 : vector<64x1024xi1>, vector<64x1024xf32>
    %slice3A_884 = vector.extract_strided_slice %get3A_1 {offsets = [0, 14], sizes = [64, 1], strides = [1, 1]} : vector<64x64xf32> to vector<64x1xf32>
    %dot_general3A_885 = arith.constant dense<0.000000e+00> : vector<1x1024xf32>
    %dot_general3A_886 = tpu.matmul %slice3A_884, %select_n3A_883, %dot_general3A_885 {dimension_numbers = #tpu.dot_dimension_numbers<[0], [0], [1], [1], [0, 1, 1, 1], [], []>, transpose_lhs_hint = false} : vector<64x1xf32>, vector<64x1024xf32>, vector<1x1024xf32> -> vector<1x1024xf32>
    %gt3A_887 = arith.constant 1.550000e+01 : f32
    %gt3A_888 = vector.broadcast %gt3A_887 : f32 to vector<64x1024xf32>
    %gt3A_889 = arith.cmpf ogt, %transpose3A_721, %gt3A_888 : vector<64x1024xf32>
    %jit3A_890 = arith.constant 1.000000e+00 : f32
    %jit3A_891 = arith.constant -1.000000e+00 : f32
    %broadcast_in_dim3A_892 = vector.broadcast %jit3A_890 : f32 to vector<64x1024xf32>
    %broadcast_in_dim3A_893 = vector.broadcast %jit3A_891 : f32 to vector<64x1024xf32>
    %select_n3A_894 = arith.select %gt3A_889, %broadcast_in_dim3A_892, %broadcast_in_dim3A_893 : vector<64x1024xi1>, vector<64x1024xf32>
    %slice3A_895 = vector.extract_strided_slice %get3A_1 {offsets = [0, 15], sizes = [64, 1], strides = [1, 1]} : vector<64x64xf32> to vector<64x1xf32>
    %dot_general3A_896 = arith.constant dense<0.000000e+00> : vector<1x1024xf32>
    %dot_general3A_897 = tpu.matmul %slice3A_895, %select_n3A_894, %dot_general3A_896 {dimension_numbers = #tpu.dot_dimension_numbers<[0], [0], [1], [1], [0, 1, 1, 1], [], []>, transpose_lhs_hint = false} : vector<64x1xf32>, vector<64x1024xf32>, vector<1x1024xf32> -> vector<1x1024xf32>
    %gt3A_898 = arith.constant 1.650000e+01 : f32
    %gt3A_899 = vector.broadcast %gt3A_898 : f32 to vector<64x1024xf32>
    %gt3A_900 = arith.cmpf ogt, %transpose3A_721, %gt3A_899 : vector<64x1024xf32>
    %jit3A_901 = arith.constant 1.000000e+00 : f32
    %jit3A_902 = arith.constant -1.000000e+00 : f32
    %broadcast_in_dim3A_903 = vector.broadcast %jit3A_901 : f32 to vector<64x1024xf32>
    %broadcast_in_dim3A_904 = vector.broadcast %jit3A_902 : f32 to vector<64x1024xf32>
    %select_n3A_905 = arith.select %gt3A_900, %broadcast_in_dim3A_903, %broadcast_in_dim3A_904 : vector<64x1024xi1>, vector<64x1024xf32>
    %slice3A_906 = vector.extract_strided_slice %get3A_1 {offsets = [0, 16], sizes = [64, 1], strides = [1, 1]} : vector<64x64xf32> to vector<64x1xf32>
    %dot_general3A_907 = arith.constant dense<0.000000e+00> : vector<1x1024xf32>
    %dot_general3A_908 = tpu.matmul %slice3A_906, %select_n3A_905, %dot_general3A_907 {dimension_numbers = #tpu.dot_dimension_numbers<[0], [0], [1], [1], [0, 1, 1, 1], [], []>, transpose_lhs_hint = false} : vector<64x1xf32>, vector<64x1024xf32>, vector<1x1024xf32> -> vector<1x1024xf32>
    %gt3A_909 = arith.constant 1.750000e+01 : f32
    %gt3A_910 = vector.broadcast %gt3A_909 : f32 to vector<64x1024xf32>
    %gt3A_911 = arith.cmpf ogt, %transpose3A_721, %gt3A_910 : vector<64x1024xf32>
    %jit3A_912 = arith.constant 1.000000e+00 : f32
    %jit3A_913 = arith.constant -1.000000e+00 : f32
    %broadcast_in_dim3A_914 = vector.broadcast %jit3A_912 : f32 to vector<64x1024xf32>
    %broadcast_in_dim3A_915 = vector.broadcast %jit3A_913 : f32 to vector<64x1024xf32>
    %select_n3A_916 = arith.select %gt3A_911, %broadcast_in_dim3A_914, %broadcast_in_dim3A_915 : vector<64x1024xi1>, vector<64x1024xf32>
    %slice3A_917 = vector.extract_strided_slice %get3A_1 {offsets = [0, 17], sizes = [64, 1], strides = [1, 1]} : vector<64x64xf32> to vector<64x1xf32>
    %dot_general3A_918 = arith.constant dense<0.000000e+00> : vector<1x1024xf32>
    %dot_general3A_919 = tpu.matmul %slice3A_917, %select_n3A_916, %dot_general3A_918 {dimension_numbers = #tpu.dot_dimension_numbers<[0], [0], [1], [1], [0, 1, 1, 1], [], []>, transpose_lhs_hint = false} : vector<64x1xf32>, vector<64x1024xf32>, vector<1x1024xf32> -> vector<1x1024xf32>
    %gt3A_920 = arith.constant 1.850000e+01 : f32
    %gt3A_921 = vector.broadcast %gt3A_920 : f32 to vector<64x1024xf32>
    %gt3A_922 = arith.cmpf ogt, %transpose3A_721, %gt3A_921 : vector<64x1024xf32>
    %jit3A_923 = arith.constant 1.000000e+00 : f32
    %jit3A_924 = arith.constant -1.000000e+00 : f32
    %broadcast_in_dim3A_925 = vector.broadcast %jit3A_923 : f32 to vector<64x1024xf32>
    %broadcast_in_dim3A_926 = vector.broadcast %jit3A_924 : f32 to vector<64x1024xf32>
    %select_n3A_927 = arith.select %gt3A_922, %broadcast_in_dim3A_925, %broadcast_in_dim3A_926 : vector<64x1024xi1>, vector<64x1024xf32>
    %slice3A_928 = vector.extract_strided_slice %get3A_1 {offsets = [0, 18], sizes = [64, 1], strides = [1, 1]} : vector<64x64xf32> to vector<64x1xf32>
    %dot_general3A_929 = arith.constant dense<0.000000e+00> : vector<1x1024xf32>
    %dot_general3A_930 = tpu.matmul %slice3A_928, %select_n3A_927, %dot_general3A_929 {dimension_numbers = #tpu.dot_dimension_numbers<[0], [0], [1], [1], [0, 1, 1, 1], [], []>, transpose_lhs_hint = false} : vector<64x1xf32>, vector<64x1024xf32>, vector<1x1024xf32> -> vector<1x1024xf32>
    %gt3A_931 = arith.constant 1.950000e+01 : f32
    %gt3A_932 = vector.broadcast %gt3A_931 : f32 to vector<64x1024xf32>
    %gt3A_933 = arith.cmpf ogt, %transpose3A_721, %gt3A_932 : vector<64x1024xf32>
    %jit3A_934 = arith.constant 1.000000e+00 : f32
    %jit3A_935 = arith.constant -1.000000e+00 : f32
    %broadcast_in_dim3A_936 = vector.broadcast %jit3A_934 : f32 to vector<64x1024xf32>
    %broadcast_in_dim3A_937 = vector.broadcast %jit3A_935 : f32 to vector<64x1024xf32>
    %select_n3A_938 = arith.select %gt3A_933, %broadcast_in_dim3A_936, %broadcast_in_dim3A_937 : vector<64x1024xi1>, vector<64x1024xf32>
    %slice3A_939 = vector.extract_strided_slice %get3A_1 {offsets = [0, 19], sizes = [64, 1], strides = [1, 1]} : vector<64x64xf32> to vector<64x1xf32>
    %dot_general3A_940 = arith.constant dense<0.000000e+00> : vector<1x1024xf32>
    %dot_general3A_941 = tpu.matmul %slice3A_939, %select_n3A_938, %dot_general3A_940 {dimension_numbers = #tpu.dot_dimension_numbers<[0], [0], [1], [1], [0, 1, 1, 1], [], []>, transpose_lhs_hint = false} : vector<64x1xf32>, vector<64x1024xf32>, vector<1x1024xf32> -> vector<1x1024xf32>
    %gt3A_942 = arith.constant 2.050000e+01 : f32
    %gt3A_943 = vector.broadcast %gt3A_942 : f32 to vector<64x1024xf32>
    %gt3A_944 = arith.cmpf ogt, %transpose3A_721, %gt3A_943 : vector<64x1024xf32>
    %jit3A_945 = arith.constant 1.000000e+00 : f32
    %jit3A_946 = arith.constant -1.000000e+00 : f32
    %broadcast_in_dim3A_947 = vector.broadcast %jit3A_945 : f32 to vector<64x1024xf32>
    %broadcast_in_dim3A_948 = vector.broadcast %jit3A_946 : f32 to vector<64x1024xf32>
    %select_n3A_949 = arith.select %gt3A_944, %broadcast_in_dim3A_947, %broadcast_in_dim3A_948 : vector<64x1024xi1>, vector<64x1024xf32>
    %slice3A_950 = vector.extract_strided_slice %get3A_1 {offsets = [0, 20], sizes = [64, 1], strides = [1, 1]} : vector<64x64xf32> to vector<64x1xf32>
    %dot_general3A_951 = arith.constant dense<0.000000e+00> : vector<1x1024xf32>
    %dot_general3A_952 = tpu.matmul %slice3A_950, %select_n3A_949, %dot_general3A_951 {dimension_numbers = #tpu.dot_dimension_numbers<[0], [0], [1], [1], [0, 1, 1, 1], [], []>, transpose_lhs_hint = false} : vector<64x1xf32>, vector<64x1024xf32>, vector<1x1024xf32> -> vector<1x1024xf32>
    %gt3A_953 = arith.constant 2.150000e+01 : f32
    %gt3A_954 = vector.broadcast %gt3A_953 : f32 to vector<64x1024xf32>
    %gt3A_955 = arith.cmpf ogt, %transpose3A_721, %gt3A_954 : vector<64x1024xf32>
    %jit3A_956 = arith.constant 1.000000e+00 : f32
    %jit3A_957 = arith.constant -1.000000e+00 : f32
    %broadcast_in_dim3A_958 = vector.broadcast %jit3A_956 : f32 to vector<64x1024xf32>
    %broadcast_in_dim3A_959 = vector.broadcast %jit3A_957 : f32 to vector<64x1024xf32>
    %select_n3A_960 = arith.select %gt3A_955, %broadcast_in_dim3A_958, %broadcast_in_dim3A_959 : vector<64x1024xi1>, vector<64x1024xf32>
    %slice3A_961 = vector.extract_strided_slice %get3A_1 {offsets = [0, 21], sizes = [64, 1], strides = [1, 1]} : vector<64x64xf32> to vector<64x1xf32>
    %dot_general3A_962 = arith.constant dense<0.000000e+00> : vector<1x1024xf32>
    %dot_general3A_963 = tpu.matmul %slice3A_961, %select_n3A_960, %dot_general3A_962 {dimension_numbers = #tpu.dot_dimension_numbers<[0], [0], [1], [1], [0, 1, 1, 1], [], []>, transpose_lhs_hint = false} : vector<64x1xf32>, vector<64x1024xf32>, vector<1x1024xf32> -> vector<1x1024xf32>
    %gt3A_964 = arith.constant 2.250000e+01 : f32
    %gt3A_965 = vector.broadcast %gt3A_964 : f32 to vector<64x1024xf32>
    %gt3A_966 = arith.cmpf ogt, %transpose3A_721, %gt3A_965 : vector<64x1024xf32>
    %jit3A_967 = arith.constant 1.000000e+00 : f32
    %jit3A_968 = arith.constant -1.000000e+00 : f32
    %broadcast_in_dim3A_969 = vector.broadcast %jit3A_967 : f32 to vector<64x1024xf32>
    %broadcast_in_dim3A_970 = vector.broadcast %jit3A_968 : f32 to vector<64x1024xf32>
    %select_n3A_971 = arith.select %gt3A_966, %broadcast_in_dim3A_969, %broadcast_in_dim3A_970 : vector<64x1024xi1>, vector<64x1024xf32>
    %slice3A_972 = vector.extract_strided_slice %get3A_1 {offsets = [0, 22], sizes = [64, 1], strides = [1, 1]} : vector<64x64xf32> to vector<64x1xf32>
    %dot_general3A_973 = arith.constant dense<0.000000e+00> : vector<1x1024xf32>
    %dot_general3A_974 = tpu.matmul %slice3A_972, %select_n3A_971, %dot_general3A_973 {dimension_numbers = #tpu.dot_dimension_numbers<[0], [0], [1], [1], [0, 1, 1, 1], [], []>, transpose_lhs_hint = false} : vector<64x1xf32>, vector<64x1024xf32>, vector<1x1024xf32> -> vector<1x1024xf32>
    %gt3A_975 = arith.constant 2.350000e+01 : f32
    %gt3A_976 = vector.broadcast %gt3A_975 : f32 to vector<64x1024xf32>
    %gt3A_977 = arith.cmpf ogt, %transpose3A_721, %gt3A_976 : vector<64x1024xf32>
    %jit3A_978 = arith.constant 1.000000e+00 : f32
    %jit3A_979 = arith.constant -1.000000e+00 : f32
    %broadcast_in_dim3A_980 = vector.broadcast %jit3A_978 : f32 to vector<64x1024xf32>
    %broadcast_in_dim3A_981 = vector.broadcast %jit3A_979 : f32 to vector<64x1024xf32>
    %select_n3A_982 = arith.select %gt3A_977, %broadcast_in_dim3A_980, %broadcast_in_dim3A_981 : vector<64x1024xi1>, vector<64x1024xf32>
    %slice3A_983 = vector.extract_strided_slice %get3A_1 {offsets = [0, 23], sizes = [64, 1], strides = [1, 1]} : vector<64x64xf32> to vector<64x1xf32>
    %dot_general3A_984 = arith.constant dense<0.000000e+00> : vector<1x1024xf32>
    %dot_general3A_985 = tpu.matmul %slice3A_983, %select_n3A_982, %dot_general3A_984 {dimension_numbers = #tpu.dot_dimension_numbers<[0], [0], [1], [1], [0, 1, 1, 1], [], []>, transpose_lhs_hint = false} : vector<64x1xf32>, vector<64x1024xf32>, vector<1x1024xf32> -> vector<1x1024xf32>
    %gt3A_986 = arith.constant 2.450000e+01 : f32
    %gt3A_987 = vector.broadcast %gt3A_986 : f32 to vector<64x1024xf32>
    %gt3A_988 = arith.cmpf ogt, %transpose3A_721, %gt3A_987 : vector<64x1024xf32>
    %jit3A_989 = arith.constant 1.000000e+00 : f32
    %jit3A_990 = arith.constant -1.000000e+00 : f32
    %broadcast_in_dim3A_991 = vector.broadcast %jit3A_989 : f32 to vector<64x1024xf32>
    %broadcast_in_dim3A_992 = vector.broadcast %jit3A_990 : f32 to vector<64x1024xf32>
    %select_n3A_993 = arith.select %gt3A_988, %broadcast_in_dim3A_991, %broadcast_in_dim3A_992 : vector<64x1024xi1>, vector<64x1024xf32>
    %slice3A_994 = vector.extract_strided_slice %get3A_1 {offsets = [0, 24], sizes = [64, 1], strides = [1, 1]} : vector<64x64xf32> to vector<64x1xf32>
    %dot_general3A_995 = arith.constant dense<0.000000e+00> : vector<1x1024xf32>
    %dot_general3A_996 = tpu.matmul %slice3A_994, %select_n3A_993, %dot_general3A_995 {dimension_numbers = #tpu.dot_dimension_numbers<[0], [0], [1], [1], [0, 1, 1, 1], [], []>, transpose_lhs_hint = false} : vector<64x1xf32>, vector<64x1024xf32>, vector<1x1024xf32> -> vector<1x1024xf32>
    %gt3A_997 = arith.constant 2.550000e+01 : f32
    %gt3A_998 = vector.broadcast %gt3A_997 : f32 to vector<64x1024xf32>
    %gt3A_999 = arith.cmpf ogt, %transpose3A_721, %gt3A_998 : vector<64x1024xf32>
    %jit3A_1000 = arith.constant 1.000000e+00 : f32
    %jit3A_1001 = arith.constant -1.000000e+00 : f32
    %broadcast_in_dim3A_1002 = vector.broadcast %jit3A_1000 : f32 to vector<64x1024xf32>
    %broadcast_in_dim3A_1003 = vector.broadcast %jit3A_1001 : f32 to vector<64x1024xf32>
    %select_n3A_1004 = arith.select %gt3A_999, %broadcast_in_dim3A_1002, %broadcast_in_dim3A_1003 : vector<64x1024xi1>, vector<64x1024xf32>
    %slice3A_1005 = vector.extract_strided_slice %get3A_1 {offsets = [0, 25], sizes = [64, 1], strides = [1, 1]} : vector<64x64xf32> to vector<64x1xf32>
    %dot_general3A_1006 = arith.constant dense<0.000000e+00> : vector<1x1024xf32>
    %dot_general3A_1007 = tpu.matmul %slice3A_1005, %select_n3A_1004, %dot_general3A_1006 {dimension_numbers = #tpu.dot_dimension_numbers<[0], [0], [1], [1], [0, 1, 1, 1], [], []>, transpose_lhs_hint = false} : vector<64x1xf32>, vector<64x1024xf32>, vector<1x1024xf32> -> vector<1x1024xf32>
    %gt3A_1008 = arith.constant 2.650000e+01 : f32
    %gt3A_1009 = vector.broadcast %gt3A_1008 : f32 to vector<64x1024xf32>
    %gt3A_1010 = arith.cmpf ogt, %transpose3A_721, %gt3A_1009 : vector<64x1024xf32>
    %jit3A_1011 = arith.constant 1.000000e+00 : f32
    %jit3A_1012 = arith.constant -1.000000e+00 : f32
    %broadcast_in_dim3A_1013 = vector.broadcast %jit3A_1011 : f32 to vector<64x1024xf32>
    %broadcast_in_dim3A_1014 = vector.broadcast %jit3A_1012 : f32 to vector<64x1024xf32>
    %select_n3A_1015 = arith.select %gt3A_1010, %broadcast_in_dim3A_1013, %broadcast_in_dim3A_1014 : vector<64x1024xi1>, vector<64x1024xf32>
    %slice3A_1016 = vector.extract_strided_slice %get3A_1 {offsets = [0, 26], sizes = [64, 1], strides = [1, 1]} : vector<64x64xf32> to vector<64x1xf32>
    %dot_general3A_1017 = arith.constant dense<0.000000e+00> : vector<1x1024xf32>
    %dot_general3A_1018 = tpu.matmul %slice3A_1016, %select_n3A_1015, %dot_general3A_1017 {dimension_numbers = #tpu.dot_dimension_numbers<[0], [0], [1], [1], [0, 1, 1, 1], [], []>, transpose_lhs_hint = false} : vector<64x1xf32>, vector<64x1024xf32>, vector<1x1024xf32> -> vector<1x1024xf32>
    %gt3A_1019 = arith.constant 2.750000e+01 : f32
    %gt3A_1020 = vector.broadcast %gt3A_1019 : f32 to vector<64x1024xf32>
    %gt3A_1021 = arith.cmpf ogt, %transpose3A_721, %gt3A_1020 : vector<64x1024xf32>
    %jit3A_1022 = arith.constant 1.000000e+00 : f32
    %jit3A_1023 = arith.constant -1.000000e+00 : f32
    %broadcast_in_dim3A_1024 = vector.broadcast %jit3A_1022 : f32 to vector<64x1024xf32>
    %broadcast_in_dim3A_1025 = vector.broadcast %jit3A_1023 : f32 to vector<64x1024xf32>
    %select_n3A_1026 = arith.select %gt3A_1021, %broadcast_in_dim3A_1024, %broadcast_in_dim3A_1025 : vector<64x1024xi1>, vector<64x1024xf32>
    %slice3A_1027 = vector.extract_strided_slice %get3A_1 {offsets = [0, 27], sizes = [64, 1], strides = [1, 1]} : vector<64x64xf32> to vector<64x1xf32>
    %dot_general3A_1028 = arith.constant dense<0.000000e+00> : vector<1x1024xf32>
    %dot_general3A_1029 = tpu.matmul %slice3A_1027, %select_n3A_1026, %dot_general3A_1028 {dimension_numbers = #tpu.dot_dimension_numbers<[0], [0], [1], [1], [0, 1, 1, 1], [], []>, transpose_lhs_hint = false} : vector<64x1xf32>, vector<64x1024xf32>, vector<1x1024xf32> -> vector<1x1024xf32>
    %gt3A_1030 = arith.constant 2.850000e+01 : f32
    %gt3A_1031 = vector.broadcast %gt3A_1030 : f32 to vector<64x1024xf32>
    %gt3A_1032 = arith.cmpf ogt, %transpose3A_721, %gt3A_1031 : vector<64x1024xf32>
    %jit3A_1033 = arith.constant 1.000000e+00 : f32
    %jit3A_1034 = arith.constant -1.000000e+00 : f32
    %broadcast_in_dim3A_1035 = vector.broadcast %jit3A_1033 : f32 to vector<64x1024xf32>
    %broadcast_in_dim3A_1036 = vector.broadcast %jit3A_1034 : f32 to vector<64x1024xf32>
    %select_n3A_1037 = arith.select %gt3A_1032, %broadcast_in_dim3A_1035, %broadcast_in_dim3A_1036 : vector<64x1024xi1>, vector<64x1024xf32>
    %slice3A_1038 = vector.extract_strided_slice %get3A_1 {offsets = [0, 28], sizes = [64, 1], strides = [1, 1]} : vector<64x64xf32> to vector<64x1xf32>
    %dot_general3A_1039 = arith.constant dense<0.000000e+00> : vector<1x1024xf32>
    %dot_general3A_1040 = tpu.matmul %slice3A_1038, %select_n3A_1037, %dot_general3A_1039 {dimension_numbers = #tpu.dot_dimension_numbers<[0], [0], [1], [1], [0, 1, 1, 1], [], []>, transpose_lhs_hint = false} : vector<64x1xf32>, vector<64x1024xf32>, vector<1x1024xf32> -> vector<1x1024xf32>
    %gt3A_1041 = arith.constant 2.950000e+01 : f32
    %gt3A_1042 = vector.broadcast %gt3A_1041 : f32 to vector<64x1024xf32>
    %gt3A_1043 = arith.cmpf ogt, %transpose3A_721, %gt3A_1042 : vector<64x1024xf32>
    %jit3A_1044 = arith.constant 1.000000e+00 : f32
    %jit3A_1045 = arith.constant -1.000000e+00 : f32
    %broadcast_in_dim3A_1046 = vector.broadcast %jit3A_1044 : f32 to vector<64x1024xf32>
    %broadcast_in_dim3A_1047 = vector.broadcast %jit3A_1045 : f32 to vector<64x1024xf32>
    %select_n3A_1048 = arith.select %gt3A_1043, %broadcast_in_dim3A_1046, %broadcast_in_dim3A_1047 : vector<64x1024xi1>, vector<64x1024xf32>
    %slice3A_1049 = vector.extract_strided_slice %get3A_1 {offsets = [0, 29], sizes = [64, 1], strides = [1, 1]} : vector<64x64xf32> to vector<64x1xf32>
    %dot_general3A_1050 = arith.constant dense<0.000000e+00> : vector<1x1024xf32>
    %dot_general3A_1051 = tpu.matmul %slice3A_1049, %select_n3A_1048, %dot_general3A_1050 {dimension_numbers = #tpu.dot_dimension_numbers<[0], [0], [1], [1], [0, 1, 1, 1], [], []>, transpose_lhs_hint = false} : vector<64x1xf32>, vector<64x1024xf32>, vector<1x1024xf32> -> vector<1x1024xf32>
    %gt3A_1052 = arith.constant 3.050000e+01 : f32
    %gt3A_1053 = vector.broadcast %gt3A_1052 : f32 to vector<64x1024xf32>
    %gt3A_1054 = arith.cmpf ogt, %transpose3A_721, %gt3A_1053 : vector<64x1024xf32>
    %jit3A_1055 = arith.constant 1.000000e+00 : f32
    %jit3A_1056 = arith.constant -1.000000e+00 : f32
    %broadcast_in_dim3A_1057 = vector.broadcast %jit3A_1055 : f32 to vector<64x1024xf32>
    %broadcast_in_dim3A_1058 = vector.broadcast %jit3A_1056 : f32 to vector<64x1024xf32>
    %select_n3A_1059 = arith.select %gt3A_1054, %broadcast_in_dim3A_1057, %broadcast_in_dim3A_1058 : vector<64x1024xi1>, vector<64x1024xf32>
    %slice3A_1060 = vector.extract_strided_slice %get3A_1 {offsets = [0, 30], sizes = [64, 1], strides = [1, 1]} : vector<64x64xf32> to vector<64x1xf32>
    %dot_general3A_1061 = arith.constant dense<0.000000e+00> : vector<1x1024xf32>
    %dot_general3A_1062 = tpu.matmul %slice3A_1060, %select_n3A_1059, %dot_general3A_1061 {dimension_numbers = #tpu.dot_dimension_numbers<[0], [0], [1], [1], [0, 1, 1, 1], [], []>, transpose_lhs_hint = false} : vector<64x1xf32>, vector<64x1024xf32>, vector<1x1024xf32> -> vector<1x1024xf32>
    %gt3A_1063 = arith.constant 3.150000e+01 : f32
    %gt3A_1064 = vector.broadcast %gt3A_1063 : f32 to vector<64x1024xf32>
    %gt3A_1065 = arith.cmpf ogt, %transpose3A_721, %gt3A_1064 : vector<64x1024xf32>
    %jit3A_1066 = arith.constant 1.000000e+00 : f32
    %jit3A_1067 = arith.constant -1.000000e+00 : f32
    %broadcast_in_dim3A_1068 = vector.broadcast %jit3A_1066 : f32 to vector<64x1024xf32>
    %broadcast_in_dim3A_1069 = vector.broadcast %jit3A_1067 : f32 to vector<64x1024xf32>
    %select_n3A_1070 = arith.select %gt3A_1065, %broadcast_in_dim3A_1068, %broadcast_in_dim3A_1069 : vector<64x1024xi1>, vector<64x1024xf32>
    %slice3A_1071 = vector.extract_strided_slice %get3A_1 {offsets = [0, 31], sizes = [64, 1], strides = [1, 1]} : vector<64x64xf32> to vector<64x1xf32>
    %dot_general3A_1072 = arith.constant dense<0.000000e+00> : vector<1x1024xf32>
    %dot_general3A_1073 = tpu.matmul %slice3A_1071, %select_n3A_1070, %dot_general3A_1072 {dimension_numbers = #tpu.dot_dimension_numbers<[0], [0], [1], [1], [0, 1, 1, 1], [], []>, transpose_lhs_hint = false} : vector<64x1xf32>, vector<64x1024xf32>, vector<1x1024xf32> -> vector<1x1024xf32>
    %gt3A_1074 = arith.constant 3.250000e+01 : f32
    %gt3A_1075 = vector.broadcast %gt3A_1074 : f32 to vector<64x1024xf32>
    %gt3A_1076 = arith.cmpf ogt, %transpose3A_721, %gt3A_1075 : vector<64x1024xf32>
    %jit3A_1077 = arith.constant 1.000000e+00 : f32
    %jit3A_1078 = arith.constant -1.000000e+00 : f32
    %broadcast_in_dim3A_1079 = vector.broadcast %jit3A_1077 : f32 to vector<64x1024xf32>
    %broadcast_in_dim3A_1080 = vector.broadcast %jit3A_1078 : f32 to vector<64x1024xf32>
    %select_n3A_1081 = arith.select %gt3A_1076, %broadcast_in_dim3A_1079, %broadcast_in_dim3A_1080 : vector<64x1024xi1>, vector<64x1024xf32>
    %slice3A_1082 = vector.extract_strided_slice %get3A_1 {offsets = [0, 32], sizes = [64, 1], strides = [1, 1]} : vector<64x64xf32> to vector<64x1xf32>
    %dot_general3A_1083 = arith.constant dense<0.000000e+00> : vector<1x1024xf32>
    %dot_general3A_1084 = tpu.matmul %slice3A_1082, %select_n3A_1081, %dot_general3A_1083 {dimension_numbers = #tpu.dot_dimension_numbers<[0], [0], [1], [1], [0, 1, 1, 1], [], []>, transpose_lhs_hint = false} : vector<64x1xf32>, vector<64x1024xf32>, vector<1x1024xf32> -> vector<1x1024xf32>
    %gt3A_1085 = arith.constant 3.350000e+01 : f32
    %gt3A_1086 = vector.broadcast %gt3A_1085 : f32 to vector<64x1024xf32>
    %gt3A_1087 = arith.cmpf ogt, %transpose3A_721, %gt3A_1086 : vector<64x1024xf32>
    %jit3A_1088 = arith.constant 1.000000e+00 : f32
    %jit3A_1089 = arith.constant -1.000000e+00 : f32
    %broadcast_in_dim3A_1090 = vector.broadcast %jit3A_1088 : f32 to vector<64x1024xf32>
    %broadcast_in_dim3A_1091 = vector.broadcast %jit3A_1089 : f32 to vector<64x1024xf32>
    %select_n3A_1092 = arith.select %gt3A_1087, %broadcast_in_dim3A_1090, %broadcast_in_dim3A_1091 : vector<64x1024xi1>, vector<64x1024xf32>
    %slice3A_1093 = vector.extract_strided_slice %get3A_1 {offsets = [0, 33], sizes = [64, 1], strides = [1, 1]} : vector<64x64xf32> to vector<64x1xf32>
    %dot_general3A_1094 = arith.constant dense<0.000000e+00> : vector<1x1024xf32>
    %dot_general3A_1095 = tpu.matmul %slice3A_1093, %select_n3A_1092, %dot_general3A_1094 {dimension_numbers = #tpu.dot_dimension_numbers<[0], [0], [1], [1], [0, 1, 1, 1], [], []>, transpose_lhs_hint = false} : vector<64x1xf32>, vector<64x1024xf32>, vector<1x1024xf32> -> vector<1x1024xf32>
    %gt3A_1096 = arith.constant 3.450000e+01 : f32
    %gt3A_1097 = vector.broadcast %gt3A_1096 : f32 to vector<64x1024xf32>
    %gt3A_1098 = arith.cmpf ogt, %transpose3A_721, %gt3A_1097 : vector<64x1024xf32>
    %jit3A_1099 = arith.constant 1.000000e+00 : f32
    %jit3A_1100 = arith.constant -1.000000e+00 : f32
    %broadcast_in_dim3A_1101 = vector.broadcast %jit3A_1099 : f32 to vector<64x1024xf32>
    %broadcast_in_dim3A_1102 = vector.broadcast %jit3A_1100 : f32 to vector<64x1024xf32>
    %select_n3A_1103 = arith.select %gt3A_1098, %broadcast_in_dim3A_1101, %broadcast_in_dim3A_1102 : vector<64x1024xi1>, vector<64x1024xf32>
    %slice3A_1104 = vector.extract_strided_slice %get3A_1 {offsets = [0, 34], sizes = [64, 1], strides = [1, 1]} : vector<64x64xf32> to vector<64x1xf32>
    %dot_general3A_1105 = arith.constant dense<0.000000e+00> : vector<1x1024xf32>
    %dot_general3A_1106 = tpu.matmul %slice3A_1104, %select_n3A_1103, %dot_general3A_1105 {dimension_numbers = #tpu.dot_dimension_numbers<[0], [0], [1], [1], [0, 1, 1, 1], [], []>, transpose_lhs_hint = false} : vector<64x1xf32>, vector<64x1024xf32>, vector<1x1024xf32> -> vector<1x1024xf32>
    %gt3A_1107 = arith.constant 3.550000e+01 : f32
    %gt3A_1108 = vector.broadcast %gt3A_1107 : f32 to vector<64x1024xf32>
    %gt3A_1109 = arith.cmpf ogt, %transpose3A_721, %gt3A_1108 : vector<64x1024xf32>
    %jit3A_1110 = arith.constant 1.000000e+00 : f32
    %jit3A_1111 = arith.constant -1.000000e+00 : f32
    %broadcast_in_dim3A_1112 = vector.broadcast %jit3A_1110 : f32 to vector<64x1024xf32>
    %broadcast_in_dim3A_1113 = vector.broadcast %jit3A_1111 : f32 to vector<64x1024xf32>
    %select_n3A_1114 = arith.select %gt3A_1109, %broadcast_in_dim3A_1112, %broadcast_in_dim3A_1113 : vector<64x1024xi1>, vector<64x1024xf32>
    %slice3A_1115 = vector.extract_strided_slice %get3A_1 {offsets = [0, 35], sizes = [64, 1], strides = [1, 1]} : vector<64x64xf32> to vector<64x1xf32>
    %dot_general3A_1116 = arith.constant dense<0.000000e+00> : vector<1x1024xf32>
    %dot_general3A_1117 = tpu.matmul %slice3A_1115, %select_n3A_1114, %dot_general3A_1116 {dimension_numbers = #tpu.dot_dimension_numbers<[0], [0], [1], [1], [0, 1, 1, 1], [], []>, transpose_lhs_hint = false} : vector<64x1xf32>, vector<64x1024xf32>, vector<1x1024xf32> -> vector<1x1024xf32>
    %gt3A_1118 = arith.constant 3.650000e+01 : f32
    %gt3A_1119 = vector.broadcast %gt3A_1118 : f32 to vector<64x1024xf32>
    %gt3A_1120 = arith.cmpf ogt, %transpose3A_721, %gt3A_1119 : vector<64x1024xf32>
    %jit3A_1121 = arith.constant 1.000000e+00 : f32
    %jit3A_1122 = arith.constant -1.000000e+00 : f32
    %broadcast_in_dim3A_1123 = vector.broadcast %jit3A_1121 : f32 to vector<64x1024xf32>
    %broadcast_in_dim3A_1124 = vector.broadcast %jit3A_1122 : f32 to vector<64x1024xf32>
    %select_n3A_1125 = arith.select %gt3A_1120, %broadcast_in_dim3A_1123, %broadcast_in_dim3A_1124 : vector<64x1024xi1>, vector<64x1024xf32>
    %slice3A_1126 = vector.extract_strided_slice %get3A_1 {offsets = [0, 36], sizes = [64, 1], strides = [1, 1]} : vector<64x64xf32> to vector<64x1xf32>
    %dot_general3A_1127 = arith.constant dense<0.000000e+00> : vector<1x1024xf32>
    %dot_general3A_1128 = tpu.matmul %slice3A_1126, %select_n3A_1125, %dot_general3A_1127 {dimension_numbers = #tpu.dot_dimension_numbers<[0], [0], [1], [1], [0, 1, 1, 1], [], []>, transpose_lhs_hint = false} : vector<64x1xf32>, vector<64x1024xf32>, vector<1x1024xf32> -> vector<1x1024xf32>
    %gt3A_1129 = arith.constant 3.750000e+01 : f32
    %gt3A_1130 = vector.broadcast %gt3A_1129 : f32 to vector<64x1024xf32>
    %gt3A_1131 = arith.cmpf ogt, %transpose3A_721, %gt3A_1130 : vector<64x1024xf32>
    %jit3A_1132 = arith.constant 1.000000e+00 : f32
    %jit3A_1133 = arith.constant -1.000000e+00 : f32
    %broadcast_in_dim3A_1134 = vector.broadcast %jit3A_1132 : f32 to vector<64x1024xf32>
    %broadcast_in_dim3A_1135 = vector.broadcast %jit3A_1133 : f32 to vector<64x1024xf32>
    %select_n3A_1136 = arith.select %gt3A_1131, %broadcast_in_dim3A_1134, %broadcast_in_dim3A_1135 : vector<64x1024xi1>, vector<64x1024xf32>
    %slice3A_1137 = vector.extract_strided_slice %get3A_1 {offsets = [0, 37], sizes = [64, 1], strides = [1, 1]} : vector<64x64xf32> to vector<64x1xf32>
    %dot_general3A_1138 = arith.constant dense<0.000000e+00> : vector<1x1024xf32>
    %dot_general3A_1139 = tpu.matmul %slice3A_1137, %select_n3A_1136, %dot_general3A_1138 {dimension_numbers = #tpu.dot_dimension_numbers<[0], [0], [1], [1], [0, 1, 1, 1], [], []>, transpose_lhs_hint = false} : vector<64x1xf32>, vector<64x1024xf32>, vector<1x1024xf32> -> vector<1x1024xf32>
    %gt3A_1140 = arith.constant 3.850000e+01 : f32
    %gt3A_1141 = vector.broadcast %gt3A_1140 : f32 to vector<64x1024xf32>
    %gt3A_1142 = arith.cmpf ogt, %transpose3A_721, %gt3A_1141 : vector<64x1024xf32>
    %jit3A_1143 = arith.constant 1.000000e+00 : f32
    %jit3A_1144 = arith.constant -1.000000e+00 : f32
    %broadcast_in_dim3A_1145 = vector.broadcast %jit3A_1143 : f32 to vector<64x1024xf32>
    %broadcast_in_dim3A_1146 = vector.broadcast %jit3A_1144 : f32 to vector<64x1024xf32>
    %select_n3A_1147 = arith.select %gt3A_1142, %broadcast_in_dim3A_1145, %broadcast_in_dim3A_1146 : vector<64x1024xi1>, vector<64x1024xf32>
    %slice3A_1148 = vector.extract_strided_slice %get3A_1 {offsets = [0, 38], sizes = [64, 1], strides = [1, 1]} : vector<64x64xf32> to vector<64x1xf32>
    %dot_general3A_1149 = arith.constant dense<0.000000e+00> : vector<1x1024xf32>
    %dot_general3A_1150 = tpu.matmul %slice3A_1148, %select_n3A_1147, %dot_general3A_1149 {dimension_numbers = #tpu.dot_dimension_numbers<[0], [0], [1], [1], [0, 1, 1, 1], [], []>, transpose_lhs_hint = false} : vector<64x1xf32>, vector<64x1024xf32>, vector<1x1024xf32> -> vector<1x1024xf32>
    %gt3A_1151 = arith.constant 3.950000e+01 : f32
    %gt3A_1152 = vector.broadcast %gt3A_1151 : f32 to vector<64x1024xf32>
    %gt3A_1153 = arith.cmpf ogt, %transpose3A_721, %gt3A_1152 : vector<64x1024xf32>
    %jit3A_1154 = arith.constant 1.000000e+00 : f32
    %jit3A_1155 = arith.constant -1.000000e+00 : f32
    %broadcast_in_dim3A_1156 = vector.broadcast %jit3A_1154 : f32 to vector<64x1024xf32>
    %broadcast_in_dim3A_1157 = vector.broadcast %jit3A_1155 : f32 to vector<64x1024xf32>
    %select_n3A_1158 = arith.select %gt3A_1153, %broadcast_in_dim3A_1156, %broadcast_in_dim3A_1157 : vector<64x1024xi1>, vector<64x1024xf32>
    %slice3A_1159 = vector.extract_strided_slice %get3A_1 {offsets = [0, 39], sizes = [64, 1], strides = [1, 1]} : vector<64x64xf32> to vector<64x1xf32>
    %dot_general3A_1160 = arith.constant dense<0.000000e+00> : vector<1x1024xf32>
    %dot_general3A_1161 = tpu.matmul %slice3A_1159, %select_n3A_1158, %dot_general3A_1160 {dimension_numbers = #tpu.dot_dimension_numbers<[0], [0], [1], [1], [0, 1, 1, 1], [], []>, transpose_lhs_hint = false} : vector<64x1xf32>, vector<64x1024xf32>, vector<1x1024xf32> -> vector<1x1024xf32>
    %gt3A_1162 = arith.constant 4.050000e+01 : f32
    %gt3A_1163 = vector.broadcast %gt3A_1162 : f32 to vector<64x1024xf32>
    %gt3A_1164 = arith.cmpf ogt, %transpose3A_721, %gt3A_1163 : vector<64x1024xf32>
    %jit3A_1165 = arith.constant 1.000000e+00 : f32
    %jit3A_1166 = arith.constant -1.000000e+00 : f32
    %broadcast_in_dim3A_1167 = vector.broadcast %jit3A_1165 : f32 to vector<64x1024xf32>
    %broadcast_in_dim3A_1168 = vector.broadcast %jit3A_1166 : f32 to vector<64x1024xf32>
    %select_n3A_1169 = arith.select %gt3A_1164, %broadcast_in_dim3A_1167, %broadcast_in_dim3A_1168 : vector<64x1024xi1>, vector<64x1024xf32>
    %slice3A_1170 = vector.extract_strided_slice %get3A_1 {offsets = [0, 40], sizes = [64, 1], strides = [1, 1]} : vector<64x64xf32> to vector<64x1xf32>
    %dot_general3A_1171 = arith.constant dense<0.000000e+00> : vector<1x1024xf32>
    %dot_general3A_1172 = tpu.matmul %slice3A_1170, %select_n3A_1169, %dot_general3A_1171 {dimension_numbers = #tpu.dot_dimension_numbers<[0], [0], [1], [1], [0, 1, 1, 1], [], []>, transpose_lhs_hint = false} : vector<64x1xf32>, vector<64x1024xf32>, vector<1x1024xf32> -> vector<1x1024xf32>
    %gt3A_1173 = arith.constant 4.150000e+01 : f32
    %gt3A_1174 = vector.broadcast %gt3A_1173 : f32 to vector<64x1024xf32>
    %gt3A_1175 = arith.cmpf ogt, %transpose3A_721, %gt3A_1174 : vector<64x1024xf32>
    %jit3A_1176 = arith.constant 1.000000e+00 : f32
    %jit3A_1177 = arith.constant -1.000000e+00 : f32
    %broadcast_in_dim3A_1178 = vector.broadcast %jit3A_1176 : f32 to vector<64x1024xf32>
    %broadcast_in_dim3A_1179 = vector.broadcast %jit3A_1177 : f32 to vector<64x1024xf32>
    %select_n3A_1180 = arith.select %gt3A_1175, %broadcast_in_dim3A_1178, %broadcast_in_dim3A_1179 : vector<64x1024xi1>, vector<64x1024xf32>
    %slice3A_1181 = vector.extract_strided_slice %get3A_1 {offsets = [0, 41], sizes = [64, 1], strides = [1, 1]} : vector<64x64xf32> to vector<64x1xf32>
    %dot_general3A_1182 = arith.constant dense<0.000000e+00> : vector<1x1024xf32>
    %dot_general3A_1183 = tpu.matmul %slice3A_1181, %select_n3A_1180, %dot_general3A_1182 {dimension_numbers = #tpu.dot_dimension_numbers<[0], [0], [1], [1], [0, 1, 1, 1], [], []>, transpose_lhs_hint = false} : vector<64x1xf32>, vector<64x1024xf32>, vector<1x1024xf32> -> vector<1x1024xf32>
    %gt3A_1184 = arith.constant 4.250000e+01 : f32
    %gt3A_1185 = vector.broadcast %gt3A_1184 : f32 to vector<64x1024xf32>
    %gt3A_1186 = arith.cmpf ogt, %transpose3A_721, %gt3A_1185 : vector<64x1024xf32>
    %jit3A_1187 = arith.constant 1.000000e+00 : f32
    %jit3A_1188 = arith.constant -1.000000e+00 : f32
    %broadcast_in_dim3A_1189 = vector.broadcast %jit3A_1187 : f32 to vector<64x1024xf32>
    %broadcast_in_dim3A_1190 = vector.broadcast %jit3A_1188 : f32 to vector<64x1024xf32>
    %select_n3A_1191 = arith.select %gt3A_1186, %broadcast_in_dim3A_1189, %broadcast_in_dim3A_1190 : vector<64x1024xi1>, vector<64x1024xf32>
    %slice3A_1192 = vector.extract_strided_slice %get3A_1 {offsets = [0, 42], sizes = [64, 1], strides = [1, 1]} : vector<64x64xf32> to vector<64x1xf32>
    %dot_general3A_1193 = arith.constant dense<0.000000e+00> : vector<1x1024xf32>
    %dot_general3A_1194 = tpu.matmul %slice3A_1192, %select_n3A_1191, %dot_general3A_1193 {dimension_numbers = #tpu.dot_dimension_numbers<[0], [0], [1], [1], [0, 1, 1, 1], [], []>, transpose_lhs_hint = false} : vector<64x1xf32>, vector<64x1024xf32>, vector<1x1024xf32> -> vector<1x1024xf32>
    %gt3A_1195 = arith.constant 4.350000e+01 : f32
    %gt3A_1196 = vector.broadcast %gt3A_1195 : f32 to vector<64x1024xf32>
    %gt3A_1197 = arith.cmpf ogt, %transpose3A_721, %gt3A_1196 : vector<64x1024xf32>
    %jit3A_1198 = arith.constant 1.000000e+00 : f32
    %jit3A_1199 = arith.constant -1.000000e+00 : f32
    %broadcast_in_dim3A_1200 = vector.broadcast %jit3A_1198 : f32 to vector<64x1024xf32>
    %broadcast_in_dim3A_1201 = vector.broadcast %jit3A_1199 : f32 to vector<64x1024xf32>
    %select_n3A_1202 = arith.select %gt3A_1197, %broadcast_in_dim3A_1200, %broadcast_in_dim3A_1201 : vector<64x1024xi1>, vector<64x1024xf32>
    %slice3A_1203 = vector.extract_strided_slice %get3A_1 {offsets = [0, 43], sizes = [64, 1], strides = [1, 1]} : vector<64x64xf32> to vector<64x1xf32>
    %dot_general3A_1204 = arith.constant dense<0.000000e+00> : vector<1x1024xf32>
    %dot_general3A_1205 = tpu.matmul %slice3A_1203, %select_n3A_1202, %dot_general3A_1204 {dimension_numbers = #tpu.dot_dimension_numbers<[0], [0], [1], [1], [0, 1, 1, 1], [], []>, transpose_lhs_hint = false} : vector<64x1xf32>, vector<64x1024xf32>, vector<1x1024xf32> -> vector<1x1024xf32>
    %gt3A_1206 = arith.constant 4.450000e+01 : f32
    %gt3A_1207 = vector.broadcast %gt3A_1206 : f32 to vector<64x1024xf32>
    %gt3A_1208 = arith.cmpf ogt, %transpose3A_721, %gt3A_1207 : vector<64x1024xf32>
    %jit3A_1209 = arith.constant 1.000000e+00 : f32
    %jit3A_1210 = arith.constant -1.000000e+00 : f32
    %broadcast_in_dim3A_1211 = vector.broadcast %jit3A_1209 : f32 to vector<64x1024xf32>
    %broadcast_in_dim3A_1212 = vector.broadcast %jit3A_1210 : f32 to vector<64x1024xf32>
    %select_n3A_1213 = arith.select %gt3A_1208, %broadcast_in_dim3A_1211, %broadcast_in_dim3A_1212 : vector<64x1024xi1>, vector<64x1024xf32>
    %slice3A_1214 = vector.extract_strided_slice %get3A_1 {offsets = [0, 44], sizes = [64, 1], strides = [1, 1]} : vector<64x64xf32> to vector<64x1xf32>
    %dot_general3A_1215 = arith.constant dense<0.000000e+00> : vector<1x1024xf32>
    %dot_general3A_1216 = tpu.matmul %slice3A_1214, %select_n3A_1213, %dot_general3A_1215 {dimension_numbers = #tpu.dot_dimension_numbers<[0], [0], [1], [1], [0, 1, 1, 1], [], []>, transpose_lhs_hint = false} : vector<64x1xf32>, vector<64x1024xf32>, vector<1x1024xf32> -> vector<1x1024xf32>
    %gt3A_1217 = arith.constant 4.550000e+01 : f32
    %gt3A_1218 = vector.broadcast %gt3A_1217 : f32 to vector<64x1024xf32>
    %gt3A_1219 = arith.cmpf ogt, %transpose3A_721, %gt3A_1218 : vector<64x1024xf32>
    %jit3A_1220 = arith.constant 1.000000e+00 : f32
    %jit3A_1221 = arith.constant -1.000000e+00 : f32
    %broadcast_in_dim3A_1222 = vector.broadcast %jit3A_1220 : f32 to vector<64x1024xf32>
    %broadcast_in_dim3A_1223 = vector.broadcast %jit3A_1221 : f32 to vector<64x1024xf32>
    %select_n3A_1224 = arith.select %gt3A_1219, %broadcast_in_dim3A_1222, %broadcast_in_dim3A_1223 : vector<64x1024xi1>, vector<64x1024xf32>
    %slice3A_1225 = vector.extract_strided_slice %get3A_1 {offsets = [0, 45], sizes = [64, 1], strides = [1, 1]} : vector<64x64xf32> to vector<64x1xf32>
    %dot_general3A_1226 = arith.constant dense<0.000000e+00> : vector<1x1024xf32>
    %dot_general3A_1227 = tpu.matmul %slice3A_1225, %select_n3A_1224, %dot_general3A_1226 {dimension_numbers = #tpu.dot_dimension_numbers<[0], [0], [1], [1], [0, 1, 1, 1], [], []>, transpose_lhs_hint = false} : vector<64x1xf32>, vector<64x1024xf32>, vector<1x1024xf32> -> vector<1x1024xf32>
    %gt3A_1228 = arith.constant 4.650000e+01 : f32
    %gt3A_1229 = vector.broadcast %gt3A_1228 : f32 to vector<64x1024xf32>
    %gt3A_1230 = arith.cmpf ogt, %transpose3A_721, %gt3A_1229 : vector<64x1024xf32>
    %jit3A_1231 = arith.constant 1.000000e+00 : f32
    %jit3A_1232 = arith.constant -1.000000e+00 : f32
    %broadcast_in_dim3A_1233 = vector.broadcast %jit3A_1231 : f32 to vector<64x1024xf32>
    %broadcast_in_dim3A_1234 = vector.broadcast %jit3A_1232 : f32 to vector<64x1024xf32>
    %select_n3A_1235 = arith.select %gt3A_1230, %broadcast_in_dim3A_1233, %broadcast_in_dim3A_1234 : vector<64x1024xi1>, vector<64x1024xf32>
    %slice3A_1236 = vector.extract_strided_slice %get3A_1 {offsets = [0, 46], sizes = [64, 1], strides = [1, 1]} : vector<64x64xf32> to vector<64x1xf32>
    %dot_general3A_1237 = arith.constant dense<0.000000e+00> : vector<1x1024xf32>
    %dot_general3A_1238 = tpu.matmul %slice3A_1236, %select_n3A_1235, %dot_general3A_1237 {dimension_numbers = #tpu.dot_dimension_numbers<[0], [0], [1], [1], [0, 1, 1, 1], [], []>, transpose_lhs_hint = false} : vector<64x1xf32>, vector<64x1024xf32>, vector<1x1024xf32> -> vector<1x1024xf32>
    %gt3A_1239 = arith.constant 4.750000e+01 : f32
    %gt3A_1240 = vector.broadcast %gt3A_1239 : f32 to vector<64x1024xf32>
    %gt3A_1241 = arith.cmpf ogt, %transpose3A_721, %gt3A_1240 : vector<64x1024xf32>
    %jit3A_1242 = arith.constant 1.000000e+00 : f32
    %jit3A_1243 = arith.constant -1.000000e+00 : f32
    %broadcast_in_dim3A_1244 = vector.broadcast %jit3A_1242 : f32 to vector<64x1024xf32>
    %broadcast_in_dim3A_1245 = vector.broadcast %jit3A_1243 : f32 to vector<64x1024xf32>
    %select_n3A_1246 = arith.select %gt3A_1241, %broadcast_in_dim3A_1244, %broadcast_in_dim3A_1245 : vector<64x1024xi1>, vector<64x1024xf32>
    %slice3A_1247 = vector.extract_strided_slice %get3A_1 {offsets = [0, 47], sizes = [64, 1], strides = [1, 1]} : vector<64x64xf32> to vector<64x1xf32>
    %dot_general3A_1248 = arith.constant dense<0.000000e+00> : vector<1x1024xf32>
    %dot_general3A_1249 = tpu.matmul %slice3A_1247, %select_n3A_1246, %dot_general3A_1248 {dimension_numbers = #tpu.dot_dimension_numbers<[0], [0], [1], [1], [0, 1, 1, 1], [], []>, transpose_lhs_hint = false} : vector<64x1xf32>, vector<64x1024xf32>, vector<1x1024xf32> -> vector<1x1024xf32>
    %gt3A_1250 = arith.constant 4.850000e+01 : f32
    %gt3A_1251 = vector.broadcast %gt3A_1250 : f32 to vector<64x1024xf32>
    %gt3A_1252 = arith.cmpf ogt, %transpose3A_721, %gt3A_1251 : vector<64x1024xf32>
    %jit3A_1253 = arith.constant 1.000000e+00 : f32
    %jit3A_1254 = arith.constant -1.000000e+00 : f32
    %broadcast_in_dim3A_1255 = vector.broadcast %jit3A_1253 : f32 to vector<64x1024xf32>
    %broadcast_in_dim3A_1256 = vector.broadcast %jit3A_1254 : f32 to vector<64x1024xf32>
    %select_n3A_1257 = arith.select %gt3A_1252, %broadcast_in_dim3A_1255, %broadcast_in_dim3A_1256 : vector<64x1024xi1>, vector<64x1024xf32>
    %slice3A_1258 = vector.extract_strided_slice %get3A_1 {offsets = [0, 48], sizes = [64, 1], strides = [1, 1]} : vector<64x64xf32> to vector<64x1xf32>
    %dot_general3A_1259 = arith.constant dense<0.000000e+00> : vector<1x1024xf32>
    %dot_general3A_1260 = tpu.matmul %slice3A_1258, %select_n3A_1257, %dot_general3A_1259 {dimension_numbers = #tpu.dot_dimension_numbers<[0], [0], [1], [1], [0, 1, 1, 1], [], []>, transpose_lhs_hint = false} : vector<64x1xf32>, vector<64x1024xf32>, vector<1x1024xf32> -> vector<1x1024xf32>
    %gt3A_1261 = arith.constant 4.950000e+01 : f32
    %gt3A_1262 = vector.broadcast %gt3A_1261 : f32 to vector<64x1024xf32>
    %gt3A_1263 = arith.cmpf ogt, %transpose3A_721, %gt3A_1262 : vector<64x1024xf32>
    %jit3A_1264 = arith.constant 1.000000e+00 : f32
    %jit3A_1265 = arith.constant -1.000000e+00 : f32
    %broadcast_in_dim3A_1266 = vector.broadcast %jit3A_1264 : f32 to vector<64x1024xf32>
    %broadcast_in_dim3A_1267 = vector.broadcast %jit3A_1265 : f32 to vector<64x1024xf32>
    %select_n3A_1268 = arith.select %gt3A_1263, %broadcast_in_dim3A_1266, %broadcast_in_dim3A_1267 : vector<64x1024xi1>, vector<64x1024xf32>
    %slice3A_1269 = vector.extract_strided_slice %get3A_1 {offsets = [0, 49], sizes = [64, 1], strides = [1, 1]} : vector<64x64xf32> to vector<64x1xf32>
    %dot_general3A_1270 = arith.constant dense<0.000000e+00> : vector<1x1024xf32>
    %dot_general3A_1271 = tpu.matmul %slice3A_1269, %select_n3A_1268, %dot_general3A_1270 {dimension_numbers = #tpu.dot_dimension_numbers<[0], [0], [1], [1], [0, 1, 1, 1], [], []>, transpose_lhs_hint = false} : vector<64x1xf32>, vector<64x1024xf32>, vector<1x1024xf32> -> vector<1x1024xf32>
    %gt3A_1272 = arith.constant 5.050000e+01 : f32
    %gt3A_1273 = vector.broadcast %gt3A_1272 : f32 to vector<64x1024xf32>
    %gt3A_1274 = arith.cmpf ogt, %transpose3A_721, %gt3A_1273 : vector<64x1024xf32>
    %jit3A_1275 = arith.constant 1.000000e+00 : f32
    %jit3A_1276 = arith.constant -1.000000e+00 : f32
    %broadcast_in_dim3A_1277 = vector.broadcast %jit3A_1275 : f32 to vector<64x1024xf32>
    %broadcast_in_dim3A_1278 = vector.broadcast %jit3A_1276 : f32 to vector<64x1024xf32>
    %select_n3A_1279 = arith.select %gt3A_1274, %broadcast_in_dim3A_1277, %broadcast_in_dim3A_1278 : vector<64x1024xi1>, vector<64x1024xf32>
    %slice3A_1280 = vector.extract_strided_slice %get3A_1 {offsets = [0, 50], sizes = [64, 1], strides = [1, 1]} : vector<64x64xf32> to vector<64x1xf32>
    %dot_general3A_1281 = arith.constant dense<0.000000e+00> : vector<1x1024xf32>
    %dot_general3A_1282 = tpu.matmul %slice3A_1280, %select_n3A_1279, %dot_general3A_1281 {dimension_numbers = #tpu.dot_dimension_numbers<[0], [0], [1], [1], [0, 1, 1, 1], [], []>, transpose_lhs_hint = false} : vector<64x1xf32>, vector<64x1024xf32>, vector<1x1024xf32> -> vector<1x1024xf32>
    %gt3A_1283 = arith.constant 5.150000e+01 : f32
    %gt3A_1284 = vector.broadcast %gt3A_1283 : f32 to vector<64x1024xf32>
    %gt3A_1285 = arith.cmpf ogt, %transpose3A_721, %gt3A_1284 : vector<64x1024xf32>
    %jit3A_1286 = arith.constant 1.000000e+00 : f32
    %jit3A_1287 = arith.constant -1.000000e+00 : f32
    %broadcast_in_dim3A_1288 = vector.broadcast %jit3A_1286 : f32 to vector<64x1024xf32>
    %broadcast_in_dim3A_1289 = vector.broadcast %jit3A_1287 : f32 to vector<64x1024xf32>
    %select_n3A_1290 = arith.select %gt3A_1285, %broadcast_in_dim3A_1288, %broadcast_in_dim3A_1289 : vector<64x1024xi1>, vector<64x1024xf32>
    %slice3A_1291 = vector.extract_strided_slice %get3A_1 {offsets = [0, 51], sizes = [64, 1], strides = [1, 1]} : vector<64x64xf32> to vector<64x1xf32>
    %dot_general3A_1292 = arith.constant dense<0.000000e+00> : vector<1x1024xf32>
    %dot_general3A_1293 = tpu.matmul %slice3A_1291, %select_n3A_1290, %dot_general3A_1292 {dimension_numbers = #tpu.dot_dimension_numbers<[0], [0], [1], [1], [0, 1, 1, 1], [], []>, transpose_lhs_hint = false} : vector<64x1xf32>, vector<64x1024xf32>, vector<1x1024xf32> -> vector<1x1024xf32>
    %gt3A_1294 = arith.constant 5.250000e+01 : f32
    %gt3A_1295 = vector.broadcast %gt3A_1294 : f32 to vector<64x1024xf32>
    %gt3A_1296 = arith.cmpf ogt, %transpose3A_721, %gt3A_1295 : vector<64x1024xf32>
    %jit3A_1297 = arith.constant 1.000000e+00 : f32
    %jit3A_1298 = arith.constant -1.000000e+00 : f32
    %broadcast_in_dim3A_1299 = vector.broadcast %jit3A_1297 : f32 to vector<64x1024xf32>
    %broadcast_in_dim3A_1300 = vector.broadcast %jit3A_1298 : f32 to vector<64x1024xf32>
    %select_n3A_1301 = arith.select %gt3A_1296, %broadcast_in_dim3A_1299, %broadcast_in_dim3A_1300 : vector<64x1024xi1>, vector<64x1024xf32>
    %slice3A_1302 = vector.extract_strided_slice %get3A_1 {offsets = [0, 52], sizes = [64, 1], strides = [1, 1]} : vector<64x64xf32> to vector<64x1xf32>
    %dot_general3A_1303 = arith.constant dense<0.000000e+00> : vector<1x1024xf32>
    %dot_general3A_1304 = tpu.matmul %slice3A_1302, %select_n3A_1301, %dot_general3A_1303 {dimension_numbers = #tpu.dot_dimension_numbers<[0], [0], [1], [1], [0, 1, 1, 1], [], []>, transpose_lhs_hint = false} : vector<64x1xf32>, vector<64x1024xf32>, vector<1x1024xf32> -> vector<1x1024xf32>
    %gt3A_1305 = arith.constant 5.350000e+01 : f32
    %gt3A_1306 = vector.broadcast %gt3A_1305 : f32 to vector<64x1024xf32>
    %gt3A_1307 = arith.cmpf ogt, %transpose3A_721, %gt3A_1306 : vector<64x1024xf32>
    %jit3A_1308 = arith.constant 1.000000e+00 : f32
    %jit3A_1309 = arith.constant -1.000000e+00 : f32
    %broadcast_in_dim3A_1310 = vector.broadcast %jit3A_1308 : f32 to vector<64x1024xf32>
    %broadcast_in_dim3A_1311 = vector.broadcast %jit3A_1309 : f32 to vector<64x1024xf32>
    %select_n3A_1312 = arith.select %gt3A_1307, %broadcast_in_dim3A_1310, %broadcast_in_dim3A_1311 : vector<64x1024xi1>, vector<64x1024xf32>
    %slice3A_1313 = vector.extract_strided_slice %get3A_1 {offsets = [0, 53], sizes = [64, 1], strides = [1, 1]} : vector<64x64xf32> to vector<64x1xf32>
    %dot_general3A_1314 = arith.constant dense<0.000000e+00> : vector<1x1024xf32>
    %dot_general3A_1315 = tpu.matmul %slice3A_1313, %select_n3A_1312, %dot_general3A_1314 {dimension_numbers = #tpu.dot_dimension_numbers<[0], [0], [1], [1], [0, 1, 1, 1], [], []>, transpose_lhs_hint = false} : vector<64x1xf32>, vector<64x1024xf32>, vector<1x1024xf32> -> vector<1x1024xf32>
    %gt3A_1316 = arith.constant 5.450000e+01 : f32
    %gt3A_1317 = vector.broadcast %gt3A_1316 : f32 to vector<64x1024xf32>
    %gt3A_1318 = arith.cmpf ogt, %transpose3A_721, %gt3A_1317 : vector<64x1024xf32>
    %jit3A_1319 = arith.constant 1.000000e+00 : f32
    %jit3A_1320 = arith.constant -1.000000e+00 : f32
    %broadcast_in_dim3A_1321 = vector.broadcast %jit3A_1319 : f32 to vector<64x1024xf32>
    %broadcast_in_dim3A_1322 = vector.broadcast %jit3A_1320 : f32 to vector<64x1024xf32>
    %select_n3A_1323 = arith.select %gt3A_1318, %broadcast_in_dim3A_1321, %broadcast_in_dim3A_1322 : vector<64x1024xi1>, vector<64x1024xf32>
    %slice3A_1324 = vector.extract_strided_slice %get3A_1 {offsets = [0, 54], sizes = [64, 1], strides = [1, 1]} : vector<64x64xf32> to vector<64x1xf32>
    %dot_general3A_1325 = arith.constant dense<0.000000e+00> : vector<1x1024xf32>
    %dot_general3A_1326 = tpu.matmul %slice3A_1324, %select_n3A_1323, %dot_general3A_1325 {dimension_numbers = #tpu.dot_dimension_numbers<[0], [0], [1], [1], [0, 1, 1, 1], [], []>, transpose_lhs_hint = false} : vector<64x1xf32>, vector<64x1024xf32>, vector<1x1024xf32> -> vector<1x1024xf32>
    %gt3A_1327 = arith.constant 5.550000e+01 : f32
    %gt3A_1328 = vector.broadcast %gt3A_1327 : f32 to vector<64x1024xf32>
    %gt3A_1329 = arith.cmpf ogt, %transpose3A_721, %gt3A_1328 : vector<64x1024xf32>
    %jit3A_1330 = arith.constant 1.000000e+00 : f32
    %jit3A_1331 = arith.constant -1.000000e+00 : f32
    %broadcast_in_dim3A_1332 = vector.broadcast %jit3A_1330 : f32 to vector<64x1024xf32>
    %broadcast_in_dim3A_1333 = vector.broadcast %jit3A_1331 : f32 to vector<64x1024xf32>
    %select_n3A_1334 = arith.select %gt3A_1329, %broadcast_in_dim3A_1332, %broadcast_in_dim3A_1333 : vector<64x1024xi1>, vector<64x1024xf32>
    %slice3A_1335 = vector.extract_strided_slice %get3A_1 {offsets = [0, 55], sizes = [64, 1], strides = [1, 1]} : vector<64x64xf32> to vector<64x1xf32>
    %dot_general3A_1336 = arith.constant dense<0.000000e+00> : vector<1x1024xf32>
    %dot_general3A_1337 = tpu.matmul %slice3A_1335, %select_n3A_1334, %dot_general3A_1336 {dimension_numbers = #tpu.dot_dimension_numbers<[0], [0], [1], [1], [0, 1, 1, 1], [], []>, transpose_lhs_hint = false} : vector<64x1xf32>, vector<64x1024xf32>, vector<1x1024xf32> -> vector<1x1024xf32>
    %gt3A_1338 = arith.constant 5.650000e+01 : f32
    %gt3A_1339 = vector.broadcast %gt3A_1338 : f32 to vector<64x1024xf32>
    %gt3A_1340 = arith.cmpf ogt, %transpose3A_721, %gt3A_1339 : vector<64x1024xf32>
    %jit3A_1341 = arith.constant 1.000000e+00 : f32
    %jit3A_1342 = arith.constant -1.000000e+00 : f32
    %broadcast_in_dim3A_1343 = vector.broadcast %jit3A_1341 : f32 to vector<64x1024xf32>
    %broadcast_in_dim3A_1344 = vector.broadcast %jit3A_1342 : f32 to vector<64x1024xf32>
    %select_n3A_1345 = arith.select %gt3A_1340, %broadcast_in_dim3A_1343, %broadcast_in_dim3A_1344 : vector<64x1024xi1>, vector<64x1024xf32>
    %slice3A_1346 = vector.extract_strided_slice %get3A_1 {offsets = [0, 56], sizes = [64, 1], strides = [1, 1]} : vector<64x64xf32> to vector<64x1xf32>
    %dot_general3A_1347 = arith.constant dense<0.000000e+00> : vector<1x1024xf32>
    %dot_general3A_1348 = tpu.matmul %slice3A_1346, %select_n3A_1345, %dot_general3A_1347 {dimension_numbers = #tpu.dot_dimension_numbers<[0], [0], [1], [1], [0, 1, 1, 1], [], []>, transpose_lhs_hint = false} : vector<64x1xf32>, vector<64x1024xf32>, vector<1x1024xf32> -> vector<1x1024xf32>
    %gt3A_1349 = arith.constant 5.750000e+01 : f32
    %gt3A_1350 = vector.broadcast %gt3A_1349 : f32 to vector<64x1024xf32>
    %gt3A_1351 = arith.cmpf ogt, %transpose3A_721, %gt3A_1350 : vector<64x1024xf32>
    %jit3A_1352 = arith.constant 1.000000e+00 : f32
    %jit3A_1353 = arith.constant -1.000000e+00 : f32
    %broadcast_in_dim3A_1354 = vector.broadcast %jit3A_1352 : f32 to vector<64x1024xf32>
    %broadcast_in_dim3A_1355 = vector.broadcast %jit3A_1353 : f32 to vector<64x1024xf32>
    %select_n3A_1356 = arith.select %gt3A_1351, %broadcast_in_dim3A_1354, %broadcast_in_dim3A_1355 : vector<64x1024xi1>, vector<64x1024xf32>
    %slice3A_1357 = vector.extract_strided_slice %get3A_1 {offsets = [0, 57], sizes = [64, 1], strides = [1, 1]} : vector<64x64xf32> to vector<64x1xf32>
    %dot_general3A_1358 = arith.constant dense<0.000000e+00> : vector<1x1024xf32>
    %dot_general3A_1359 = tpu.matmul %slice3A_1357, %select_n3A_1356, %dot_general3A_1358 {dimension_numbers = #tpu.dot_dimension_numbers<[0], [0], [1], [1], [0, 1, 1, 1], [], []>, transpose_lhs_hint = false} : vector<64x1xf32>, vector<64x1024xf32>, vector<1x1024xf32> -> vector<1x1024xf32>
    %gt3A_1360 = arith.constant 5.850000e+01 : f32
    %gt3A_1361 = vector.broadcast %gt3A_1360 : f32 to vector<64x1024xf32>
    %gt3A_1362 = arith.cmpf ogt, %transpose3A_721, %gt3A_1361 : vector<64x1024xf32>
    %jit3A_1363 = arith.constant 1.000000e+00 : f32
    %jit3A_1364 = arith.constant -1.000000e+00 : f32
    %broadcast_in_dim3A_1365 = vector.broadcast %jit3A_1363 : f32 to vector<64x1024xf32>
    %broadcast_in_dim3A_1366 = vector.broadcast %jit3A_1364 : f32 to vector<64x1024xf32>
    %select_n3A_1367 = arith.select %gt3A_1362, %broadcast_in_dim3A_1365, %broadcast_in_dim3A_1366 : vector<64x1024xi1>, vector<64x1024xf32>
    %slice3A_1368 = vector.extract_strided_slice %get3A_1 {offsets = [0, 58], sizes = [64, 1], strides = [1, 1]} : vector<64x64xf32> to vector<64x1xf32>
    %dot_general3A_1369 = arith.constant dense<0.000000e+00> : vector<1x1024xf32>
    %dot_general3A_1370 = tpu.matmul %slice3A_1368, %select_n3A_1367, %dot_general3A_1369 {dimension_numbers = #tpu.dot_dimension_numbers<[0], [0], [1], [1], [0, 1, 1, 1], [], []>, transpose_lhs_hint = false} : vector<64x1xf32>, vector<64x1024xf32>, vector<1x1024xf32> -> vector<1x1024xf32>
    %gt3A_1371 = arith.constant 5.950000e+01 : f32
    %gt3A_1372 = vector.broadcast %gt3A_1371 : f32 to vector<64x1024xf32>
    %gt3A_1373 = arith.cmpf ogt, %transpose3A_721, %gt3A_1372 : vector<64x1024xf32>
    %jit3A_1374 = arith.constant 1.000000e+00 : f32
    %jit3A_1375 = arith.constant -1.000000e+00 : f32
    %broadcast_in_dim3A_1376 = vector.broadcast %jit3A_1374 : f32 to vector<64x1024xf32>
    %broadcast_in_dim3A_1377 = vector.broadcast %jit3A_1375 : f32 to vector<64x1024xf32>
    %select_n3A_1378 = arith.select %gt3A_1373, %broadcast_in_dim3A_1376, %broadcast_in_dim3A_1377 : vector<64x1024xi1>, vector<64x1024xf32>
    %slice3A_1379 = vector.extract_strided_slice %get3A_1 {offsets = [0, 59], sizes = [64, 1], strides = [1, 1]} : vector<64x64xf32> to vector<64x1xf32>
    %dot_general3A_1380 = arith.constant dense<0.000000e+00> : vector<1x1024xf32>
    %dot_general3A_1381 = tpu.matmul %slice3A_1379, %select_n3A_1378, %dot_general3A_1380 {dimension_numbers = #tpu.dot_dimension_numbers<[0], [0], [1], [1], [0, 1, 1, 1], [], []>, transpose_lhs_hint = false} : vector<64x1xf32>, vector<64x1024xf32>, vector<1x1024xf32> -> vector<1x1024xf32>
    %gt3A_1382 = arith.constant 6.050000e+01 : f32
    %gt3A_1383 = vector.broadcast %gt3A_1382 : f32 to vector<64x1024xf32>
    %gt3A_1384 = arith.cmpf ogt, %transpose3A_721, %gt3A_1383 : vector<64x1024xf32>
    %jit3A_1385 = arith.constant 1.000000e+00 : f32
    %jit3A_1386 = arith.constant -1.000000e+00 : f32
    %broadcast_in_dim3A_1387 = vector.broadcast %jit3A_1385 : f32 to vector<64x1024xf32>
    %broadcast_in_dim3A_1388 = vector.broadcast %jit3A_1386 : f32 to vector<64x1024xf32>
    %select_n3A_1389 = arith.select %gt3A_1384, %broadcast_in_dim3A_1387, %broadcast_in_dim3A_1388 : vector<64x1024xi1>, vector<64x1024xf32>
    %slice3A_1390 = vector.extract_strided_slice %get3A_1 {offsets = [0, 60], sizes = [64, 1], strides = [1, 1]} : vector<64x64xf32> to vector<64x1xf32>
    %dot_general3A_1391 = arith.constant dense<0.000000e+00> : vector<1x1024xf32>
    %dot_general3A_1392 = tpu.matmul %slice3A_1390, %select_n3A_1389, %dot_general3A_1391 {dimension_numbers = #tpu.dot_dimension_numbers<[0], [0], [1], [1], [0, 1, 1, 1], [], []>, transpose_lhs_hint = false} : vector<64x1xf32>, vector<64x1024xf32>, vector<1x1024xf32> -> vector<1x1024xf32>
    %gt3A_1393 = arith.constant 6.150000e+01 : f32
    %gt3A_1394 = vector.broadcast %gt3A_1393 : f32 to vector<64x1024xf32>
    %gt3A_1395 = arith.cmpf ogt, %transpose3A_721, %gt3A_1394 : vector<64x1024xf32>
    %jit3A_1396 = arith.constant 1.000000e+00 : f32
    %jit3A_1397 = arith.constant -1.000000e+00 : f32
    %broadcast_in_dim3A_1398 = vector.broadcast %jit3A_1396 : f32 to vector<64x1024xf32>
    %broadcast_in_dim3A_1399 = vector.broadcast %jit3A_1397 : f32 to vector<64x1024xf32>
    %select_n3A_1400 = arith.select %gt3A_1395, %broadcast_in_dim3A_1398, %broadcast_in_dim3A_1399 : vector<64x1024xi1>, vector<64x1024xf32>
    %slice3A_1401 = vector.extract_strided_slice %get3A_1 {offsets = [0, 61], sizes = [64, 1], strides = [1, 1]} : vector<64x64xf32> to vector<64x1xf32>
    %dot_general3A_1402 = arith.constant dense<0.000000e+00> : vector<1x1024xf32>
    %dot_general3A_1403 = tpu.matmul %slice3A_1401, %select_n3A_1400, %dot_general3A_1402 {dimension_numbers = #tpu.dot_dimension_numbers<[0], [0], [1], [1], [0, 1, 1, 1], [], []>, transpose_lhs_hint = false} : vector<64x1xf32>, vector<64x1024xf32>, vector<1x1024xf32> -> vector<1x1024xf32>
    %gt3A_1404 = arith.constant 6.250000e+01 : f32
    %gt3A_1405 = vector.broadcast %gt3A_1404 : f32 to vector<64x1024xf32>
    %gt3A_1406 = arith.cmpf ogt, %transpose3A_721, %gt3A_1405 : vector<64x1024xf32>
    %jit3A_1407 = arith.constant 1.000000e+00 : f32
    %jit3A_1408 = arith.constant -1.000000e+00 : f32
    %broadcast_in_dim3A_1409 = vector.broadcast %jit3A_1407 : f32 to vector<64x1024xf32>
    %broadcast_in_dim3A_1410 = vector.broadcast %jit3A_1408 : f32 to vector<64x1024xf32>
    %select_n3A_1411 = arith.select %gt3A_1406, %broadcast_in_dim3A_1409, %broadcast_in_dim3A_1410 : vector<64x1024xi1>, vector<64x1024xf32>
    %slice3A_1412 = vector.extract_strided_slice %get3A_1 {offsets = [0, 62], sizes = [64, 1], strides = [1, 1]} : vector<64x64xf32> to vector<64x1xf32>
    %dot_general3A_1413 = arith.constant dense<0.000000e+00> : vector<1x1024xf32>
    %dot_general3A_1414 = tpu.matmul %slice3A_1412, %select_n3A_1411, %dot_general3A_1413 {dimension_numbers = #tpu.dot_dimension_numbers<[0], [0], [1], [1], [0, 1, 1, 1], [], []>, transpose_lhs_hint = false} : vector<64x1xf32>, vector<64x1024xf32>, vector<1x1024xf32> -> vector<1x1024xf32>
    %gt3A_1415 = arith.constant 6.350000e+01 : f32
    %gt3A_1416 = vector.broadcast %gt3A_1415 : f32 to vector<64x1024xf32>
    %gt3A_1417 = arith.cmpf ogt, %transpose3A_721, %gt3A_1416 : vector<64x1024xf32>
    %jit3A_1418 = arith.constant 1.000000e+00 : f32
    %jit3A_1419 = arith.constant -1.000000e+00 : f32
    %broadcast_in_dim3A_1420 = vector.broadcast %jit3A_1418 : f32 to vector<64x1024xf32>
    %broadcast_in_dim3A_1421 = vector.broadcast %jit3A_1419 : f32 to vector<64x1024xf32>
    %select_n3A_1422 = arith.select %gt3A_1417, %broadcast_in_dim3A_1420, %broadcast_in_dim3A_1421 : vector<64x1024xi1>, vector<64x1024xf32>
    %slice3A_1423 = vector.extract_strided_slice %get3A_1 {offsets = [0, 63], sizes = [64, 1], strides = [1, 1]} : vector<64x64xf32> to vector<64x1xf32>
    %dot_general3A_1424 = arith.constant dense<0.000000e+00> : vector<1x1024xf32>
    %dot_general3A_1425 = tpu.matmul %slice3A_1423, %select_n3A_1422, %dot_general3A_1424 {dimension_numbers = #tpu.dot_dimension_numbers<[0], [0], [1], [1], [0, 1, 1, 1], [], []>, transpose_lhs_hint = false} : vector<64x1xf32>, vector<64x1024xf32>, vector<1x1024xf32> -> vector<1x1024xf32>
    %concatenate3A_1426 = tpu.concatenate %dot_general3A_732, %dot_general3A_743, %dot_general3A_754, %dot_general3A_765, %dot_general3A_776, %dot_general3A_787, %dot_general3A_798, %dot_general3A_809, %dot_general3A_820, %dot_general3A_831, %dot_general3A_842, %dot_general3A_853, %dot_general3A_864, %dot_general3A_875, %dot_general3A_886, %dot_general3A_897, %dot_general3A_908, %dot_general3A_919, %dot_general3A_930, %dot_general3A_941, %dot_general3A_952, %dot_general3A_963, %dot_general3A_974, %dot_general3A_985, %dot_general3A_996, %dot_general3A_1007, %dot_general3A_1018, %dot_general3A_1029, %dot_general3A_1040, %dot_general3A_1051, %dot_general3A_1062, %dot_general3A_1073, %dot_general3A_1084, %dot_general3A_1095, %dot_general3A_1106, %dot_general3A_1117, %dot_general3A_1128, %dot_general3A_1139, %dot_general3A_1150, %dot_general3A_1161, %dot_general3A_1172, %dot_general3A_1183, %dot_general3A_1194, %dot_general3A_1205, %dot_general3A_1216, %dot_general3A_1227, %dot_general3A_1238, %dot_general3A_1249, %dot_general3A_1260, %dot_general3A_1271, %dot_general3A_1282, %dot_general3A_1293, %dot_general3A_1304, %dot_general3A_1315, %dot_general3A_1326, %dot_general3A_1337, %dot_general3A_1348, %dot_general3A_1359, %dot_general3A_1370, %dot_general3A_1381, %dot_general3A_1392, %dot_general3A_1403, %dot_general3A_1414, %dot_general3A_1425 in 0 : vector<1x1024xf32>, vector<1x1024xf32>, vector<1x1024xf32>, vector<1x1024xf32>, vector<1x1024xf32>, vector<1x1024xf32>, vector<1x1024xf32>, vector<1x1024xf32>, vector<1x1024xf32>, vector<1x1024xf32>, vector<1x1024xf32>, vector<1x1024xf32>, vector<1x1024xf32>, vector<1x1024xf32>, vector<1x1024xf32>, vector<1x1024xf32>, vector<1x1024xf32>, vector<1x1024xf32>, vector<1x1024xf32>, vector<1x1024xf32>, vector<1x1024xf32>, vector<1x1024xf32>, vector<1x1024xf32>, vector<1x1024xf32>, vector<1x1024xf32>, vector<1x1024xf32>, vector<1x1024xf32>, vector<1x1024xf32>, vector<1x1024xf32>, vector<1x1024xf32>, vector<1x1024xf32>, vector<1x1024xf32>, vector<1x1024xf32>, vector<1x1024xf32>, vector<1x1024xf32>, vector<1x1024xf32>, vector<1x1024xf32>, vector<1x1024xf32>, vector<1x1024xf32>, vector<1x1024xf32>, vector<1x1024xf32>, vector<1x1024xf32>, vector<1x1024xf32>, vector<1x1024xf32>, vector<1x1024xf32>, vector<1x1024xf32>, vector<1x1024xf32>, vector<1x1024xf32>, vector<1x1024xf32>, vector<1x1024xf32>, vector<1x1024xf32>, vector<1x1024xf32>, vector<1x1024xf32>, vector<1x1024xf32>, vector<1x1024xf32>, vector<1x1024xf32>, vector<1x1024xf32>, vector<1x1024xf32>, vector<1x1024xf32>, vector<1x1024xf32>, vector<1x1024xf32>, vector<1x1024xf32>, vector<1x1024xf32>, vector<1x1024xf32> -> vector<64x1024xf32>
    %swap3A_1427 = arith.constant 1 : index
    %swap3A_1428 = arith.constant 0 : index
    %swap3A_1429 = arith.constant 0 : index
    %swap3A_1430 = vector.load %arg3[%swap3A_1427, %swap3A_1428, %swap3A_1429] : memref<5x64x1024xf32, #tpu.memory_space<vmem>>, vector<1x64x1024xf32>
    %swap3A_1431 = vector.shape_cast %swap3A_1430 : vector<1x64x1024xf32> to vector<64x1024xf32>
    %swap3A_1432 = vector.shape_cast %concatenate3A_1426 : vector<64x1024xf32> to vector<1x64x1024xf32>
    tpu.vector_store %arg3[%swap3A_1427, %swap3A_1428, %swap3A_1429], %swap3A_1432 {strides = array<i32>} : memref<5x64x1024xf32, #tpu.memory_space<vmem>>, vector<1x64x1024xf32>,
    %get3A_1433 = arith.constant 2048 : index
    %get3A_1434 = arith.constant 0 : index
    %get3A_1435 = vector.load %arg1[%get3A_1433, %get3A_1434] : memref<5120x128xf32, #tpu.memory_space<vmem>>, vector<1024x64xf32>
    %sub3A_1436 = arith.constant -2.000000e+00 : f32
    %sub3A_1437 = vector.broadcast %sub3A_1436 : f32 to vector<1024x64xf32>
    %sub3A_1438 = arith.subf %get3A_1435, %sub3A_1437 : vector<1024x64xf32>
    %mul3A_1439 = arith.constant 1.600000e+01 : f32
    %mul3A_1440 = vector.broadcast %mul3A_1439 : f32 to vector<1024x64xf32>
    %mul3A_1441 = arith.mulf %sub3A_1438, %mul3A_1440 : vector<1024x64xf32>
    %transpose3A_1442 = tpu.transpose %mul3A_1441, [1, 0] : vector<1024x64xf32> -> vector<64x1024xf32>
    %gt3A_1443 = arith.constant 5.000000e-01 : f32
    %gt3A_1444 = vector.broadcast %gt3A_1443 : f32 to vector<64x1024xf32>
    %gt3A_1445 = arith.cmpf ogt, %transpose3A_1442, %gt3A_1444 : vector<64x1024xf32>
    %jit3A_1446 = arith.constant 1.000000e+00 : f32
    %jit3A_1447 = arith.constant -1.000000e+00 : f32
    %broadcast_in_dim3A_1448 = vector.broadcast %jit3A_1446 : f32 to vector<64x1024xf32>
    %broadcast_in_dim3A_1449 = vector.broadcast %jit3A_1447 : f32 to vector<64x1024xf32>
    %select_n3A_1450 = arith.select %gt3A_1445, %broadcast_in_dim3A_1448, %broadcast_in_dim3A_1449 : vector<64x1024xi1>, vector<64x1024xf32>
    %slice3A_1451 = vector.extract_strided_slice %get3A_1 {offsets = [0, 0], sizes = [64, 1], strides = [1, 1]} : vector<64x64xf32> to vector<64x1xf32>
    %dot_general3A_1452 = arith.constant dense<0.000000e+00> : vector<1x1024xf32>
    %dot_general3A_1453 = tpu.matmul %slice3A_1451, %select_n3A_1450, %dot_general3A_1452 {dimension_numbers = #tpu.dot_dimension_numbers<[0], [0], [1], [1], [0, 1, 1, 1], [], []>, transpose_lhs_hint = false} : vector<64x1xf32>, vector<64x1024xf32>, vector<1x1024xf32> -> vector<1x1024xf32>
    %gt3A_1454 = arith.constant 1.500000e+00 : f32
    %gt3A_1455 = vector.broadcast %gt3A_1454 : f32 to vector<64x1024xf32>
    %gt3A_1456 = arith.cmpf ogt, %transpose3A_1442, %gt3A_1455 : vector<64x1024xf32>
    %jit3A_1457 = arith.constant 1.000000e+00 : f32
    %jit3A_1458 = arith.constant -1.000000e+00 : f32
    %broadcast_in_dim3A_1459 = vector.broadcast %jit3A_1457 : f32 to vector<64x1024xf32>
    %broadcast_in_dim3A_1460 = vector.broadcast %jit3A_1458 : f32 to vector<64x1024xf32>
    %select_n3A_1461 = arith.select %gt3A_1456, %broadcast_in_dim3A_1459, %broadcast_in_dim3A_1460 : vector<64x1024xi1>, vector<64x1024xf32>
    %slice3A_1462 = vector.extract_strided_slice %get3A_1 {offsets = [0, 1], sizes = [64, 1], strides = [1, 1]} : vector<64x64xf32> to vector<64x1xf32>
    %dot_general3A_1463 = arith.constant dense<0.000000e+00> : vector<1x1024xf32>
    %dot_general3A_1464 = tpu.matmul %slice3A_1462, %select_n3A_1461, %dot_general3A_1463 {dimension_numbers = #tpu.dot_dimension_numbers<[0], [0], [1], [1], [0, 1, 1, 1], [], []>, transpose_lhs_hint = false} : vector<64x1xf32>, vector<64x1024xf32>, vector<1x1024xf32> -> vector<1x1024xf32>
    %gt3A_1465 = arith.constant 2.500000e+00 : f32
    %gt3A_1466 = vector.broadcast %gt3A_1465 : f32 to vector<64x1024xf32>
    %gt3A_1467 = arith.cmpf ogt, %transpose3A_1442, %gt3A_1466 : vector<64x1024xf32>
    %jit3A_1468 = arith.constant 1.000000e+00 : f32
    %jit3A_1469 = arith.constant -1.000000e+00 : f32
    %broadcast_in_dim3A_1470 = vector.broadcast %jit3A_1468 : f32 to vector<64x1024xf32>
    %broadcast_in_dim3A_1471 = vector.broadcast %jit3A_1469 : f32 to vector<64x1024xf32>
    %select_n3A_1472 = arith.select %gt3A_1467, %broadcast_in_dim3A_1470, %broadcast_in_dim3A_1471 : vector<64x1024xi1>, vector<64x1024xf32>
    %slice3A_1473 = vector.extract_strided_slice %get3A_1 {offsets = [0, 2], sizes = [64, 1], strides = [1, 1]} : vector<64x64xf32> to vector<64x1xf32>
    %dot_general3A_1474 = arith.constant dense<0.000000e+00> : vector<1x1024xf32>
    %dot_general3A_1475 = tpu.matmul %slice3A_1473, %select_n3A_1472, %dot_general3A_1474 {dimension_numbers = #tpu.dot_dimension_numbers<[0], [0], [1], [1], [0, 1, 1, 1], [], []>, transpose_lhs_hint = false} : vector<64x1xf32>, vector<64x1024xf32>, vector<1x1024xf32> -> vector<1x1024xf32>
    %gt3A_1476 = arith.constant 3.500000e+00 : f32
    %gt3A_1477 = vector.broadcast %gt3A_1476 : f32 to vector<64x1024xf32>
    %gt3A_1478 = arith.cmpf ogt, %transpose3A_1442, %gt3A_1477 : vector<64x1024xf32>
    %jit3A_1479 = arith.constant 1.000000e+00 : f32
    %jit3A_1480 = arith.constant -1.000000e+00 : f32
    %broadcast_in_dim3A_1481 = vector.broadcast %jit3A_1479 : f32 to vector<64x1024xf32>
    %broadcast_in_dim3A_1482 = vector.broadcast %jit3A_1480 : f32 to vector<64x1024xf32>
    %select_n3A_1483 = arith.select %gt3A_1478, %broadcast_in_dim3A_1481, %broadcast_in_dim3A_1482 : vector<64x1024xi1>, vector<64x1024xf32>
    %slice3A_1484 = vector.extract_strided_slice %get3A_1 {offsets = [0, 3], sizes = [64, 1], strides = [1, 1]} : vector<64x64xf32> to vector<64x1xf32>
    %dot_general3A_1485 = arith.constant dense<0.000000e+00> : vector<1x1024xf32>
    %dot_general3A_1486 = tpu.matmul %slice3A_1484, %select_n3A_1483, %dot_general3A_1485 {dimension_numbers = #tpu.dot_dimension_numbers<[0], [0], [1], [1], [0, 1, 1, 1], [], []>, transpose_lhs_hint = false} : vector<64x1xf32>, vector<64x1024xf32>, vector<1x1024xf32> -> vector<1x1024xf32>
    %gt3A_1487 = arith.constant 4.500000e+00 : f32
    %gt3A_1488 = vector.broadcast %gt3A_1487 : f32 to vector<64x1024xf32>
    %gt3A_1489 = arith.cmpf ogt, %transpose3A_1442, %gt3A_1488 : vector<64x1024xf32>
    %jit3A_1490 = arith.constant 1.000000e+00 : f32
    %jit3A_1491 = arith.constant -1.000000e+00 : f32
    %broadcast_in_dim3A_1492 = vector.broadcast %jit3A_1490 : f32 to vector<64x1024xf32>
    %broadcast_in_dim3A_1493 = vector.broadcast %jit3A_1491 : f32 to vector<64x1024xf32>
    %select_n3A_1494 = arith.select %gt3A_1489, %broadcast_in_dim3A_1492, %broadcast_in_dim3A_1493 : vector<64x1024xi1>, vector<64x1024xf32>
    %slice3A_1495 = vector.extract_strided_slice %get3A_1 {offsets = [0, 4], sizes = [64, 1], strides = [1, 1]} : vector<64x64xf32> to vector<64x1xf32>
    %dot_general3A_1496 = arith.constant dense<0.000000e+00> : vector<1x1024xf32>
    %dot_general3A_1497 = tpu.matmul %slice3A_1495, %select_n3A_1494, %dot_general3A_1496 {dimension_numbers = #tpu.dot_dimension_numbers<[0], [0], [1], [1], [0, 1, 1, 1], [], []>, transpose_lhs_hint = false} : vector<64x1xf32>, vector<64x1024xf32>, vector<1x1024xf32> -> vector<1x1024xf32>
    %gt3A_1498 = arith.constant 5.500000e+00 : f32
    %gt3A_1499 = vector.broadcast %gt3A_1498 : f32 to vector<64x1024xf32>
    %gt3A_1500 = arith.cmpf ogt, %transpose3A_1442, %gt3A_1499 : vector<64x1024xf32>
    %jit3A_1501 = arith.constant 1.000000e+00 : f32
    %jit3A_1502 = arith.constant -1.000000e+00 : f32
    %broadcast_in_dim3A_1503 = vector.broadcast %jit3A_1501 : f32 to vector<64x1024xf32>
    %broadcast_in_dim3A_1504 = vector.broadcast %jit3A_1502 : f32 to vector<64x1024xf32>
    %select_n3A_1505 = arith.select %gt3A_1500, %broadcast_in_dim3A_1503, %broadcast_in_dim3A_1504 : vector<64x1024xi1>, vector<64x1024xf32>
    %slice3A_1506 = vector.extract_strided_slice %get3A_1 {offsets = [0, 5], sizes = [64, 1], strides = [1, 1]} : vector<64x64xf32> to vector<64x1xf32>
    %dot_general3A_1507 = arith.constant dense<0.000000e+00> : vector<1x1024xf32>
    %dot_general3A_1508 = tpu.matmul %slice3A_1506, %select_n3A_1505, %dot_general3A_1507 {dimension_numbers = #tpu.dot_dimension_numbers<[0], [0], [1], [1], [0, 1, 1, 1], [], []>, transpose_lhs_hint = false} : vector<64x1xf32>, vector<64x1024xf32>, vector<1x1024xf32> -> vector<1x1024xf32>
    %gt3A_1509 = arith.constant 6.500000e+00 : f32
    %gt3A_1510 = vector.broadcast %gt3A_1509 : f32 to vector<64x1024xf32>
    %gt3A_1511 = arith.cmpf ogt, %transpose3A_1442, %gt3A_1510 : vector<64x1024xf32>
    %jit3A_1512 = arith.constant 1.000000e+00 : f32
    %jit3A_1513 = arith.constant -1.000000e+00 : f32
    %broadcast_in_dim3A_1514 = vector.broadcast %jit3A_1512 : f32 to vector<64x1024xf32>
    %broadcast_in_dim3A_1515 = vector.broadcast %jit3A_1513 : f32 to vector<64x1024xf32>
    %select_n3A_1516 = arith.select %gt3A_1511, %broadcast_in_dim3A_1514, %broadcast_in_dim3A_1515 : vector<64x1024xi1>, vector<64x1024xf32>
    %slice3A_1517 = vector.extract_strided_slice %get3A_1 {offsets = [0, 6], sizes = [64, 1], strides = [1, 1]} : vector<64x64xf32> to vector<64x1xf32>
    %dot_general3A_1518 = arith.constant dense<0.000000e+00> : vector<1x1024xf32>
    %dot_general3A_1519 = tpu.matmul %slice3A_1517, %select_n3A_1516, %dot_general3A_1518 {dimension_numbers = #tpu.dot_dimension_numbers<[0], [0], [1], [1], [0, 1, 1, 1], [], []>, transpose_lhs_hint = false} : vector<64x1xf32>, vector<64x1024xf32>, vector<1x1024xf32> -> vector<1x1024xf32>
    %gt3A_1520 = arith.constant 7.500000e+00 : f32
    %gt3A_1521 = vector.broadcast %gt3A_1520 : f32 to vector<64x1024xf32>
    %gt3A_1522 = arith.cmpf ogt, %transpose3A_1442, %gt3A_1521 : vector<64x1024xf32>
    %jit3A_1523 = arith.constant 1.000000e+00 : f32
    %jit3A_1524 = arith.constant -1.000000e+00 : f32
    %broadcast_in_dim3A_1525 = vector.broadcast %jit3A_1523 : f32 to vector<64x1024xf32>
    %broadcast_in_dim3A_1526 = vector.broadcast %jit3A_1524 : f32 to vector<64x1024xf32>
    %select_n3A_1527 = arith.select %gt3A_1522, %broadcast_in_dim3A_1525, %broadcast_in_dim3A_1526 : vector<64x1024xi1>, vector<64x1024xf32>
    %slice3A_1528 = vector.extract_strided_slice %get3A_1 {offsets = [0, 7], sizes = [64, 1], strides = [1, 1]} : vector<64x64xf32> to vector<64x1xf32>
    %dot_general3A_1529 = arith.constant dense<0.000000e+00> : vector<1x1024xf32>
    %dot_general3A_1530 = tpu.matmul %slice3A_1528, %select_n3A_1527, %dot_general3A_1529 {dimension_numbers = #tpu.dot_dimension_numbers<[0], [0], [1], [1], [0, 1, 1, 1], [], []>, transpose_lhs_hint = false} : vector<64x1xf32>, vector<64x1024xf32>, vector<1x1024xf32> -> vector<1x1024xf32>
    %gt3A_1531 = arith.constant 8.500000e+00 : f32
    %gt3A_1532 = vector.broadcast %gt3A_1531 : f32 to vector<64x1024xf32>
    %gt3A_1533 = arith.cmpf ogt, %transpose3A_1442, %gt3A_1532 : vector<64x1024xf32>
    %jit3A_1534 = arith.constant 1.000000e+00 : f32
    %jit3A_1535 = arith.constant -1.000000e+00 : f32
    %broadcast_in_dim3A_1536 = vector.broadcast %jit3A_1534 : f32 to vector<64x1024xf32>
    %broadcast_in_dim3A_1537 = vector.broadcast %jit3A_1535 : f32 to vector<64x1024xf32>
    %select_n3A_1538 = arith.select %gt3A_1533, %broadcast_in_dim3A_1536, %broadcast_in_dim3A_1537 : vector<64x1024xi1>, vector<64x1024xf32>
    %slice3A_1539 = vector.extract_strided_slice %get3A_1 {offsets = [0, 8], sizes = [64, 1], strides = [1, 1]} : vector<64x64xf32> to vector<64x1xf32>
    %dot_general3A_1540 = arith.constant dense<0.000000e+00> : vector<1x1024xf32>
    %dot_general3A_1541 = tpu.matmul %slice3A_1539, %select_n3A_1538, %dot_general3A_1540 {dimension_numbers = #tpu.dot_dimension_numbers<[0], [0], [1], [1], [0, 1, 1, 1], [], []>, transpose_lhs_hint = false} : vector<64x1xf32>, vector<64x1024xf32>, vector<1x1024xf32> -> vector<1x1024xf32>
    %gt3A_1542 = arith.constant 9.500000e+00 : f32
    %gt3A_1543 = vector.broadcast %gt3A_1542 : f32 to vector<64x1024xf32>
    %gt3A_1544 = arith.cmpf ogt, %transpose3A_1442, %gt3A_1543 : vector<64x1024xf32>
    %jit3A_1545 = arith.constant 1.000000e+00 : f32
    %jit3A_1546 = arith.constant -1.000000e+00 : f32
    %broadcast_in_dim3A_1547 = vector.broadcast %jit3A_1545 : f32 to vector<64x1024xf32>
    %broadcast_in_dim3A_1548 = vector.broadcast %jit3A_1546 : f32 to vector<64x1024xf32>
    %select_n3A_1549 = arith.select %gt3A_1544, %broadcast_in_dim3A_1547, %broadcast_in_dim3A_1548 : vector<64x1024xi1>, vector<64x1024xf32>
    %slice3A_1550 = vector.extract_strided_slice %get3A_1 {offsets = [0, 9], sizes = [64, 1], strides = [1, 1]} : vector<64x64xf32> to vector<64x1xf32>
    %dot_general3A_1551 = arith.constant dense<0.000000e+00> : vector<1x1024xf32>
    %dot_general3A_1552 = tpu.matmul %slice3A_1550, %select_n3A_1549, %dot_general3A_1551 {dimension_numbers = #tpu.dot_dimension_numbers<[0], [0], [1], [1], [0, 1, 1, 1], [], []>, transpose_lhs_hint = false} : vector<64x1xf32>, vector<64x1024xf32>, vector<1x1024xf32> -> vector<1x1024xf32>
    %gt3A_1553 = arith.constant 1.050000e+01 : f32
    %gt3A_1554 = vector.broadcast %gt3A_1553 : f32 to vector<64x1024xf32>
    %gt3A_1555 = arith.cmpf ogt, %transpose3A_1442, %gt3A_1554 : vector<64x1024xf32>
    %jit3A_1556 = arith.constant 1.000000e+00 : f32
    %jit3A_1557 = arith.constant -1.000000e+00 : f32
    %broadcast_in_dim3A_1558 = vector.broadcast %jit3A_1556 : f32 to vector<64x1024xf32>
    %broadcast_in_dim3A_1559 = vector.broadcast %jit3A_1557 : f32 to vector<64x1024xf32>
    %select_n3A_1560 = arith.select %gt3A_1555, %broadcast_in_dim3A_1558, %broadcast_in_dim3A_1559 : vector<64x1024xi1>, vector<64x1024xf32>
    %slice3A_1561 = vector.extract_strided_slice %get3A_1 {offsets = [0, 10], sizes = [64, 1], strides = [1, 1]} : vector<64x64xf32> to vector<64x1xf32>
    %dot_general3A_1562 = arith.constant dense<0.000000e+00> : vector<1x1024xf32>
    %dot_general3A_1563 = tpu.matmul %slice3A_1561, %select_n3A_1560, %dot_general3A_1562 {dimension_numbers = #tpu.dot_dimension_numbers<[0], [0], [1], [1], [0, 1, 1, 1], [], []>, transpose_lhs_hint = false} : vector<64x1xf32>, vector<64x1024xf32>, vector<1x1024xf32> -> vector<1x1024xf32>
    %gt3A_1564 = arith.constant 1.150000e+01 : f32
    %gt3A_1565 = vector.broadcast %gt3A_1564 : f32 to vector<64x1024xf32>
    %gt3A_1566 = arith.cmpf ogt, %transpose3A_1442, %gt3A_1565 : vector<64x1024xf32>
    %jit3A_1567 = arith.constant 1.000000e+00 : f32
    %jit3A_1568 = arith.constant -1.000000e+00 : f32
    %broadcast_in_dim3A_1569 = vector.broadcast %jit3A_1567 : f32 to vector<64x1024xf32>
    %broadcast_in_dim3A_1570 = vector.broadcast %jit3A_1568 : f32 to vector<64x1024xf32>
    %select_n3A_1571 = arith.select %gt3A_1566, %broadcast_in_dim3A_1569, %broadcast_in_dim3A_1570 : vector<64x1024xi1>, vector<64x1024xf32>
    %slice3A_1572 = vector.extract_strided_slice %get3A_1 {offsets = [0, 11], sizes = [64, 1], strides = [1, 1]} : vector<64x64xf32> to vector<64x1xf32>
    %dot_general3A_1573 = arith.constant dense<0.000000e+00> : vector<1x1024xf32>
    %dot_general3A_1574 = tpu.matmul %slice3A_1572, %select_n3A_1571, %dot_general3A_1573 {dimension_numbers = #tpu.dot_dimension_numbers<[0], [0], [1], [1], [0, 1, 1, 1], [], []>, transpose_lhs_hint = false} : vector<64x1xf32>, vector<64x1024xf32>, vector<1x1024xf32> -> vector<1x1024xf32>
    %gt3A_1575 = arith.constant 1.250000e+01 : f32
    %gt3A_1576 = vector.broadcast %gt3A_1575 : f32 to vector<64x1024xf32>
    %gt3A_1577 = arith.cmpf ogt, %transpose3A_1442, %gt3A_1576 : vector<64x1024xf32>
    %jit3A_1578 = arith.constant 1.000000e+00 : f32
    %jit3A_1579 = arith.constant -1.000000e+00 : f32
    %broadcast_in_dim3A_1580 = vector.broadcast %jit3A_1578 : f32 to vector<64x1024xf32>
    %broadcast_in_dim3A_1581 = vector.broadcast %jit3A_1579 : f32 to vector<64x1024xf32>
    %select_n3A_1582 = arith.select %gt3A_1577, %broadcast_in_dim3A_1580, %broadcast_in_dim3A_1581 : vector<64x1024xi1>, vector<64x1024xf32>
    %slice3A_1583 = vector.extract_strided_slice %get3A_1 {offsets = [0, 12], sizes = [64, 1], strides = [1, 1]} : vector<64x64xf32> to vector<64x1xf32>
    %dot_general3A_1584 = arith.constant dense<0.000000e+00> : vector<1x1024xf32>
    %dot_general3A_1585 = tpu.matmul %slice3A_1583, %select_n3A_1582, %dot_general3A_1584 {dimension_numbers = #tpu.dot_dimension_numbers<[0], [0], [1], [1], [0, 1, 1, 1], [], []>, transpose_lhs_hint = false} : vector<64x1xf32>, vector<64x1024xf32>, vector<1x1024xf32> -> vector<1x1024xf32>
    %gt3A_1586 = arith.constant 1.350000e+01 : f32
    %gt3A_1587 = vector.broadcast %gt3A_1586 : f32 to vector<64x1024xf32>
    %gt3A_1588 = arith.cmpf ogt, %transpose3A_1442, %gt3A_1587 : vector<64x1024xf32>
    %jit3A_1589 = arith.constant 1.000000e+00 : f32
    %jit3A_1590 = arith.constant -1.000000e+00 : f32
    %broadcast_in_dim3A_1591 = vector.broadcast %jit3A_1589 : f32 to vector<64x1024xf32>
    %broadcast_in_dim3A_1592 = vector.broadcast %jit3A_1590 : f32 to vector<64x1024xf32>
    %select_n3A_1593 = arith.select %gt3A_1588, %broadcast_in_dim3A_1591, %broadcast_in_dim3A_1592 : vector<64x1024xi1>, vector<64x1024xf32>
    %slice3A_1594 = vector.extract_strided_slice %get3A_1 {offsets = [0, 13], sizes = [64, 1], strides = [1, 1]} : vector<64x64xf32> to vector<64x1xf32>
    %dot_general3A_1595 = arith.constant dense<0.000000e+00> : vector<1x1024xf32>
    %dot_general3A_1596 = tpu.matmul %slice3A_1594, %select_n3A_1593, %dot_general3A_1595 {dimension_numbers = #tpu.dot_dimension_numbers<[0], [0], [1], [1], [0, 1, 1, 1], [], []>, transpose_lhs_hint = false} : vector<64x1xf32>, vector<64x1024xf32>, vector<1x1024xf32> -> vector<1x1024xf32>
    %gt3A_1597 = arith.constant 1.450000e+01 : f32
    %gt3A_1598 = vector.broadcast %gt3A_1597 : f32 to vector<64x1024xf32>
    %gt3A_1599 = arith.cmpf ogt, %transpose3A_1442, %gt3A_1598 : vector<64x1024xf32>
    %jit3A_1600 = arith.constant 1.000000e+00 : f32
    %jit3A_1601 = arith.constant -1.000000e+00 : f32
    %broadcast_in_dim3A_1602 = vector.broadcast %jit3A_1600 : f32 to vector<64x1024xf32>
    %broadcast_in_dim3A_1603 = vector.broadcast %jit3A_1601 : f32 to vector<64x1024xf32>
    %select_n3A_1604 = arith.select %gt3A_1599, %broadcast_in_dim3A_1602, %broadcast_in_dim3A_1603 : vector<64x1024xi1>, vector<64x1024xf32>
    %slice3A_1605 = vector.extract_strided_slice %get3A_1 {offsets = [0, 14], sizes = [64, 1], strides = [1, 1]} : vector<64x64xf32> to vector<64x1xf32>
    %dot_general3A_1606 = arith.constant dense<0.000000e+00> : vector<1x1024xf32>
    %dot_general3A_1607 = tpu.matmul %slice3A_1605, %select_n3A_1604, %dot_general3A_1606 {dimension_numbers = #tpu.dot_dimension_numbers<[0], [0], [1], [1], [0, 1, 1, 1], [], []>, transpose_lhs_hint = false} : vector<64x1xf32>, vector<64x1024xf32>, vector<1x1024xf32> -> vector<1x1024xf32>
    %gt3A_1608 = arith.constant 1.550000e+01 : f32
    %gt3A_1609 = vector.broadcast %gt3A_1608 : f32 to vector<64x1024xf32>
    %gt3A_1610 = arith.cmpf ogt, %transpose3A_1442, %gt3A_1609 : vector<64x1024xf32>
    %jit3A_1611 = arith.constant 1.000000e+00 : f32
    %jit3A_1612 = arith.constant -1.000000e+00 : f32
    %broadcast_in_dim3A_1613 = vector.broadcast %jit3A_1611 : f32 to vector<64x1024xf32>
    %broadcast_in_dim3A_1614 = vector.broadcast %jit3A_1612 : f32 to vector<64x1024xf32>
    %select_n3A_1615 = arith.select %gt3A_1610, %broadcast_in_dim3A_1613, %broadcast_in_dim3A_1614 : vector<64x1024xi1>, vector<64x1024xf32>
    %slice3A_1616 = vector.extract_strided_slice %get3A_1 {offsets = [0, 15], sizes = [64, 1], strides = [1, 1]} : vector<64x64xf32> to vector<64x1xf32>
    %dot_general3A_1617 = arith.constant dense<0.000000e+00> : vector<1x1024xf32>
    %dot_general3A_1618 = tpu.matmul %slice3A_1616, %select_n3A_1615, %dot_general3A_1617 {dimension_numbers = #tpu.dot_dimension_numbers<[0], [0], [1], [1], [0, 1, 1, 1], [], []>, transpose_lhs_hint = false} : vector<64x1xf32>, vector<64x1024xf32>, vector<1x1024xf32> -> vector<1x1024xf32>
    %gt3A_1619 = arith.constant 1.650000e+01 : f32
    %gt3A_1620 = vector.broadcast %gt3A_1619 : f32 to vector<64x1024xf32>
    %gt3A_1621 = arith.cmpf ogt, %transpose3A_1442, %gt3A_1620 : vector<64x1024xf32>
    %jit3A_1622 = arith.constant 1.000000e+00 : f32
    %jit3A_1623 = arith.constant -1.000000e+00 : f32
    %broadcast_in_dim3A_1624 = vector.broadcast %jit3A_1622 : f32 to vector<64x1024xf32>
    %broadcast_in_dim3A_1625 = vector.broadcast %jit3A_1623 : f32 to vector<64x1024xf32>
    %select_n3A_1626 = arith.select %gt3A_1621, %broadcast_in_dim3A_1624, %broadcast_in_dim3A_1625 : vector<64x1024xi1>, vector<64x1024xf32>
    %slice3A_1627 = vector.extract_strided_slice %get3A_1 {offsets = [0, 16], sizes = [64, 1], strides = [1, 1]} : vector<64x64xf32> to vector<64x1xf32>
    %dot_general3A_1628 = arith.constant dense<0.000000e+00> : vector<1x1024xf32>
    %dot_general3A_1629 = tpu.matmul %slice3A_1627, %select_n3A_1626, %dot_general3A_1628 {dimension_numbers = #tpu.dot_dimension_numbers<[0], [0], [1], [1], [0, 1, 1, 1], [], []>, transpose_lhs_hint = false} : vector<64x1xf32>, vector<64x1024xf32>, vector<1x1024xf32> -> vector<1x1024xf32>
    %gt3A_1630 = arith.constant 1.750000e+01 : f32
    %gt3A_1631 = vector.broadcast %gt3A_1630 : f32 to vector<64x1024xf32>
    %gt3A_1632 = arith.cmpf ogt, %transpose3A_1442, %gt3A_1631 : vector<64x1024xf32>
    %jit3A_1633 = arith.constant 1.000000e+00 : f32
    %jit3A_1634 = arith.constant -1.000000e+00 : f32
    %broadcast_in_dim3A_1635 = vector.broadcast %jit3A_1633 : f32 to vector<64x1024xf32>
    %broadcast_in_dim3A_1636 = vector.broadcast %jit3A_1634 : f32 to vector<64x1024xf32>
    %select_n3A_1637 = arith.select %gt3A_1632, %broadcast_in_dim3A_1635, %broadcast_in_dim3A_1636 : vector<64x1024xi1>, vector<64x1024xf32>
    %slice3A_1638 = vector.extract_strided_slice %get3A_1 {offsets = [0, 17], sizes = [64, 1], strides = [1, 1]} : vector<64x64xf32> to vector<64x1xf32>
    %dot_general3A_1639 = arith.constant dense<0.000000e+00> : vector<1x1024xf32>
    %dot_general3A_1640 = tpu.matmul %slice3A_1638, %select_n3A_1637, %dot_general3A_1639 {dimension_numbers = #tpu.dot_dimension_numbers<[0], [0], [1], [1], [0, 1, 1, 1], [], []>, transpose_lhs_hint = false} : vector<64x1xf32>, vector<64x1024xf32>, vector<1x1024xf32> -> vector<1x1024xf32>
    %gt3A_1641 = arith.constant 1.850000e+01 : f32
    %gt3A_1642 = vector.broadcast %gt3A_1641 : f32 to vector<64x1024xf32>
    %gt3A_1643 = arith.cmpf ogt, %transpose3A_1442, %gt3A_1642 : vector<64x1024xf32>
    %jit3A_1644 = arith.constant 1.000000e+00 : f32
    %jit3A_1645 = arith.constant -1.000000e+00 : f32
    %broadcast_in_dim3A_1646 = vector.broadcast %jit3A_1644 : f32 to vector<64x1024xf32>
    %broadcast_in_dim3A_1647 = vector.broadcast %jit3A_1645 : f32 to vector<64x1024xf32>
    %select_n3A_1648 = arith.select %gt3A_1643, %broadcast_in_dim3A_1646, %broadcast_in_dim3A_1647 : vector<64x1024xi1>, vector<64x1024xf32>
    %slice3A_1649 = vector.extract_strided_slice %get3A_1 {offsets = [0, 18], sizes = [64, 1], strides = [1, 1]} : vector<64x64xf32> to vector<64x1xf32>
    %dot_general3A_1650 = arith.constant dense<0.000000e+00> : vector<1x1024xf32>
    %dot_general3A_1651 = tpu.matmul %slice3A_1649, %select_n3A_1648, %dot_general3A_1650 {dimension_numbers = #tpu.dot_dimension_numbers<[0], [0], [1], [1], [0, 1, 1, 1], [], []>, transpose_lhs_hint = false} : vector<64x1xf32>, vector<64x1024xf32>, vector<1x1024xf32> -> vector<1x1024xf32>
    %gt3A_1652 = arith.constant 1.950000e+01 : f32
    %gt3A_1653 = vector.broadcast %gt3A_1652 : f32 to vector<64x1024xf32>
    %gt3A_1654 = arith.cmpf ogt, %transpose3A_1442, %gt3A_1653 : vector<64x1024xf32>
    %jit3A_1655 = arith.constant 1.000000e+00 : f32
    %jit3A_1656 = arith.constant -1.000000e+00 : f32
    %broadcast_in_dim3A_1657 = vector.broadcast %jit3A_1655 : f32 to vector<64x1024xf32>
    %broadcast_in_dim3A_1658 = vector.broadcast %jit3A_1656 : f32 to vector<64x1024xf32>
    %select_n3A_1659 = arith.select %gt3A_1654, %broadcast_in_dim3A_1657, %broadcast_in_dim3A_1658 : vector<64x1024xi1>, vector<64x1024xf32>
    %slice3A_1660 = vector.extract_strided_slice %get3A_1 {offsets = [0, 19], sizes = [64, 1], strides = [1, 1]} : vector<64x64xf32> to vector<64x1xf32>
    %dot_general3A_1661 = arith.constant dense<0.000000e+00> : vector<1x1024xf32>
    %dot_general3A_1662 = tpu.matmul %slice3A_1660, %select_n3A_1659, %dot_general3A_1661 {dimension_numbers = #tpu.dot_dimension_numbers<[0], [0], [1], [1], [0, 1, 1, 1], [], []>, transpose_lhs_hint = false} : vector<64x1xf32>, vector<64x1024xf32>, vector<1x1024xf32> -> vector<1x1024xf32>
    %gt3A_1663 = arith.constant 2.050000e+01 : f32
    %gt3A_1664 = vector.broadcast %gt3A_1663 : f32 to vector<64x1024xf32>
    %gt3A_1665 = arith.cmpf ogt, %transpose3A_1442, %gt3A_1664 : vector<64x1024xf32>
    %jit3A_1666 = arith.constant 1.000000e+00 : f32
    %jit3A_1667 = arith.constant -1.000000e+00 : f32
    %broadcast_in_dim3A_1668 = vector.broadcast %jit3A_1666 : f32 to vector<64x1024xf32>
    %broadcast_in_dim3A_1669 = vector.broadcast %jit3A_1667 : f32 to vector<64x1024xf32>
    %select_n3A_1670 = arith.select %gt3A_1665, %broadcast_in_dim3A_1668, %broadcast_in_dim3A_1669 : vector<64x1024xi1>, vector<64x1024xf32>
    %slice3A_1671 = vector.extract_strided_slice %get3A_1 {offsets = [0, 20], sizes = [64, 1], strides = [1, 1]} : vector<64x64xf32> to vector<64x1xf32>
    %dot_general3A_1672 = arith.constant dense<0.000000e+00> : vector<1x1024xf32>
    %dot_general3A_1673 = tpu.matmul %slice3A_1671, %select_n3A_1670, %dot_general3A_1672 {dimension_numbers = #tpu.dot_dimension_numbers<[0], [0], [1], [1], [0, 1, 1, 1], [], []>, transpose_lhs_hint = false} : vector<64x1xf32>, vector<64x1024xf32>, vector<1x1024xf32> -> vector<1x1024xf32>
    %gt3A_1674 = arith.constant 2.150000e+01 : f32
    %gt3A_1675 = vector.broadcast %gt3A_1674 : f32 to vector<64x1024xf32>
    %gt3A_1676 = arith.cmpf ogt, %transpose3A_1442, %gt3A_1675 : vector<64x1024xf32>
    %jit3A_1677 = arith.constant 1.000000e+00 : f32
    %jit3A_1678 = arith.constant -1.000000e+00 : f32
    %broadcast_in_dim3A_1679 = vector.broadcast %jit3A_1677 : f32 to vector<64x1024xf32>
    %broadcast_in_dim3A_1680 = vector.broadcast %jit3A_1678 : f32 to vector<64x1024xf32>
    %select_n3A_1681 = arith.select %gt3A_1676, %broadcast_in_dim3A_1679, %broadcast_in_dim3A_1680 : vector<64x1024xi1>, vector<64x1024xf32>
    %slice3A_1682 = vector.extract_strided_slice %get3A_1 {offsets = [0, 21], sizes = [64, 1], strides = [1, 1]} : vector<64x64xf32> to vector<64x1xf32>
    %dot_general3A_1683 = arith.constant dense<0.000000e+00> : vector<1x1024xf32>
    %dot_general3A_1684 = tpu.matmul %slice3A_1682, %select_n3A_1681, %dot_general3A_1683 {dimension_numbers = #tpu.dot_dimension_numbers<[0], [0], [1], [1], [0, 1, 1, 1], [], []>, transpose_lhs_hint = false} : vector<64x1xf32>, vector<64x1024xf32>, vector<1x1024xf32> -> vector<1x1024xf32>
    %gt3A_1685 = arith.constant 2.250000e+01 : f32
    %gt3A_1686 = vector.broadcast %gt3A_1685 : f32 to vector<64x1024xf32>
    %gt3A_1687 = arith.cmpf ogt, %transpose3A_1442, %gt3A_1686 : vector<64x1024xf32>
    %jit3A_1688 = arith.constant 1.000000e+00 : f32
    %jit3A_1689 = arith.constant -1.000000e+00 : f32
    %broadcast_in_dim3A_1690 = vector.broadcast %jit3A_1688 : f32 to vector<64x1024xf32>
    %broadcast_in_dim3A_1691 = vector.broadcast %jit3A_1689 : f32 to vector<64x1024xf32>
    %select_n3A_1692 = arith.select %gt3A_1687, %broadcast_in_dim3A_1690, %broadcast_in_dim3A_1691 : vector<64x1024xi1>, vector<64x1024xf32>
    %slice3A_1693 = vector.extract_strided_slice %get3A_1 {offsets = [0, 22], sizes = [64, 1], strides = [1, 1]} : vector<64x64xf32> to vector<64x1xf32>
    %dot_general3A_1694 = arith.constant dense<0.000000e+00> : vector<1x1024xf32>
    %dot_general3A_1695 = tpu.matmul %slice3A_1693, %select_n3A_1692, %dot_general3A_1694 {dimension_numbers = #tpu.dot_dimension_numbers<[0], [0], [1], [1], [0, 1, 1, 1], [], []>, transpose_lhs_hint = false} : vector<64x1xf32>, vector<64x1024xf32>, vector<1x1024xf32> -> vector<1x1024xf32>
    %gt3A_1696 = arith.constant 2.350000e+01 : f32
    %gt3A_1697 = vector.broadcast %gt3A_1696 : f32 to vector<64x1024xf32>
    %gt3A_1698 = arith.cmpf ogt, %transpose3A_1442, %gt3A_1697 : vector<64x1024xf32>
    %jit3A_1699 = arith.constant 1.000000e+00 : f32
    %jit3A_1700 = arith.constant -1.000000e+00 : f32
    %broadcast_in_dim3A_1701 = vector.broadcast %jit3A_1699 : f32 to vector<64x1024xf32>
    %broadcast_in_dim3A_1702 = vector.broadcast %jit3A_1700 : f32 to vector<64x1024xf32>
    %select_n3A_1703 = arith.select %gt3A_1698, %broadcast_in_dim3A_1701, %broadcast_in_dim3A_1702 : vector<64x1024xi1>, vector<64x1024xf32>
    %slice3A_1704 = vector.extract_strided_slice %get3A_1 {offsets = [0, 23], sizes = [64, 1], strides = [1, 1]} : vector<64x64xf32> to vector<64x1xf32>
    %dot_general3A_1705 = arith.constant dense<0.000000e+00> : vector<1x1024xf32>
    %dot_general3A_1706 = tpu.matmul %slice3A_1704, %select_n3A_1703, %dot_general3A_1705 {dimension_numbers = #tpu.dot_dimension_numbers<[0], [0], [1], [1], [0, 1, 1, 1], [], []>, transpose_lhs_hint = false} : vector<64x1xf32>, vector<64x1024xf32>, vector<1x1024xf32> -> vector<1x1024xf32>
    %gt3A_1707 = arith.constant 2.450000e+01 : f32
    %gt3A_1708 = vector.broadcast %gt3A_1707 : f32 to vector<64x1024xf32>
    %gt3A_1709 = arith.cmpf ogt, %transpose3A_1442, %gt3A_1708 : vector<64x1024xf32>
    %jit3A_1710 = arith.constant 1.000000e+00 : f32
    %jit3A_1711 = arith.constant -1.000000e+00 : f32
    %broadcast_in_dim3A_1712 = vector.broadcast %jit3A_1710 : f32 to vector<64x1024xf32>
    %broadcast_in_dim3A_1713 = vector.broadcast %jit3A_1711 : f32 to vector<64x1024xf32>
    %select_n3A_1714 = arith.select %gt3A_1709, %broadcast_in_dim3A_1712, %broadcast_in_dim3A_1713 : vector<64x1024xi1>, vector<64x1024xf32>
    %slice3A_1715 = vector.extract_strided_slice %get3A_1 {offsets = [0, 24], sizes = [64, 1], strides = [1, 1]} : vector<64x64xf32> to vector<64x1xf32>
    %dot_general3A_1716 = arith.constant dense<0.000000e+00> : vector<1x1024xf32>
    %dot_general3A_1717 = tpu.matmul %slice3A_1715, %select_n3A_1714, %dot_general3A_1716 {dimension_numbers = #tpu.dot_dimension_numbers<[0], [0], [1], [1], [0, 1, 1, 1], [], []>, transpose_lhs_hint = false} : vector<64x1xf32>, vector<64x1024xf32>, vector<1x1024xf32> -> vector<1x1024xf32>
    %gt3A_1718 = arith.constant 2.550000e+01 : f32
    %gt3A_1719 = vector.broadcast %gt3A_1718 : f32 to vector<64x1024xf32>
    %gt3A_1720 = arith.cmpf ogt, %transpose3A_1442, %gt3A_1719 : vector<64x1024xf32>
    %jit3A_1721 = arith.constant 1.000000e+00 : f32
    %jit3A_1722 = arith.constant -1.000000e+00 : f32
    %broadcast_in_dim3A_1723 = vector.broadcast %jit3A_1721 : f32 to vector<64x1024xf32>
    %broadcast_in_dim3A_1724 = vector.broadcast %jit3A_1722 : f32 to vector<64x1024xf32>
    %select_n3A_1725 = arith.select %gt3A_1720, %broadcast_in_dim3A_1723, %broadcast_in_dim3A_1724 : vector<64x1024xi1>, vector<64x1024xf32>
    %slice3A_1726 = vector.extract_strided_slice %get3A_1 {offsets = [0, 25], sizes = [64, 1], strides = [1, 1]} : vector<64x64xf32> to vector<64x1xf32>
    %dot_general3A_1727 = arith.constant dense<0.000000e+00> : vector<1x1024xf32>
    %dot_general3A_1728 = tpu.matmul %slice3A_1726, %select_n3A_1725, %dot_general3A_1727 {dimension_numbers = #tpu.dot_dimension_numbers<[0], [0], [1], [1], [0, 1, 1, 1], [], []>, transpose_lhs_hint = false} : vector<64x1xf32>, vector<64x1024xf32>, vector<1x1024xf32> -> vector<1x1024xf32>
    %gt3A_1729 = arith.constant 2.650000e+01 : f32
    %gt3A_1730 = vector.broadcast %gt3A_1729 : f32 to vector<64x1024xf32>
    %gt3A_1731 = arith.cmpf ogt, %transpose3A_1442, %gt3A_1730 : vector<64x1024xf32>
    %jit3A_1732 = arith.constant 1.000000e+00 : f32
    %jit3A_1733 = arith.constant -1.000000e+00 : f32
    %broadcast_in_dim3A_1734 = vector.broadcast %jit3A_1732 : f32 to vector<64x1024xf32>
    %broadcast_in_dim3A_1735 = vector.broadcast %jit3A_1733 : f32 to vector<64x1024xf32>
    %select_n3A_1736 = arith.select %gt3A_1731, %broadcast_in_dim3A_1734, %broadcast_in_dim3A_1735 : vector<64x1024xi1>, vector<64x1024xf32>
    %slice3A_1737 = vector.extract_strided_slice %get3A_1 {offsets = [0, 26], sizes = [64, 1], strides = [1, 1]} : vector<64x64xf32> to vector<64x1xf32>
    %dot_general3A_1738 = arith.constant dense<0.000000e+00> : vector<1x1024xf32>
    %dot_general3A_1739 = tpu.matmul %slice3A_1737, %select_n3A_1736, %dot_general3A_1738 {dimension_numbers = #tpu.dot_dimension_numbers<[0], [0], [1], [1], [0, 1, 1, 1], [], []>, transpose_lhs_hint = false} : vector<64x1xf32>, vector<64x1024xf32>, vector<1x1024xf32> -> vector<1x1024xf32>
    %gt3A_1740 = arith.constant 2.750000e+01 : f32
    %gt3A_1741 = vector.broadcast %gt3A_1740 : f32 to vector<64x1024xf32>
    %gt3A_1742 = arith.cmpf ogt, %transpose3A_1442, %gt3A_1741 : vector<64x1024xf32>
    %jit3A_1743 = arith.constant 1.000000e+00 : f32
    %jit3A_1744 = arith.constant -1.000000e+00 : f32
    %broadcast_in_dim3A_1745 = vector.broadcast %jit3A_1743 : f32 to vector<64x1024xf32>
    %broadcast_in_dim3A_1746 = vector.broadcast %jit3A_1744 : f32 to vector<64x1024xf32>
    %select_n3A_1747 = arith.select %gt3A_1742, %broadcast_in_dim3A_1745, %broadcast_in_dim3A_1746 : vector<64x1024xi1>, vector<64x1024xf32>
    %slice3A_1748 = vector.extract_strided_slice %get3A_1 {offsets = [0, 27], sizes = [64, 1], strides = [1, 1]} : vector<64x64xf32> to vector<64x1xf32>
    %dot_general3A_1749 = arith.constant dense<0.000000e+00> : vector<1x1024xf32>
    %dot_general3A_1750 = tpu.matmul %slice3A_1748, %select_n3A_1747, %dot_general3A_1749 {dimension_numbers = #tpu.dot_dimension_numbers<[0], [0], [1], [1], [0, 1, 1, 1], [], []>, transpose_lhs_hint = false} : vector<64x1xf32>, vector<64x1024xf32>, vector<1x1024xf32> -> vector<1x1024xf32>
    %gt3A_1751 = arith.constant 2.850000e+01 : f32
    %gt3A_1752 = vector.broadcast %gt3A_1751 : f32 to vector<64x1024xf32>
    %gt3A_1753 = arith.cmpf ogt, %transpose3A_1442, %gt3A_1752 : vector<64x1024xf32>
    %jit3A_1754 = arith.constant 1.000000e+00 : f32
    %jit3A_1755 = arith.constant -1.000000e+00 : f32
    %broadcast_in_dim3A_1756 = vector.broadcast %jit3A_1754 : f32 to vector<64x1024xf32>
    %broadcast_in_dim3A_1757 = vector.broadcast %jit3A_1755 : f32 to vector<64x1024xf32>
    %select_n3A_1758 = arith.select %gt3A_1753, %broadcast_in_dim3A_1756, %broadcast_in_dim3A_1757 : vector<64x1024xi1>, vector<64x1024xf32>
    %slice3A_1759 = vector.extract_strided_slice %get3A_1 {offsets = [0, 28], sizes = [64, 1], strides = [1, 1]} : vector<64x64xf32> to vector<64x1xf32>
    %dot_general3A_1760 = arith.constant dense<0.000000e+00> : vector<1x1024xf32>
    %dot_general3A_1761 = tpu.matmul %slice3A_1759, %select_n3A_1758, %dot_general3A_1760 {dimension_numbers = #tpu.dot_dimension_numbers<[0], [0], [1], [1], [0, 1, 1, 1], [], []>, transpose_lhs_hint = false} : vector<64x1xf32>, vector<64x1024xf32>, vector<1x1024xf32> -> vector<1x1024xf32>
    %gt3A_1762 = arith.constant 2.950000e+01 : f32
    %gt3A_1763 = vector.broadcast %gt3A_1762 : f32 to vector<64x1024xf32>
    %gt3A_1764 = arith.cmpf ogt, %transpose3A_1442, %gt3A_1763 : vector<64x1024xf32>
    %jit3A_1765 = arith.constant 1.000000e+00 : f32
    %jit3A_1766 = arith.constant -1.000000e+00 : f32
    %broadcast_in_dim3A_1767 = vector.broadcast %jit3A_1765 : f32 to vector<64x1024xf32>
    %broadcast_in_dim3A_1768 = vector.broadcast %jit3A_1766 : f32 to vector<64x1024xf32>
    %select_n3A_1769 = arith.select %gt3A_1764, %broadcast_in_dim3A_1767, %broadcast_in_dim3A_1768 : vector<64x1024xi1>, vector<64x1024xf32>
    %slice3A_1770 = vector.extract_strided_slice %get3A_1 {offsets = [0, 29], sizes = [64, 1], strides = [1, 1]} : vector<64x64xf32> to vector<64x1xf32>
    %dot_general3A_1771 = arith.constant dense<0.000000e+00> : vector<1x1024xf32>
    %dot_general3A_1772 = tpu.matmul %slice3A_1770, %select_n3A_1769, %dot_general3A_1771 {dimension_numbers = #tpu.dot_dimension_numbers<[0], [0], [1], [1], [0, 1, 1, 1], [], []>, transpose_lhs_hint = false} : vector<64x1xf32>, vector<64x1024xf32>, vector<1x1024xf32> -> vector<1x1024xf32>
    %gt3A_1773 = arith.constant 3.050000e+01 : f32
    %gt3A_1774 = vector.broadcast %gt3A_1773 : f32 to vector<64x1024xf32>
    %gt3A_1775 = arith.cmpf ogt, %transpose3A_1442, %gt3A_1774 : vector<64x1024xf32>
    %jit3A_1776 = arith.constant 1.000000e+00 : f32
    %jit3A_1777 = arith.constant -1.000000e+00 : f32
    %broadcast_in_dim3A_1778 = vector.broadcast %jit3A_1776 : f32 to vector<64x1024xf32>
    %broadcast_in_dim3A_1779 = vector.broadcast %jit3A_1777 : f32 to vector<64x1024xf32>
    %select_n3A_1780 = arith.select %gt3A_1775, %broadcast_in_dim3A_1778, %broadcast_in_dim3A_1779 : vector<64x1024xi1>, vector<64x1024xf32>
    %slice3A_1781 = vector.extract_strided_slice %get3A_1 {offsets = [0, 30], sizes = [64, 1], strides = [1, 1]} : vector<64x64xf32> to vector<64x1xf32>
    %dot_general3A_1782 = arith.constant dense<0.000000e+00> : vector<1x1024xf32>
    %dot_general3A_1783 = tpu.matmul %slice3A_1781, %select_n3A_1780, %dot_general3A_1782 {dimension_numbers = #tpu.dot_dimension_numbers<[0], [0], [1], [1], [0, 1, 1, 1], [], []>, transpose_lhs_hint = false} : vector<64x1xf32>, vector<64x1024xf32>, vector<1x1024xf32> -> vector<1x1024xf32>
    %gt3A_1784 = arith.constant 3.150000e+01 : f32
    %gt3A_1785 = vector.broadcast %gt3A_1784 : f32 to vector<64x1024xf32>
    %gt3A_1786 = arith.cmpf ogt, %transpose3A_1442, %gt3A_1785 : vector<64x1024xf32>
    %jit3A_1787 = arith.constant 1.000000e+00 : f32
    %jit3A_1788 = arith.constant -1.000000e+00 : f32
    %broadcast_in_dim3A_1789 = vector.broadcast %jit3A_1787 : f32 to vector<64x1024xf32>
    %broadcast_in_dim3A_1790 = vector.broadcast %jit3A_1788 : f32 to vector<64x1024xf32>
    %select_n3A_1791 = arith.select %gt3A_1786, %broadcast_in_dim3A_1789, %broadcast_in_dim3A_1790 : vector<64x1024xi1>, vector<64x1024xf32>
    %slice3A_1792 = vector.extract_strided_slice %get3A_1 {offsets = [0, 31], sizes = [64, 1], strides = [1, 1]} : vector<64x64xf32> to vector<64x1xf32>
    %dot_general3A_1793 = arith.constant dense<0.000000e+00> : vector<1x1024xf32>
    %dot_general3A_1794 = tpu.matmul %slice3A_1792, %select_n3A_1791, %dot_general3A_1793 {dimension_numbers = #tpu.dot_dimension_numbers<[0], [0], [1], [1], [0, 1, 1, 1], [], []>, transpose_lhs_hint = false} : vector<64x1xf32>, vector<64x1024xf32>, vector<1x1024xf32> -> vector<1x1024xf32>
    %gt3A_1795 = arith.constant 3.250000e+01 : f32
    %gt3A_1796 = vector.broadcast %gt3A_1795 : f32 to vector<64x1024xf32>
    %gt3A_1797 = arith.cmpf ogt, %transpose3A_1442, %gt3A_1796 : vector<64x1024xf32>
    %jit3A_1798 = arith.constant 1.000000e+00 : f32
    %jit3A_1799 = arith.constant -1.000000e+00 : f32
    %broadcast_in_dim3A_1800 = vector.broadcast %jit3A_1798 : f32 to vector<64x1024xf32>
    %broadcast_in_dim3A_1801 = vector.broadcast %jit3A_1799 : f32 to vector<64x1024xf32>
    %select_n3A_1802 = arith.select %gt3A_1797, %broadcast_in_dim3A_1800, %broadcast_in_dim3A_1801 : vector<64x1024xi1>, vector<64x1024xf32>
    %slice3A_1803 = vector.extract_strided_slice %get3A_1 {offsets = [0, 32], sizes = [64, 1], strides = [1, 1]} : vector<64x64xf32> to vector<64x1xf32>
    %dot_general3A_1804 = arith.constant dense<0.000000e+00> : vector<1x1024xf32>
    %dot_general3A_1805 = tpu.matmul %slice3A_1803, %select_n3A_1802, %dot_general3A_1804 {dimension_numbers = #tpu.dot_dimension_numbers<[0], [0], [1], [1], [0, 1, 1, 1], [], []>, transpose_lhs_hint = false} : vector<64x1xf32>, vector<64x1024xf32>, vector<1x1024xf32> -> vector<1x1024xf32>
    %gt3A_1806 = arith.constant 3.350000e+01 : f32
    %gt3A_1807 = vector.broadcast %gt3A_1806 : f32 to vector<64x1024xf32>
    %gt3A_1808 = arith.cmpf ogt, %transpose3A_1442, %gt3A_1807 : vector<64x1024xf32>
    %jit3A_1809 = arith.constant 1.000000e+00 : f32
    %jit3A_1810 = arith.constant -1.000000e+00 : f32
    %broadcast_in_dim3A_1811 = vector.broadcast %jit3A_1809 : f32 to vector<64x1024xf32>
    %broadcast_in_dim3A_1812 = vector.broadcast %jit3A_1810 : f32 to vector<64x1024xf32>
    %select_n3A_1813 = arith.select %gt3A_1808, %broadcast_in_dim3A_1811, %broadcast_in_dim3A_1812 : vector<64x1024xi1>, vector<64x1024xf32>
    %slice3A_1814 = vector.extract_strided_slice %get3A_1 {offsets = [0, 33], sizes = [64, 1], strides = [1, 1]} : vector<64x64xf32> to vector<64x1xf32>
    %dot_general3A_1815 = arith.constant dense<0.000000e+00> : vector<1x1024xf32>
    %dot_general3A_1816 = tpu.matmul %slice3A_1814, %select_n3A_1813, %dot_general3A_1815 {dimension_numbers = #tpu.dot_dimension_numbers<[0], [0], [1], [1], [0, 1, 1, 1], [], []>, transpose_lhs_hint = false} : vector<64x1xf32>, vector<64x1024xf32>, vector<1x1024xf32> -> vector<1x1024xf32>
    %gt3A_1817 = arith.constant 3.450000e+01 : f32
    %gt3A_1818 = vector.broadcast %gt3A_1817 : f32 to vector<64x1024xf32>
    %gt3A_1819 = arith.cmpf ogt, %transpose3A_1442, %gt3A_1818 : vector<64x1024xf32>
    %jit3A_1820 = arith.constant 1.000000e+00 : f32
    %jit3A_1821 = arith.constant -1.000000e+00 : f32
    %broadcast_in_dim3A_1822 = vector.broadcast %jit3A_1820 : f32 to vector<64x1024xf32>
    %broadcast_in_dim3A_1823 = vector.broadcast %jit3A_1821 : f32 to vector<64x1024xf32>
    %select_n3A_1824 = arith.select %gt3A_1819, %broadcast_in_dim3A_1822, %broadcast_in_dim3A_1823 : vector<64x1024xi1>, vector<64x1024xf32>
    %slice3A_1825 = vector.extract_strided_slice %get3A_1 {offsets = [0, 34], sizes = [64, 1], strides = [1, 1]} : vector<64x64xf32> to vector<64x1xf32>
    %dot_general3A_1826 = arith.constant dense<0.000000e+00> : vector<1x1024xf32>
    %dot_general3A_1827 = tpu.matmul %slice3A_1825, %select_n3A_1824, %dot_general3A_1826 {dimension_numbers = #tpu.dot_dimension_numbers<[0], [0], [1], [1], [0, 1, 1, 1], [], []>, transpose_lhs_hint = false} : vector<64x1xf32>, vector<64x1024xf32>, vector<1x1024xf32> -> vector<1x1024xf32>
    %gt3A_1828 = arith.constant 3.550000e+01 : f32
    %gt3A_1829 = vector.broadcast %gt3A_1828 : f32 to vector<64x1024xf32>
    %gt3A_1830 = arith.cmpf ogt, %transpose3A_1442, %gt3A_1829 : vector<64x1024xf32>
    %jit3A_1831 = arith.constant 1.000000e+00 : f32
    %jit3A_1832 = arith.constant -1.000000e+00 : f32
    %broadcast_in_dim3A_1833 = vector.broadcast %jit3A_1831 : f32 to vector<64x1024xf32>
    %broadcast_in_dim3A_1834 = vector.broadcast %jit3A_1832 : f32 to vector<64x1024xf32>
    %select_n3A_1835 = arith.select %gt3A_1830, %broadcast_in_dim3A_1833, %broadcast_in_dim3A_1834 : vector<64x1024xi1>, vector<64x1024xf32>
    %slice3A_1836 = vector.extract_strided_slice %get3A_1 {offsets = [0, 35], sizes = [64, 1], strides = [1, 1]} : vector<64x64xf32> to vector<64x1xf32>
    %dot_general3A_1837 = arith.constant dense<0.000000e+00> : vector<1x1024xf32>
    %dot_general3A_1838 = tpu.matmul %slice3A_1836, %select_n3A_1835, %dot_general3A_1837 {dimension_numbers = #tpu.dot_dimension_numbers<[0], [0], [1], [1], [0, 1, 1, 1], [], []>, transpose_lhs_hint = false} : vector<64x1xf32>, vector<64x1024xf32>, vector<1x1024xf32> -> vector<1x1024xf32>
    %gt3A_1839 = arith.constant 3.650000e+01 : f32
    %gt3A_1840 = vector.broadcast %gt3A_1839 : f32 to vector<64x1024xf32>
    %gt3A_1841 = arith.cmpf ogt, %transpose3A_1442, %gt3A_1840 : vector<64x1024xf32>
    %jit3A_1842 = arith.constant 1.000000e+00 : f32
    %jit3A_1843 = arith.constant -1.000000e+00 : f32
    %broadcast_in_dim3A_1844 = vector.broadcast %jit3A_1842 : f32 to vector<64x1024xf32>
    %broadcast_in_dim3A_1845 = vector.broadcast %jit3A_1843 : f32 to vector<64x1024xf32>
    %select_n3A_1846 = arith.select %gt3A_1841, %broadcast_in_dim3A_1844, %broadcast_in_dim3A_1845 : vector<64x1024xi1>, vector<64x1024xf32>
    %slice3A_1847 = vector.extract_strided_slice %get3A_1 {offsets = [0, 36], sizes = [64, 1], strides = [1, 1]} : vector<64x64xf32> to vector<64x1xf32>
    %dot_general3A_1848 = arith.constant dense<0.000000e+00> : vector<1x1024xf32>
    %dot_general3A_1849 = tpu.matmul %slice3A_1847, %select_n3A_1846, %dot_general3A_1848 {dimension_numbers = #tpu.dot_dimension_numbers<[0], [0], [1], [1], [0, 1, 1, 1], [], []>, transpose_lhs_hint = false} : vector<64x1xf32>, vector<64x1024xf32>, vector<1x1024xf32> -> vector<1x1024xf32>
    %gt3A_1850 = arith.constant 3.750000e+01 : f32
    %gt3A_1851 = vector.broadcast %gt3A_1850 : f32 to vector<64x1024xf32>
    %gt3A_1852 = arith.cmpf ogt, %transpose3A_1442, %gt3A_1851 : vector<64x1024xf32>
    %jit3A_1853 = arith.constant 1.000000e+00 : f32
    %jit3A_1854 = arith.constant -1.000000e+00 : f32
    %broadcast_in_dim3A_1855 = vector.broadcast %jit3A_1853 : f32 to vector<64x1024xf32>
    %broadcast_in_dim3A_1856 = vector.broadcast %jit3A_1854 : f32 to vector<64x1024xf32>
    %select_n3A_1857 = arith.select %gt3A_1852, %broadcast_in_dim3A_1855, %broadcast_in_dim3A_1856 : vector<64x1024xi1>, vector<64x1024xf32>
    %slice3A_1858 = vector.extract_strided_slice %get3A_1 {offsets = [0, 37], sizes = [64, 1], strides = [1, 1]} : vector<64x64xf32> to vector<64x1xf32>
    %dot_general3A_1859 = arith.constant dense<0.000000e+00> : vector<1x1024xf32>
    %dot_general3A_1860 = tpu.matmul %slice3A_1858, %select_n3A_1857, %dot_general3A_1859 {dimension_numbers = #tpu.dot_dimension_numbers<[0], [0], [1], [1], [0, 1, 1, 1], [], []>, transpose_lhs_hint = false} : vector<64x1xf32>, vector<64x1024xf32>, vector<1x1024xf32> -> vector<1x1024xf32>
    %gt3A_1861 = arith.constant 3.850000e+01 : f32
    %gt3A_1862 = vector.broadcast %gt3A_1861 : f32 to vector<64x1024xf32>
    %gt3A_1863 = arith.cmpf ogt, %transpose3A_1442, %gt3A_1862 : vector<64x1024xf32>
    %jit3A_1864 = arith.constant 1.000000e+00 : f32
    %jit3A_1865 = arith.constant -1.000000e+00 : f32
    %broadcast_in_dim3A_1866 = vector.broadcast %jit3A_1864 : f32 to vector<64x1024xf32>
    %broadcast_in_dim3A_1867 = vector.broadcast %jit3A_1865 : f32 to vector<64x1024xf32>
    %select_n3A_1868 = arith.select %gt3A_1863, %broadcast_in_dim3A_1866, %broadcast_in_dim3A_1867 : vector<64x1024xi1>, vector<64x1024xf32>
    %slice3A_1869 = vector.extract_strided_slice %get3A_1 {offsets = [0, 38], sizes = [64, 1], strides = [1, 1]} : vector<64x64xf32> to vector<64x1xf32>
    %dot_general3A_1870 = arith.constant dense<0.000000e+00> : vector<1x1024xf32>
    %dot_general3A_1871 = tpu.matmul %slice3A_1869, %select_n3A_1868, %dot_general3A_1870 {dimension_numbers = #tpu.dot_dimension_numbers<[0], [0], [1], [1], [0, 1, 1, 1], [], []>, transpose_lhs_hint = false} : vector<64x1xf32>, vector<64x1024xf32>, vector<1x1024xf32> -> vector<1x1024xf32>
    %gt3A_1872 = arith.constant 3.950000e+01 : f32
    %gt3A_1873 = vector.broadcast %gt3A_1872 : f32 to vector<64x1024xf32>
    %gt3A_1874 = arith.cmpf ogt, %transpose3A_1442, %gt3A_1873 : vector<64x1024xf32>
    %jit3A_1875 = arith.constant 1.000000e+00 : f32
    %jit3A_1876 = arith.constant -1.000000e+00 : f32
    %broadcast_in_dim3A_1877 = vector.broadcast %jit3A_1875 : f32 to vector<64x1024xf32>
    %broadcast_in_dim3A_1878 = vector.broadcast %jit3A_1876 : f32 to vector<64x1024xf32>
    %select_n3A_1879 = arith.select %gt3A_1874, %broadcast_in_dim3A_1877, %broadcast_in_dim3A_1878 : vector<64x1024xi1>, vector<64x1024xf32>
    %slice3A_1880 = vector.extract_strided_slice %get3A_1 {offsets = [0, 39], sizes = [64, 1], strides = [1, 1]} : vector<64x64xf32> to vector<64x1xf32>
    %dot_general3A_1881 = arith.constant dense<0.000000e+00> : vector<1x1024xf32>
    %dot_general3A_1882 = tpu.matmul %slice3A_1880, %select_n3A_1879, %dot_general3A_1881 {dimension_numbers = #tpu.dot_dimension_numbers<[0], [0], [1], [1], [0, 1, 1, 1], [], []>, transpose_lhs_hint = false} : vector<64x1xf32>, vector<64x1024xf32>, vector<1x1024xf32> -> vector<1x1024xf32>
    %gt3A_1883 = arith.constant 4.050000e+01 : f32
    %gt3A_1884 = vector.broadcast %gt3A_1883 : f32 to vector<64x1024xf32>
    %gt3A_1885 = arith.cmpf ogt, %transpose3A_1442, %gt3A_1884 : vector<64x1024xf32>
    %jit3A_1886 = arith.constant 1.000000e+00 : f32
    %jit3A_1887 = arith.constant -1.000000e+00 : f32
    %broadcast_in_dim3A_1888 = vector.broadcast %jit3A_1886 : f32 to vector<64x1024xf32>
    %broadcast_in_dim3A_1889 = vector.broadcast %jit3A_1887 : f32 to vector<64x1024xf32>
    %select_n3A_1890 = arith.select %gt3A_1885, %broadcast_in_dim3A_1888, %broadcast_in_dim3A_1889 : vector<64x1024xi1>, vector<64x1024xf32>
    %slice3A_1891 = vector.extract_strided_slice %get3A_1 {offsets = [0, 40], sizes = [64, 1], strides = [1, 1]} : vector<64x64xf32> to vector<64x1xf32>
    %dot_general3A_1892 = arith.constant dense<0.000000e+00> : vector<1x1024xf32>
    %dot_general3A_1893 = tpu.matmul %slice3A_1891, %select_n3A_1890, %dot_general3A_1892 {dimension_numbers = #tpu.dot_dimension_numbers<[0], [0], [1], [1], [0, 1, 1, 1], [], []>, transpose_lhs_hint = false} : vector<64x1xf32>, vector<64x1024xf32>, vector<1x1024xf32> -> vector<1x1024xf32>
    %gt3A_1894 = arith.constant 4.150000e+01 : f32
    %gt3A_1895 = vector.broadcast %gt3A_1894 : f32 to vector<64x1024xf32>
    %gt3A_1896 = arith.cmpf ogt, %transpose3A_1442, %gt3A_1895 : vector<64x1024xf32>
    %jit3A_1897 = arith.constant 1.000000e+00 : f32
    %jit3A_1898 = arith.constant -1.000000e+00 : f32
    %broadcast_in_dim3A_1899 = vector.broadcast %jit3A_1897 : f32 to vector<64x1024xf32>
    %broadcast_in_dim3A_1900 = vector.broadcast %jit3A_1898 : f32 to vector<64x1024xf32>
    %select_n3A_1901 = arith.select %gt3A_1896, %broadcast_in_dim3A_1899, %broadcast_in_dim3A_1900 : vector<64x1024xi1>, vector<64x1024xf32>
    %slice3A_1902 = vector.extract_strided_slice %get3A_1 {offsets = [0, 41], sizes = [64, 1], strides = [1, 1]} : vector<64x64xf32> to vector<64x1xf32>
    %dot_general3A_1903 = arith.constant dense<0.000000e+00> : vector<1x1024xf32>
    %dot_general3A_1904 = tpu.matmul %slice3A_1902, %select_n3A_1901, %dot_general3A_1903 {dimension_numbers = #tpu.dot_dimension_numbers<[0], [0], [1], [1], [0, 1, 1, 1], [], []>, transpose_lhs_hint = false} : vector<64x1xf32>, vector<64x1024xf32>, vector<1x1024xf32> -> vector<1x1024xf32>
    %gt3A_1905 = arith.constant 4.250000e+01 : f32
    %gt3A_1906 = vector.broadcast %gt3A_1905 : f32 to vector<64x1024xf32>
    %gt3A_1907 = arith.cmpf ogt, %transpose3A_1442, %gt3A_1906 : vector<64x1024xf32>
    %jit3A_1908 = arith.constant 1.000000e+00 : f32
    %jit3A_1909 = arith.constant -1.000000e+00 : f32
    %broadcast_in_dim3A_1910 = vector.broadcast %jit3A_1908 : f32 to vector<64x1024xf32>
    %broadcast_in_dim3A_1911 = vector.broadcast %jit3A_1909 : f32 to vector<64x1024xf32>
    %select_n3A_1912 = arith.select %gt3A_1907, %broadcast_in_dim3A_1910, %broadcast_in_dim3A_1911 : vector<64x1024xi1>, vector<64x1024xf32>
    %slice3A_1913 = vector.extract_strided_slice %get3A_1 {offsets = [0, 42], sizes = [64, 1], strides = [1, 1]} : vector<64x64xf32> to vector<64x1xf32>
    %dot_general3A_1914 = arith.constant dense<0.000000e+00> : vector<1x1024xf32>
    %dot_general3A_1915 = tpu.matmul %slice3A_1913, %select_n3A_1912, %dot_general3A_1914 {dimension_numbers = #tpu.dot_dimension_numbers<[0], [0], [1], [1], [0, 1, 1, 1], [], []>, transpose_lhs_hint = false} : vector<64x1xf32>, vector<64x1024xf32>, vector<1x1024xf32> -> vector<1x1024xf32>
    %gt3A_1916 = arith.constant 4.350000e+01 : f32
    %gt3A_1917 = vector.broadcast %gt3A_1916 : f32 to vector<64x1024xf32>
    %gt3A_1918 = arith.cmpf ogt, %transpose3A_1442, %gt3A_1917 : vector<64x1024xf32>
    %jit3A_1919 = arith.constant 1.000000e+00 : f32
    %jit3A_1920 = arith.constant -1.000000e+00 : f32
    %broadcast_in_dim3A_1921 = vector.broadcast %jit3A_1919 : f32 to vector<64x1024xf32>
    %broadcast_in_dim3A_1922 = vector.broadcast %jit3A_1920 : f32 to vector<64x1024xf32>
    %select_n3A_1923 = arith.select %gt3A_1918, %broadcast_in_dim3A_1921, %broadcast_in_dim3A_1922 : vector<64x1024xi1>, vector<64x1024xf32>
    %slice3A_1924 = vector.extract_strided_slice %get3A_1 {offsets = [0, 43], sizes = [64, 1], strides = [1, 1]} : vector<64x64xf32> to vector<64x1xf32>
    %dot_general3A_1925 = arith.constant dense<0.000000e+00> : vector<1x1024xf32>
    %dot_general3A_1926 = tpu.matmul %slice3A_1924, %select_n3A_1923, %dot_general3A_1925 {dimension_numbers = #tpu.dot_dimension_numbers<[0], [0], [1], [1], [0, 1, 1, 1], [], []>, transpose_lhs_hint = false} : vector<64x1xf32>, vector<64x1024xf32>, vector<1x1024xf32> -> vector<1x1024xf32>
    %gt3A_1927 = arith.constant 4.450000e+01 : f32
    %gt3A_1928 = vector.broadcast %gt3A_1927 : f32 to vector<64x1024xf32>
    %gt3A_1929 = arith.cmpf ogt, %transpose3A_1442, %gt3A_1928 : vector<64x1024xf32>
    %jit3A_1930 = arith.constant 1.000000e+00 : f32
    %jit3A_1931 = arith.constant -1.000000e+00 : f32
    %broadcast_in_dim3A_1932 = vector.broadcast %jit3A_1930 : f32 to vector<64x1024xf32>
    %broadcast_in_dim3A_1933 = vector.broadcast %jit3A_1931 : f32 to vector<64x1024xf32>
    %select_n3A_1934 = arith.select %gt3A_1929, %broadcast_in_dim3A_1932, %broadcast_in_dim3A_1933 : vector<64x1024xi1>, vector<64x1024xf32>
    %slice3A_1935 = vector.extract_strided_slice %get3A_1 {offsets = [0, 44], sizes = [64, 1], strides = [1, 1]} : vector<64x64xf32> to vector<64x1xf32>
    %dot_general3A_1936 = arith.constant dense<0.000000e+00> : vector<1x1024xf32>
    %dot_general3A_1937 = tpu.matmul %slice3A_1935, %select_n3A_1934, %dot_general3A_1936 {dimension_numbers = #tpu.dot_dimension_numbers<[0], [0], [1], [1], [0, 1, 1, 1], [], []>, transpose_lhs_hint = false} : vector<64x1xf32>, vector<64x1024xf32>, vector<1x1024xf32> -> vector<1x1024xf32>
    %gt3A_1938 = arith.constant 4.550000e+01 : f32
    %gt3A_1939 = vector.broadcast %gt3A_1938 : f32 to vector<64x1024xf32>
    %gt3A_1940 = arith.cmpf ogt, %transpose3A_1442, %gt3A_1939 : vector<64x1024xf32>
    %jit3A_1941 = arith.constant 1.000000e+00 : f32
    %jit3A_1942 = arith.constant -1.000000e+00 : f32
    %broadcast_in_dim3A_1943 = vector.broadcast %jit3A_1941 : f32 to vector<64x1024xf32>
    %broadcast_in_dim3A_1944 = vector.broadcast %jit3A_1942 : f32 to vector<64x1024xf32>
    %select_n3A_1945 = arith.select %gt3A_1940, %broadcast_in_dim3A_1943, %broadcast_in_dim3A_1944 : vector<64x1024xi1>, vector<64x1024xf32>
    %slice3A_1946 = vector.extract_strided_slice %get3A_1 {offsets = [0, 45], sizes = [64, 1], strides = [1, 1]} : vector<64x64xf32> to vector<64x1xf32>
    %dot_general3A_1947 = arith.constant dense<0.000000e+00> : vector<1x1024xf32>
    %dot_general3A_1948 = tpu.matmul %slice3A_1946, %select_n3A_1945, %dot_general3A_1947 {dimension_numbers = #tpu.dot_dimension_numbers<[0], [0], [1], [1], [0, 1, 1, 1], [], []>, transpose_lhs_hint = false} : vector<64x1xf32>, vector<64x1024xf32>, vector<1x1024xf32> -> vector<1x1024xf32>
    %gt3A_1949 = arith.constant 4.650000e+01 : f32
    %gt3A_1950 = vector.broadcast %gt3A_1949 : f32 to vector<64x1024xf32>
    %gt3A_1951 = arith.cmpf ogt, %transpose3A_1442, %gt3A_1950 : vector<64x1024xf32>
    %jit3A_1952 = arith.constant 1.000000e+00 : f32
    %jit3A_1953 = arith.constant -1.000000e+00 : f32
    %broadcast_in_dim3A_1954 = vector.broadcast %jit3A_1952 : f32 to vector<64x1024xf32>
    %broadcast_in_dim3A_1955 = vector.broadcast %jit3A_1953 : f32 to vector<64x1024xf32>
    %select_n3A_1956 = arith.select %gt3A_1951, %broadcast_in_dim3A_1954, %broadcast_in_dim3A_1955 : vector<64x1024xi1>, vector<64x1024xf32>
    %slice3A_1957 = vector.extract_strided_slice %get3A_1 {offsets = [0, 46], sizes = [64, 1], strides = [1, 1]} : vector<64x64xf32> to vector<64x1xf32>
    %dot_general3A_1958 = arith.constant dense<0.000000e+00> : vector<1x1024xf32>
    %dot_general3A_1959 = tpu.matmul %slice3A_1957, %select_n3A_1956, %dot_general3A_1958 {dimension_numbers = #tpu.dot_dimension_numbers<[0], [0], [1], [1], [0, 1, 1, 1], [], []>, transpose_lhs_hint = false} : vector<64x1xf32>, vector<64x1024xf32>, vector<1x1024xf32> -> vector<1x1024xf32>
    %gt3A_1960 = arith.constant 4.750000e+01 : f32
    %gt3A_1961 = vector.broadcast %gt3A_1960 : f32 to vector<64x1024xf32>
    %gt3A_1962 = arith.cmpf ogt, %transpose3A_1442, %gt3A_1961 : vector<64x1024xf32>
    %jit3A_1963 = arith.constant 1.000000e+00 : f32
    %jit3A_1964 = arith.constant -1.000000e+00 : f32
    %broadcast_in_dim3A_1965 = vector.broadcast %jit3A_1963 : f32 to vector<64x1024xf32>
    %broadcast_in_dim3A_1966 = vector.broadcast %jit3A_1964 : f32 to vector<64x1024xf32>
    %select_n3A_1967 = arith.select %gt3A_1962, %broadcast_in_dim3A_1965, %broadcast_in_dim3A_1966 : vector<64x1024xi1>, vector<64x1024xf32>
    %slice3A_1968 = vector.extract_strided_slice %get3A_1 {offsets = [0, 47], sizes = [64, 1], strides = [1, 1]} : vector<64x64xf32> to vector<64x1xf32>
    %dot_general3A_1969 = arith.constant dense<0.000000e+00> : vector<1x1024xf32>
    %dot_general3A_1970 = tpu.matmul %slice3A_1968, %select_n3A_1967, %dot_general3A_1969 {dimension_numbers = #tpu.dot_dimension_numbers<[0], [0], [1], [1], [0, 1, 1, 1], [], []>, transpose_lhs_hint = false} : vector<64x1xf32>, vector<64x1024xf32>, vector<1x1024xf32> -> vector<1x1024xf32>
    %gt3A_1971 = arith.constant 4.850000e+01 : f32
    %gt3A_1972 = vector.broadcast %gt3A_1971 : f32 to vector<64x1024xf32>
    %gt3A_1973 = arith.cmpf ogt, %transpose3A_1442, %gt3A_1972 : vector<64x1024xf32>
    %jit3A_1974 = arith.constant 1.000000e+00 : f32
    %jit3A_1975 = arith.constant -1.000000e+00 : f32
    %broadcast_in_dim3A_1976 = vector.broadcast %jit3A_1974 : f32 to vector<64x1024xf32>
    %broadcast_in_dim3A_1977 = vector.broadcast %jit3A_1975 : f32 to vector<64x1024xf32>
    %select_n3A_1978 = arith.select %gt3A_1973, %broadcast_in_dim3A_1976, %broadcast_in_dim3A_1977 : vector<64x1024xi1>, vector<64x1024xf32>
    %slice3A_1979 = vector.extract_strided_slice %get3A_1 {offsets = [0, 48], sizes = [64, 1], strides = [1, 1]} : vector<64x64xf32> to vector<64x1xf32>
    %dot_general3A_1980 = arith.constant dense<0.000000e+00> : vector<1x1024xf32>
    %dot_general3A_1981 = tpu.matmul %slice3A_1979, %select_n3A_1978, %dot_general3A_1980 {dimension_numbers = #tpu.dot_dimension_numbers<[0], [0], [1], [1], [0, 1, 1, 1], [], []>, transpose_lhs_hint = false} : vector<64x1xf32>, vector<64x1024xf32>, vector<1x1024xf32> -> vector<1x1024xf32>
    %gt3A_1982 = arith.constant 4.950000e+01 : f32
    %gt3A_1983 = vector.broadcast %gt3A_1982 : f32 to vector<64x1024xf32>
    %gt3A_1984 = arith.cmpf ogt, %transpose3A_1442, %gt3A_1983 : vector<64x1024xf32>
    %jit3A_1985 = arith.constant 1.000000e+00 : f32
    %jit3A_1986 = arith.constant -1.000000e+00 : f32
    %broadcast_in_dim3A_1987 = vector.broadcast %jit3A_1985 : f32 to vector<64x1024xf32>
    %broadcast_in_dim3A_1988 = vector.broadcast %jit3A_1986 : f32 to vector<64x1024xf32>
    %select_n3A_1989 = arith.select %gt3A_1984, %broadcast_in_dim3A_1987, %broadcast_in_dim3A_1988 : vector<64x1024xi1>, vector<64x1024xf32>
    %slice3A_1990 = vector.extract_strided_slice %get3A_1 {offsets = [0, 49], sizes = [64, 1], strides = [1, 1]} : vector<64x64xf32> to vector<64x1xf32>
    %dot_general3A_1991 = arith.constant dense<0.000000e+00> : vector<1x1024xf32>
    %dot_general3A_1992 = tpu.matmul %slice3A_1990, %select_n3A_1989, %dot_general3A_1991 {dimension_numbers = #tpu.dot_dimension_numbers<[0], [0], [1], [1], [0, 1, 1, 1], [], []>, transpose_lhs_hint = false} : vector<64x1xf32>, vector<64x1024xf32>, vector<1x1024xf32> -> vector<1x1024xf32>
    %gt3A_1993 = arith.constant 5.050000e+01 : f32
    %gt3A_1994 = vector.broadcast %gt3A_1993 : f32 to vector<64x1024xf32>
    %gt3A_1995 = arith.cmpf ogt, %transpose3A_1442, %gt3A_1994 : vector<64x1024xf32>
    %jit3A_1996 = arith.constant 1.000000e+00 : f32
    %jit3A_1997 = arith.constant -1.000000e+00 : f32
    %broadcast_in_dim3A_1998 = vector.broadcast %jit3A_1996 : f32 to vector<64x1024xf32>
    %broadcast_in_dim3A_1999 = vector.broadcast %jit3A_1997 : f32 to vector<64x1024xf32>
    %select_n3A_2000 = arith.select %gt3A_1995, %broadcast_in_dim3A_1998, %broadcast_in_dim3A_1999 : vector<64x1024xi1>, vector<64x1024xf32>
    %slice3A_2001 = vector.extract_strided_slice %get3A_1 {offsets = [0, 50], sizes = [64, 1], strides = [1, 1]} : vector<64x64xf32> to vector<64x1xf32>
    %dot_general3A_2002 = arith.constant dense<0.000000e+00> : vector<1x1024xf32>
    %dot_general3A_2003 = tpu.matmul %slice3A_2001, %select_n3A_2000, %dot_general3A_2002 {dimension_numbers = #tpu.dot_dimension_numbers<[0], [0], [1], [1], [0, 1, 1, 1], [], []>, transpose_lhs_hint = false} : vector<64x1xf32>, vector<64x1024xf32>, vector<1x1024xf32> -> vector<1x1024xf32>
    %gt3A_2004 = arith.constant 5.150000e+01 : f32
    %gt3A_2005 = vector.broadcast %gt3A_2004 : f32 to vector<64x1024xf32>
    %gt3A_2006 = arith.cmpf ogt, %transpose3A_1442, %gt3A_2005 : vector<64x1024xf32>
    %jit3A_2007 = arith.constant 1.000000e+00 : f32
    %jit3A_2008 = arith.constant -1.000000e+00 : f32
    %broadcast_in_dim3A_2009 = vector.broadcast %jit3A_2007 : f32 to vector<64x1024xf32>
    %broadcast_in_dim3A_2010 = vector.broadcast %jit3A_2008 : f32 to vector<64x1024xf32>
    %select_n3A_2011 = arith.select %gt3A_2006, %broadcast_in_dim3A_2009, %broadcast_in_dim3A_2010 : vector<64x1024xi1>, vector<64x1024xf32>
    %slice3A_2012 = vector.extract_strided_slice %get3A_1 {offsets = [0, 51], sizes = [64, 1], strides = [1, 1]} : vector<64x64xf32> to vector<64x1xf32>
    %dot_general3A_2013 = arith.constant dense<0.000000e+00> : vector<1x1024xf32>
    %dot_general3A_2014 = tpu.matmul %slice3A_2012, %select_n3A_2011, %dot_general3A_2013 {dimension_numbers = #tpu.dot_dimension_numbers<[0], [0], [1], [1], [0, 1, 1, 1], [], []>, transpose_lhs_hint = false} : vector<64x1xf32>, vector<64x1024xf32>, vector<1x1024xf32> -> vector<1x1024xf32>
    %gt3A_2015 = arith.constant 5.250000e+01 : f32
    %gt3A_2016 = vector.broadcast %gt3A_2015 : f32 to vector<64x1024xf32>
    %gt3A_2017 = arith.cmpf ogt, %transpose3A_1442, %gt3A_2016 : vector<64x1024xf32>
    %jit3A_2018 = arith.constant 1.000000e+00 : f32
    %jit3A_2019 = arith.constant -1.000000e+00 : f32
    %broadcast_in_dim3A_2020 = vector.broadcast %jit3A_2018 : f32 to vector<64x1024xf32>
    %broadcast_in_dim3A_2021 = vector.broadcast %jit3A_2019 : f32 to vector<64x1024xf32>
    %select_n3A_2022 = arith.select %gt3A_2017, %broadcast_in_dim3A_2020, %broadcast_in_dim3A_2021 : vector<64x1024xi1>, vector<64x1024xf32>
    %slice3A_2023 = vector.extract_strided_slice %get3A_1 {offsets = [0, 52], sizes = [64, 1], strides = [1, 1]} : vector<64x64xf32> to vector<64x1xf32>
    %dot_general3A_2024 = arith.constant dense<0.000000e+00> : vector<1x1024xf32>
    %dot_general3A_2025 = tpu.matmul %slice3A_2023, %select_n3A_2022, %dot_general3A_2024 {dimension_numbers = #tpu.dot_dimension_numbers<[0], [0], [1], [1], [0, 1, 1, 1], [], []>, transpose_lhs_hint = false} : vector<64x1xf32>, vector<64x1024xf32>, vector<1x1024xf32> -> vector<1x1024xf32>
    %gt3A_2026 = arith.constant 5.350000e+01 : f32
    %gt3A_2027 = vector.broadcast %gt3A_2026 : f32 to vector<64x1024xf32>
    %gt3A_2028 = arith.cmpf ogt, %transpose3A_1442, %gt3A_2027 : vector<64x1024xf32>
    %jit3A_2029 = arith.constant 1.000000e+00 : f32
    %jit3A_2030 = arith.constant -1.000000e+00 : f32
    %broadcast_in_dim3A_2031 = vector.broadcast %jit3A_2029 : f32 to vector<64x1024xf32>
    %broadcast_in_dim3A_2032 = vector.broadcast %jit3A_2030 : f32 to vector<64x1024xf32>
    %select_n3A_2033 = arith.select %gt3A_2028, %broadcast_in_dim3A_2031, %broadcast_in_dim3A_2032 : vector<64x1024xi1>, vector<64x1024xf32>
    %slice3A_2034 = vector.extract_strided_slice %get3A_1 {offsets = [0, 53], sizes = [64, 1], strides = [1, 1]} : vector<64x64xf32> to vector<64x1xf32>
    %dot_general3A_2035 = arith.constant dense<0.000000e+00> : vector<1x1024xf32>
    %dot_general3A_2036 = tpu.matmul %slice3A_2034, %select_n3A_2033, %dot_general3A_2035 {dimension_numbers = #tpu.dot_dimension_numbers<[0], [0], [1], [1], [0, 1, 1, 1], [], []>, transpose_lhs_hint = false} : vector<64x1xf32>, vector<64x1024xf32>, vector<1x1024xf32> -> vector<1x1024xf32>
    %gt3A_2037 = arith.constant 5.450000e+01 : f32
    %gt3A_2038 = vector.broadcast %gt3A_2037 : f32 to vector<64x1024xf32>
    %gt3A_2039 = arith.cmpf ogt, %transpose3A_1442, %gt3A_2038 : vector<64x1024xf32>
    %jit3A_2040 = arith.constant 1.000000e+00 : f32
    %jit3A_2041 = arith.constant -1.000000e+00 : f32
    %broadcast_in_dim3A_2042 = vector.broadcast %jit3A_2040 : f32 to vector<64x1024xf32>
    %broadcast_in_dim3A_2043 = vector.broadcast %jit3A_2041 : f32 to vector<64x1024xf32>
    %select_n3A_2044 = arith.select %gt3A_2039, %broadcast_in_dim3A_2042, %broadcast_in_dim3A_2043 : vector<64x1024xi1>, vector<64x1024xf32>
    %slice3A_2045 = vector.extract_strided_slice %get3A_1 {offsets = [0, 54], sizes = [64, 1], strides = [1, 1]} : vector<64x64xf32> to vector<64x1xf32>
    %dot_general3A_2046 = arith.constant dense<0.000000e+00> : vector<1x1024xf32>
    %dot_general3A_2047 = tpu.matmul %slice3A_2045, %select_n3A_2044, %dot_general3A_2046 {dimension_numbers = #tpu.dot_dimension_numbers<[0], [0], [1], [1], [0, 1, 1, 1], [], []>, transpose_lhs_hint = false} : vector<64x1xf32>, vector<64x1024xf32>, vector<1x1024xf32> -> vector<1x1024xf32>
    %gt3A_2048 = arith.constant 5.550000e+01 : f32
    %gt3A_2049 = vector.broadcast %gt3A_2048 : f32 to vector<64x1024xf32>
    %gt3A_2050 = arith.cmpf ogt, %transpose3A_1442, %gt3A_2049 : vector<64x1024xf32>
    %jit3A_2051 = arith.constant 1.000000e+00 : f32
    %jit3A_2052 = arith.constant -1.000000e+00 : f32
    %broadcast_in_dim3A_2053 = vector.broadcast %jit3A_2051 : f32 to vector<64x1024xf32>
    %broadcast_in_dim3A_2054 = vector.broadcast %jit3A_2052 : f32 to vector<64x1024xf32>
    %select_n3A_2055 = arith.select %gt3A_2050, %broadcast_in_dim3A_2053, %broadcast_in_dim3A_2054 : vector<64x1024xi1>, vector<64x1024xf32>
    %slice3A_2056 = vector.extract_strided_slice %get3A_1 {offsets = [0, 55], sizes = [64, 1], strides = [1, 1]} : vector<64x64xf32> to vector<64x1xf32>
    %dot_general3A_2057 = arith.constant dense<0.000000e+00> : vector<1x1024xf32>
    %dot_general3A_2058 = tpu.matmul %slice3A_2056, %select_n3A_2055, %dot_general3A_2057 {dimension_numbers = #tpu.dot_dimension_numbers<[0], [0], [1], [1], [0, 1, 1, 1], [], []>, transpose_lhs_hint = false} : vector<64x1xf32>, vector<64x1024xf32>, vector<1x1024xf32> -> vector<1x1024xf32>
    %gt3A_2059 = arith.constant 5.650000e+01 : f32
    %gt3A_2060 = vector.broadcast %gt3A_2059 : f32 to vector<64x1024xf32>
    %gt3A_2061 = arith.cmpf ogt, %transpose3A_1442, %gt3A_2060 : vector<64x1024xf32>
    %jit3A_2062 = arith.constant 1.000000e+00 : f32
    %jit3A_2063 = arith.constant -1.000000e+00 : f32
    %broadcast_in_dim3A_2064 = vector.broadcast %jit3A_2062 : f32 to vector<64x1024xf32>
    %broadcast_in_dim3A_2065 = vector.broadcast %jit3A_2063 : f32 to vector<64x1024xf32>
    %select_n3A_2066 = arith.select %gt3A_2061, %broadcast_in_dim3A_2064, %broadcast_in_dim3A_2065 : vector<64x1024xi1>, vector<64x1024xf32>
    %slice3A_2067 = vector.extract_strided_slice %get3A_1 {offsets = [0, 56], sizes = [64, 1], strides = [1, 1]} : vector<64x64xf32> to vector<64x1xf32>
    %dot_general3A_2068 = arith.constant dense<0.000000e+00> : vector<1x1024xf32>
    %dot_general3A_2069 = tpu.matmul %slice3A_2067, %select_n3A_2066, %dot_general3A_2068 {dimension_numbers = #tpu.dot_dimension_numbers<[0], [0], [1], [1], [0, 1, 1, 1], [], []>, transpose_lhs_hint = false} : vector<64x1xf32>, vector<64x1024xf32>, vector<1x1024xf32> -> vector<1x1024xf32>
    %gt3A_2070 = arith.constant 5.750000e+01 : f32
    %gt3A_2071 = vector.broadcast %gt3A_2070 : f32 to vector<64x1024xf32>
    %gt3A_2072 = arith.cmpf ogt, %transpose3A_1442, %gt3A_2071 : vector<64x1024xf32>
    %jit3A_2073 = arith.constant 1.000000e+00 : f32
    %jit3A_2074 = arith.constant -1.000000e+00 : f32
    %broadcast_in_dim3A_2075 = vector.broadcast %jit3A_2073 : f32 to vector<64x1024xf32>
    %broadcast_in_dim3A_2076 = vector.broadcast %jit3A_2074 : f32 to vector<64x1024xf32>
    %select_n3A_2077 = arith.select %gt3A_2072, %broadcast_in_dim3A_2075, %broadcast_in_dim3A_2076 : vector<64x1024xi1>, vector<64x1024xf32>
    %slice3A_2078 = vector.extract_strided_slice %get3A_1 {offsets = [0, 57], sizes = [64, 1], strides = [1, 1]} : vector<64x64xf32> to vector<64x1xf32>
    %dot_general3A_2079 = arith.constant dense<0.000000e+00> : vector<1x1024xf32>
    %dot_general3A_2080 = tpu.matmul %slice3A_2078, %select_n3A_2077, %dot_general3A_2079 {dimension_numbers = #tpu.dot_dimension_numbers<[0], [0], [1], [1], [0, 1, 1, 1], [], []>, transpose_lhs_hint = false} : vector<64x1xf32>, vector<64x1024xf32>, vector<1x1024xf32> -> vector<1x1024xf32>
    %gt3A_2081 = arith.constant 5.850000e+01 : f32
    %gt3A_2082 = vector.broadcast %gt3A_2081 : f32 to vector<64x1024xf32>
    %gt3A_2083 = arith.cmpf ogt, %transpose3A_1442, %gt3A_2082 : vector<64x1024xf32>
    %jit3A_2084 = arith.constant 1.000000e+00 : f32
    %jit3A_2085 = arith.constant -1.000000e+00 : f32
    %broadcast_in_dim3A_2086 = vector.broadcast %jit3A_2084 : f32 to vector<64x1024xf32>
    %broadcast_in_dim3A_2087 = vector.broadcast %jit3A_2085 : f32 to vector<64x1024xf32>
    %select_n3A_2088 = arith.select %gt3A_2083, %broadcast_in_dim3A_2086, %broadcast_in_dim3A_2087 : vector<64x1024xi1>, vector<64x1024xf32>
    %slice3A_2089 = vector.extract_strided_slice %get3A_1 {offsets = [0, 58], sizes = [64, 1], strides = [1, 1]} : vector<64x64xf32> to vector<64x1xf32>
    %dot_general3A_2090 = arith.constant dense<0.000000e+00> : vector<1x1024xf32>
    %dot_general3A_2091 = tpu.matmul %slice3A_2089, %select_n3A_2088, %dot_general3A_2090 {dimension_numbers = #tpu.dot_dimension_numbers<[0], [0], [1], [1], [0, 1, 1, 1], [], []>, transpose_lhs_hint = false} : vector<64x1xf32>, vector<64x1024xf32>, vector<1x1024xf32> -> vector<1x1024xf32>
    %gt3A_2092 = arith.constant 5.950000e+01 : f32
    %gt3A_2093 = vector.broadcast %gt3A_2092 : f32 to vector<64x1024xf32>
    %gt3A_2094 = arith.cmpf ogt, %transpose3A_1442, %gt3A_2093 : vector<64x1024xf32>
    %jit3A_2095 = arith.constant 1.000000e+00 : f32
    %jit3A_2096 = arith.constant -1.000000e+00 : f32
    %broadcast_in_dim3A_2097 = vector.broadcast %jit3A_2095 : f32 to vector<64x1024xf32>
    %broadcast_in_dim3A_2098 = vector.broadcast %jit3A_2096 : f32 to vector<64x1024xf32>
    %select_n3A_2099 = arith.select %gt3A_2094, %broadcast_in_dim3A_2097, %broadcast_in_dim3A_2098 : vector<64x1024xi1>, vector<64x1024xf32>
    %slice3A_2100 = vector.extract_strided_slice %get3A_1 {offsets = [0, 59], sizes = [64, 1], strides = [1, 1]} : vector<64x64xf32> to vector<64x1xf32>
    %dot_general3A_2101 = arith.constant dense<0.000000e+00> : vector<1x1024xf32>
    %dot_general3A_2102 = tpu.matmul %slice3A_2100, %select_n3A_2099, %dot_general3A_2101 {dimension_numbers = #tpu.dot_dimension_numbers<[0], [0], [1], [1], [0, 1, 1, 1], [], []>, transpose_lhs_hint = false} : vector<64x1xf32>, vector<64x1024xf32>, vector<1x1024xf32> -> vector<1x1024xf32>
    %gt3A_2103 = arith.constant 6.050000e+01 : f32
    %gt3A_2104 = vector.broadcast %gt3A_2103 : f32 to vector<64x1024xf32>
    %gt3A_2105 = arith.cmpf ogt, %transpose3A_1442, %gt3A_2104 : vector<64x1024xf32>
    %jit3A_2106 = arith.constant 1.000000e+00 : f32
    %jit3A_2107 = arith.constant -1.000000e+00 : f32
    %broadcast_in_dim3A_2108 = vector.broadcast %jit3A_2106 : f32 to vector<64x1024xf32>
    %broadcast_in_dim3A_2109 = vector.broadcast %jit3A_2107 : f32 to vector<64x1024xf32>
    %select_n3A_2110 = arith.select %gt3A_2105, %broadcast_in_dim3A_2108, %broadcast_in_dim3A_2109 : vector<64x1024xi1>, vector<64x1024xf32>
    %slice3A_2111 = vector.extract_strided_slice %get3A_1 {offsets = [0, 60], sizes = [64, 1], strides = [1, 1]} : vector<64x64xf32> to vector<64x1xf32>
    %dot_general3A_2112 = arith.constant dense<0.000000e+00> : vector<1x1024xf32>
    %dot_general3A_2113 = tpu.matmul %slice3A_2111, %select_n3A_2110, %dot_general3A_2112 {dimension_numbers = #tpu.dot_dimension_numbers<[0], [0], [1], [1], [0, 1, 1, 1], [], []>, transpose_lhs_hint = false} : vector<64x1xf32>, vector<64x1024xf32>, vector<1x1024xf32> -> vector<1x1024xf32>
    %gt3A_2114 = arith.constant 6.150000e+01 : f32
    %gt3A_2115 = vector.broadcast %gt3A_2114 : f32 to vector<64x1024xf32>
    %gt3A_2116 = arith.cmpf ogt, %transpose3A_1442, %gt3A_2115 : vector<64x1024xf32>
    %jit3A_2117 = arith.constant 1.000000e+00 : f32
    %jit3A_2118 = arith.constant -1.000000e+00 : f32
    %broadcast_in_dim3A_2119 = vector.broadcast %jit3A_2117 : f32 to vector<64x1024xf32>
    %broadcast_in_dim3A_2120 = vector.broadcast %jit3A_2118 : f32 to vector<64x1024xf32>
    %select_n3A_2121 = arith.select %gt3A_2116, %broadcast_in_dim3A_2119, %broadcast_in_dim3A_2120 : vector<64x1024xi1>, vector<64x1024xf32>
    %slice3A_2122 = vector.extract_strided_slice %get3A_1 {offsets = [0, 61], sizes = [64, 1], strides = [1, 1]} : vector<64x64xf32> to vector<64x1xf32>
    %dot_general3A_2123 = arith.constant dense<0.000000e+00> : vector<1x1024xf32>
    %dot_general3A_2124 = tpu.matmul %slice3A_2122, %select_n3A_2121, %dot_general3A_2123 {dimension_numbers = #tpu.dot_dimension_numbers<[0], [0], [1], [1], [0, 1, 1, 1], [], []>, transpose_lhs_hint = false} : vector<64x1xf32>, vector<64x1024xf32>, vector<1x1024xf32> -> vector<1x1024xf32>
    %gt3A_2125 = arith.constant 6.250000e+01 : f32
    %gt3A_2126 = vector.broadcast %gt3A_2125 : f32 to vector<64x1024xf32>
    %gt3A_2127 = arith.cmpf ogt, %transpose3A_1442, %gt3A_2126 : vector<64x1024xf32>
    %jit3A_2128 = arith.constant 1.000000e+00 : f32
    %jit3A_2129 = arith.constant -1.000000e+00 : f32
    %broadcast_in_dim3A_2130 = vector.broadcast %jit3A_2128 : f32 to vector<64x1024xf32>
    %broadcast_in_dim3A_2131 = vector.broadcast %jit3A_2129 : f32 to vector<64x1024xf32>
    %select_n3A_2132 = arith.select %gt3A_2127, %broadcast_in_dim3A_2130, %broadcast_in_dim3A_2131 : vector<64x1024xi1>, vector<64x1024xf32>
    %slice3A_2133 = vector.extract_strided_slice %get3A_1 {offsets = [0, 62], sizes = [64, 1], strides = [1, 1]} : vector<64x64xf32> to vector<64x1xf32>
    %dot_general3A_2134 = arith.constant dense<0.000000e+00> : vector<1x1024xf32>
    %dot_general3A_2135 = tpu.matmul %slice3A_2133, %select_n3A_2132, %dot_general3A_2134 {dimension_numbers = #tpu.dot_dimension_numbers<[0], [0], [1], [1], [0, 1, 1, 1], [], []>, transpose_lhs_hint = false} : vector<64x1xf32>, vector<64x1024xf32>, vector<1x1024xf32> -> vector<1x1024xf32>
    %gt3A_2136 = arith.constant 6.350000e+01 : f32
    %gt3A_2137 = vector.broadcast %gt3A_2136 : f32 to vector<64x1024xf32>
    %gt3A_2138 = arith.cmpf ogt, %transpose3A_1442, %gt3A_2137 : vector<64x1024xf32>
    %jit3A_2139 = arith.constant 1.000000e+00 : f32
    %jit3A_2140 = arith.constant -1.000000e+00 : f32
    %broadcast_in_dim3A_2141 = vector.broadcast %jit3A_2139 : f32 to vector<64x1024xf32>
    %broadcast_in_dim3A_2142 = vector.broadcast %jit3A_2140 : f32 to vector<64x1024xf32>
    %select_n3A_2143 = arith.select %gt3A_2138, %broadcast_in_dim3A_2141, %broadcast_in_dim3A_2142 : vector<64x1024xi1>, vector<64x1024xf32>
    %slice3A_2144 = vector.extract_strided_slice %get3A_1 {offsets = [0, 63], sizes = [64, 1], strides = [1, 1]} : vector<64x64xf32> to vector<64x1xf32>
    %dot_general3A_2145 = arith.constant dense<0.000000e+00> : vector<1x1024xf32>
    %dot_general3A_2146 = tpu.matmul %slice3A_2144, %select_n3A_2143, %dot_general3A_2145 {dimension_numbers = #tpu.dot_dimension_numbers<[0], [0], [1], [1], [0, 1, 1, 1], [], []>, transpose_lhs_hint = false} : vector<64x1xf32>, vector<64x1024xf32>, vector<1x1024xf32> -> vector<1x1024xf32>
    %concatenate3A_2147 = tpu.concatenate %dot_general3A_1453, %dot_general3A_1464, %dot_general3A_1475, %dot_general3A_1486, %dot_general3A_1497, %dot_general3A_1508, %dot_general3A_1519, %dot_general3A_1530, %dot_general3A_1541, %dot_general3A_1552, %dot_general3A_1563, %dot_general3A_1574, %dot_general3A_1585, %dot_general3A_1596, %dot_general3A_1607, %dot_general3A_1618, %dot_general3A_1629, %dot_general3A_1640, %dot_general3A_1651, %dot_general3A_1662, %dot_general3A_1673, %dot_general3A_1684, %dot_general3A_1695, %dot_general3A_1706, %dot_general3A_1717, %dot_general3A_1728, %dot_general3A_1739, %dot_general3A_1750, %dot_general3A_1761, %dot_general3A_1772, %dot_general3A_1783, %dot_general3A_1794, %dot_general3A_1805, %dot_general3A_1816, %dot_general3A_1827, %dot_general3A_1838, %dot_general3A_1849, %dot_general3A_1860, %dot_general3A_1871, %dot_general3A_1882, %dot_general3A_1893, %dot_general3A_1904, %dot_general3A_1915, %dot_general3A_1926, %dot_general3A_1937, %dot_general3A_1948, %dot_general3A_1959, %dot_general3A_1970, %dot_general3A_1981, %dot_general3A_1992, %dot_general3A_2003, %dot_general3A_2014, %dot_general3A_2025, %dot_general3A_2036, %dot_general3A_2047, %dot_general3A_2058, %dot_general3A_2069, %dot_general3A_2080, %dot_general3A_2091, %dot_general3A_2102, %dot_general3A_2113, %dot_general3A_2124, %dot_general3A_2135, %dot_general3A_2146 in 0 : vector<1x1024xf32>, vector<1x1024xf32>, vector<1x1024xf32>, vector<1x1024xf32>, vector<1x1024xf32>, vector<1x1024xf32>, vector<1x1024xf32>, vector<1x1024xf32>, vector<1x1024xf32>, vector<1x1024xf32>, vector<1x1024xf32>, vector<1x1024xf32>, vector<1x1024xf32>, vector<1x1024xf32>, vector<1x1024xf32>, vector<1x1024xf32>, vector<1x1024xf32>, vector<1x1024xf32>, vector<1x1024xf32>, vector<1x1024xf32>, vector<1x1024xf32>, vector<1x1024xf32>, vector<1x1024xf32>, vector<1x1024xf32>, vector<1x1024xf32>, vector<1x1024xf32>, vector<1x1024xf32>, vector<1x1024xf32>, vector<1x1024xf32>, vector<1x1024xf32>, vector<1x1024xf32>, vector<1x1024xf32>, vector<1x1024xf32>, vector<1x1024xf32>, vector<1x1024xf32>, vector<1x1024xf32>, vector<1x1024xf32>, vector<1x1024xf32>, vector<1x1024xf32>, vector<1x1024xf32>, vector<1x1024xf32>, vector<1x1024xf32>, vector<1x1024xf32>, vector<1x1024xf32>, vector<1x1024xf32>, vector<1x1024xf32>, vector<1x1024xf32>, vector<1x1024xf32>, vector<1x1024xf32>, vector<1x1024xf32>, vector<1x1024xf32>, vector<1x1024xf32>, vector<1x1024xf32>, vector<1x1024xf32>, vector<1x1024xf32>, vector<1x1024xf32>, vector<1x1024xf32>, vector<1x1024xf32>, vector<1x1024xf32>, vector<1x1024xf32>, vector<1x1024xf32>, vector<1x1024xf32>, vector<1x1024xf32>, vector<1x1024xf32> -> vector<64x1024xf32>
    %swap3A_2148 = arith.constant 2 : index
    %swap3A_2149 = arith.constant 0 : index
    %swap3A_2150 = arith.constant 0 : index
    %swap3A_2151 = vector.load %arg3[%swap3A_2148, %swap3A_2149, %swap3A_2150] : memref<5x64x1024xf32, #tpu.memory_space<vmem>>, vector<1x64x1024xf32>
    %swap3A_2152 = vector.shape_cast %swap3A_2151 : vector<1x64x1024xf32> to vector<64x1024xf32>
    %swap3A_2153 = vector.shape_cast %concatenate3A_2147 : vector<64x1024xf32> to vector<1x64x1024xf32>
    tpu.vector_store %arg3[%swap3A_2148, %swap3A_2149, %swap3A_2150], %swap3A_2153 {strides = array<i32>} : memref<5x64x1024xf32, #tpu.memory_space<vmem>>, vector<1x64x1024xf32>,
    %get3A_2154 = arith.constant 3072 : index
    %get3A_2155 = arith.constant 0 : index
    %get3A_2156 = vector.load %arg1[%get3A_2154, %get3A_2155] : memref<5120x128xf32, #tpu.memory_space<vmem>>, vector<1024x64xf32>
    %sub3A_2157 = arith.constant -2.000000e+00 : f32
    %sub3A_2158 = vector.broadcast %sub3A_2157 : f32 to vector<1024x64xf32>
    %sub3A_2159 = arith.subf %get3A_2156, %sub3A_2158 : vector<1024x64xf32>
    %mul3A_2160 = arith.constant 1.600000e+01 : f32
    %mul3A_2161 = vector.broadcast %mul3A_2160 : f32 to vector<1024x64xf32>
    %mul3A_2162 = arith.mulf %sub3A_2159, %mul3A_2161 : vector<1024x64xf32>
    %transpose3A_2163 = tpu.transpose %mul3A_2162, [1, 0] : vector<1024x64xf32> -> vector<64x1024xf32>
    %gt3A_2164 = arith.constant 5.000000e-01 : f32
    %gt3A_2165 = vector.broadcast %gt3A_2164 : f32 to vector<64x1024xf32>
    %gt3A_2166 = arith.cmpf ogt, %transpose3A_2163, %gt3A_2165 : vector<64x1024xf32>
    %jit3A_2167 = arith.constant 1.000000e+00 : f32
    %jit3A_2168 = arith.constant -1.000000e+00 : f32
    %broadcast_in_dim3A_2169 = vector.broadcast %jit3A_2167 : f32 to vector<64x1024xf32>
    %broadcast_in_dim3A_2170 = vector.broadcast %jit3A_2168 : f32 to vector<64x1024xf32>
    %select_n3A_2171 = arith.select %gt3A_2166, %broadcast_in_dim3A_2169, %broadcast_in_dim3A_2170 : vector<64x1024xi1>, vector<64x1024xf32>
    %slice3A_2172 = vector.extract_strided_slice %get3A_1 {offsets = [0, 0], sizes = [64, 1], strides = [1, 1]} : vector<64x64xf32> to vector<64x1xf32>
    %dot_general3A_2173 = arith.constant dense<0.000000e+00> : vector<1x1024xf32>
    %dot_general3A_2174 = tpu.matmul %slice3A_2172, %select_n3A_2171, %dot_general3A_2173 {dimension_numbers = #tpu.dot_dimension_numbers<[0], [0], [1], [1], [0, 1, 1, 1], [], []>, transpose_lhs_hint = false} : vector<64x1xf32>, vector<64x1024xf32>, vector<1x1024xf32> -> vector<1x1024xf32>
    %gt3A_2175 = arith.constant 1.500000e+00 : f32
    %gt3A_2176 = vector.broadcast %gt3A_2175 : f32 to vector<64x1024xf32>
    %gt3A_2177 = arith.cmpf ogt, %transpose3A_2163, %gt3A_2176 : vector<64x1024xf32>
    %jit3A_2178 = arith.constant 1.000000e+00 : f32
    %jit3A_2179 = arith.constant -1.000000e+00 : f32
    %broadcast_in_dim3A_2180 = vector.broadcast %jit3A_2178 : f32 to vector<64x1024xf32>
    %broadcast_in_dim3A_2181 = vector.broadcast %jit3A_2179 : f32 to vector<64x1024xf32>
    %select_n3A_2182 = arith.select %gt3A_2177, %broadcast_in_dim3A_2180, %broadcast_in_dim3A_2181 : vector<64x1024xi1>, vector<64x1024xf32>
    %slice3A_2183 = vector.extract_strided_slice %get3A_1 {offsets = [0, 1], sizes = [64, 1], strides = [1, 1]} : vector<64x64xf32> to vector<64x1xf32>
    %dot_general3A_2184 = arith.constant dense<0.000000e+00> : vector<1x1024xf32>
    %dot_general3A_2185 = tpu.matmul %slice3A_2183, %select_n3A_2182, %dot_general3A_2184 {dimension_numbers = #tpu.dot_dimension_numbers<[0], [0], [1], [1], [0, 1, 1, 1], [], []>, transpose_lhs_hint = false} : vector<64x1xf32>, vector<64x1024xf32>, vector<1x1024xf32> -> vector<1x1024xf32>
    %gt3A_2186 = arith.constant 2.500000e+00 : f32
    %gt3A_2187 = vector.broadcast %gt3A_2186 : f32 to vector<64x1024xf32>
    %gt3A_2188 = arith.cmpf ogt, %transpose3A_2163, %gt3A_2187 : vector<64x1024xf32>
    %jit3A_2189 = arith.constant 1.000000e+00 : f32
    %jit3A_2190 = arith.constant -1.000000e+00 : f32
    %broadcast_in_dim3A_2191 = vector.broadcast %jit3A_2189 : f32 to vector<64x1024xf32>
    %broadcast_in_dim3A_2192 = vector.broadcast %jit3A_2190 : f32 to vector<64x1024xf32>
    %select_n3A_2193 = arith.select %gt3A_2188, %broadcast_in_dim3A_2191, %broadcast_in_dim3A_2192 : vector<64x1024xi1>, vector<64x1024xf32>
    %slice3A_2194 = vector.extract_strided_slice %get3A_1 {offsets = [0, 2], sizes = [64, 1], strides = [1, 1]} : vector<64x64xf32> to vector<64x1xf32>
    %dot_general3A_2195 = arith.constant dense<0.000000e+00> : vector<1x1024xf32>
    %dot_general3A_2196 = tpu.matmul %slice3A_2194, %select_n3A_2193, %dot_general3A_2195 {dimension_numbers = #tpu.dot_dimension_numbers<[0], [0], [1], [1], [0, 1, 1, 1], [], []>, transpose_lhs_hint = false} : vector<64x1xf32>, vector<64x1024xf32>, vector<1x1024xf32> -> vector<1x1024xf32>
    %gt3A_2197 = arith.constant 3.500000e+00 : f32
    %gt3A_2198 = vector.broadcast %gt3A_2197 : f32 to vector<64x1024xf32>
    %gt3A_2199 = arith.cmpf ogt, %transpose3A_2163, %gt3A_2198 : vector<64x1024xf32>
    %jit3A_2200 = arith.constant 1.000000e+00 : f32
    %jit3A_2201 = arith.constant -1.000000e+00 : f32
    %broadcast_in_dim3A_2202 = vector.broadcast %jit3A_2200 : f32 to vector<64x1024xf32>
    %broadcast_in_dim3A_2203 = vector.broadcast %jit3A_2201 : f32 to vector<64x1024xf32>
    %select_n3A_2204 = arith.select %gt3A_2199, %broadcast_in_dim3A_2202, %broadcast_in_dim3A_2203 : vector<64x1024xi1>, vector<64x1024xf32>
    %slice3A_2205 = vector.extract_strided_slice %get3A_1 {offsets = [0, 3], sizes = [64, 1], strides = [1, 1]} : vector<64x64xf32> to vector<64x1xf32>
    %dot_general3A_2206 = arith.constant dense<0.000000e+00> : vector<1x1024xf32>
    %dot_general3A_2207 = tpu.matmul %slice3A_2205, %select_n3A_2204, %dot_general3A_2206 {dimension_numbers = #tpu.dot_dimension_numbers<[0], [0], [1], [1], [0, 1, 1, 1], [], []>, transpose_lhs_hint = false} : vector<64x1xf32>, vector<64x1024xf32>, vector<1x1024xf32> -> vector<1x1024xf32>
    %gt3A_2208 = arith.constant 4.500000e+00 : f32
    %gt3A_2209 = vector.broadcast %gt3A_2208 : f32 to vector<64x1024xf32>
    %gt3A_2210 = arith.cmpf ogt, %transpose3A_2163, %gt3A_2209 : vector<64x1024xf32>
    %jit3A_2211 = arith.constant 1.000000e+00 : f32
    %jit3A_2212 = arith.constant -1.000000e+00 : f32
    %broadcast_in_dim3A_2213 = vector.broadcast %jit3A_2211 : f32 to vector<64x1024xf32>
    %broadcast_in_dim3A_2214 = vector.broadcast %jit3A_2212 : f32 to vector<64x1024xf32>
    %select_n3A_2215 = arith.select %gt3A_2210, %broadcast_in_dim3A_2213, %broadcast_in_dim3A_2214 : vector<64x1024xi1>, vector<64x1024xf32>
    %slice3A_2216 = vector.extract_strided_slice %get3A_1 {offsets = [0, 4], sizes = [64, 1], strides = [1, 1]} : vector<64x64xf32> to vector<64x1xf32>
    %dot_general3A_2217 = arith.constant dense<0.000000e+00> : vector<1x1024xf32>
    %dot_general3A_2218 = tpu.matmul %slice3A_2216, %select_n3A_2215, %dot_general3A_2217 {dimension_numbers = #tpu.dot_dimension_numbers<[0], [0], [1], [1], [0, 1, 1, 1], [], []>, transpose_lhs_hint = false} : vector<64x1xf32>, vector<64x1024xf32>, vector<1x1024xf32> -> vector<1x1024xf32>
    %gt3A_2219 = arith.constant 5.500000e+00 : f32
    %gt3A_2220 = vector.broadcast %gt3A_2219 : f32 to vector<64x1024xf32>
    %gt3A_2221 = arith.cmpf ogt, %transpose3A_2163, %gt3A_2220 : vector<64x1024xf32>
    %jit3A_2222 = arith.constant 1.000000e+00 : f32
    %jit3A_2223 = arith.constant -1.000000e+00 : f32
    %broadcast_in_dim3A_2224 = vector.broadcast %jit3A_2222 : f32 to vector<64x1024xf32>
    %broadcast_in_dim3A_2225 = vector.broadcast %jit3A_2223 : f32 to vector<64x1024xf32>
    %select_n3A_2226 = arith.select %gt3A_2221, %broadcast_in_dim3A_2224, %broadcast_in_dim3A_2225 : vector<64x1024xi1>, vector<64x1024xf32>
    %slice3A_2227 = vector.extract_strided_slice %get3A_1 {offsets = [0, 5], sizes = [64, 1], strides = [1, 1]} : vector<64x64xf32> to vector<64x1xf32>
    %dot_general3A_2228 = arith.constant dense<0.000000e+00> : vector<1x1024xf32>
    %dot_general3A_2229 = tpu.matmul %slice3A_2227, %select_n3A_2226, %dot_general3A_2228 {dimension_numbers = #tpu.dot_dimension_numbers<[0], [0], [1], [1], [0, 1, 1, 1], [], []>, transpose_lhs_hint = false} : vector<64x1xf32>, vector<64x1024xf32>, vector<1x1024xf32> -> vector<1x1024xf32>
    %gt3A_2230 = arith.constant 6.500000e+00 : f32
    %gt3A_2231 = vector.broadcast %gt3A_2230 : f32 to vector<64x1024xf32>
    %gt3A_2232 = arith.cmpf ogt, %transpose3A_2163, %gt3A_2231 : vector<64x1024xf32>
    %jit3A_2233 = arith.constant 1.000000e+00 : f32
    %jit3A_2234 = arith.constant -1.000000e+00 : f32
    %broadcast_in_dim3A_2235 = vector.broadcast %jit3A_2233 : f32 to vector<64x1024xf32>
    %broadcast_in_dim3A_2236 = vector.broadcast %jit3A_2234 : f32 to vector<64x1024xf32>
    %select_n3A_2237 = arith.select %gt3A_2232, %broadcast_in_dim3A_2235, %broadcast_in_dim3A_2236 : vector<64x1024xi1>, vector<64x1024xf32>
    %slice3A_2238 = vector.extract_strided_slice %get3A_1 {offsets = [0, 6], sizes = [64, 1], strides = [1, 1]} : vector<64x64xf32> to vector<64x1xf32>
    %dot_general3A_2239 = arith.constant dense<0.000000e+00> : vector<1x1024xf32>
    %dot_general3A_2240 = tpu.matmul %slice3A_2238, %select_n3A_2237, %dot_general3A_2239 {dimension_numbers = #tpu.dot_dimension_numbers<[0], [0], [1], [1], [0, 1, 1, 1], [], []>, transpose_lhs_hint = false} : vector<64x1xf32>, vector<64x1024xf32>, vector<1x1024xf32> -> vector<1x1024xf32>
    %gt3A_2241 = arith.constant 7.500000e+00 : f32
    %gt3A_2242 = vector.broadcast %gt3A_2241 : f32 to vector<64x1024xf32>
    %gt3A_2243 = arith.cmpf ogt, %transpose3A_2163, %gt3A_2242 : vector<64x1024xf32>
    %jit3A_2244 = arith.constant 1.000000e+00 : f32
    %jit3A_2245 = arith.constant -1.000000e+00 : f32
    %broadcast_in_dim3A_2246 = vector.broadcast %jit3A_2244 : f32 to vector<64x1024xf32>
    %broadcast_in_dim3A_2247 = vector.broadcast %jit3A_2245 : f32 to vector<64x1024xf32>
    %select_n3A_2248 = arith.select %gt3A_2243, %broadcast_in_dim3A_2246, %broadcast_in_dim3A_2247 : vector<64x1024xi1>, vector<64x1024xf32>
    %slice3A_2249 = vector.extract_strided_slice %get3A_1 {offsets = [0, 7], sizes = [64, 1], strides = [1, 1]} : vector<64x64xf32> to vector<64x1xf32>
    %dot_general3A_2250 = arith.constant dense<0.000000e+00> : vector<1x1024xf32>
    %dot_general3A_2251 = tpu.matmul %slice3A_2249, %select_n3A_2248, %dot_general3A_2250 {dimension_numbers = #tpu.dot_dimension_numbers<[0], [0], [1], [1], [0, 1, 1, 1], [], []>, transpose_lhs_hint = false} : vector<64x1xf32>, vector<64x1024xf32>, vector<1x1024xf32> -> vector<1x1024xf32>
    %gt3A_2252 = arith.constant 8.500000e+00 : f32
    %gt3A_2253 = vector.broadcast %gt3A_2252 : f32 to vector<64x1024xf32>
    %gt3A_2254 = arith.cmpf ogt, %transpose3A_2163, %gt3A_2253 : vector<64x1024xf32>
    %jit3A_2255 = arith.constant 1.000000e+00 : f32
    %jit3A_2256 = arith.constant -1.000000e+00 : f32
    %broadcast_in_dim3A_2257 = vector.broadcast %jit3A_2255 : f32 to vector<64x1024xf32>
    %broadcast_in_dim3A_2258 = vector.broadcast %jit3A_2256 : f32 to vector<64x1024xf32>
    %select_n3A_2259 = arith.select %gt3A_2254, %broadcast_in_dim3A_2257, %broadcast_in_dim3A_2258 : vector<64x1024xi1>, vector<64x1024xf32>
    %slice3A_2260 = vector.extract_strided_slice %get3A_1 {offsets = [0, 8], sizes = [64, 1], strides = [1, 1]} : vector<64x64xf32> to vector<64x1xf32>
    %dot_general3A_2261 = arith.constant dense<0.000000e+00> : vector<1x1024xf32>
    %dot_general3A_2262 = tpu.matmul %slice3A_2260, %select_n3A_2259, %dot_general3A_2261 {dimension_numbers = #tpu.dot_dimension_numbers<[0], [0], [1], [1], [0, 1, 1, 1], [], []>, transpose_lhs_hint = false} : vector<64x1xf32>, vector<64x1024xf32>, vector<1x1024xf32> -> vector<1x1024xf32>
    %gt3A_2263 = arith.constant 9.500000e+00 : f32
    %gt3A_2264 = vector.broadcast %gt3A_2263 : f32 to vector<64x1024xf32>
    %gt3A_2265 = arith.cmpf ogt, %transpose3A_2163, %gt3A_2264 : vector<64x1024xf32>
    %jit3A_2266 = arith.constant 1.000000e+00 : f32
    %jit3A_2267 = arith.constant -1.000000e+00 : f32
    %broadcast_in_dim3A_2268 = vector.broadcast %jit3A_2266 : f32 to vector<64x1024xf32>
    %broadcast_in_dim3A_2269 = vector.broadcast %jit3A_2267 : f32 to vector<64x1024xf32>
    %select_n3A_2270 = arith.select %gt3A_2265, %broadcast_in_dim3A_2268, %broadcast_in_dim3A_2269 : vector<64x1024xi1>, vector<64x1024xf32>
    %slice3A_2271 = vector.extract_strided_slice %get3A_1 {offsets = [0, 9], sizes = [64, 1], strides = [1, 1]} : vector<64x64xf32> to vector<64x1xf32>
    %dot_general3A_2272 = arith.constant dense<0.000000e+00> : vector<1x1024xf32>
    %dot_general3A_2273 = tpu.matmul %slice3A_2271, %select_n3A_2270, %dot_general3A_2272 {dimension_numbers = #tpu.dot_dimension_numbers<[0], [0], [1], [1], [0, 1, 1, 1], [], []>, transpose_lhs_hint = false} : vector<64x1xf32>, vector<64x1024xf32>, vector<1x1024xf32> -> vector<1x1024xf32>
    %gt3A_2274 = arith.constant 1.050000e+01 : f32
    %gt3A_2275 = vector.broadcast %gt3A_2274 : f32 to vector<64x1024xf32>
    %gt3A_2276 = arith.cmpf ogt, %transpose3A_2163, %gt3A_2275 : vector<64x1024xf32>
    %jit3A_2277 = arith.constant 1.000000e+00 : f32
    %jit3A_2278 = arith.constant -1.000000e+00 : f32
    %broadcast_in_dim3A_2279 = vector.broadcast %jit3A_2277 : f32 to vector<64x1024xf32>
    %broadcast_in_dim3A_2280 = vector.broadcast %jit3A_2278 : f32 to vector<64x1024xf32>
    %select_n3A_2281 = arith.select %gt3A_2276, %broadcast_in_dim3A_2279, %broadcast_in_dim3A_2280 : vector<64x1024xi1>, vector<64x1024xf32>
    %slice3A_2282 = vector.extract_strided_slice %get3A_1 {offsets = [0, 10], sizes = [64, 1], strides = [1, 1]} : vector<64x64xf32> to vector<64x1xf32>
    %dot_general3A_2283 = arith.constant dense<0.000000e+00> : vector<1x1024xf32>
    %dot_general3A_2284 = tpu.matmul %slice3A_2282, %select_n3A_2281, %dot_general3A_2283 {dimension_numbers = #tpu.dot_dimension_numbers<[0], [0], [1], [1], [0, 1, 1, 1], [], []>, transpose_lhs_hint = false} : vector<64x1xf32>, vector<64x1024xf32>, vector<1x1024xf32> -> vector<1x1024xf32>
    %gt3A_2285 = arith.constant 1.150000e+01 : f32
    %gt3A_2286 = vector.broadcast %gt3A_2285 : f32 to vector<64x1024xf32>
    %gt3A_2287 = arith.cmpf ogt, %transpose3A_2163, %gt3A_2286 : vector<64x1024xf32>
    %jit3A_2288 = arith.constant 1.000000e+00 : f32
    %jit3A_2289 = arith.constant -1.000000e+00 : f32
    %broadcast_in_dim3A_2290 = vector.broadcast %jit3A_2288 : f32 to vector<64x1024xf32>
    %broadcast_in_dim3A_2291 = vector.broadcast %jit3A_2289 : f32 to vector<64x1024xf32>
    %select_n3A_2292 = arith.select %gt3A_2287, %broadcast_in_dim3A_2290, %broadcast_in_dim3A_2291 : vector<64x1024xi1>, vector<64x1024xf32>
    %slice3A_2293 = vector.extract_strided_slice %get3A_1 {offsets = [0, 11], sizes = [64, 1], strides = [1, 1]} : vector<64x64xf32> to vector<64x1xf32>
    %dot_general3A_2294 = arith.constant dense<0.000000e+00> : vector<1x1024xf32>
    %dot_general3A_2295 = tpu.matmul %slice3A_2293, %select_n3A_2292, %dot_general3A_2294 {dimension_numbers = #tpu.dot_dimension_numbers<[0], [0], [1], [1], [0, 1, 1, 1], [], []>, transpose_lhs_hint = false} : vector<64x1xf32>, vector<64x1024xf32>, vector<1x1024xf32> -> vector<1x1024xf32>
    %gt3A_2296 = arith.constant 1.250000e+01 : f32
    %gt3A_2297 = vector.broadcast %gt3A_2296 : f32 to vector<64x1024xf32>
    %gt3A_2298 = arith.cmpf ogt, %transpose3A_2163, %gt3A_2297 : vector<64x1024xf32>
    %jit3A_2299 = arith.constant 1.000000e+00 : f32
    %jit3A_2300 = arith.constant -1.000000e+00 : f32
    %broadcast_in_dim3A_2301 = vector.broadcast %jit3A_2299 : f32 to vector<64x1024xf32>
    %broadcast_in_dim3A_2302 = vector.broadcast %jit3A_2300 : f32 to vector<64x1024xf32>
    %select_n3A_2303 = arith.select %gt3A_2298, %broadcast_in_dim3A_2301, %broadcast_in_dim3A_2302 : vector<64x1024xi1>, vector<64x1024xf32>
    %slice3A_2304 = vector.extract_strided_slice %get3A_1 {offsets = [0, 12], sizes = [64, 1], strides = [1, 1]} : vector<64x64xf32> to vector<64x1xf32>
    %dot_general3A_2305 = arith.constant dense<0.000000e+00> : vector<1x1024xf32>
    %dot_general3A_2306 = tpu.matmul %slice3A_2304, %select_n3A_2303, %dot_general3A_2305 {dimension_numbers = #tpu.dot_dimension_numbers<[0], [0], [1], [1], [0, 1, 1, 1], [], []>, transpose_lhs_hint = false} : vector<64x1xf32>, vector<64x1024xf32>, vector<1x1024xf32> -> vector<1x1024xf32>
    %gt3A_2307 = arith.constant 1.350000e+01 : f32
    %gt3A_2308 = vector.broadcast %gt3A_2307 : f32 to vector<64x1024xf32>
    %gt3A_2309 = arith.cmpf ogt, %transpose3A_2163, %gt3A_2308 : vector<64x1024xf32>
    %jit3A_2310 = arith.constant 1.000000e+00 : f32
    %jit3A_2311 = arith.constant -1.000000e+00 : f32
    %broadcast_in_dim3A_2312 = vector.broadcast %jit3A_2310 : f32 to vector<64x1024xf32>
    %broadcast_in_dim3A_2313 = vector.broadcast %jit3A_2311 : f32 to vector<64x1024xf32>
    %select_n3A_2314 = arith.select %gt3A_2309, %broadcast_in_dim3A_2312, %broadcast_in_dim3A_2313 : vector<64x1024xi1>, vector<64x1024xf32>
    %slice3A_2315 = vector.extract_strided_slice %get3A_1 {offsets = [0, 13], sizes = [64, 1], strides = [1, 1]} : vector<64x64xf32> to vector<64x1xf32>
    %dot_general3A_2316 = arith.constant dense<0.000000e+00> : vector<1x1024xf32>
    %dot_general3A_2317 = tpu.matmul %slice3A_2315, %select_n3A_2314, %dot_general3A_2316 {dimension_numbers = #tpu.dot_dimension_numbers<[0], [0], [1], [1], [0, 1, 1, 1], [], []>, transpose_lhs_hint = false} : vector<64x1xf32>, vector<64x1024xf32>, vector<1x1024xf32> -> vector<1x1024xf32>
    %gt3A_2318 = arith.constant 1.450000e+01 : f32
    %gt3A_2319 = vector.broadcast %gt3A_2318 : f32 to vector<64x1024xf32>
    %gt3A_2320 = arith.cmpf ogt, %transpose3A_2163, %gt3A_2319 : vector<64x1024xf32>
    %jit3A_2321 = arith.constant 1.000000e+00 : f32
    %jit3A_2322 = arith.constant -1.000000e+00 : f32
    %broadcast_in_dim3A_2323 = vector.broadcast %jit3A_2321 : f32 to vector<64x1024xf32>
    %broadcast_in_dim3A_2324 = vector.broadcast %jit3A_2322 : f32 to vector<64x1024xf32>
    %select_n3A_2325 = arith.select %gt3A_2320, %broadcast_in_dim3A_2323, %broadcast_in_dim3A_2324 : vector<64x1024xi1>, vector<64x1024xf32>
    %slice3A_2326 = vector.extract_strided_slice %get3A_1 {offsets = [0, 14], sizes = [64, 1], strides = [1, 1]} : vector<64x64xf32> to vector<64x1xf32>
    %dot_general3A_2327 = arith.constant dense<0.000000e+00> : vector<1x1024xf32>
    %dot_general3A_2328 = tpu.matmul %slice3A_2326, %select_n3A_2325, %dot_general3A_2327 {dimension_numbers = #tpu.dot_dimension_numbers<[0], [0], [1], [1], [0, 1, 1, 1], [], []>, transpose_lhs_hint = false} : vector<64x1xf32>, vector<64x1024xf32>, vector<1x1024xf32> -> vector<1x1024xf32>
    %gt3A_2329 = arith.constant 1.550000e+01 : f32
    %gt3A_2330 = vector.broadcast %gt3A_2329 : f32 to vector<64x1024xf32>
    %gt3A_2331 = arith.cmpf ogt, %transpose3A_2163, %gt3A_2330 : vector<64x1024xf32>
    %jit3A_2332 = arith.constant 1.000000e+00 : f32
    %jit3A_2333 = arith.constant -1.000000e+00 : f32
    %broadcast_in_dim3A_2334 = vector.broadcast %jit3A_2332 : f32 to vector<64x1024xf32>
    %broadcast_in_dim3A_2335 = vector.broadcast %jit3A_2333 : f32 to vector<64x1024xf32>
    %select_n3A_2336 = arith.select %gt3A_2331, %broadcast_in_dim3A_2334, %broadcast_in_dim3A_2335 : vector<64x1024xi1>, vector<64x1024xf32>
    %slice3A_2337 = vector.extract_strided_slice %get3A_1 {offsets = [0, 15], sizes = [64, 1], strides = [1, 1]} : vector<64x64xf32> to vector<64x1xf32>
    %dot_general3A_2338 = arith.constant dense<0.000000e+00> : vector<1x1024xf32>
    %dot_general3A_2339 = tpu.matmul %slice3A_2337, %select_n3A_2336, %dot_general3A_2338 {dimension_numbers = #tpu.dot_dimension_numbers<[0], [0], [1], [1], [0, 1, 1, 1], [], []>, transpose_lhs_hint = false} : vector<64x1xf32>, vector<64x1024xf32>, vector<1x1024xf32> -> vector<1x1024xf32>
    %gt3A_2340 = arith.constant 1.650000e+01 : f32
    %gt3A_2341 = vector.broadcast %gt3A_2340 : f32 to vector<64x1024xf32>
    %gt3A_2342 = arith.cmpf ogt, %transpose3A_2163, %gt3A_2341 : vector<64x1024xf32>
    %jit3A_2343 = arith.constant 1.000000e+00 : f32
    %jit3A_2344 = arith.constant -1.000000e+00 : f32
    %broadcast_in_dim3A_2345 = vector.broadcast %jit3A_2343 : f32 to vector<64x1024xf32>
    %broadcast_in_dim3A_2346 = vector.broadcast %jit3A_2344 : f32 to vector<64x1024xf32>
    %select_n3A_2347 = arith.select %gt3A_2342, %broadcast_in_dim3A_2345, %broadcast_in_dim3A_2346 : vector<64x1024xi1>, vector<64x1024xf32>
    %slice3A_2348 = vector.extract_strided_slice %get3A_1 {offsets = [0, 16], sizes = [64, 1], strides = [1, 1]} : vector<64x64xf32> to vector<64x1xf32>
    %dot_general3A_2349 = arith.constant dense<0.000000e+00> : vector<1x1024xf32>
    %dot_general3A_2350 = tpu.matmul %slice3A_2348, %select_n3A_2347, %dot_general3A_2349 {dimension_numbers = #tpu.dot_dimension_numbers<[0], [0], [1], [1], [0, 1, 1, 1], [], []>, transpose_lhs_hint = false} : vector<64x1xf32>, vector<64x1024xf32>, vector<1x1024xf32> -> vector<1x1024xf32>
    %gt3A_2351 = arith.constant 1.750000e+01 : f32
    %gt3A_2352 = vector.broadcast %gt3A_2351 : f32 to vector<64x1024xf32>
    %gt3A_2353 = arith.cmpf ogt, %transpose3A_2163, %gt3A_2352 : vector<64x1024xf32>
    %jit3A_2354 = arith.constant 1.000000e+00 : f32
    %jit3A_2355 = arith.constant -1.000000e+00 : f32
    %broadcast_in_dim3A_2356 = vector.broadcast %jit3A_2354 : f32 to vector<64x1024xf32>
    %broadcast_in_dim3A_2357 = vector.broadcast %jit3A_2355 : f32 to vector<64x1024xf32>
    %select_n3A_2358 = arith.select %gt3A_2353, %broadcast_in_dim3A_2356, %broadcast_in_dim3A_2357 : vector<64x1024xi1>, vector<64x1024xf32>
    %slice3A_2359 = vector.extract_strided_slice %get3A_1 {offsets = [0, 17], sizes = [64, 1], strides = [1, 1]} : vector<64x64xf32> to vector<64x1xf32>
    %dot_general3A_2360 = arith.constant dense<0.000000e+00> : vector<1x1024xf32>
    %dot_general3A_2361 = tpu.matmul %slice3A_2359, %select_n3A_2358, %dot_general3A_2360 {dimension_numbers = #tpu.dot_dimension_numbers<[0], [0], [1], [1], [0, 1, 1, 1], [], []>, transpose_lhs_hint = false} : vector<64x1xf32>, vector<64x1024xf32>, vector<1x1024xf32> -> vector<1x1024xf32>
    %gt3A_2362 = arith.constant 1.850000e+01 : f32
    %gt3A_2363 = vector.broadcast %gt3A_2362 : f32 to vector<64x1024xf32>
    %gt3A_2364 = arith.cmpf ogt, %transpose3A_2163, %gt3A_2363 : vector<64x1024xf32>
    %jit3A_2365 = arith.constant 1.000000e+00 : f32
    %jit3A_2366 = arith.constant -1.000000e+00 : f32
    %broadcast_in_dim3A_2367 = vector.broadcast %jit3A_2365 : f32 to vector<64x1024xf32>
    %broadcast_in_dim3A_2368 = vector.broadcast %jit3A_2366 : f32 to vector<64x1024xf32>
    %select_n3A_2369 = arith.select %gt3A_2364, %broadcast_in_dim3A_2367, %broadcast_in_dim3A_2368 : vector<64x1024xi1>, vector<64x1024xf32>
    %slice3A_2370 = vector.extract_strided_slice %get3A_1 {offsets = [0, 18], sizes = [64, 1], strides = [1, 1]} : vector<64x64xf32> to vector<64x1xf32>
    %dot_general3A_2371 = arith.constant dense<0.000000e+00> : vector<1x1024xf32>
    %dot_general3A_2372 = tpu.matmul %slice3A_2370, %select_n3A_2369, %dot_general3A_2371 {dimension_numbers = #tpu.dot_dimension_numbers<[0], [0], [1], [1], [0, 1, 1, 1], [], []>, transpose_lhs_hint = false} : vector<64x1xf32>, vector<64x1024xf32>, vector<1x1024xf32> -> vector<1x1024xf32>
    %gt3A_2373 = arith.constant 1.950000e+01 : f32
    %gt3A_2374 = vector.broadcast %gt3A_2373 : f32 to vector<64x1024xf32>
    %gt3A_2375 = arith.cmpf ogt, %transpose3A_2163, %gt3A_2374 : vector<64x1024xf32>
    %jit3A_2376 = arith.constant 1.000000e+00 : f32
    %jit3A_2377 = arith.constant -1.000000e+00 : f32
    %broadcast_in_dim3A_2378 = vector.broadcast %jit3A_2376 : f32 to vector<64x1024xf32>
    %broadcast_in_dim3A_2379 = vector.broadcast %jit3A_2377 : f32 to vector<64x1024xf32>
    %select_n3A_2380 = arith.select %gt3A_2375, %broadcast_in_dim3A_2378, %broadcast_in_dim3A_2379 : vector<64x1024xi1>, vector<64x1024xf32>
    %slice3A_2381 = vector.extract_strided_slice %get3A_1 {offsets = [0, 19], sizes = [64, 1], strides = [1, 1]} : vector<64x64xf32> to vector<64x1xf32>
    %dot_general3A_2382 = arith.constant dense<0.000000e+00> : vector<1x1024xf32>
    %dot_general3A_2383 = tpu.matmul %slice3A_2381, %select_n3A_2380, %dot_general3A_2382 {dimension_numbers = #tpu.dot_dimension_numbers<[0], [0], [1], [1], [0, 1, 1, 1], [], []>, transpose_lhs_hint = false} : vector<64x1xf32>, vector<64x1024xf32>, vector<1x1024xf32> -> vector<1x1024xf32>
    %gt3A_2384 = arith.constant 2.050000e+01 : f32
    %gt3A_2385 = vector.broadcast %gt3A_2384 : f32 to vector<64x1024xf32>
    %gt3A_2386 = arith.cmpf ogt, %transpose3A_2163, %gt3A_2385 : vector<64x1024xf32>
    %jit3A_2387 = arith.constant 1.000000e+00 : f32
    %jit3A_2388 = arith.constant -1.000000e+00 : f32
    %broadcast_in_dim3A_2389 = vector.broadcast %jit3A_2387 : f32 to vector<64x1024xf32>
    %broadcast_in_dim3A_2390 = vector.broadcast %jit3A_2388 : f32 to vector<64x1024xf32>
    %select_n3A_2391 = arith.select %gt3A_2386, %broadcast_in_dim3A_2389, %broadcast_in_dim3A_2390 : vector<64x1024xi1>, vector<64x1024xf32>
    %slice3A_2392 = vector.extract_strided_slice %get3A_1 {offsets = [0, 20], sizes = [64, 1], strides = [1, 1]} : vector<64x64xf32> to vector<64x1xf32>
    %dot_general3A_2393 = arith.constant dense<0.000000e+00> : vector<1x1024xf32>
    %dot_general3A_2394 = tpu.matmul %slice3A_2392, %select_n3A_2391, %dot_general3A_2393 {dimension_numbers = #tpu.dot_dimension_numbers<[0], [0], [1], [1], [0, 1, 1, 1], [], []>, transpose_lhs_hint = false} : vector<64x1xf32>, vector<64x1024xf32>, vector<1x1024xf32> -> vector<1x1024xf32>
    %gt3A_2395 = arith.constant 2.150000e+01 : f32
    %gt3A_2396 = vector.broadcast %gt3A_2395 : f32 to vector<64x1024xf32>
    %gt3A_2397 = arith.cmpf ogt, %transpose3A_2163, %gt3A_2396 : vector<64x1024xf32>
    %jit3A_2398 = arith.constant 1.000000e+00 : f32
    %jit3A_2399 = arith.constant -1.000000e+00 : f32
    %broadcast_in_dim3A_2400 = vector.broadcast %jit3A_2398 : f32 to vector<64x1024xf32>
    %broadcast_in_dim3A_2401 = vector.broadcast %jit3A_2399 : f32 to vector<64x1024xf32>
    %select_n3A_2402 = arith.select %gt3A_2397, %broadcast_in_dim3A_2400, %broadcast_in_dim3A_2401 : vector<64x1024xi1>, vector<64x1024xf32>
    %slice3A_2403 = vector.extract_strided_slice %get3A_1 {offsets = [0, 21], sizes = [64, 1], strides = [1, 1]} : vector<64x64xf32> to vector<64x1xf32>
    %dot_general3A_2404 = arith.constant dense<0.000000e+00> : vector<1x1024xf32>
    %dot_general3A_2405 = tpu.matmul %slice3A_2403, %select_n3A_2402, %dot_general3A_2404 {dimension_numbers = #tpu.dot_dimension_numbers<[0], [0], [1], [1], [0, 1, 1, 1], [], []>, transpose_lhs_hint = false} : vector<64x1xf32>, vector<64x1024xf32>, vector<1x1024xf32> -> vector<1x1024xf32>
    %gt3A_2406 = arith.constant 2.250000e+01 : f32
    %gt3A_2407 = vector.broadcast %gt3A_2406 : f32 to vector<64x1024xf32>
    %gt3A_2408 = arith.cmpf ogt, %transpose3A_2163, %gt3A_2407 : vector<64x1024xf32>
    %jit3A_2409 = arith.constant 1.000000e+00 : f32
    %jit3A_2410 = arith.constant -1.000000e+00 : f32
    %broadcast_in_dim3A_2411 = vector.broadcast %jit3A_2409 : f32 to vector<64x1024xf32>
    %broadcast_in_dim3A_2412 = vector.broadcast %jit3A_2410 : f32 to vector<64x1024xf32>
    %select_n3A_2413 = arith.select %gt3A_2408, %broadcast_in_dim3A_2411, %broadcast_in_dim3A_2412 : vector<64x1024xi1>, vector<64x1024xf32>
    %slice3A_2414 = vector.extract_strided_slice %get3A_1 {offsets = [0, 22], sizes = [64, 1], strides = [1, 1]} : vector<64x64xf32> to vector<64x1xf32>
    %dot_general3A_2415 = arith.constant dense<0.000000e+00> : vector<1x1024xf32>
    %dot_general3A_2416 = tpu.matmul %slice3A_2414, %select_n3A_2413, %dot_general3A_2415 {dimension_numbers = #tpu.dot_dimension_numbers<[0], [0], [1], [1], [0, 1, 1, 1], [], []>, transpose_lhs_hint = false} : vector<64x1xf32>, vector<64x1024xf32>, vector<1x1024xf32> -> vector<1x1024xf32>
    %gt3A_2417 = arith.constant 2.350000e+01 : f32
    %gt3A_2418 = vector.broadcast %gt3A_2417 : f32 to vector<64x1024xf32>
    %gt3A_2419 = arith.cmpf ogt, %transpose3A_2163, %gt3A_2418 : vector<64x1024xf32>
    %jit3A_2420 = arith.constant 1.000000e+00 : f32
    %jit3A_2421 = arith.constant -1.000000e+00 : f32
    %broadcast_in_dim3A_2422 = vector.broadcast %jit3A_2420 : f32 to vector<64x1024xf32>
    %broadcast_in_dim3A_2423 = vector.broadcast %jit3A_2421 : f32 to vector<64x1024xf32>
    %select_n3A_2424 = arith.select %gt3A_2419, %broadcast_in_dim3A_2422, %broadcast_in_dim3A_2423 : vector<64x1024xi1>, vector<64x1024xf32>
    %slice3A_2425 = vector.extract_strided_slice %get3A_1 {offsets = [0, 23], sizes = [64, 1], strides = [1, 1]} : vector<64x64xf32> to vector<64x1xf32>
    %dot_general3A_2426 = arith.constant dense<0.000000e+00> : vector<1x1024xf32>
    %dot_general3A_2427 = tpu.matmul %slice3A_2425, %select_n3A_2424, %dot_general3A_2426 {dimension_numbers = #tpu.dot_dimension_numbers<[0], [0], [1], [1], [0, 1, 1, 1], [], []>, transpose_lhs_hint = false} : vector<64x1xf32>, vector<64x1024xf32>, vector<1x1024xf32> -> vector<1x1024xf32>
    %gt3A_2428 = arith.constant 2.450000e+01 : f32
    %gt3A_2429 = vector.broadcast %gt3A_2428 : f32 to vector<64x1024xf32>
    %gt3A_2430 = arith.cmpf ogt, %transpose3A_2163, %gt3A_2429 : vector<64x1024xf32>
    %jit3A_2431 = arith.constant 1.000000e+00 : f32
    %jit3A_2432 = arith.constant -1.000000e+00 : f32
    %broadcast_in_dim3A_2433 = vector.broadcast %jit3A_2431 : f32 to vector<64x1024xf32>
    %broadcast_in_dim3A_2434 = vector.broadcast %jit3A_2432 : f32 to vector<64x1024xf32>
    %select_n3A_2435 = arith.select %gt3A_2430, %broadcast_in_dim3A_2433, %broadcast_in_dim3A_2434 : vector<64x1024xi1>, vector<64x1024xf32>
    %slice3A_2436 = vector.extract_strided_slice %get3A_1 {offsets = [0, 24], sizes = [64, 1], strides = [1, 1]} : vector<64x64xf32> to vector<64x1xf32>
    %dot_general3A_2437 = arith.constant dense<0.000000e+00> : vector<1x1024xf32>
    %dot_general3A_2438 = tpu.matmul %slice3A_2436, %select_n3A_2435, %dot_general3A_2437 {dimension_numbers = #tpu.dot_dimension_numbers<[0], [0], [1], [1], [0, 1, 1, 1], [], []>, transpose_lhs_hint = false} : vector<64x1xf32>, vector<64x1024xf32>, vector<1x1024xf32> -> vector<1x1024xf32>
    %gt3A_2439 = arith.constant 2.550000e+01 : f32
    %gt3A_2440 = vector.broadcast %gt3A_2439 : f32 to vector<64x1024xf32>
    %gt3A_2441 = arith.cmpf ogt, %transpose3A_2163, %gt3A_2440 : vector<64x1024xf32>
    %jit3A_2442 = arith.constant 1.000000e+00 : f32
    %jit3A_2443 = arith.constant -1.000000e+00 : f32
    %broadcast_in_dim3A_2444 = vector.broadcast %jit3A_2442 : f32 to vector<64x1024xf32>
    %broadcast_in_dim3A_2445 = vector.broadcast %jit3A_2443 : f32 to vector<64x1024xf32>
    %select_n3A_2446 = arith.select %gt3A_2441, %broadcast_in_dim3A_2444, %broadcast_in_dim3A_2445 : vector<64x1024xi1>, vector<64x1024xf32>
    %slice3A_2447 = vector.extract_strided_slice %get3A_1 {offsets = [0, 25], sizes = [64, 1], strides = [1, 1]} : vector<64x64xf32> to vector<64x1xf32>
    %dot_general3A_2448 = arith.constant dense<0.000000e+00> : vector<1x1024xf32>
    %dot_general3A_2449 = tpu.matmul %slice3A_2447, %select_n3A_2446, %dot_general3A_2448 {dimension_numbers = #tpu.dot_dimension_numbers<[0], [0], [1], [1], [0, 1, 1, 1], [], []>, transpose_lhs_hint = false} : vector<64x1xf32>, vector<64x1024xf32>, vector<1x1024xf32> -> vector<1x1024xf32>
    %gt3A_2450 = arith.constant 2.650000e+01 : f32
    %gt3A_2451 = vector.broadcast %gt3A_2450 : f32 to vector<64x1024xf32>
    %gt3A_2452 = arith.cmpf ogt, %transpose3A_2163, %gt3A_2451 : vector<64x1024xf32>
    %jit3A_2453 = arith.constant 1.000000e+00 : f32
    %jit3A_2454 = arith.constant -1.000000e+00 : f32
    %broadcast_in_dim3A_2455 = vector.broadcast %jit3A_2453 : f32 to vector<64x1024xf32>
    %broadcast_in_dim3A_2456 = vector.broadcast %jit3A_2454 : f32 to vector<64x1024xf32>
    %select_n3A_2457 = arith.select %gt3A_2452, %broadcast_in_dim3A_2455, %broadcast_in_dim3A_2456 : vector<64x1024xi1>, vector<64x1024xf32>
    %slice3A_2458 = vector.extract_strided_slice %get3A_1 {offsets = [0, 26], sizes = [64, 1], strides = [1, 1]} : vector<64x64xf32> to vector<64x1xf32>
    %dot_general3A_2459 = arith.constant dense<0.000000e+00> : vector<1x1024xf32>
    %dot_general3A_2460 = tpu.matmul %slice3A_2458, %select_n3A_2457, %dot_general3A_2459 {dimension_numbers = #tpu.dot_dimension_numbers<[0], [0], [1], [1], [0, 1, 1, 1], [], []>, transpose_lhs_hint = false} : vector<64x1xf32>, vector<64x1024xf32>, vector<1x1024xf32> -> vector<1x1024xf32>
    %gt3A_2461 = arith.constant 2.750000e+01 : f32
    %gt3A_2462 = vector.broadcast %gt3A_2461 : f32 to vector<64x1024xf32>
    %gt3A_2463 = arith.cmpf ogt, %transpose3A_2163, %gt3A_2462 : vector<64x1024xf32>
    %jit3A_2464 = arith.constant 1.000000e+00 : f32
    %jit3A_2465 = arith.constant -1.000000e+00 : f32
    %broadcast_in_dim3A_2466 = vector.broadcast %jit3A_2464 : f32 to vector<64x1024xf32>
    %broadcast_in_dim3A_2467 = vector.broadcast %jit3A_2465 : f32 to vector<64x1024xf32>
    %select_n3A_2468 = arith.select %gt3A_2463, %broadcast_in_dim3A_2466, %broadcast_in_dim3A_2467 : vector<64x1024xi1>, vector<64x1024xf32>
    %slice3A_2469 = vector.extract_strided_slice %get3A_1 {offsets = [0, 27], sizes = [64, 1], strides = [1, 1]} : vector<64x64xf32> to vector<64x1xf32>
    %dot_general3A_2470 = arith.constant dense<0.000000e+00> : vector<1x1024xf32>
    %dot_general3A_2471 = tpu.matmul %slice3A_2469, %select_n3A_2468, %dot_general3A_2470 {dimension_numbers = #tpu.dot_dimension_numbers<[0], [0], [1], [1], [0, 1, 1, 1], [], []>, transpose_lhs_hint = false} : vector<64x1xf32>, vector<64x1024xf32>, vector<1x1024xf32> -> vector<1x1024xf32>
    %gt3A_2472 = arith.constant 2.850000e+01 : f32
    %gt3A_2473 = vector.broadcast %gt3A_2472 : f32 to vector<64x1024xf32>
    %gt3A_2474 = arith.cmpf ogt, %transpose3A_2163, %gt3A_2473 : vector<64x1024xf32>
    %jit3A_2475 = arith.constant 1.000000e+00 : f32
    %jit3A_2476 = arith.constant -1.000000e+00 : f32
    %broadcast_in_dim3A_2477 = vector.broadcast %jit3A_2475 : f32 to vector<64x1024xf32>
    %broadcast_in_dim3A_2478 = vector.broadcast %jit3A_2476 : f32 to vector<64x1024xf32>
    %select_n3A_2479 = arith.select %gt3A_2474, %broadcast_in_dim3A_2477, %broadcast_in_dim3A_2478 : vector<64x1024xi1>, vector<64x1024xf32>
    %slice3A_2480 = vector.extract_strided_slice %get3A_1 {offsets = [0, 28], sizes = [64, 1], strides = [1, 1]} : vector<64x64xf32> to vector<64x1xf32>
    %dot_general3A_2481 = arith.constant dense<0.000000e+00> : vector<1x1024xf32>
    %dot_general3A_2482 = tpu.matmul %slice3A_2480, %select_n3A_2479, %dot_general3A_2481 {dimension_numbers = #tpu.dot_dimension_numbers<[0], [0], [1], [1], [0, 1, 1, 1], [], []>, transpose_lhs_hint = false} : vector<64x1xf32>, vector<64x1024xf32>, vector<1x1024xf32> -> vector<1x1024xf32>
    %gt3A_2483 = arith.constant 2.950000e+01 : f32
    %gt3A_2484 = vector.broadcast %gt3A_2483 : f32 to vector<64x1024xf32>
    %gt3A_2485 = arith.cmpf ogt, %transpose3A_2163, %gt3A_2484 : vector<64x1024xf32>
    %jit3A_2486 = arith.constant 1.000000e+00 : f32
    %jit3A_2487 = arith.constant -1.000000e+00 : f32
    %broadcast_in_dim3A_2488 = vector.broadcast %jit3A_2486 : f32 to vector<64x1024xf32>
    %broadcast_in_dim3A_2489 = vector.broadcast %jit3A_2487 : f32 to vector<64x1024xf32>
    %select_n3A_2490 = arith.select %gt3A_2485, %broadcast_in_dim3A_2488, %broadcast_in_dim3A_2489 : vector<64x1024xi1>, vector<64x1024xf32>
    %slice3A_2491 = vector.extract_strided_slice %get3A_1 {offsets = [0, 29], sizes = [64, 1], strides = [1, 1]} : vector<64x64xf32> to vector<64x1xf32>
    %dot_general3A_2492 = arith.constant dense<0.000000e+00> : vector<1x1024xf32>
    %dot_general3A_2493 = tpu.matmul %slice3A_2491, %select_n3A_2490, %dot_general3A_2492 {dimension_numbers = #tpu.dot_dimension_numbers<[0], [0], [1], [1], [0, 1, 1, 1], [], []>, transpose_lhs_hint = false} : vector<64x1xf32>, vector<64x1024xf32>, vector<1x1024xf32> -> vector<1x1024xf32>
    %gt3A_2494 = arith.constant 3.050000e+01 : f32
    %gt3A_2495 = vector.broadcast %gt3A_2494 : f32 to vector<64x1024xf32>
    %gt3A_2496 = arith.cmpf ogt, %transpose3A_2163, %gt3A_2495 : vector<64x1024xf32>
    %jit3A_2497 = arith.constant 1.000000e+00 : f32
    %jit3A_2498 = arith.constant -1.000000e+00 : f32
    %broadcast_in_dim3A_2499 = vector.broadcast %jit3A_2497 : f32 to vector<64x1024xf32>
    %broadcast_in_dim3A_2500 = vector.broadcast %jit3A_2498 : f32 to vector<64x1024xf32>
    %select_n3A_2501 = arith.select %gt3A_2496, %broadcast_in_dim3A_2499, %broadcast_in_dim3A_2500 : vector<64x1024xi1>, vector<64x1024xf32>
    %slice3A_2502 = vector.extract_strided_slice %get3A_1 {offsets = [0, 30], sizes = [64, 1], strides = [1, 1]} : vector<64x64xf32> to vector<64x1xf32>
    %dot_general3A_2503 = arith.constant dense<0.000000e+00> : vector<1x1024xf32>
    %dot_general3A_2504 = tpu.matmul %slice3A_2502, %select_n3A_2501, %dot_general3A_2503 {dimension_numbers = #tpu.dot_dimension_numbers<[0], [0], [1], [1], [0, 1, 1, 1], [], []>, transpose_lhs_hint = false} : vector<64x1xf32>, vector<64x1024xf32>, vector<1x1024xf32> -> vector<1x1024xf32>
    %gt3A_2505 = arith.constant 3.150000e+01 : f32
    %gt3A_2506 = vector.broadcast %gt3A_2505 : f32 to vector<64x1024xf32>
    %gt3A_2507 = arith.cmpf ogt, %transpose3A_2163, %gt3A_2506 : vector<64x1024xf32>
    %jit3A_2508 = arith.constant 1.000000e+00 : f32
    %jit3A_2509 = arith.constant -1.000000e+00 : f32
    %broadcast_in_dim3A_2510 = vector.broadcast %jit3A_2508 : f32 to vector<64x1024xf32>
    %broadcast_in_dim3A_2511 = vector.broadcast %jit3A_2509 : f32 to vector<64x1024xf32>
    %select_n3A_2512 = arith.select %gt3A_2507, %broadcast_in_dim3A_2510, %broadcast_in_dim3A_2511 : vector<64x1024xi1>, vector<64x1024xf32>
    %slice3A_2513 = vector.extract_strided_slice %get3A_1 {offsets = [0, 31], sizes = [64, 1], strides = [1, 1]} : vector<64x64xf32> to vector<64x1xf32>
    %dot_general3A_2514 = arith.constant dense<0.000000e+00> : vector<1x1024xf32>
    %dot_general3A_2515 = tpu.matmul %slice3A_2513, %select_n3A_2512, %dot_general3A_2514 {dimension_numbers = #tpu.dot_dimension_numbers<[0], [0], [1], [1], [0, 1, 1, 1], [], []>, transpose_lhs_hint = false} : vector<64x1xf32>, vector<64x1024xf32>, vector<1x1024xf32> -> vector<1x1024xf32>
    %gt3A_2516 = arith.constant 3.250000e+01 : f32
    %gt3A_2517 = vector.broadcast %gt3A_2516 : f32 to vector<64x1024xf32>
    %gt3A_2518 = arith.cmpf ogt, %transpose3A_2163, %gt3A_2517 : vector<64x1024xf32>
    %jit3A_2519 = arith.constant 1.000000e+00 : f32
    %jit3A_2520 = arith.constant -1.000000e+00 : f32
    %broadcast_in_dim3A_2521 = vector.broadcast %jit3A_2519 : f32 to vector<64x1024xf32>
    %broadcast_in_dim3A_2522 = vector.broadcast %jit3A_2520 : f32 to vector<64x1024xf32>
    %select_n3A_2523 = arith.select %gt3A_2518, %broadcast_in_dim3A_2521, %broadcast_in_dim3A_2522 : vector<64x1024xi1>, vector<64x1024xf32>
    %slice3A_2524 = vector.extract_strided_slice %get3A_1 {offsets = [0, 32], sizes = [64, 1], strides = [1, 1]} : vector<64x64xf32> to vector<64x1xf32>
    %dot_general3A_2525 = arith.constant dense<0.000000e+00> : vector<1x1024xf32>
    %dot_general3A_2526 = tpu.matmul %slice3A_2524, %select_n3A_2523, %dot_general3A_2525 {dimension_numbers = #tpu.dot_dimension_numbers<[0], [0], [1], [1], [0, 1, 1, 1], [], []>, transpose_lhs_hint = false} : vector<64x1xf32>, vector<64x1024xf32>, vector<1x1024xf32> -> vector<1x1024xf32>
    %gt3A_2527 = arith.constant 3.350000e+01 : f32
    %gt3A_2528 = vector.broadcast %gt3A_2527 : f32 to vector<64x1024xf32>
    %gt3A_2529 = arith.cmpf ogt, %transpose3A_2163, %gt3A_2528 : vector<64x1024xf32>
    %jit3A_2530 = arith.constant 1.000000e+00 : f32
    %jit3A_2531 = arith.constant -1.000000e+00 : f32
    %broadcast_in_dim3A_2532 = vector.broadcast %jit3A_2530 : f32 to vector<64x1024xf32>
    %broadcast_in_dim3A_2533 = vector.broadcast %jit3A_2531 : f32 to vector<64x1024xf32>
    %select_n3A_2534 = arith.select %gt3A_2529, %broadcast_in_dim3A_2532, %broadcast_in_dim3A_2533 : vector<64x1024xi1>, vector<64x1024xf32>
    %slice3A_2535 = vector.extract_strided_slice %get3A_1 {offsets = [0, 33], sizes = [64, 1], strides = [1, 1]} : vector<64x64xf32> to vector<64x1xf32>
    %dot_general3A_2536 = arith.constant dense<0.000000e+00> : vector<1x1024xf32>
    %dot_general3A_2537 = tpu.matmul %slice3A_2535, %select_n3A_2534, %dot_general3A_2536 {dimension_numbers = #tpu.dot_dimension_numbers<[0], [0], [1], [1], [0, 1, 1, 1], [], []>, transpose_lhs_hint = false} : vector<64x1xf32>, vector<64x1024xf32>, vector<1x1024xf32> -> vector<1x1024xf32>
    %gt3A_2538 = arith.constant 3.450000e+01 : f32
    %gt3A_2539 = vector.broadcast %gt3A_2538 : f32 to vector<64x1024xf32>
    %gt3A_2540 = arith.cmpf ogt, %transpose3A_2163, %gt3A_2539 : vector<64x1024xf32>
    %jit3A_2541 = arith.constant 1.000000e+00 : f32
    %jit3A_2542 = arith.constant -1.000000e+00 : f32
    %broadcast_in_dim3A_2543 = vector.broadcast %jit3A_2541 : f32 to vector<64x1024xf32>
    %broadcast_in_dim3A_2544 = vector.broadcast %jit3A_2542 : f32 to vector<64x1024xf32>
    %select_n3A_2545 = arith.select %gt3A_2540, %broadcast_in_dim3A_2543, %broadcast_in_dim3A_2544 : vector<64x1024xi1>, vector<64x1024xf32>
    %slice3A_2546 = vector.extract_strided_slice %get3A_1 {offsets = [0, 34], sizes = [64, 1], strides = [1, 1]} : vector<64x64xf32> to vector<64x1xf32>
    %dot_general3A_2547 = arith.constant dense<0.000000e+00> : vector<1x1024xf32>
    %dot_general3A_2548 = tpu.matmul %slice3A_2546, %select_n3A_2545, %dot_general3A_2547 {dimension_numbers = #tpu.dot_dimension_numbers<[0], [0], [1], [1], [0, 1, 1, 1], [], []>, transpose_lhs_hint = false} : vector<64x1xf32>, vector<64x1024xf32>, vector<1x1024xf32> -> vector<1x1024xf32>
    %gt3A_2549 = arith.constant 3.550000e+01 : f32
    %gt3A_2550 = vector.broadcast %gt3A_2549 : f32 to vector<64x1024xf32>
    %gt3A_2551 = arith.cmpf ogt, %transpose3A_2163, %gt3A_2550 : vector<64x1024xf32>
    %jit3A_2552 = arith.constant 1.000000e+00 : f32
    %jit3A_2553 = arith.constant -1.000000e+00 : f32
    %broadcast_in_dim3A_2554 = vector.broadcast %jit3A_2552 : f32 to vector<64x1024xf32>
    %broadcast_in_dim3A_2555 = vector.broadcast %jit3A_2553 : f32 to vector<64x1024xf32>
    %select_n3A_2556 = arith.select %gt3A_2551, %broadcast_in_dim3A_2554, %broadcast_in_dim3A_2555 : vector<64x1024xi1>, vector<64x1024xf32>
    %slice3A_2557 = vector.extract_strided_slice %get3A_1 {offsets = [0, 35], sizes = [64, 1], strides = [1, 1]} : vector<64x64xf32> to vector<64x1xf32>
    %dot_general3A_2558 = arith.constant dense<0.000000e+00> : vector<1x1024xf32>
    %dot_general3A_2559 = tpu.matmul %slice3A_2557, %select_n3A_2556, %dot_general3A_2558 {dimension_numbers = #tpu.dot_dimension_numbers<[0], [0], [1], [1], [0, 1, 1, 1], [], []>, transpose_lhs_hint = false} : vector<64x1xf32>, vector<64x1024xf32>, vector<1x1024xf32> -> vector<1x1024xf32>
    %gt3A_2560 = arith.constant 3.650000e+01 : f32
    %gt3A_2561 = vector.broadcast %gt3A_2560 : f32 to vector<64x1024xf32>
    %gt3A_2562 = arith.cmpf ogt, %transpose3A_2163, %gt3A_2561 : vector<64x1024xf32>
    %jit3A_2563 = arith.constant 1.000000e+00 : f32
    %jit3A_2564 = arith.constant -1.000000e+00 : f32
    %broadcast_in_dim3A_2565 = vector.broadcast %jit3A_2563 : f32 to vector<64x1024xf32>
    %broadcast_in_dim3A_2566 = vector.broadcast %jit3A_2564 : f32 to vector<64x1024xf32>
    %select_n3A_2567 = arith.select %gt3A_2562, %broadcast_in_dim3A_2565, %broadcast_in_dim3A_2566 : vector<64x1024xi1>, vector<64x1024xf32>
    %slice3A_2568 = vector.extract_strided_slice %get3A_1 {offsets = [0, 36], sizes = [64, 1], strides = [1, 1]} : vector<64x64xf32> to vector<64x1xf32>
    %dot_general3A_2569 = arith.constant dense<0.000000e+00> : vector<1x1024xf32>
    %dot_general3A_2570 = tpu.matmul %slice3A_2568, %select_n3A_2567, %dot_general3A_2569 {dimension_numbers = #tpu.dot_dimension_numbers<[0], [0], [1], [1], [0, 1, 1, 1], [], []>, transpose_lhs_hint = false} : vector<64x1xf32>, vector<64x1024xf32>, vector<1x1024xf32> -> vector<1x1024xf32>
    %gt3A_2571 = arith.constant 3.750000e+01 : f32
    %gt3A_2572 = vector.broadcast %gt3A_2571 : f32 to vector<64x1024xf32>
    %gt3A_2573 = arith.cmpf ogt, %transpose3A_2163, %gt3A_2572 : vector<64x1024xf32>
    %jit3A_2574 = arith.constant 1.000000e+00 : f32
    %jit3A_2575 = arith.constant -1.000000e+00 : f32
    %broadcast_in_dim3A_2576 = vector.broadcast %jit3A_2574 : f32 to vector<64x1024xf32>
    %broadcast_in_dim3A_2577 = vector.broadcast %jit3A_2575 : f32 to vector<64x1024xf32>
    %select_n3A_2578 = arith.select %gt3A_2573, %broadcast_in_dim3A_2576, %broadcast_in_dim3A_2577 : vector<64x1024xi1>, vector<64x1024xf32>
    %slice3A_2579 = vector.extract_strided_slice %get3A_1 {offsets = [0, 37], sizes = [64, 1], strides = [1, 1]} : vector<64x64xf32> to vector<64x1xf32>
    %dot_general3A_2580 = arith.constant dense<0.000000e+00> : vector<1x1024xf32>
    %dot_general3A_2581 = tpu.matmul %slice3A_2579, %select_n3A_2578, %dot_general3A_2580 {dimension_numbers = #tpu.dot_dimension_numbers<[0], [0], [1], [1], [0, 1, 1, 1], [], []>, transpose_lhs_hint = false} : vector<64x1xf32>, vector<64x1024xf32>, vector<1x1024xf32> -> vector<1x1024xf32>
    %gt3A_2582 = arith.constant 3.850000e+01 : f32
    %gt3A_2583 = vector.broadcast %gt3A_2582 : f32 to vector<64x1024xf32>
    %gt3A_2584 = arith.cmpf ogt, %transpose3A_2163, %gt3A_2583 : vector<64x1024xf32>
    %jit3A_2585 = arith.constant 1.000000e+00 : f32
    %jit3A_2586 = arith.constant -1.000000e+00 : f32
    %broadcast_in_dim3A_2587 = vector.broadcast %jit3A_2585 : f32 to vector<64x1024xf32>
    %broadcast_in_dim3A_2588 = vector.broadcast %jit3A_2586 : f32 to vector<64x1024xf32>
    %select_n3A_2589 = arith.select %gt3A_2584, %broadcast_in_dim3A_2587, %broadcast_in_dim3A_2588 : vector<64x1024xi1>, vector<64x1024xf32>
    %slice3A_2590 = vector.extract_strided_slice %get3A_1 {offsets = [0, 38], sizes = [64, 1], strides = [1, 1]} : vector<64x64xf32> to vector<64x1xf32>
    %dot_general3A_2591 = arith.constant dense<0.000000e+00> : vector<1x1024xf32>
    %dot_general3A_2592 = tpu.matmul %slice3A_2590, %select_n3A_2589, %dot_general3A_2591 {dimension_numbers = #tpu.dot_dimension_numbers<[0], [0], [1], [1], [0, 1, 1, 1], [], []>, transpose_lhs_hint = false} : vector<64x1xf32>, vector<64x1024xf32>, vector<1x1024xf32> -> vector<1x1024xf32>
    %gt3A_2593 = arith.constant 3.950000e+01 : f32
    %gt3A_2594 = vector.broadcast %gt3A_2593 : f32 to vector<64x1024xf32>
    %gt3A_2595 = arith.cmpf ogt, %transpose3A_2163, %gt3A_2594 : vector<64x1024xf32>
    %jit3A_2596 = arith.constant 1.000000e+00 : f32
    %jit3A_2597 = arith.constant -1.000000e+00 : f32
    %broadcast_in_dim3A_2598 = vector.broadcast %jit3A_2596 : f32 to vector<64x1024xf32>
    %broadcast_in_dim3A_2599 = vector.broadcast %jit3A_2597 : f32 to vector<64x1024xf32>
    %select_n3A_2600 = arith.select %gt3A_2595, %broadcast_in_dim3A_2598, %broadcast_in_dim3A_2599 : vector<64x1024xi1>, vector<64x1024xf32>
    %slice3A_2601 = vector.extract_strided_slice %get3A_1 {offsets = [0, 39], sizes = [64, 1], strides = [1, 1]} : vector<64x64xf32> to vector<64x1xf32>
    %dot_general3A_2602 = arith.constant dense<0.000000e+00> : vector<1x1024xf32>
    %dot_general3A_2603 = tpu.matmul %slice3A_2601, %select_n3A_2600, %dot_general3A_2602 {dimension_numbers = #tpu.dot_dimension_numbers<[0], [0], [1], [1], [0, 1, 1, 1], [], []>, transpose_lhs_hint = false} : vector<64x1xf32>, vector<64x1024xf32>, vector<1x1024xf32> -> vector<1x1024xf32>
    %gt3A_2604 = arith.constant 4.050000e+01 : f32
    %gt3A_2605 = vector.broadcast %gt3A_2604 : f32 to vector<64x1024xf32>
    %gt3A_2606 = arith.cmpf ogt, %transpose3A_2163, %gt3A_2605 : vector<64x1024xf32>
    %jit3A_2607 = arith.constant 1.000000e+00 : f32
    %jit3A_2608 = arith.constant -1.000000e+00 : f32
    %broadcast_in_dim3A_2609 = vector.broadcast %jit3A_2607 : f32 to vector<64x1024xf32>
    %broadcast_in_dim3A_2610 = vector.broadcast %jit3A_2608 : f32 to vector<64x1024xf32>
    %select_n3A_2611 = arith.select %gt3A_2606, %broadcast_in_dim3A_2609, %broadcast_in_dim3A_2610 : vector<64x1024xi1>, vector<64x1024xf32>
    %slice3A_2612 = vector.extract_strided_slice %get3A_1 {offsets = [0, 40], sizes = [64, 1], strides = [1, 1]} : vector<64x64xf32> to vector<64x1xf32>
    %dot_general3A_2613 = arith.constant dense<0.000000e+00> : vector<1x1024xf32>
    %dot_general3A_2614 = tpu.matmul %slice3A_2612, %select_n3A_2611, %dot_general3A_2613 {dimension_numbers = #tpu.dot_dimension_numbers<[0], [0], [1], [1], [0, 1, 1, 1], [], []>, transpose_lhs_hint = false} : vector<64x1xf32>, vector<64x1024xf32>, vector<1x1024xf32> -> vector<1x1024xf32>
    %gt3A_2615 = arith.constant 4.150000e+01 : f32
    %gt3A_2616 = vector.broadcast %gt3A_2615 : f32 to vector<64x1024xf32>
    %gt3A_2617 = arith.cmpf ogt, %transpose3A_2163, %gt3A_2616 : vector<64x1024xf32>
    %jit3A_2618 = arith.constant 1.000000e+00 : f32
    %jit3A_2619 = arith.constant -1.000000e+00 : f32
    %broadcast_in_dim3A_2620 = vector.broadcast %jit3A_2618 : f32 to vector<64x1024xf32>
    %broadcast_in_dim3A_2621 = vector.broadcast %jit3A_2619 : f32 to vector<64x1024xf32>
    %select_n3A_2622 = arith.select %gt3A_2617, %broadcast_in_dim3A_2620, %broadcast_in_dim3A_2621 : vector<64x1024xi1>, vector<64x1024xf32>
    %slice3A_2623 = vector.extract_strided_slice %get3A_1 {offsets = [0, 41], sizes = [64, 1], strides = [1, 1]} : vector<64x64xf32> to vector<64x1xf32>
    %dot_general3A_2624 = arith.constant dense<0.000000e+00> : vector<1x1024xf32>
    %dot_general3A_2625 = tpu.matmul %slice3A_2623, %select_n3A_2622, %dot_general3A_2624 {dimension_numbers = #tpu.dot_dimension_numbers<[0], [0], [1], [1], [0, 1, 1, 1], [], []>, transpose_lhs_hint = false} : vector<64x1xf32>, vector<64x1024xf32>, vector<1x1024xf32> -> vector<1x1024xf32>
    %gt3A_2626 = arith.constant 4.250000e+01 : f32
    %gt3A_2627 = vector.broadcast %gt3A_2626 : f32 to vector<64x1024xf32>
    %gt3A_2628 = arith.cmpf ogt, %transpose3A_2163, %gt3A_2627 : vector<64x1024xf32>
    %jit3A_2629 = arith.constant 1.000000e+00 : f32
    %jit3A_2630 = arith.constant -1.000000e+00 : f32
    %broadcast_in_dim3A_2631 = vector.broadcast %jit3A_2629 : f32 to vector<64x1024xf32>
    %broadcast_in_dim3A_2632 = vector.broadcast %jit3A_2630 : f32 to vector<64x1024xf32>
    %select_n3A_2633 = arith.select %gt3A_2628, %broadcast_in_dim3A_2631, %broadcast_in_dim3A_2632 : vector<64x1024xi1>, vector<64x1024xf32>
    %slice3A_2634 = vector.extract_strided_slice %get3A_1 {offsets = [0, 42], sizes = [64, 1], strides = [1, 1]} : vector<64x64xf32> to vector<64x1xf32>
    %dot_general3A_2635 = arith.constant dense<0.000000e+00> : vector<1x1024xf32>
    %dot_general3A_2636 = tpu.matmul %slice3A_2634, %select_n3A_2633, %dot_general3A_2635 {dimension_numbers = #tpu.dot_dimension_numbers<[0], [0], [1], [1], [0, 1, 1, 1], [], []>, transpose_lhs_hint = false} : vector<64x1xf32>, vector<64x1024xf32>, vector<1x1024xf32> -> vector<1x1024xf32>
    %gt3A_2637 = arith.constant 4.350000e+01 : f32
    %gt3A_2638 = vector.broadcast %gt3A_2637 : f32 to vector<64x1024xf32>
    %gt3A_2639 = arith.cmpf ogt, %transpose3A_2163, %gt3A_2638 : vector<64x1024xf32>
    %jit3A_2640 = arith.constant 1.000000e+00 : f32
    %jit3A_2641 = arith.constant -1.000000e+00 : f32
    %broadcast_in_dim3A_2642 = vector.broadcast %jit3A_2640 : f32 to vector<64x1024xf32>
    %broadcast_in_dim3A_2643 = vector.broadcast %jit3A_2641 : f32 to vector<64x1024xf32>
    %select_n3A_2644 = arith.select %gt3A_2639, %broadcast_in_dim3A_2642, %broadcast_in_dim3A_2643 : vector<64x1024xi1>, vector<64x1024xf32>
    %slice3A_2645 = vector.extract_strided_slice %get3A_1 {offsets = [0, 43], sizes = [64, 1], strides = [1, 1]} : vector<64x64xf32> to vector<64x1xf32>
    %dot_general3A_2646 = arith.constant dense<0.000000e+00> : vector<1x1024xf32>
    %dot_general3A_2647 = tpu.matmul %slice3A_2645, %select_n3A_2644, %dot_general3A_2646 {dimension_numbers = #tpu.dot_dimension_numbers<[0], [0], [1], [1], [0, 1, 1, 1], [], []>, transpose_lhs_hint = false} : vector<64x1xf32>, vector<64x1024xf32>, vector<1x1024xf32> -> vector<1x1024xf32>
    %gt3A_2648 = arith.constant 4.450000e+01 : f32
    %gt3A_2649 = vector.broadcast %gt3A_2648 : f32 to vector<64x1024xf32>
    %gt3A_2650 = arith.cmpf ogt, %transpose3A_2163, %gt3A_2649 : vector<64x1024xf32>
    %jit3A_2651 = arith.constant 1.000000e+00 : f32
    %jit3A_2652 = arith.constant -1.000000e+00 : f32
    %broadcast_in_dim3A_2653 = vector.broadcast %jit3A_2651 : f32 to vector<64x1024xf32>
    %broadcast_in_dim3A_2654 = vector.broadcast %jit3A_2652 : f32 to vector<64x1024xf32>
    %select_n3A_2655 = arith.select %gt3A_2650, %broadcast_in_dim3A_2653, %broadcast_in_dim3A_2654 : vector<64x1024xi1>, vector<64x1024xf32>
    %slice3A_2656 = vector.extract_strided_slice %get3A_1 {offsets = [0, 44], sizes = [64, 1], strides = [1, 1]} : vector<64x64xf32> to vector<64x1xf32>
    %dot_general3A_2657 = arith.constant dense<0.000000e+00> : vector<1x1024xf32>
    %dot_general3A_2658 = tpu.matmul %slice3A_2656, %select_n3A_2655, %dot_general3A_2657 {dimension_numbers = #tpu.dot_dimension_numbers<[0], [0], [1], [1], [0, 1, 1, 1], [], []>, transpose_lhs_hint = false} : vector<64x1xf32>, vector<64x1024xf32>, vector<1x1024xf32> -> vector<1x1024xf32>
    %gt3A_2659 = arith.constant 4.550000e+01 : f32
    %gt3A_2660 = vector.broadcast %gt3A_2659 : f32 to vector<64x1024xf32>
    %gt3A_2661 = arith.cmpf ogt, %transpose3A_2163, %gt3A_2660 : vector<64x1024xf32>
    %jit3A_2662 = arith.constant 1.000000e+00 : f32
    %jit3A_2663 = arith.constant -1.000000e+00 : f32
    %broadcast_in_dim3A_2664 = vector.broadcast %jit3A_2662 : f32 to vector<64x1024xf32>
    %broadcast_in_dim3A_2665 = vector.broadcast %jit3A_2663 : f32 to vector<64x1024xf32>
    %select_n3A_2666 = arith.select %gt3A_2661, %broadcast_in_dim3A_2664, %broadcast_in_dim3A_2665 : vector<64x1024xi1>, vector<64x1024xf32>
    %slice3A_2667 = vector.extract_strided_slice %get3A_1 {offsets = [0, 45], sizes = [64, 1], strides = [1, 1]} : vector<64x64xf32> to vector<64x1xf32>
    %dot_general3A_2668 = arith.constant dense<0.000000e+00> : vector<1x1024xf32>
    %dot_general3A_2669 = tpu.matmul %slice3A_2667, %select_n3A_2666, %dot_general3A_2668 {dimension_numbers = #tpu.dot_dimension_numbers<[0], [0], [1], [1], [0, 1, 1, 1], [], []>, transpose_lhs_hint = false} : vector<64x1xf32>, vector<64x1024xf32>, vector<1x1024xf32> -> vector<1x1024xf32>
    %gt3A_2670 = arith.constant 4.650000e+01 : f32
    %gt3A_2671 = vector.broadcast %gt3A_2670 : f32 to vector<64x1024xf32>
    %gt3A_2672 = arith.cmpf ogt, %transpose3A_2163, %gt3A_2671 : vector<64x1024xf32>
    %jit3A_2673 = arith.constant 1.000000e+00 : f32
    %jit3A_2674 = arith.constant -1.000000e+00 : f32
    %broadcast_in_dim3A_2675 = vector.broadcast %jit3A_2673 : f32 to vector<64x1024xf32>
    %broadcast_in_dim3A_2676 = vector.broadcast %jit3A_2674 : f32 to vector<64x1024xf32>
    %select_n3A_2677 = arith.select %gt3A_2672, %broadcast_in_dim3A_2675, %broadcast_in_dim3A_2676 : vector<64x1024xi1>, vector<64x1024xf32>
    %slice3A_2678 = vector.extract_strided_slice %get3A_1 {offsets = [0, 46], sizes = [64, 1], strides = [1, 1]} : vector<64x64xf32> to vector<64x1xf32>
    %dot_general3A_2679 = arith.constant dense<0.000000e+00> : vector<1x1024xf32>
    %dot_general3A_2680 = tpu.matmul %slice3A_2678, %select_n3A_2677, %dot_general3A_2679 {dimension_numbers = #tpu.dot_dimension_numbers<[0], [0], [1], [1], [0, 1, 1, 1], [], []>, transpose_lhs_hint = false} : vector<64x1xf32>, vector<64x1024xf32>, vector<1x1024xf32> -> vector<1x1024xf32>
    %gt3A_2681 = arith.constant 4.750000e+01 : f32
    %gt3A_2682 = vector.broadcast %gt3A_2681 : f32 to vector<64x1024xf32>
    %gt3A_2683 = arith.cmpf ogt, %transpose3A_2163, %gt3A_2682 : vector<64x1024xf32>
    %jit3A_2684 = arith.constant 1.000000e+00 : f32
    %jit3A_2685 = arith.constant -1.000000e+00 : f32
    %broadcast_in_dim3A_2686 = vector.broadcast %jit3A_2684 : f32 to vector<64x1024xf32>
    %broadcast_in_dim3A_2687 = vector.broadcast %jit3A_2685 : f32 to vector<64x1024xf32>
    %select_n3A_2688 = arith.select %gt3A_2683, %broadcast_in_dim3A_2686, %broadcast_in_dim3A_2687 : vector<64x1024xi1>, vector<64x1024xf32>
    %slice3A_2689 = vector.extract_strided_slice %get3A_1 {offsets = [0, 47], sizes = [64, 1], strides = [1, 1]} : vector<64x64xf32> to vector<64x1xf32>
    %dot_general3A_2690 = arith.constant dense<0.000000e+00> : vector<1x1024xf32>
    %dot_general3A_2691 = tpu.matmul %slice3A_2689, %select_n3A_2688, %dot_general3A_2690 {dimension_numbers = #tpu.dot_dimension_numbers<[0], [0], [1], [1], [0, 1, 1, 1], [], []>, transpose_lhs_hint = false} : vector<64x1xf32>, vector<64x1024xf32>, vector<1x1024xf32> -> vector<1x1024xf32>
    %gt3A_2692 = arith.constant 4.850000e+01 : f32
    %gt3A_2693 = vector.broadcast %gt3A_2692 : f32 to vector<64x1024xf32>
    %gt3A_2694 = arith.cmpf ogt, %transpose3A_2163, %gt3A_2693 : vector<64x1024xf32>
    %jit3A_2695 = arith.constant 1.000000e+00 : f32
    %jit3A_2696 = arith.constant -1.000000e+00 : f32
    %broadcast_in_dim3A_2697 = vector.broadcast %jit3A_2695 : f32 to vector<64x1024xf32>
    %broadcast_in_dim3A_2698 = vector.broadcast %jit3A_2696 : f32 to vector<64x1024xf32>
    %select_n3A_2699 = arith.select %gt3A_2694, %broadcast_in_dim3A_2697, %broadcast_in_dim3A_2698 : vector<64x1024xi1>, vector<64x1024xf32>
    %slice3A_2700 = vector.extract_strided_slice %get3A_1 {offsets = [0, 48], sizes = [64, 1], strides = [1, 1]} : vector<64x64xf32> to vector<64x1xf32>
    %dot_general3A_2701 = arith.constant dense<0.000000e+00> : vector<1x1024xf32>
    %dot_general3A_2702 = tpu.matmul %slice3A_2700, %select_n3A_2699, %dot_general3A_2701 {dimension_numbers = #tpu.dot_dimension_numbers<[0], [0], [1], [1], [0, 1, 1, 1], [], []>, transpose_lhs_hint = false} : vector<64x1xf32>, vector<64x1024xf32>, vector<1x1024xf32> -> vector<1x1024xf32>
    %gt3A_2703 = arith.constant 4.950000e+01 : f32
    %gt3A_2704 = vector.broadcast %gt3A_2703 : f32 to vector<64x1024xf32>
    %gt3A_2705 = arith.cmpf ogt, %transpose3A_2163, %gt3A_2704 : vector<64x1024xf32>
    %jit3A_2706 = arith.constant 1.000000e+00 : f32
    %jit3A_2707 = arith.constant -1.000000e+00 : f32
    %broadcast_in_dim3A_2708 = vector.broadcast %jit3A_2706 : f32 to vector<64x1024xf32>
    %broadcast_in_dim3A_2709 = vector.broadcast %jit3A_2707 : f32 to vector<64x1024xf32>
    %select_n3A_2710 = arith.select %gt3A_2705, %broadcast_in_dim3A_2708, %broadcast_in_dim3A_2709 : vector<64x1024xi1>, vector<64x1024xf32>
    %slice3A_2711 = vector.extract_strided_slice %get3A_1 {offsets = [0, 49], sizes = [64, 1], strides = [1, 1]} : vector<64x64xf32> to vector<64x1xf32>
    %dot_general3A_2712 = arith.constant dense<0.000000e+00> : vector<1x1024xf32>
    %dot_general3A_2713 = tpu.matmul %slice3A_2711, %select_n3A_2710, %dot_general3A_2712 {dimension_numbers = #tpu.dot_dimension_numbers<[0], [0], [1], [1], [0, 1, 1, 1], [], []>, transpose_lhs_hint = false} : vector<64x1xf32>, vector<64x1024xf32>, vector<1x1024xf32> -> vector<1x1024xf32>
    %gt3A_2714 = arith.constant 5.050000e+01 : f32
    %gt3A_2715 = vector.broadcast %gt3A_2714 : f32 to vector<64x1024xf32>
    %gt3A_2716 = arith.cmpf ogt, %transpose3A_2163, %gt3A_2715 : vector<64x1024xf32>
    %jit3A_2717 = arith.constant 1.000000e+00 : f32
    %jit3A_2718 = arith.constant -1.000000e+00 : f32
    %broadcast_in_dim3A_2719 = vector.broadcast %jit3A_2717 : f32 to vector<64x1024xf32>
    %broadcast_in_dim3A_2720 = vector.broadcast %jit3A_2718 : f32 to vector<64x1024xf32>
    %select_n3A_2721 = arith.select %gt3A_2716, %broadcast_in_dim3A_2719, %broadcast_in_dim3A_2720 : vector<64x1024xi1>, vector<64x1024xf32>
    %slice3A_2722 = vector.extract_strided_slice %get3A_1 {offsets = [0, 50], sizes = [64, 1], strides = [1, 1]} : vector<64x64xf32> to vector<64x1xf32>
    %dot_general3A_2723 = arith.constant dense<0.000000e+00> : vector<1x1024xf32>
    %dot_general3A_2724 = tpu.matmul %slice3A_2722, %select_n3A_2721, %dot_general3A_2723 {dimension_numbers = #tpu.dot_dimension_numbers<[0], [0], [1], [1], [0, 1, 1, 1], [], []>, transpose_lhs_hint = false} : vector<64x1xf32>, vector<64x1024xf32>, vector<1x1024xf32> -> vector<1x1024xf32>
    %gt3A_2725 = arith.constant 5.150000e+01 : f32
    %gt3A_2726 = vector.broadcast %gt3A_2725 : f32 to vector<64x1024xf32>
    %gt3A_2727 = arith.cmpf ogt, %transpose3A_2163, %gt3A_2726 : vector<64x1024xf32>
    %jit3A_2728 = arith.constant 1.000000e+00 : f32
    %jit3A_2729 = arith.constant -1.000000e+00 : f32
    %broadcast_in_dim3A_2730 = vector.broadcast %jit3A_2728 : f32 to vector<64x1024xf32>
    %broadcast_in_dim3A_2731 = vector.broadcast %jit3A_2729 : f32 to vector<64x1024xf32>
    %select_n3A_2732 = arith.select %gt3A_2727, %broadcast_in_dim3A_2730, %broadcast_in_dim3A_2731 : vector<64x1024xi1>, vector<64x1024xf32>
    %slice3A_2733 = vector.extract_strided_slice %get3A_1 {offsets = [0, 51], sizes = [64, 1], strides = [1, 1]} : vector<64x64xf32> to vector<64x1xf32>
    %dot_general3A_2734 = arith.constant dense<0.000000e+00> : vector<1x1024xf32>
    %dot_general3A_2735 = tpu.matmul %slice3A_2733, %select_n3A_2732, %dot_general3A_2734 {dimension_numbers = #tpu.dot_dimension_numbers<[0], [0], [1], [1], [0, 1, 1, 1], [], []>, transpose_lhs_hint = false} : vector<64x1xf32>, vector<64x1024xf32>, vector<1x1024xf32> -> vector<1x1024xf32>
    %gt3A_2736 = arith.constant 5.250000e+01 : f32
    %gt3A_2737 = vector.broadcast %gt3A_2736 : f32 to vector<64x1024xf32>
    %gt3A_2738 = arith.cmpf ogt, %transpose3A_2163, %gt3A_2737 : vector<64x1024xf32>
    %jit3A_2739 = arith.constant 1.000000e+00 : f32
    %jit3A_2740 = arith.constant -1.000000e+00 : f32
    %broadcast_in_dim3A_2741 = vector.broadcast %jit3A_2739 : f32 to vector<64x1024xf32>
    %broadcast_in_dim3A_2742 = vector.broadcast %jit3A_2740 : f32 to vector<64x1024xf32>
    %select_n3A_2743 = arith.select %gt3A_2738, %broadcast_in_dim3A_2741, %broadcast_in_dim3A_2742 : vector<64x1024xi1>, vector<64x1024xf32>
    %slice3A_2744 = vector.extract_strided_slice %get3A_1 {offsets = [0, 52], sizes = [64, 1], strides = [1, 1]} : vector<64x64xf32> to vector<64x1xf32>
    %dot_general3A_2745 = arith.constant dense<0.000000e+00> : vector<1x1024xf32>
    %dot_general3A_2746 = tpu.matmul %slice3A_2744, %select_n3A_2743, %dot_general3A_2745 {dimension_numbers = #tpu.dot_dimension_numbers<[0], [0], [1], [1], [0, 1, 1, 1], [], []>, transpose_lhs_hint = false} : vector<64x1xf32>, vector<64x1024xf32>, vector<1x1024xf32> -> vector<1x1024xf32>
    %gt3A_2747 = arith.constant 5.350000e+01 : f32
    %gt3A_2748 = vector.broadcast %gt3A_2747 : f32 to vector<64x1024xf32>
    %gt3A_2749 = arith.cmpf ogt, %transpose3A_2163, %gt3A_2748 : vector<64x1024xf32>
    %jit3A_2750 = arith.constant 1.000000e+00 : f32
    %jit3A_2751 = arith.constant -1.000000e+00 : f32
    %broadcast_in_dim3A_2752 = vector.broadcast %jit3A_2750 : f32 to vector<64x1024xf32>
    %broadcast_in_dim3A_2753 = vector.broadcast %jit3A_2751 : f32 to vector<64x1024xf32>
    %select_n3A_2754 = arith.select %gt3A_2749, %broadcast_in_dim3A_2752, %broadcast_in_dim3A_2753 : vector<64x1024xi1>, vector<64x1024xf32>
    %slice3A_2755 = vector.extract_strided_slice %get3A_1 {offsets = [0, 53], sizes = [64, 1], strides = [1, 1]} : vector<64x64xf32> to vector<64x1xf32>
    %dot_general3A_2756 = arith.constant dense<0.000000e+00> : vector<1x1024xf32>
    %dot_general3A_2757 = tpu.matmul %slice3A_2755, %select_n3A_2754, %dot_general3A_2756 {dimension_numbers = #tpu.dot_dimension_numbers<[0], [0], [1], [1], [0, 1, 1, 1], [], []>, transpose_lhs_hint = false} : vector<64x1xf32>, vector<64x1024xf32>, vector<1x1024xf32> -> vector<1x1024xf32>
    %gt3A_2758 = arith.constant 5.450000e+01 : f32
    %gt3A_2759 = vector.broadcast %gt3A_2758 : f32 to vector<64x1024xf32>
    %gt3A_2760 = arith.cmpf ogt, %transpose3A_2163, %gt3A_2759 : vector<64x1024xf32>
    %jit3A_2761 = arith.constant 1.000000e+00 : f32
    %jit3A_2762 = arith.constant -1.000000e+00 : f32
    %broadcast_in_dim3A_2763 = vector.broadcast %jit3A_2761 : f32 to vector<64x1024xf32>
    %broadcast_in_dim3A_2764 = vector.broadcast %jit3A_2762 : f32 to vector<64x1024xf32>
    %select_n3A_2765 = arith.select %gt3A_2760, %broadcast_in_dim3A_2763, %broadcast_in_dim3A_2764 : vector<64x1024xi1>, vector<64x1024xf32>
    %slice3A_2766 = vector.extract_strided_slice %get3A_1 {offsets = [0, 54], sizes = [64, 1], strides = [1, 1]} : vector<64x64xf32> to vector<64x1xf32>
    %dot_general3A_2767 = arith.constant dense<0.000000e+00> : vector<1x1024xf32>
    %dot_general3A_2768 = tpu.matmul %slice3A_2766, %select_n3A_2765, %dot_general3A_2767 {dimension_numbers = #tpu.dot_dimension_numbers<[0], [0], [1], [1], [0, 1, 1, 1], [], []>, transpose_lhs_hint = false} : vector<64x1xf32>, vector<64x1024xf32>, vector<1x1024xf32> -> vector<1x1024xf32>
    %gt3A_2769 = arith.constant 5.550000e+01 : f32
    %gt3A_2770 = vector.broadcast %gt3A_2769 : f32 to vector<64x1024xf32>
    %gt3A_2771 = arith.cmpf ogt, %transpose3A_2163, %gt3A_2770 : vector<64x1024xf32>
    %jit3A_2772 = arith.constant 1.000000e+00 : f32
    %jit3A_2773 = arith.constant -1.000000e+00 : f32
    %broadcast_in_dim3A_2774 = vector.broadcast %jit3A_2772 : f32 to vector<64x1024xf32>
    %broadcast_in_dim3A_2775 = vector.broadcast %jit3A_2773 : f32 to vector<64x1024xf32>
    %select_n3A_2776 = arith.select %gt3A_2771, %broadcast_in_dim3A_2774, %broadcast_in_dim3A_2775 : vector<64x1024xi1>, vector<64x1024xf32>
    %slice3A_2777 = vector.extract_strided_slice %get3A_1 {offsets = [0, 55], sizes = [64, 1], strides = [1, 1]} : vector<64x64xf32> to vector<64x1xf32>
    %dot_general3A_2778 = arith.constant dense<0.000000e+00> : vector<1x1024xf32>
    %dot_general3A_2779 = tpu.matmul %slice3A_2777, %select_n3A_2776, %dot_general3A_2778 {dimension_numbers = #tpu.dot_dimension_numbers<[0], [0], [1], [1], [0, 1, 1, 1], [], []>, transpose_lhs_hint = false} : vector<64x1xf32>, vector<64x1024xf32>, vector<1x1024xf32> -> vector<1x1024xf32>
    %gt3A_2780 = arith.constant 5.650000e+01 : f32
    %gt3A_2781 = vector.broadcast %gt3A_2780 : f32 to vector<64x1024xf32>
    %gt3A_2782 = arith.cmpf ogt, %transpose3A_2163, %gt3A_2781 : vector<64x1024xf32>
    %jit3A_2783 = arith.constant 1.000000e+00 : f32
    %jit3A_2784 = arith.constant -1.000000e+00 : f32
    %broadcast_in_dim3A_2785 = vector.broadcast %jit3A_2783 : f32 to vector<64x1024xf32>
    %broadcast_in_dim3A_2786 = vector.broadcast %jit3A_2784 : f32 to vector<64x1024xf32>
    %select_n3A_2787 = arith.select %gt3A_2782, %broadcast_in_dim3A_2785, %broadcast_in_dim3A_2786 : vector<64x1024xi1>, vector<64x1024xf32>
    %slice3A_2788 = vector.extract_strided_slice %get3A_1 {offsets = [0, 56], sizes = [64, 1], strides = [1, 1]} : vector<64x64xf32> to vector<64x1xf32>
    %dot_general3A_2789 = arith.constant dense<0.000000e+00> : vector<1x1024xf32>
    %dot_general3A_2790 = tpu.matmul %slice3A_2788, %select_n3A_2787, %dot_general3A_2789 {dimension_numbers = #tpu.dot_dimension_numbers<[0], [0], [1], [1], [0, 1, 1, 1], [], []>, transpose_lhs_hint = false} : vector<64x1xf32>, vector<64x1024xf32>, vector<1x1024xf32> -> vector<1x1024xf32>
    %gt3A_2791 = arith.constant 5.750000e+01 : f32
    %gt3A_2792 = vector.broadcast %gt3A_2791 : f32 to vector<64x1024xf32>
    %gt3A_2793 = arith.cmpf ogt, %transpose3A_2163, %gt3A_2792 : vector<64x1024xf32>
    %jit3A_2794 = arith.constant 1.000000e+00 : f32
    %jit3A_2795 = arith.constant -1.000000e+00 : f32
    %broadcast_in_dim3A_2796 = vector.broadcast %jit3A_2794 : f32 to vector<64x1024xf32>
    %broadcast_in_dim3A_2797 = vector.broadcast %jit3A_2795 : f32 to vector<64x1024xf32>
    %select_n3A_2798 = arith.select %gt3A_2793, %broadcast_in_dim3A_2796, %broadcast_in_dim3A_2797 : vector<64x1024xi1>, vector<64x1024xf32>
    %slice3A_2799 = vector.extract_strided_slice %get3A_1 {offsets = [0, 57], sizes = [64, 1], strides = [1, 1]} : vector<64x64xf32> to vector<64x1xf32>
    %dot_general3A_2800 = arith.constant dense<0.000000e+00> : vector<1x1024xf32>
    %dot_general3A_2801 = tpu.matmul %slice3A_2799, %select_n3A_2798, %dot_general3A_2800 {dimension_numbers = #tpu.dot_dimension_numbers<[0], [0], [1], [1], [0, 1, 1, 1], [], []>, transpose_lhs_hint = false} : vector<64x1xf32>, vector<64x1024xf32>, vector<1x1024xf32> -> vector<1x1024xf32>
    %gt3A_2802 = arith.constant 5.850000e+01 : f32
    %gt3A_2803 = vector.broadcast %gt3A_2802 : f32 to vector<64x1024xf32>
    %gt3A_2804 = arith.cmpf ogt, %transpose3A_2163, %gt3A_2803 : vector<64x1024xf32>
    %jit3A_2805 = arith.constant 1.000000e+00 : f32
    %jit3A_2806 = arith.constant -1.000000e+00 : f32
    %broadcast_in_dim3A_2807 = vector.broadcast %jit3A_2805 : f32 to vector<64x1024xf32>
    %broadcast_in_dim3A_2808 = vector.broadcast %jit3A_2806 : f32 to vector<64x1024xf32>
    %select_n3A_2809 = arith.select %gt3A_2804, %broadcast_in_dim3A_2807, %broadcast_in_dim3A_2808 : vector<64x1024xi1>, vector<64x1024xf32>
    %slice3A_2810 = vector.extract_strided_slice %get3A_1 {offsets = [0, 58], sizes = [64, 1], strides = [1, 1]} : vector<64x64xf32> to vector<64x1xf32>
    %dot_general3A_2811 = arith.constant dense<0.000000e+00> : vector<1x1024xf32>
    %dot_general3A_2812 = tpu.matmul %slice3A_2810, %select_n3A_2809, %dot_general3A_2811 {dimension_numbers = #tpu.dot_dimension_numbers<[0], [0], [1], [1], [0, 1, 1, 1], [], []>, transpose_lhs_hint = false} : vector<64x1xf32>, vector<64x1024xf32>, vector<1x1024xf32> -> vector<1x1024xf32>
    %gt3A_2813 = arith.constant 5.950000e+01 : f32
    %gt3A_2814 = vector.broadcast %gt3A_2813 : f32 to vector<64x1024xf32>
    %gt3A_2815 = arith.cmpf ogt, %transpose3A_2163, %gt3A_2814 : vector<64x1024xf32>
    %jit3A_2816 = arith.constant 1.000000e+00 : f32
    %jit3A_2817 = arith.constant -1.000000e+00 : f32
    %broadcast_in_dim3A_2818 = vector.broadcast %jit3A_2816 : f32 to vector<64x1024xf32>
    %broadcast_in_dim3A_2819 = vector.broadcast %jit3A_2817 : f32 to vector<64x1024xf32>
    %select_n3A_2820 = arith.select %gt3A_2815, %broadcast_in_dim3A_2818, %broadcast_in_dim3A_2819 : vector<64x1024xi1>, vector<64x1024xf32>
    %slice3A_2821 = vector.extract_strided_slice %get3A_1 {offsets = [0, 59], sizes = [64, 1], strides = [1, 1]} : vector<64x64xf32> to vector<64x1xf32>
    %dot_general3A_2822 = arith.constant dense<0.000000e+00> : vector<1x1024xf32>
    %dot_general3A_2823 = tpu.matmul %slice3A_2821, %select_n3A_2820, %dot_general3A_2822 {dimension_numbers = #tpu.dot_dimension_numbers<[0], [0], [1], [1], [0, 1, 1, 1], [], []>, transpose_lhs_hint = false} : vector<64x1xf32>, vector<64x1024xf32>, vector<1x1024xf32> -> vector<1x1024xf32>
    %gt3A_2824 = arith.constant 6.050000e+01 : f32
    %gt3A_2825 = vector.broadcast %gt3A_2824 : f32 to vector<64x1024xf32>
    %gt3A_2826 = arith.cmpf ogt, %transpose3A_2163, %gt3A_2825 : vector<64x1024xf32>
    %jit3A_2827 = arith.constant 1.000000e+00 : f32
    %jit3A_2828 = arith.constant -1.000000e+00 : f32
    %broadcast_in_dim3A_2829 = vector.broadcast %jit3A_2827 : f32 to vector<64x1024xf32>
    %broadcast_in_dim3A_2830 = vector.broadcast %jit3A_2828 : f32 to vector<64x1024xf32>
    %select_n3A_2831 = arith.select %gt3A_2826, %broadcast_in_dim3A_2829, %broadcast_in_dim3A_2830 : vector<64x1024xi1>, vector<64x1024xf32>
    %slice3A_2832 = vector.extract_strided_slice %get3A_1 {offsets = [0, 60], sizes = [64, 1], strides = [1, 1]} : vector<64x64xf32> to vector<64x1xf32>
    %dot_general3A_2833 = arith.constant dense<0.000000e+00> : vector<1x1024xf32>
    %dot_general3A_2834 = tpu.matmul %slice3A_2832, %select_n3A_2831, %dot_general3A_2833 {dimension_numbers = #tpu.dot_dimension_numbers<[0], [0], [1], [1], [0, 1, 1, 1], [], []>, transpose_lhs_hint = false} : vector<64x1xf32>, vector<64x1024xf32>, vector<1x1024xf32> -> vector<1x1024xf32>
    %gt3A_2835 = arith.constant 6.150000e+01 : f32
    %gt3A_2836 = vector.broadcast %gt3A_2835 : f32 to vector<64x1024xf32>
    %gt3A_2837 = arith.cmpf ogt, %transpose3A_2163, %gt3A_2836 : vector<64x1024xf32>
    %jit3A_2838 = arith.constant 1.000000e+00 : f32
    %jit3A_2839 = arith.constant -1.000000e+00 : f32
    %broadcast_in_dim3A_2840 = vector.broadcast %jit3A_2838 : f32 to vector<64x1024xf32>
    %broadcast_in_dim3A_2841 = vector.broadcast %jit3A_2839 : f32 to vector<64x1024xf32>
    %select_n3A_2842 = arith.select %gt3A_2837, %broadcast_in_dim3A_2840, %broadcast_in_dim3A_2841 : vector<64x1024xi1>, vector<64x1024xf32>
    %slice3A_2843 = vector.extract_strided_slice %get3A_1 {offsets = [0, 61], sizes = [64, 1], strides = [1, 1]} : vector<64x64xf32> to vector<64x1xf32>
    %dot_general3A_2844 = arith.constant dense<0.000000e+00> : vector<1x1024xf32>
    %dot_general3A_2845 = tpu.matmul %slice3A_2843, %select_n3A_2842, %dot_general3A_2844 {dimension_numbers = #tpu.dot_dimension_numbers<[0], [0], [1], [1], [0, 1, 1, 1], [], []>, transpose_lhs_hint = false} : vector<64x1xf32>, vector<64x1024xf32>, vector<1x1024xf32> -> vector<1x1024xf32>
    %gt3A_2846 = arith.constant 6.250000e+01 : f32
    %gt3A_2847 = vector.broadcast %gt3A_2846 : f32 to vector<64x1024xf32>
    %gt3A_2848 = arith.cmpf ogt, %transpose3A_2163, %gt3A_2847 : vector<64x1024xf32>
    %jit3A_2849 = arith.constant 1.000000e+00 : f32
    %jit3A_2850 = arith.constant -1.000000e+00 : f32
    %broadcast_in_dim3A_2851 = vector.broadcast %jit3A_2849 : f32 to vector<64x1024xf32>
    %broadcast_in_dim3A_2852 = vector.broadcast %jit3A_2850 : f32 to vector<64x1024xf32>
    %select_n3A_2853 = arith.select %gt3A_2848, %broadcast_in_dim3A_2851, %broadcast_in_dim3A_2852 : vector<64x1024xi1>, vector<64x1024xf32>
    %slice3A_2854 = vector.extract_strided_slice %get3A_1 {offsets = [0, 62], sizes = [64, 1], strides = [1, 1]} : vector<64x64xf32> to vector<64x1xf32>
    %dot_general3A_2855 = arith.constant dense<0.000000e+00> : vector<1x1024xf32>
    %dot_general3A_2856 = tpu.matmul %slice3A_2854, %select_n3A_2853, %dot_general3A_2855 {dimension_numbers = #tpu.dot_dimension_numbers<[0], [0], [1], [1], [0, 1, 1, 1], [], []>, transpose_lhs_hint = false} : vector<64x1xf32>, vector<64x1024xf32>, vector<1x1024xf32> -> vector<1x1024xf32>
    %gt3A_2857 = arith.constant 6.350000e+01 : f32
    %gt3A_2858 = vector.broadcast %gt3A_2857 : f32 to vector<64x1024xf32>
    %gt3A_2859 = arith.cmpf ogt, %transpose3A_2163, %gt3A_2858 : vector<64x1024xf32>
    %jit3A_2860 = arith.constant 1.000000e+00 : f32
    %jit3A_2861 = arith.constant -1.000000e+00 : f32
    %broadcast_in_dim3A_2862 = vector.broadcast %jit3A_2860 : f32 to vector<64x1024xf32>
    %broadcast_in_dim3A_2863 = vector.broadcast %jit3A_2861 : f32 to vector<64x1024xf32>
    %select_n3A_2864 = arith.select %gt3A_2859, %broadcast_in_dim3A_2862, %broadcast_in_dim3A_2863 : vector<64x1024xi1>, vector<64x1024xf32>
    %slice3A_2865 = vector.extract_strided_slice %get3A_1 {offsets = [0, 63], sizes = [64, 1], strides = [1, 1]} : vector<64x64xf32> to vector<64x1xf32>
    %dot_general3A_2866 = arith.constant dense<0.000000e+00> : vector<1x1024xf32>
    %dot_general3A_2867 = tpu.matmul %slice3A_2865, %select_n3A_2864, %dot_general3A_2866 {dimension_numbers = #tpu.dot_dimension_numbers<[0], [0], [1], [1], [0, 1, 1, 1], [], []>, transpose_lhs_hint = false} : vector<64x1xf32>, vector<64x1024xf32>, vector<1x1024xf32> -> vector<1x1024xf32>
    %concatenate3A_2868 = tpu.concatenate %dot_general3A_2174, %dot_general3A_2185, %dot_general3A_2196, %dot_general3A_2207, %dot_general3A_2218, %dot_general3A_2229, %dot_general3A_2240, %dot_general3A_2251, %dot_general3A_2262, %dot_general3A_2273, %dot_general3A_2284, %dot_general3A_2295, %dot_general3A_2306, %dot_general3A_2317, %dot_general3A_2328, %dot_general3A_2339, %dot_general3A_2350, %dot_general3A_2361, %dot_general3A_2372, %dot_general3A_2383, %dot_general3A_2394, %dot_general3A_2405, %dot_general3A_2416, %dot_general3A_2427, %dot_general3A_2438, %dot_general3A_2449, %dot_general3A_2460, %dot_general3A_2471, %dot_general3A_2482, %dot_general3A_2493, %dot_general3A_2504, %dot_general3A_2515, %dot_general3A_2526, %dot_general3A_2537, %dot_general3A_2548, %dot_general3A_2559, %dot_general3A_2570, %dot_general3A_2581, %dot_general3A_2592, %dot_general3A_2603, %dot_general3A_2614, %dot_general3A_2625, %dot_general3A_2636, %dot_general3A_2647, %dot_general3A_2658, %dot_general3A_2669, %dot_general3A_2680, %dot_general3A_2691, %dot_general3A_2702, %dot_general3A_2713, %dot_general3A_2724, %dot_general3A_2735, %dot_general3A_2746, %dot_general3A_2757, %dot_general3A_2768, %dot_general3A_2779, %dot_general3A_2790, %dot_general3A_2801, %dot_general3A_2812, %dot_general3A_2823, %dot_general3A_2834, %dot_general3A_2845, %dot_general3A_2856, %dot_general3A_2867 in 0 : vector<1x1024xf32>, vector<1x1024xf32>, vector<1x1024xf32>, vector<1x1024xf32>, vector<1x1024xf32>, vector<1x1024xf32>, vector<1x1024xf32>, vector<1x1024xf32>, vector<1x1024xf32>, vector<1x1024xf32>, vector<1x1024xf32>, vector<1x1024xf32>, vector<1x1024xf32>, vector<1x1024xf32>, vector<1x1024xf32>, vector<1x1024xf32>, vector<1x1024xf32>, vector<1x1024xf32>, vector<1x1024xf32>, vector<1x1024xf32>, vector<1x1024xf32>, vector<1x1024xf32>, vector<1x1024xf32>, vector<1x1024xf32>, vector<1x1024xf32>, vector<1x1024xf32>, vector<1x1024xf32>, vector<1x1024xf32>, vector<1x1024xf32>, vector<1x1024xf32>, vector<1x1024xf32>, vector<1x1024xf32>, vector<1x1024xf32>, vector<1x1024xf32>, vector<1x1024xf32>, vector<1x1024xf32>, vector<1x1024xf32>, vector<1x1024xf32>, vector<1x1024xf32>, vector<1x1024xf32>, vector<1x1024xf32>, vector<1x1024xf32>, vector<1x1024xf32>, vector<1x1024xf32>, vector<1x1024xf32>, vector<1x1024xf32>, vector<1x1024xf32>, vector<1x1024xf32>, vector<1x1024xf32>, vector<1x1024xf32>, vector<1x1024xf32>, vector<1x1024xf32>, vector<1x1024xf32>, vector<1x1024xf32>, vector<1x1024xf32>, vector<1x1024xf32>, vector<1x1024xf32>, vector<1x1024xf32>, vector<1x1024xf32>, vector<1x1024xf32>, vector<1x1024xf32>, vector<1x1024xf32>, vector<1x1024xf32>, vector<1x1024xf32> -> vector<64x1024xf32>
    %swap3A_2869 = arith.constant 3 : index
    %swap3A_2870 = arith.constant 0 : index
    %swap3A_2871 = arith.constant 0 : index
    %swap3A_2872 = vector.load %arg3[%swap3A_2869, %swap3A_2870, %swap3A_2871] : memref<5x64x1024xf32, #tpu.memory_space<vmem>>, vector<1x64x1024xf32>
    %swap3A_2873 = vector.shape_cast %swap3A_2872 : vector<1x64x1024xf32> to vector<64x1024xf32>
    %swap3A_2874 = vector.shape_cast %concatenate3A_2868 : vector<64x1024xf32> to vector<1x64x1024xf32>
    tpu.vector_store %arg3[%swap3A_2869, %swap3A_2870, %swap3A_2871], %swap3A_2874 {strides = array<i32>} : memref<5x64x1024xf32, #tpu.memory_space<vmem>>, vector<1x64x1024xf32>,
    %get3A_2875 = arith.constant 4096 : index
    %get3A_2876 = arith.constant 0 : index
    %get3A_2877 = vector.load %arg1[%get3A_2875, %get3A_2876] : memref<5120x128xf32, #tpu.memory_space<vmem>>, vector<1024x64xf32>
    %sub3A_2878 = arith.constant -2.000000e+00 : f32
    %sub3A_2879 = vector.broadcast %sub3A_2878 : f32 to vector<1024x64xf32>
    %sub3A_2880 = arith.subf %get3A_2877, %sub3A_2879 : vector<1024x64xf32>
    %mul3A_2881 = arith.constant 1.600000e+01 : f32
    %mul3A_2882 = vector.broadcast %mul3A_2881 : f32 to vector<1024x64xf32>
    %mul3A_2883 = arith.mulf %sub3A_2880, %mul3A_2882 : vector<1024x64xf32>
    %transpose3A_2884 = tpu.transpose %mul3A_2883, [1, 0] : vector<1024x64xf32> -> vector<64x1024xf32>
    %gt3A_2885 = arith.constant 5.000000e-01 : f32
    %gt3A_2886 = vector.broadcast %gt3A_2885 : f32 to vector<64x1024xf32>
    %gt3A_2887 = arith.cmpf ogt, %transpose3A_2884, %gt3A_2886 : vector<64x1024xf32>
    %jit3A_2888 = arith.constant 1.000000e+00 : f32
    %jit3A_2889 = arith.constant -1.000000e+00 : f32
    %broadcast_in_dim3A_2890 = vector.broadcast %jit3A_2888 : f32 to vector<64x1024xf32>
    %broadcast_in_dim3A_2891 = vector.broadcast %jit3A_2889 : f32 to vector<64x1024xf32>
    %select_n3A_2892 = arith.select %gt3A_2887, %broadcast_in_dim3A_2890, %broadcast_in_dim3A_2891 : vector<64x1024xi1>, vector<64x1024xf32>
    %slice3A_2893 = vector.extract_strided_slice %get3A_1 {offsets = [0, 0], sizes = [64, 1], strides = [1, 1]} : vector<64x64xf32> to vector<64x1xf32>
    %dot_general3A_2894 = arith.constant dense<0.000000e+00> : vector<1x1024xf32>
    %dot_general3A_2895 = tpu.matmul %slice3A_2893, %select_n3A_2892, %dot_general3A_2894 {dimension_numbers = #tpu.dot_dimension_numbers<[0], [0], [1], [1], [0, 1, 1, 1], [], []>, transpose_lhs_hint = false} : vector<64x1xf32>, vector<64x1024xf32>, vector<1x1024xf32> -> vector<1x1024xf32>
    %gt3A_2896 = arith.constant 1.500000e+00 : f32
    %gt3A_2897 = vector.broadcast %gt3A_2896 : f32 to vector<64x1024xf32>
    %gt3A_2898 = arith.cmpf ogt, %transpose3A_2884, %gt3A_2897 : vector<64x1024xf32>
    %jit3A_2899 = arith.constant 1.000000e+00 : f32
    %jit3A_2900 = arith.constant -1.000000e+00 : f32
    %broadcast_in_dim3A_2901 = vector.broadcast %jit3A_2899 : f32 to vector<64x1024xf32>
    %broadcast_in_dim3A_2902 = vector.broadcast %jit3A_2900 : f32 to vector<64x1024xf32>
    %select_n3A_2903 = arith.select %gt3A_2898, %broadcast_in_dim3A_2901, %broadcast_in_dim3A_2902 : vector<64x1024xi1>, vector<64x1024xf32>
    %slice3A_2904 = vector.extract_strided_slice %get3A_1 {offsets = [0, 1], sizes = [64, 1], strides = [1, 1]} : vector<64x64xf32> to vector<64x1xf32>
    %dot_general3A_2905 = arith.constant dense<0.000000e+00> : vector<1x1024xf32>
    %dot_general3A_2906 = tpu.matmul %slice3A_2904, %select_n3A_2903, %dot_general3A_2905 {dimension_numbers = #tpu.dot_dimension_numbers<[0], [0], [1], [1], [0, 1, 1, 1], [], []>, transpose_lhs_hint = false} : vector<64x1xf32>, vector<64x1024xf32>, vector<1x1024xf32> -> vector<1x1024xf32>
    %gt3A_2907 = arith.constant 2.500000e+00 : f32
    %gt3A_2908 = vector.broadcast %gt3A_2907 : f32 to vector<64x1024xf32>
    %gt3A_2909 = arith.cmpf ogt, %transpose3A_2884, %gt3A_2908 : vector<64x1024xf32>
    %jit3A_2910 = arith.constant 1.000000e+00 : f32
    %jit3A_2911 = arith.constant -1.000000e+00 : f32
    %broadcast_in_dim3A_2912 = vector.broadcast %jit3A_2910 : f32 to vector<64x1024xf32>
    %broadcast_in_dim3A_2913 = vector.broadcast %jit3A_2911 : f32 to vector<64x1024xf32>
    %select_n3A_2914 = arith.select %gt3A_2909, %broadcast_in_dim3A_2912, %broadcast_in_dim3A_2913 : vector<64x1024xi1>, vector<64x1024xf32>
    %slice3A_2915 = vector.extract_strided_slice %get3A_1 {offsets = [0, 2], sizes = [64, 1], strides = [1, 1]} : vector<64x64xf32> to vector<64x1xf32>
    %dot_general3A_2916 = arith.constant dense<0.000000e+00> : vector<1x1024xf32>
    %dot_general3A_2917 = tpu.matmul %slice3A_2915, %select_n3A_2914, %dot_general3A_2916 {dimension_numbers = #tpu.dot_dimension_numbers<[0], [0], [1], [1], [0, 1, 1, 1], [], []>, transpose_lhs_hint = false} : vector<64x1xf32>, vector<64x1024xf32>, vector<1x1024xf32> -> vector<1x1024xf32>
    %gt3A_2918 = arith.constant 3.500000e+00 : f32
    %gt3A_2919 = vector.broadcast %gt3A_2918 : f32 to vector<64x1024xf32>
    %gt3A_2920 = arith.cmpf ogt, %transpose3A_2884, %gt3A_2919 : vector<64x1024xf32>
    %jit3A_2921 = arith.constant 1.000000e+00 : f32
    %jit3A_2922 = arith.constant -1.000000e+00 : f32
    %broadcast_in_dim3A_2923 = vector.broadcast %jit3A_2921 : f32 to vector<64x1024xf32>
    %broadcast_in_dim3A_2924 = vector.broadcast %jit3A_2922 : f32 to vector<64x1024xf32>
    %select_n3A_2925 = arith.select %gt3A_2920, %broadcast_in_dim3A_2923, %broadcast_in_dim3A_2924 : vector<64x1024xi1>, vector<64x1024xf32>
    %slice3A_2926 = vector.extract_strided_slice %get3A_1 {offsets = [0, 3], sizes = [64, 1], strides = [1, 1]} : vector<64x64xf32> to vector<64x1xf32>
    %dot_general3A_2927 = arith.constant dense<0.000000e+00> : vector<1x1024xf32>
    %dot_general3A_2928 = tpu.matmul %slice3A_2926, %select_n3A_2925, %dot_general3A_2927 {dimension_numbers = #tpu.dot_dimension_numbers<[0], [0], [1], [1], [0, 1, 1, 1], [], []>, transpose_lhs_hint = false} : vector<64x1xf32>, vector<64x1024xf32>, vector<1x1024xf32> -> vector<1x1024xf32>
    %gt3A_2929 = arith.constant 4.500000e+00 : f32
    %gt3A_2930 = vector.broadcast %gt3A_2929 : f32 to vector<64x1024xf32>
    %gt3A_2931 = arith.cmpf ogt, %transpose3A_2884, %gt3A_2930 : vector<64x1024xf32>
    %jit3A_2932 = arith.constant 1.000000e+00 : f32
    %jit3A_2933 = arith.constant -1.000000e+00 : f32
    %broadcast_in_dim3A_2934 = vector.broadcast %jit3A_2932 : f32 to vector<64x1024xf32>
    %broadcast_in_dim3A_2935 = vector.broadcast %jit3A_2933 : f32 to vector<64x1024xf32>
    %select_n3A_2936 = arith.select %gt3A_2931, %broadcast_in_dim3A_2934, %broadcast_in_dim3A_2935 : vector<64x1024xi1>, vector<64x1024xf32>
    %slice3A_2937 = vector.extract_strided_slice %get3A_1 {offsets = [0, 4], sizes = [64, 1], strides = [1, 1]} : vector<64x64xf32> to vector<64x1xf32>
    %dot_general3A_2938 = arith.constant dense<0.000000e+00> : vector<1x1024xf32>
    %dot_general3A_2939 = tpu.matmul %slice3A_2937, %select_n3A_2936, %dot_general3A_2938 {dimension_numbers = #tpu.dot_dimension_numbers<[0], [0], [1], [1], [0, 1, 1, 1], [], []>, transpose_lhs_hint = false} : vector<64x1xf32>, vector<64x1024xf32>, vector<1x1024xf32> -> vector<1x1024xf32>
    %gt3A_2940 = arith.constant 5.500000e+00 : f32
    %gt3A_2941 = vector.broadcast %gt3A_2940 : f32 to vector<64x1024xf32>
    %gt3A_2942 = arith.cmpf ogt, %transpose3A_2884, %gt3A_2941 : vector<64x1024xf32>
    %jit3A_2943 = arith.constant 1.000000e+00 : f32
    %jit3A_2944 = arith.constant -1.000000e+00 : f32
    %broadcast_in_dim3A_2945 = vector.broadcast %jit3A_2943 : f32 to vector<64x1024xf32>
    %broadcast_in_dim3A_2946 = vector.broadcast %jit3A_2944 : f32 to vector<64x1024xf32>
    %select_n3A_2947 = arith.select %gt3A_2942, %broadcast_in_dim3A_2945, %broadcast_in_dim3A_2946 : vector<64x1024xi1>, vector<64x1024xf32>
    %slice3A_2948 = vector.extract_strided_slice %get3A_1 {offsets = [0, 5], sizes = [64, 1], strides = [1, 1]} : vector<64x64xf32> to vector<64x1xf32>
    %dot_general3A_2949 = arith.constant dense<0.000000e+00> : vector<1x1024xf32>
    %dot_general3A_2950 = tpu.matmul %slice3A_2948, %select_n3A_2947, %dot_general3A_2949 {dimension_numbers = #tpu.dot_dimension_numbers<[0], [0], [1], [1], [0, 1, 1, 1], [], []>, transpose_lhs_hint = false} : vector<64x1xf32>, vector<64x1024xf32>, vector<1x1024xf32> -> vector<1x1024xf32>
    %gt3A_2951 = arith.constant 6.500000e+00 : f32
    %gt3A_2952 = vector.broadcast %gt3A_2951 : f32 to vector<64x1024xf32>
    %gt3A_2953 = arith.cmpf ogt, %transpose3A_2884, %gt3A_2952 : vector<64x1024xf32>
    %jit3A_2954 = arith.constant 1.000000e+00 : f32
    %jit3A_2955 = arith.constant -1.000000e+00 : f32
    %broadcast_in_dim3A_2956 = vector.broadcast %jit3A_2954 : f32 to vector<64x1024xf32>
    %broadcast_in_dim3A_2957 = vector.broadcast %jit3A_2955 : f32 to vector<64x1024xf32>
    %select_n3A_2958 = arith.select %gt3A_2953, %broadcast_in_dim3A_2956, %broadcast_in_dim3A_2957 : vector<64x1024xi1>, vector<64x1024xf32>
    %slice3A_2959 = vector.extract_strided_slice %get3A_1 {offsets = [0, 6], sizes = [64, 1], strides = [1, 1]} : vector<64x64xf32> to vector<64x1xf32>
    %dot_general3A_2960 = arith.constant dense<0.000000e+00> : vector<1x1024xf32>
    %dot_general3A_2961 = tpu.matmul %slice3A_2959, %select_n3A_2958, %dot_general3A_2960 {dimension_numbers = #tpu.dot_dimension_numbers<[0], [0], [1], [1], [0, 1, 1, 1], [], []>, transpose_lhs_hint = false} : vector<64x1xf32>, vector<64x1024xf32>, vector<1x1024xf32> -> vector<1x1024xf32>
    %gt3A_2962 = arith.constant 7.500000e+00 : f32
    %gt3A_2963 = vector.broadcast %gt3A_2962 : f32 to vector<64x1024xf32>
    %gt3A_2964 = arith.cmpf ogt, %transpose3A_2884, %gt3A_2963 : vector<64x1024xf32>
    %jit3A_2965 = arith.constant 1.000000e+00 : f32
    %jit3A_2966 = arith.constant -1.000000e+00 : f32
    %broadcast_in_dim3A_2967 = vector.broadcast %jit3A_2965 : f32 to vector<64x1024xf32>
    %broadcast_in_dim3A_2968 = vector.broadcast %jit3A_2966 : f32 to vector<64x1024xf32>
    %select_n3A_2969 = arith.select %gt3A_2964, %broadcast_in_dim3A_2967, %broadcast_in_dim3A_2968 : vector<64x1024xi1>, vector<64x1024xf32>
    %slice3A_2970 = vector.extract_strided_slice %get3A_1 {offsets = [0, 7], sizes = [64, 1], strides = [1, 1]} : vector<64x64xf32> to vector<64x1xf32>
    %dot_general3A_2971 = arith.constant dense<0.000000e+00> : vector<1x1024xf32>
    %dot_general3A_2972 = tpu.matmul %slice3A_2970, %select_n3A_2969, %dot_general3A_2971 {dimension_numbers = #tpu.dot_dimension_numbers<[0], [0], [1], [1], [0, 1, 1, 1], [], []>, transpose_lhs_hint = false} : vector<64x1xf32>, vector<64x1024xf32>, vector<1x1024xf32> -> vector<1x1024xf32>
    %gt3A_2973 = arith.constant 8.500000e+00 : f32
    %gt3A_2974 = vector.broadcast %gt3A_2973 : f32 to vector<64x1024xf32>
    %gt3A_2975 = arith.cmpf ogt, %transpose3A_2884, %gt3A_2974 : vector<64x1024xf32>
    %jit3A_2976 = arith.constant 1.000000e+00 : f32
    %jit3A_2977 = arith.constant -1.000000e+00 : f32
    %broadcast_in_dim3A_2978 = vector.broadcast %jit3A_2976 : f32 to vector<64x1024xf32>
    %broadcast_in_dim3A_2979 = vector.broadcast %jit3A_2977 : f32 to vector<64x1024xf32>
    %select_n3A_2980 = arith.select %gt3A_2975, %broadcast_in_dim3A_2978, %broadcast_in_dim3A_2979 : vector<64x1024xi1>, vector<64x1024xf32>
    %slice3A_2981 = vector.extract_strided_slice %get3A_1 {offsets = [0, 8], sizes = [64, 1], strides = [1, 1]} : vector<64x64xf32> to vector<64x1xf32>
    %dot_general3A_2982 = arith.constant dense<0.000000e+00> : vector<1x1024xf32>
    %dot_general3A_2983 = tpu.matmul %slice3A_2981, %select_n3A_2980, %dot_general3A_2982 {dimension_numbers = #tpu.dot_dimension_numbers<[0], [0], [1], [1], [0, 1, 1, 1], [], []>, transpose_lhs_hint = false} : vector<64x1xf32>, vector<64x1024xf32>, vector<1x1024xf32> -> vector<1x1024xf32>
    %gt3A_2984 = arith.constant 9.500000e+00 : f32
    %gt3A_2985 = vector.broadcast %gt3A_2984 : f32 to vector<64x1024xf32>
    %gt3A_2986 = arith.cmpf ogt, %transpose3A_2884, %gt3A_2985 : vector<64x1024xf32>
    %jit3A_2987 = arith.constant 1.000000e+00 : f32
    %jit3A_2988 = arith.constant -1.000000e+00 : f32
    %broadcast_in_dim3A_2989 = vector.broadcast %jit3A_2987 : f32 to vector<64x1024xf32>
    %broadcast_in_dim3A_2990 = vector.broadcast %jit3A_2988 : f32 to vector<64x1024xf32>
    %select_n3A_2991 = arith.select %gt3A_2986, %broadcast_in_dim3A_2989, %broadcast_in_dim3A_2990 : vector<64x1024xi1>, vector<64x1024xf32>
    %slice3A_2992 = vector.extract_strided_slice %get3A_1 {offsets = [0, 9], sizes = [64, 1], strides = [1, 1]} : vector<64x64xf32> to vector<64x1xf32>
    %dot_general3A_2993 = arith.constant dense<0.000000e+00> : vector<1x1024xf32>
    %dot_general3A_2994 = tpu.matmul %slice3A_2992, %select_n3A_2991, %dot_general3A_2993 {dimension_numbers = #tpu.dot_dimension_numbers<[0], [0], [1], [1], [0, 1, 1, 1], [], []>, transpose_lhs_hint = false} : vector<64x1xf32>, vector<64x1024xf32>, vector<1x1024xf32> -> vector<1x1024xf32>
    %gt3A_2995 = arith.constant 1.050000e+01 : f32
    %gt3A_2996 = vector.broadcast %gt3A_2995 : f32 to vector<64x1024xf32>
    %gt3A_2997 = arith.cmpf ogt, %transpose3A_2884, %gt3A_2996 : vector<64x1024xf32>
    %jit3A_2998 = arith.constant 1.000000e+00 : f32
    %jit3A_2999 = arith.constant -1.000000e+00 : f32
    %broadcast_in_dim3A_3000 = vector.broadcast %jit3A_2998 : f32 to vector<64x1024xf32>
    %broadcast_in_dim3A_3001 = vector.broadcast %jit3A_2999 : f32 to vector<64x1024xf32>
    %select_n3A_3002 = arith.select %gt3A_2997, %broadcast_in_dim3A_3000, %broadcast_in_dim3A_3001 : vector<64x1024xi1>, vector<64x1024xf32>
    %slice3A_3003 = vector.extract_strided_slice %get3A_1 {offsets = [0, 10], sizes = [64, 1], strides = [1, 1]} : vector<64x64xf32> to vector<64x1xf32>
    %dot_general3A_3004 = arith.constant dense<0.000000e+00> : vector<1x1024xf32>
    %dot_general3A_3005 = tpu.matmul %slice3A_3003, %select_n3A_3002, %dot_general3A_3004 {dimension_numbers = #tpu.dot_dimension_numbers<[0], [0], [1], [1], [0, 1, 1, 1], [], []>, transpose_lhs_hint = false} : vector<64x1xf32>, vector<64x1024xf32>, vector<1x1024xf32> -> vector<1x1024xf32>
    %gt3A_3006 = arith.constant 1.150000e+01 : f32
    %gt3A_3007 = vector.broadcast %gt3A_3006 : f32 to vector<64x1024xf32>
    %gt3A_3008 = arith.cmpf ogt, %transpose3A_2884, %gt3A_3007 : vector<64x1024xf32>
    %jit3A_3009 = arith.constant 1.000000e+00 : f32
    %jit3A_3010 = arith.constant -1.000000e+00 : f32
    %broadcast_in_dim3A_3011 = vector.broadcast %jit3A_3009 : f32 to vector<64x1024xf32>
    %broadcast_in_dim3A_3012 = vector.broadcast %jit3A_3010 : f32 to vector<64x1024xf32>
    %select_n3A_3013 = arith.select %gt3A_3008, %broadcast_in_dim3A_3011, %broadcast_in_dim3A_3012 : vector<64x1024xi1>, vector<64x1024xf32>
    %slice3A_3014 = vector.extract_strided_slice %get3A_1 {offsets = [0, 11], sizes = [64, 1], strides = [1, 1]} : vector<64x64xf32> to vector<64x1xf32>
    %dot_general3A_3015 = arith.constant dense<0.000000e+00> : vector<1x1024xf32>
    %dot_general3A_3016 = tpu.matmul %slice3A_3014, %select_n3A_3013, %dot_general3A_3015 {dimension_numbers = #tpu.dot_dimension_numbers<[0], [0], [1], [1], [0, 1, 1, 1], [], []>, transpose_lhs_hint = false} : vector<64x1xf32>, vector<64x1024xf32>, vector<1x1024xf32> -> vector<1x1024xf32>
    %gt3A_3017 = arith.constant 1.250000e+01 : f32
    %gt3A_3018 = vector.broadcast %gt3A_3017 : f32 to vector<64x1024xf32>
    %gt3A_3019 = arith.cmpf ogt, %transpose3A_2884, %gt3A_3018 : vector<64x1024xf32>
    %jit3A_3020 = arith.constant 1.000000e+00 : f32
    %jit3A_3021 = arith.constant -1.000000e+00 : f32
    %broadcast_in_dim3A_3022 = vector.broadcast %jit3A_3020 : f32 to vector<64x1024xf32>
    %broadcast_in_dim3A_3023 = vector.broadcast %jit3A_3021 : f32 to vector<64x1024xf32>
    %select_n3A_3024 = arith.select %gt3A_3019, %broadcast_in_dim3A_3022, %broadcast_in_dim3A_3023 : vector<64x1024xi1>, vector<64x1024xf32>
    %slice3A_3025 = vector.extract_strided_slice %get3A_1 {offsets = [0, 12], sizes = [64, 1], strides = [1, 1]} : vector<64x64xf32> to vector<64x1xf32>
    %dot_general3A_3026 = arith.constant dense<0.000000e+00> : vector<1x1024xf32>
    %dot_general3A_3027 = tpu.matmul %slice3A_3025, %select_n3A_3024, %dot_general3A_3026 {dimension_numbers = #tpu.dot_dimension_numbers<[0], [0], [1], [1], [0, 1, 1, 1], [], []>, transpose_lhs_hint = false} : vector<64x1xf32>, vector<64x1024xf32>, vector<1x1024xf32> -> vector<1x1024xf32>
    %gt3A_3028 = arith.constant 1.350000e+01 : f32
    %gt3A_3029 = vector.broadcast %gt3A_3028 : f32 to vector<64x1024xf32>
    %gt3A_3030 = arith.cmpf ogt, %transpose3A_2884, %gt3A_3029 : vector<64x1024xf32>
    %jit3A_3031 = arith.constant 1.000000e+00 : f32
    %jit3A_3032 = arith.constant -1.000000e+00 : f32
    %broadcast_in_dim3A_3033 = vector.broadcast %jit3A_3031 : f32 to vector<64x1024xf32>
    %broadcast_in_dim3A_3034 = vector.broadcast %jit3A_3032 : f32 to vector<64x1024xf32>
    %select_n3A_3035 = arith.select %gt3A_3030, %broadcast_in_dim3A_3033, %broadcast_in_dim3A_3034 : vector<64x1024xi1>, vector<64x1024xf32>
    %slice3A_3036 = vector.extract_strided_slice %get3A_1 {offsets = [0, 13], sizes = [64, 1], strides = [1, 1]} : vector<64x64xf32> to vector<64x1xf32>
    %dot_general3A_3037 = arith.constant dense<0.000000e+00> : vector<1x1024xf32>
    %dot_general3A_3038 = tpu.matmul %slice3A_3036, %select_n3A_3035, %dot_general3A_3037 {dimension_numbers = #tpu.dot_dimension_numbers<[0], [0], [1], [1], [0, 1, 1, 1], [], []>, transpose_lhs_hint = false} : vector<64x1xf32>, vector<64x1024xf32>, vector<1x1024xf32> -> vector<1x1024xf32>
    %gt3A_3039 = arith.constant 1.450000e+01 : f32
    %gt3A_3040 = vector.broadcast %gt3A_3039 : f32 to vector<64x1024xf32>
    %gt3A_3041 = arith.cmpf ogt, %transpose3A_2884, %gt3A_3040 : vector<64x1024xf32>
    %jit3A_3042 = arith.constant 1.000000e+00 : f32
    %jit3A_3043 = arith.constant -1.000000e+00 : f32
    %broadcast_in_dim3A_3044 = vector.broadcast %jit3A_3042 : f32 to vector<64x1024xf32>
    %broadcast_in_dim3A_3045 = vector.broadcast %jit3A_3043 : f32 to vector<64x1024xf32>
    %select_n3A_3046 = arith.select %gt3A_3041, %broadcast_in_dim3A_3044, %broadcast_in_dim3A_3045 : vector<64x1024xi1>, vector<64x1024xf32>
    %slice3A_3047 = vector.extract_strided_slice %get3A_1 {offsets = [0, 14], sizes = [64, 1], strides = [1, 1]} : vector<64x64xf32> to vector<64x1xf32>
    %dot_general3A_3048 = arith.constant dense<0.000000e+00> : vector<1x1024xf32>
    %dot_general3A_3049 = tpu.matmul %slice3A_3047, %select_n3A_3046, %dot_general3A_3048 {dimension_numbers = #tpu.dot_dimension_numbers<[0], [0], [1], [1], [0, 1, 1, 1], [], []>, transpose_lhs_hint = false} : vector<64x1xf32>, vector<64x1024xf32>, vector<1x1024xf32> -> vector<1x1024xf32>
    %gt3A_3050 = arith.constant 1.550000e+01 : f32
    %gt3A_3051 = vector.broadcast %gt3A_3050 : f32 to vector<64x1024xf32>
    %gt3A_3052 = arith.cmpf ogt, %transpose3A_2884, %gt3A_3051 : vector<64x1024xf32>
    %jit3A_3053 = arith.constant 1.000000e+00 : f32
    %jit3A_3054 = arith.constant -1.000000e+00 : f32
    %broadcast_in_dim3A_3055 = vector.broadcast %jit3A_3053 : f32 to vector<64x1024xf32>
    %broadcast_in_dim3A_3056 = vector.broadcast %jit3A_3054 : f32 to vector<64x1024xf32>
    %select_n3A_3057 = arith.select %gt3A_3052, %broadcast_in_dim3A_3055, %broadcast_in_dim3A_3056 : vector<64x1024xi1>, vector<64x1024xf32>
    %slice3A_3058 = vector.extract_strided_slice %get3A_1 {offsets = [0, 15], sizes = [64, 1], strides = [1, 1]} : vector<64x64xf32> to vector<64x1xf32>
    %dot_general3A_3059 = arith.constant dense<0.000000e+00> : vector<1x1024xf32>
    %dot_general3A_3060 = tpu.matmul %slice3A_3058, %select_n3A_3057, %dot_general3A_3059 {dimension_numbers = #tpu.dot_dimension_numbers<[0], [0], [1], [1], [0, 1, 1, 1], [], []>, transpose_lhs_hint = false} : vector<64x1xf32>, vector<64x1024xf32>, vector<1x1024xf32> -> vector<1x1024xf32>
    %gt3A_3061 = arith.constant 1.650000e+01 : f32
    %gt3A_3062 = vector.broadcast %gt3A_3061 : f32 to vector<64x1024xf32>
    %gt3A_3063 = arith.cmpf ogt, %transpose3A_2884, %gt3A_3062 : vector<64x1024xf32>
    %jit3A_3064 = arith.constant 1.000000e+00 : f32
    %jit3A_3065 = arith.constant -1.000000e+00 : f32
    %broadcast_in_dim3A_3066 = vector.broadcast %jit3A_3064 : f32 to vector<64x1024xf32>
    %broadcast_in_dim3A_3067 = vector.broadcast %jit3A_3065 : f32 to vector<64x1024xf32>
    %select_n3A_3068 = arith.select %gt3A_3063, %broadcast_in_dim3A_3066, %broadcast_in_dim3A_3067 : vector<64x1024xi1>, vector<64x1024xf32>
    %slice3A_3069 = vector.extract_strided_slice %get3A_1 {offsets = [0, 16], sizes = [64, 1], strides = [1, 1]} : vector<64x64xf32> to vector<64x1xf32>
    %dot_general3A_3070 = arith.constant dense<0.000000e+00> : vector<1x1024xf32>
    %dot_general3A_3071 = tpu.matmul %slice3A_3069, %select_n3A_3068, %dot_general3A_3070 {dimension_numbers = #tpu.dot_dimension_numbers<[0], [0], [1], [1], [0, 1, 1, 1], [], []>, transpose_lhs_hint = false} : vector<64x1xf32>, vector<64x1024xf32>, vector<1x1024xf32> -> vector<1x1024xf32>
    %gt3A_3072 = arith.constant 1.750000e+01 : f32
    %gt3A_3073 = vector.broadcast %gt3A_3072 : f32 to vector<64x1024xf32>
    %gt3A_3074 = arith.cmpf ogt, %transpose3A_2884, %gt3A_3073 : vector<64x1024xf32>
    %jit3A_3075 = arith.constant 1.000000e+00 : f32
    %jit3A_3076 = arith.constant -1.000000e+00 : f32
    %broadcast_in_dim3A_3077 = vector.broadcast %jit3A_3075 : f32 to vector<64x1024xf32>
    %broadcast_in_dim3A_3078 = vector.broadcast %jit3A_3076 : f32 to vector<64x1024xf32>
    %select_n3A_3079 = arith.select %gt3A_3074, %broadcast_in_dim3A_3077, %broadcast_in_dim3A_3078 : vector<64x1024xi1>, vector<64x1024xf32>
    %slice3A_3080 = vector.extract_strided_slice %get3A_1 {offsets = [0, 17], sizes = [64, 1], strides = [1, 1]} : vector<64x64xf32> to vector<64x1xf32>
    %dot_general3A_3081 = arith.constant dense<0.000000e+00> : vector<1x1024xf32>
    %dot_general3A_3082 = tpu.matmul %slice3A_3080, %select_n3A_3079, %dot_general3A_3081 {dimension_numbers = #tpu.dot_dimension_numbers<[0], [0], [1], [1], [0, 1, 1, 1], [], []>, transpose_lhs_hint = false} : vector<64x1xf32>, vector<64x1024xf32>, vector<1x1024xf32> -> vector<1x1024xf32>
    %gt3A_3083 = arith.constant 1.850000e+01 : f32
    %gt3A_3084 = vector.broadcast %gt3A_3083 : f32 to vector<64x1024xf32>
    %gt3A_3085 = arith.cmpf ogt, %transpose3A_2884, %gt3A_3084 : vector<64x1024xf32>
    %jit3A_3086 = arith.constant 1.000000e+00 : f32
    %jit3A_3087 = arith.constant -1.000000e+00 : f32
    %broadcast_in_dim3A_3088 = vector.broadcast %jit3A_3086 : f32 to vector<64x1024xf32>
    %broadcast_in_dim3A_3089 = vector.broadcast %jit3A_3087 : f32 to vector<64x1024xf32>
    %select_n3A_3090 = arith.select %gt3A_3085, %broadcast_in_dim3A_3088, %broadcast_in_dim3A_3089 : vector<64x1024xi1>, vector<64x1024xf32>
    %slice3A_3091 = vector.extract_strided_slice %get3A_1 {offsets = [0, 18], sizes = [64, 1], strides = [1, 1]} : vector<64x64xf32> to vector<64x1xf32>
    %dot_general3A_3092 = arith.constant dense<0.000000e+00> : vector<1x1024xf32>
    %dot_general3A_3093 = tpu.matmul %slice3A_3091, %select_n3A_3090, %dot_general3A_3092 {dimension_numbers = #tpu.dot_dimension_numbers<[0], [0], [1], [1], [0, 1, 1, 1], [], []>, transpose_lhs_hint = false} : vector<64x1xf32>, vector<64x1024xf32>, vector<1x1024xf32> -> vector<1x1024xf32>
    %gt3A_3094 = arith.constant 1.950000e+01 : f32
    %gt3A_3095 = vector.broadcast %gt3A_3094 : f32 to vector<64x1024xf32>
    %gt3A_3096 = arith.cmpf ogt, %transpose3A_2884, %gt3A_3095 : vector<64x1024xf32>
    %jit3A_3097 = arith.constant 1.000000e+00 : f32
    %jit3A_3098 = arith.constant -1.000000e+00 : f32
    %broadcast_in_dim3A_3099 = vector.broadcast %jit3A_3097 : f32 to vector<64x1024xf32>
    %broadcast_in_dim3A_3100 = vector.broadcast %jit3A_3098 : f32 to vector<64x1024xf32>
    %select_n3A_3101 = arith.select %gt3A_3096, %broadcast_in_dim3A_3099, %broadcast_in_dim3A_3100 : vector<64x1024xi1>, vector<64x1024xf32>
    %slice3A_3102 = vector.extract_strided_slice %get3A_1 {offsets = [0, 19], sizes = [64, 1], strides = [1, 1]} : vector<64x64xf32> to vector<64x1xf32>
    %dot_general3A_3103 = arith.constant dense<0.000000e+00> : vector<1x1024xf32>
    %dot_general3A_3104 = tpu.matmul %slice3A_3102, %select_n3A_3101, %dot_general3A_3103 {dimension_numbers = #tpu.dot_dimension_numbers<[0], [0], [1], [1], [0, 1, 1, 1], [], []>, transpose_lhs_hint = false} : vector<64x1xf32>, vector<64x1024xf32>, vector<1x1024xf32> -> vector<1x1024xf32>
    %gt3A_3105 = arith.constant 2.050000e+01 : f32
    %gt3A_3106 = vector.broadcast %gt3A_3105 : f32 to vector<64x1024xf32>
    %gt3A_3107 = arith.cmpf ogt, %transpose3A_2884, %gt3A_3106 : vector<64x1024xf32>
    %jit3A_3108 = arith.constant 1.000000e+00 : f32
    %jit3A_3109 = arith.constant -1.000000e+00 : f32
    %broadcast_in_dim3A_3110 = vector.broadcast %jit3A_3108 : f32 to vector<64x1024xf32>
    %broadcast_in_dim3A_3111 = vector.broadcast %jit3A_3109 : f32 to vector<64x1024xf32>
    %select_n3A_3112 = arith.select %gt3A_3107, %broadcast_in_dim3A_3110, %broadcast_in_dim3A_3111 : vector<64x1024xi1>, vector<64x1024xf32>
    %slice3A_3113 = vector.extract_strided_slice %get3A_1 {offsets = [0, 20], sizes = [64, 1], strides = [1, 1]} : vector<64x64xf32> to vector<64x1xf32>
    %dot_general3A_3114 = arith.constant dense<0.000000e+00> : vector<1x1024xf32>
    %dot_general3A_3115 = tpu.matmul %slice3A_3113, %select_n3A_3112, %dot_general3A_3114 {dimension_numbers = #tpu.dot_dimension_numbers<[0], [0], [1], [1], [0, 1, 1, 1], [], []>, transpose_lhs_hint = false} : vector<64x1xf32>, vector<64x1024xf32>, vector<1x1024xf32> -> vector<1x1024xf32>
    %gt3A_3116 = arith.constant 2.150000e+01 : f32
    %gt3A_3117 = vector.broadcast %gt3A_3116 : f32 to vector<64x1024xf32>
    %gt3A_3118 = arith.cmpf ogt, %transpose3A_2884, %gt3A_3117 : vector<64x1024xf32>
    %jit3A_3119 = arith.constant 1.000000e+00 : f32
    %jit3A_3120 = arith.constant -1.000000e+00 : f32
    %broadcast_in_dim3A_3121 = vector.broadcast %jit3A_3119 : f32 to vector<64x1024xf32>
    %broadcast_in_dim3A_3122 = vector.broadcast %jit3A_3120 : f32 to vector<64x1024xf32>
    %select_n3A_3123 = arith.select %gt3A_3118, %broadcast_in_dim3A_3121, %broadcast_in_dim3A_3122 : vector<64x1024xi1>, vector<64x1024xf32>
    %slice3A_3124 = vector.extract_strided_slice %get3A_1 {offsets = [0, 21], sizes = [64, 1], strides = [1, 1]} : vector<64x64xf32> to vector<64x1xf32>
    %dot_general3A_3125 = arith.constant dense<0.000000e+00> : vector<1x1024xf32>
    %dot_general3A_3126 = tpu.matmul %slice3A_3124, %select_n3A_3123, %dot_general3A_3125 {dimension_numbers = #tpu.dot_dimension_numbers<[0], [0], [1], [1], [0, 1, 1, 1], [], []>, transpose_lhs_hint = false} : vector<64x1xf32>, vector<64x1024xf32>, vector<1x1024xf32> -> vector<1x1024xf32>
    %gt3A_3127 = arith.constant 2.250000e+01 : f32
    %gt3A_3128 = vector.broadcast %gt3A_3127 : f32 to vector<64x1024xf32>
    %gt3A_3129 = arith.cmpf ogt, %transpose3A_2884, %gt3A_3128 : vector<64x1024xf32>
    %jit3A_3130 = arith.constant 1.000000e+00 : f32
    %jit3A_3131 = arith.constant -1.000000e+00 : f32
    %broadcast_in_dim3A_3132 = vector.broadcast %jit3A_3130 : f32 to vector<64x1024xf32>
    %broadcast_in_dim3A_3133 = vector.broadcast %jit3A_3131 : f32 to vector<64x1024xf32>
    %select_n3A_3134 = arith.select %gt3A_3129, %broadcast_in_dim3A_3132, %broadcast_in_dim3A_3133 : vector<64x1024xi1>, vector<64x1024xf32>
    %slice3A_3135 = vector.extract_strided_slice %get3A_1 {offsets = [0, 22], sizes = [64, 1], strides = [1, 1]} : vector<64x64xf32> to vector<64x1xf32>
    %dot_general3A_3136 = arith.constant dense<0.000000e+00> : vector<1x1024xf32>
    %dot_general3A_3137 = tpu.matmul %slice3A_3135, %select_n3A_3134, %dot_general3A_3136 {dimension_numbers = #tpu.dot_dimension_numbers<[0], [0], [1], [1], [0, 1, 1, 1], [], []>, transpose_lhs_hint = false} : vector<64x1xf32>, vector<64x1024xf32>, vector<1x1024xf32> -> vector<1x1024xf32>
    %gt3A_3138 = arith.constant 2.350000e+01 : f32
    %gt3A_3139 = vector.broadcast %gt3A_3138 : f32 to vector<64x1024xf32>
    %gt3A_3140 = arith.cmpf ogt, %transpose3A_2884, %gt3A_3139 : vector<64x1024xf32>
    %jit3A_3141 = arith.constant 1.000000e+00 : f32
    %jit3A_3142 = arith.constant -1.000000e+00 : f32
    %broadcast_in_dim3A_3143 = vector.broadcast %jit3A_3141 : f32 to vector<64x1024xf32>
    %broadcast_in_dim3A_3144 = vector.broadcast %jit3A_3142 : f32 to vector<64x1024xf32>
    %select_n3A_3145 = arith.select %gt3A_3140, %broadcast_in_dim3A_3143, %broadcast_in_dim3A_3144 : vector<64x1024xi1>, vector<64x1024xf32>
    %slice3A_3146 = vector.extract_strided_slice %get3A_1 {offsets = [0, 23], sizes = [64, 1], strides = [1, 1]} : vector<64x64xf32> to vector<64x1xf32>
    %dot_general3A_3147 = arith.constant dense<0.000000e+00> : vector<1x1024xf32>
    %dot_general3A_3148 = tpu.matmul %slice3A_3146, %select_n3A_3145, %dot_general3A_3147 {dimension_numbers = #tpu.dot_dimension_numbers<[0], [0], [1], [1], [0, 1, 1, 1], [], []>, transpose_lhs_hint = false} : vector<64x1xf32>, vector<64x1024xf32>, vector<1x1024xf32> -> vector<1x1024xf32>
    %gt3A_3149 = arith.constant 2.450000e+01 : f32
    %gt3A_3150 = vector.broadcast %gt3A_3149 : f32 to vector<64x1024xf32>
    %gt3A_3151 = arith.cmpf ogt, %transpose3A_2884, %gt3A_3150 : vector<64x1024xf32>
    %jit3A_3152 = arith.constant 1.000000e+00 : f32
    %jit3A_3153 = arith.constant -1.000000e+00 : f32
    %broadcast_in_dim3A_3154 = vector.broadcast %jit3A_3152 : f32 to vector<64x1024xf32>
    %broadcast_in_dim3A_3155 = vector.broadcast %jit3A_3153 : f32 to vector<64x1024xf32>
    %select_n3A_3156 = arith.select %gt3A_3151, %broadcast_in_dim3A_3154, %broadcast_in_dim3A_3155 : vector<64x1024xi1>, vector<64x1024xf32>
    %slice3A_3157 = vector.extract_strided_slice %get3A_1 {offsets = [0, 24], sizes = [64, 1], strides = [1, 1]} : vector<64x64xf32> to vector<64x1xf32>
    %dot_general3A_3158 = arith.constant dense<0.000000e+00> : vector<1x1024xf32>
    %dot_general3A_3159 = tpu.matmul %slice3A_3157, %select_n3A_3156, %dot_general3A_3158 {dimension_numbers = #tpu.dot_dimension_numbers<[0], [0], [1], [1], [0, 1, 1, 1], [], []>, transpose_lhs_hint = false} : vector<64x1xf32>, vector<64x1024xf32>, vector<1x1024xf32> -> vector<1x1024xf32>
    %gt3A_3160 = arith.constant 2.550000e+01 : f32
    %gt3A_3161 = vector.broadcast %gt3A_3160 : f32 to vector<64x1024xf32>
    %gt3A_3162 = arith.cmpf ogt, %transpose3A_2884, %gt3A_3161 : vector<64x1024xf32>
    %jit3A_3163 = arith.constant 1.000000e+00 : f32
    %jit3A_3164 = arith.constant -1.000000e+00 : f32
    %broadcast_in_dim3A_3165 = vector.broadcast %jit3A_3163 : f32 to vector<64x1024xf32>
    %broadcast_in_dim3A_3166 = vector.broadcast %jit3A_3164 : f32 to vector<64x1024xf32>
    %select_n3A_3167 = arith.select %gt3A_3162, %broadcast_in_dim3A_3165, %broadcast_in_dim3A_3166 : vector<64x1024xi1>, vector<64x1024xf32>
    %slice3A_3168 = vector.extract_strided_slice %get3A_1 {offsets = [0, 25], sizes = [64, 1], strides = [1, 1]} : vector<64x64xf32> to vector<64x1xf32>
    %dot_general3A_3169 = arith.constant dense<0.000000e+00> : vector<1x1024xf32>
    %dot_general3A_3170 = tpu.matmul %slice3A_3168, %select_n3A_3167, %dot_general3A_3169 {dimension_numbers = #tpu.dot_dimension_numbers<[0], [0], [1], [1], [0, 1, 1, 1], [], []>, transpose_lhs_hint = false} : vector<64x1xf32>, vector<64x1024xf32>, vector<1x1024xf32> -> vector<1x1024xf32>
    %gt3A_3171 = arith.constant 2.650000e+01 : f32
    %gt3A_3172 = vector.broadcast %gt3A_3171 : f32 to vector<64x1024xf32>
    %gt3A_3173 = arith.cmpf ogt, %transpose3A_2884, %gt3A_3172 : vector<64x1024xf32>
    %jit3A_3174 = arith.constant 1.000000e+00 : f32
    %jit3A_3175 = arith.constant -1.000000e+00 : f32
    %broadcast_in_dim3A_3176 = vector.broadcast %jit3A_3174 : f32 to vector<64x1024xf32>
    %broadcast_in_dim3A_3177 = vector.broadcast %jit3A_3175 : f32 to vector<64x1024xf32>
    %select_n3A_3178 = arith.select %gt3A_3173, %broadcast_in_dim3A_3176, %broadcast_in_dim3A_3177 : vector<64x1024xi1>, vector<64x1024xf32>
    %slice3A_3179 = vector.extract_strided_slice %get3A_1 {offsets = [0, 26], sizes = [64, 1], strides = [1, 1]} : vector<64x64xf32> to vector<64x1xf32>
    %dot_general3A_3180 = arith.constant dense<0.000000e+00> : vector<1x1024xf32>
    %dot_general3A_3181 = tpu.matmul %slice3A_3179, %select_n3A_3178, %dot_general3A_3180 {dimension_numbers = #tpu.dot_dimension_numbers<[0], [0], [1], [1], [0, 1, 1, 1], [], []>, transpose_lhs_hint = false} : vector<64x1xf32>, vector<64x1024xf32>, vector<1x1024xf32> -> vector<1x1024xf32>
    %gt3A_3182 = arith.constant 2.750000e+01 : f32
    %gt3A_3183 = vector.broadcast %gt3A_3182 : f32 to vector<64x1024xf32>
    %gt3A_3184 = arith.cmpf ogt, %transpose3A_2884, %gt3A_3183 : vector<64x1024xf32>
    %jit3A_3185 = arith.constant 1.000000e+00 : f32
    %jit3A_3186 = arith.constant -1.000000e+00 : f32
    %broadcast_in_dim3A_3187 = vector.broadcast %jit3A_3185 : f32 to vector<64x1024xf32>
    %broadcast_in_dim3A_3188 = vector.broadcast %jit3A_3186 : f32 to vector<64x1024xf32>
    %select_n3A_3189 = arith.select %gt3A_3184, %broadcast_in_dim3A_3187, %broadcast_in_dim3A_3188 : vector<64x1024xi1>, vector<64x1024xf32>
    %slice3A_3190 = vector.extract_strided_slice %get3A_1 {offsets = [0, 27], sizes = [64, 1], strides = [1, 1]} : vector<64x64xf32> to vector<64x1xf32>
    %dot_general3A_3191 = arith.constant dense<0.000000e+00> : vector<1x1024xf32>
    %dot_general3A_3192 = tpu.matmul %slice3A_3190, %select_n3A_3189, %dot_general3A_3191 {dimension_numbers = #tpu.dot_dimension_numbers<[0], [0], [1], [1], [0, 1, 1, 1], [], []>, transpose_lhs_hint = false} : vector<64x1xf32>, vector<64x1024xf32>, vector<1x1024xf32> -> vector<1x1024xf32>
    %gt3A_3193 = arith.constant 2.850000e+01 : f32
    %gt3A_3194 = vector.broadcast %gt3A_3193 : f32 to vector<64x1024xf32>
    %gt3A_3195 = arith.cmpf ogt, %transpose3A_2884, %gt3A_3194 : vector<64x1024xf32>
    %jit3A_3196 = arith.constant 1.000000e+00 : f32
    %jit3A_3197 = arith.constant -1.000000e+00 : f32
    %broadcast_in_dim3A_3198 = vector.broadcast %jit3A_3196 : f32 to vector<64x1024xf32>
    %broadcast_in_dim3A_3199 = vector.broadcast %jit3A_3197 : f32 to vector<64x1024xf32>
    %select_n3A_3200 = arith.select %gt3A_3195, %broadcast_in_dim3A_3198, %broadcast_in_dim3A_3199 : vector<64x1024xi1>, vector<64x1024xf32>
    %slice3A_3201 = vector.extract_strided_slice %get3A_1 {offsets = [0, 28], sizes = [64, 1], strides = [1, 1]} : vector<64x64xf32> to vector<64x1xf32>
    %dot_general3A_3202 = arith.constant dense<0.000000e+00> : vector<1x1024xf32>
    %dot_general3A_3203 = tpu.matmul %slice3A_3201, %select_n3A_3200, %dot_general3A_3202 {dimension_numbers = #tpu.dot_dimension_numbers<[0], [0], [1], [1], [0, 1, 1, 1], [], []>, transpose_lhs_hint = false} : vector<64x1xf32>, vector<64x1024xf32>, vector<1x1024xf32> -> vector<1x1024xf32>
    %gt3A_3204 = arith.constant 2.950000e+01 : f32
    %gt3A_3205 = vector.broadcast %gt3A_3204 : f32 to vector<64x1024xf32>
    %gt3A_3206 = arith.cmpf ogt, %transpose3A_2884, %gt3A_3205 : vector<64x1024xf32>
    %jit3A_3207 = arith.constant 1.000000e+00 : f32
    %jit3A_3208 = arith.constant -1.000000e+00 : f32
    %broadcast_in_dim3A_3209 = vector.broadcast %jit3A_3207 : f32 to vector<64x1024xf32>
    %broadcast_in_dim3A_3210 = vector.broadcast %jit3A_3208 : f32 to vector<64x1024xf32>
    %select_n3A_3211 = arith.select %gt3A_3206, %broadcast_in_dim3A_3209, %broadcast_in_dim3A_3210 : vector<64x1024xi1>, vector<64x1024xf32>
    %slice3A_3212 = vector.extract_strided_slice %get3A_1 {offsets = [0, 29], sizes = [64, 1], strides = [1, 1]} : vector<64x64xf32> to vector<64x1xf32>
    %dot_general3A_3213 = arith.constant dense<0.000000e+00> : vector<1x1024xf32>
    %dot_general3A_3214 = tpu.matmul %slice3A_3212, %select_n3A_3211, %dot_general3A_3213 {dimension_numbers = #tpu.dot_dimension_numbers<[0], [0], [1], [1], [0, 1, 1, 1], [], []>, transpose_lhs_hint = false} : vector<64x1xf32>, vector<64x1024xf32>, vector<1x1024xf32> -> vector<1x1024xf32>
    %gt3A_3215 = arith.constant 3.050000e+01 : f32
    %gt3A_3216 = vector.broadcast %gt3A_3215 : f32 to vector<64x1024xf32>
    %gt3A_3217 = arith.cmpf ogt, %transpose3A_2884, %gt3A_3216 : vector<64x1024xf32>
    %jit3A_3218 = arith.constant 1.000000e+00 : f32
    %jit3A_3219 = arith.constant -1.000000e+00 : f32
    %broadcast_in_dim3A_3220 = vector.broadcast %jit3A_3218 : f32 to vector<64x1024xf32>
    %broadcast_in_dim3A_3221 = vector.broadcast %jit3A_3219 : f32 to vector<64x1024xf32>
    %select_n3A_3222 = arith.select %gt3A_3217, %broadcast_in_dim3A_3220, %broadcast_in_dim3A_3221 : vector<64x1024xi1>, vector<64x1024xf32>
    %slice3A_3223 = vector.extract_strided_slice %get3A_1 {offsets = [0, 30], sizes = [64, 1], strides = [1, 1]} : vector<64x64xf32> to vector<64x1xf32>
    %dot_general3A_3224 = arith.constant dense<0.000000e+00> : vector<1x1024xf32>
    %dot_general3A_3225 = tpu.matmul %slice3A_3223, %select_n3A_3222, %dot_general3A_3224 {dimension_numbers = #tpu.dot_dimension_numbers<[0], [0], [1], [1], [0, 1, 1, 1], [], []>, transpose_lhs_hint = false} : vector<64x1xf32>, vector<64x1024xf32>, vector<1x1024xf32> -> vector<1x1024xf32>
    %gt3A_3226 = arith.constant 3.150000e+01 : f32
    %gt3A_3227 = vector.broadcast %gt3A_3226 : f32 to vector<64x1024xf32>
    %gt3A_3228 = arith.cmpf ogt, %transpose3A_2884, %gt3A_3227 : vector<64x1024xf32>
    %jit3A_3229 = arith.constant 1.000000e+00 : f32
    %jit3A_3230 = arith.constant -1.000000e+00 : f32
    %broadcast_in_dim3A_3231 = vector.broadcast %jit3A_3229 : f32 to vector<64x1024xf32>
    %broadcast_in_dim3A_3232 = vector.broadcast %jit3A_3230 : f32 to vector<64x1024xf32>
    %select_n3A_3233 = arith.select %gt3A_3228, %broadcast_in_dim3A_3231, %broadcast_in_dim3A_3232 : vector<64x1024xi1>, vector<64x1024xf32>
    %slice3A_3234 = vector.extract_strided_slice %get3A_1 {offsets = [0, 31], sizes = [64, 1], strides = [1, 1]} : vector<64x64xf32> to vector<64x1xf32>
    %dot_general3A_3235 = arith.constant dense<0.000000e+00> : vector<1x1024xf32>
    %dot_general3A_3236 = tpu.matmul %slice3A_3234, %select_n3A_3233, %dot_general3A_3235 {dimension_numbers = #tpu.dot_dimension_numbers<[0], [0], [1], [1], [0, 1, 1, 1], [], []>, transpose_lhs_hint = false} : vector<64x1xf32>, vector<64x1024xf32>, vector<1x1024xf32> -> vector<1x1024xf32>
    %gt3A_3237 = arith.constant 3.250000e+01 : f32
    %gt3A_3238 = vector.broadcast %gt3A_3237 : f32 to vector<64x1024xf32>
    %gt3A_3239 = arith.cmpf ogt, %transpose3A_2884, %gt3A_3238 : vector<64x1024xf32>
    %jit3A_3240 = arith.constant 1.000000e+00 : f32
    %jit3A_3241 = arith.constant -1.000000e+00 : f32
    %broadcast_in_dim3A_3242 = vector.broadcast %jit3A_3240 : f32 to vector<64x1024xf32>
    %broadcast_in_dim3A_3243 = vector.broadcast %jit3A_3241 : f32 to vector<64x1024xf32>
    %select_n3A_3244 = arith.select %gt3A_3239, %broadcast_in_dim3A_3242, %broadcast_in_dim3A_3243 : vector<64x1024xi1>, vector<64x1024xf32>
    %slice3A_3245 = vector.extract_strided_slice %get3A_1 {offsets = [0, 32], sizes = [64, 1], strides = [1, 1]} : vector<64x64xf32> to vector<64x1xf32>
    %dot_general3A_3246 = arith.constant dense<0.000000e+00> : vector<1x1024xf32>
    %dot_general3A_3247 = tpu.matmul %slice3A_3245, %select_n3A_3244, %dot_general3A_3246 {dimension_numbers = #tpu.dot_dimension_numbers<[0], [0], [1], [1], [0, 1, 1, 1], [], []>, transpose_lhs_hint = false} : vector<64x1xf32>, vector<64x1024xf32>, vector<1x1024xf32> -> vector<1x1024xf32>
    %gt3A_3248 = arith.constant 3.350000e+01 : f32
    %gt3A_3249 = vector.broadcast %gt3A_3248 : f32 to vector<64x1024xf32>
    %gt3A_3250 = arith.cmpf ogt, %transpose3A_2884, %gt3A_3249 : vector<64x1024xf32>
    %jit3A_3251 = arith.constant 1.000000e+00 : f32
    %jit3A_3252 = arith.constant -1.000000e+00 : f32
    %broadcast_in_dim3A_3253 = vector.broadcast %jit3A_3251 : f32 to vector<64x1024xf32>
    %broadcast_in_dim3A_3254 = vector.broadcast %jit3A_3252 : f32 to vector<64x1024xf32>
    %select_n3A_3255 = arith.select %gt3A_3250, %broadcast_in_dim3A_3253, %broadcast_in_dim3A_3254 : vector<64x1024xi1>, vector<64x1024xf32>
    %slice3A_3256 = vector.extract_strided_slice %get3A_1 {offsets = [0, 33], sizes = [64, 1], strides = [1, 1]} : vector<64x64xf32> to vector<64x1xf32>
    %dot_general3A_3257 = arith.constant dense<0.000000e+00> : vector<1x1024xf32>
    %dot_general3A_3258 = tpu.matmul %slice3A_3256, %select_n3A_3255, %dot_general3A_3257 {dimension_numbers = #tpu.dot_dimension_numbers<[0], [0], [1], [1], [0, 1, 1, 1], [], []>, transpose_lhs_hint = false} : vector<64x1xf32>, vector<64x1024xf32>, vector<1x1024xf32> -> vector<1x1024xf32>
    %gt3A_3259 = arith.constant 3.450000e+01 : f32
    %gt3A_3260 = vector.broadcast %gt3A_3259 : f32 to vector<64x1024xf32>
    %gt3A_3261 = arith.cmpf ogt, %transpose3A_2884, %gt3A_3260 : vector<64x1024xf32>
    %jit3A_3262 = arith.constant 1.000000e+00 : f32
    %jit3A_3263 = arith.constant -1.000000e+00 : f32
    %broadcast_in_dim3A_3264 = vector.broadcast %jit3A_3262 : f32 to vector<64x1024xf32>
    %broadcast_in_dim3A_3265 = vector.broadcast %jit3A_3263 : f32 to vector<64x1024xf32>
    %select_n3A_3266 = arith.select %gt3A_3261, %broadcast_in_dim3A_3264, %broadcast_in_dim3A_3265 : vector<64x1024xi1>, vector<64x1024xf32>
    %slice3A_3267 = vector.extract_strided_slice %get3A_1 {offsets = [0, 34], sizes = [64, 1], strides = [1, 1]} : vector<64x64xf32> to vector<64x1xf32>
    %dot_general3A_3268 = arith.constant dense<0.000000e+00> : vector<1x1024xf32>
    %dot_general3A_3269 = tpu.matmul %slice3A_3267, %select_n3A_3266, %dot_general3A_3268 {dimension_numbers = #tpu.dot_dimension_numbers<[0], [0], [1], [1], [0, 1, 1, 1], [], []>, transpose_lhs_hint = false} : vector<64x1xf32>, vector<64x1024xf32>, vector<1x1024xf32> -> vector<1x1024xf32>
    %gt3A_3270 = arith.constant 3.550000e+01 : f32
    %gt3A_3271 = vector.broadcast %gt3A_3270 : f32 to vector<64x1024xf32>
    %gt3A_3272 = arith.cmpf ogt, %transpose3A_2884, %gt3A_3271 : vector<64x1024xf32>
    %jit3A_3273 = arith.constant 1.000000e+00 : f32
    %jit3A_3274 = arith.constant -1.000000e+00 : f32
    %broadcast_in_dim3A_3275 = vector.broadcast %jit3A_3273 : f32 to vector<64x1024xf32>
    %broadcast_in_dim3A_3276 = vector.broadcast %jit3A_3274 : f32 to vector<64x1024xf32>
    %select_n3A_3277 = arith.select %gt3A_3272, %broadcast_in_dim3A_3275, %broadcast_in_dim3A_3276 : vector<64x1024xi1>, vector<64x1024xf32>
    %slice3A_3278 = vector.extract_strided_slice %get3A_1 {offsets = [0, 35], sizes = [64, 1], strides = [1, 1]} : vector<64x64xf32> to vector<64x1xf32>
    %dot_general3A_3279 = arith.constant dense<0.000000e+00> : vector<1x1024xf32>
    %dot_general3A_3280 = tpu.matmul %slice3A_3278, %select_n3A_3277, %dot_general3A_3279 {dimension_numbers = #tpu.dot_dimension_numbers<[0], [0], [1], [1], [0, 1, 1, 1], [], []>, transpose_lhs_hint = false} : vector<64x1xf32>, vector<64x1024xf32>, vector<1x1024xf32> -> vector<1x1024xf32>
    %gt3A_3281 = arith.constant 3.650000e+01 : f32
    %gt3A_3282 = vector.broadcast %gt3A_3281 : f32 to vector<64x1024xf32>
    %gt3A_3283 = arith.cmpf ogt, %transpose3A_2884, %gt3A_3282 : vector<64x1024xf32>
    %jit3A_3284 = arith.constant 1.000000e+00 : f32
    %jit3A_3285 = arith.constant -1.000000e+00 : f32
    %broadcast_in_dim3A_3286 = vector.broadcast %jit3A_3284 : f32 to vector<64x1024xf32>
    %broadcast_in_dim3A_3287 = vector.broadcast %jit3A_3285 : f32 to vector<64x1024xf32>
    %select_n3A_3288 = arith.select %gt3A_3283, %broadcast_in_dim3A_3286, %broadcast_in_dim3A_3287 : vector<64x1024xi1>, vector<64x1024xf32>
    %slice3A_3289 = vector.extract_strided_slice %get3A_1 {offsets = [0, 36], sizes = [64, 1], strides = [1, 1]} : vector<64x64xf32> to vector<64x1xf32>
    %dot_general3A_3290 = arith.constant dense<0.000000e+00> : vector<1x1024xf32>
    %dot_general3A_3291 = tpu.matmul %slice3A_3289, %select_n3A_3288, %dot_general3A_3290 {dimension_numbers = #tpu.dot_dimension_numbers<[0], [0], [1], [1], [0, 1, 1, 1], [], []>, transpose_lhs_hint = false} : vector<64x1xf32>, vector<64x1024xf32>, vector<1x1024xf32> -> vector<1x1024xf32>
    %gt3A_3292 = arith.constant 3.750000e+01 : f32
    %gt3A_3293 = vector.broadcast %gt3A_3292 : f32 to vector<64x1024xf32>
    %gt3A_3294 = arith.cmpf ogt, %transpose3A_2884, %gt3A_3293 : vector<64x1024xf32>
    %jit3A_3295 = arith.constant 1.000000e+00 : f32
    %jit3A_3296 = arith.constant -1.000000e+00 : f32
    %broadcast_in_dim3A_3297 = vector.broadcast %jit3A_3295 : f32 to vector<64x1024xf32>
    %broadcast_in_dim3A_3298 = vector.broadcast %jit3A_3296 : f32 to vector<64x1024xf32>
    %select_n3A_3299 = arith.select %gt3A_3294, %broadcast_in_dim3A_3297, %broadcast_in_dim3A_3298 : vector<64x1024xi1>, vector<64x1024xf32>
    %slice3A_3300 = vector.extract_strided_slice %get3A_1 {offsets = [0, 37], sizes = [64, 1], strides = [1, 1]} : vector<64x64xf32> to vector<64x1xf32>
    %dot_general3A_3301 = arith.constant dense<0.000000e+00> : vector<1x1024xf32>
    %dot_general3A_3302 = tpu.matmul %slice3A_3300, %select_n3A_3299, %dot_general3A_3301 {dimension_numbers = #tpu.dot_dimension_numbers<[0], [0], [1], [1], [0, 1, 1, 1], [], []>, transpose_lhs_hint = false} : vector<64x1xf32>, vector<64x1024xf32>, vector<1x1024xf32> -> vector<1x1024xf32>
    %gt3A_3303 = arith.constant 3.850000e+01 : f32
    %gt3A_3304 = vector.broadcast %gt3A_3303 : f32 to vector<64x1024xf32>
    %gt3A_3305 = arith.cmpf ogt, %transpose3A_2884, %gt3A_3304 : vector<64x1024xf32>
    %jit3A_3306 = arith.constant 1.000000e+00 : f32
    %jit3A_3307 = arith.constant -1.000000e+00 : f32
    %broadcast_in_dim3A_3308 = vector.broadcast %jit3A_3306 : f32 to vector<64x1024xf32>
    %broadcast_in_dim3A_3309 = vector.broadcast %jit3A_3307 : f32 to vector<64x1024xf32>
    %select_n3A_3310 = arith.select %gt3A_3305, %broadcast_in_dim3A_3308, %broadcast_in_dim3A_3309 : vector<64x1024xi1>, vector<64x1024xf32>
    %slice3A_3311 = vector.extract_strided_slice %get3A_1 {offsets = [0, 38], sizes = [64, 1], strides = [1, 1]} : vector<64x64xf32> to vector<64x1xf32>
    %dot_general3A_3312 = arith.constant dense<0.000000e+00> : vector<1x1024xf32>
    %dot_general3A_3313 = tpu.matmul %slice3A_3311, %select_n3A_3310, %dot_general3A_3312 {dimension_numbers = #tpu.dot_dimension_numbers<[0], [0], [1], [1], [0, 1, 1, 1], [], []>, transpose_lhs_hint = false} : vector<64x1xf32>, vector<64x1024xf32>, vector<1x1024xf32> -> vector<1x1024xf32>
    %gt3A_3314 = arith.constant 3.950000e+01 : f32
    %gt3A_3315 = vector.broadcast %gt3A_3314 : f32 to vector<64x1024xf32>
    %gt3A_3316 = arith.cmpf ogt, %transpose3A_2884, %gt3A_3315 : vector<64x1024xf32>
    %jit3A_3317 = arith.constant 1.000000e+00 : f32
    %jit3A_3318 = arith.constant -1.000000e+00 : f32
    %broadcast_in_dim3A_3319 = vector.broadcast %jit3A_3317 : f32 to vector<64x1024xf32>
    %broadcast_in_dim3A_3320 = vector.broadcast %jit3A_3318 : f32 to vector<64x1024xf32>
    %select_n3A_3321 = arith.select %gt3A_3316, %broadcast_in_dim3A_3319, %broadcast_in_dim3A_3320 : vector<64x1024xi1>, vector<64x1024xf32>
    %slice3A_3322 = vector.extract_strided_slice %get3A_1 {offsets = [0, 39], sizes = [64, 1], strides = [1, 1]} : vector<64x64xf32> to vector<64x1xf32>
    %dot_general3A_3323 = arith.constant dense<0.000000e+00> : vector<1x1024xf32>
    %dot_general3A_3324 = tpu.matmul %slice3A_3322, %select_n3A_3321, %dot_general3A_3323 {dimension_numbers = #tpu.dot_dimension_numbers<[0], [0], [1], [1], [0, 1, 1, 1], [], []>, transpose_lhs_hint = false} : vector<64x1xf32>, vector<64x1024xf32>, vector<1x1024xf32> -> vector<1x1024xf32>
    %gt3A_3325 = arith.constant 4.050000e+01 : f32
    %gt3A_3326 = vector.broadcast %gt3A_3325 : f32 to vector<64x1024xf32>
    %gt3A_3327 = arith.cmpf ogt, %transpose3A_2884, %gt3A_3326 : vector<64x1024xf32>
    %jit3A_3328 = arith.constant 1.000000e+00 : f32
    %jit3A_3329 = arith.constant -1.000000e+00 : f32
    %broadcast_in_dim3A_3330 = vector.broadcast %jit3A_3328 : f32 to vector<64x1024xf32>
    %broadcast_in_dim3A_3331 = vector.broadcast %jit3A_3329 : f32 to vector<64x1024xf32>
    %select_n3A_3332 = arith.select %gt3A_3327, %broadcast_in_dim3A_3330, %broadcast_in_dim3A_3331 : vector<64x1024xi1>, vector<64x1024xf32>
    %slice3A_3333 = vector.extract_strided_slice %get3A_1 {offsets = [0, 40], sizes = [64, 1], strides = [1, 1]} : vector<64x64xf32> to vector<64x1xf32>
    %dot_general3A_3334 = arith.constant dense<0.000000e+00> : vector<1x1024xf32>
    %dot_general3A_3335 = tpu.matmul %slice3A_3333, %select_n3A_3332, %dot_general3A_3334 {dimension_numbers = #tpu.dot_dimension_numbers<[0], [0], [1], [1], [0, 1, 1, 1], [], []>, transpose_lhs_hint = false} : vector<64x1xf32>, vector<64x1024xf32>, vector<1x1024xf32> -> vector<1x1024xf32>
    %gt3A_3336 = arith.constant 4.150000e+01 : f32
    %gt3A_3337 = vector.broadcast %gt3A_3336 : f32 to vector<64x1024xf32>
    %gt3A_3338 = arith.cmpf ogt, %transpose3A_2884, %gt3A_3337 : vector<64x1024xf32>
    %jit3A_3339 = arith.constant 1.000000e+00 : f32
    %jit3A_3340 = arith.constant -1.000000e+00 : f32
    %broadcast_in_dim3A_3341 = vector.broadcast %jit3A_3339 : f32 to vector<64x1024xf32>
    %broadcast_in_dim3A_3342 = vector.broadcast %jit3A_3340 : f32 to vector<64x1024xf32>
    %select_n3A_3343 = arith.select %gt3A_3338, %broadcast_in_dim3A_3341, %broadcast_in_dim3A_3342 : vector<64x1024xi1>, vector<64x1024xf32>
    %slice3A_3344 = vector.extract_strided_slice %get3A_1 {offsets = [0, 41], sizes = [64, 1], strides = [1, 1]} : vector<64x64xf32> to vector<64x1xf32>
    %dot_general3A_3345 = arith.constant dense<0.000000e+00> : vector<1x1024xf32>
    %dot_general3A_3346 = tpu.matmul %slice3A_3344, %select_n3A_3343, %dot_general3A_3345 {dimension_numbers = #tpu.dot_dimension_numbers<[0], [0], [1], [1], [0, 1, 1, 1], [], []>, transpose_lhs_hint = false} : vector<64x1xf32>, vector<64x1024xf32>, vector<1x1024xf32> -> vector<1x1024xf32>
    %gt3A_3347 = arith.constant 4.250000e+01 : f32
    %gt3A_3348 = vector.broadcast %gt3A_3347 : f32 to vector<64x1024xf32>
    %gt3A_3349 = arith.cmpf ogt, %transpose3A_2884, %gt3A_3348 : vector<64x1024xf32>
    %jit3A_3350 = arith.constant 1.000000e+00 : f32
    %jit3A_3351 = arith.constant -1.000000e+00 : f32
    %broadcast_in_dim3A_3352 = vector.broadcast %jit3A_3350 : f32 to vector<64x1024xf32>
    %broadcast_in_dim3A_3353 = vector.broadcast %jit3A_3351 : f32 to vector<64x1024xf32>
    %select_n3A_3354 = arith.select %gt3A_3349, %broadcast_in_dim3A_3352, %broadcast_in_dim3A_3353 : vector<64x1024xi1>, vector<64x1024xf32>
    %slice3A_3355 = vector.extract_strided_slice %get3A_1 {offsets = [0, 42], sizes = [64, 1], strides = [1, 1]} : vector<64x64xf32> to vector<64x1xf32>
    %dot_general3A_3356 = arith.constant dense<0.000000e+00> : vector<1x1024xf32>
    %dot_general3A_3357 = tpu.matmul %slice3A_3355, %select_n3A_3354, %dot_general3A_3356 {dimension_numbers = #tpu.dot_dimension_numbers<[0], [0], [1], [1], [0, 1, 1, 1], [], []>, transpose_lhs_hint = false} : vector<64x1xf32>, vector<64x1024xf32>, vector<1x1024xf32> -> vector<1x1024xf32>
    %gt3A_3358 = arith.constant 4.350000e+01 : f32
    %gt3A_3359 = vector.broadcast %gt3A_3358 : f32 to vector<64x1024xf32>
    %gt3A_3360 = arith.cmpf ogt, %transpose3A_2884, %gt3A_3359 : vector<64x1024xf32>
    %jit3A_3361 = arith.constant 1.000000e+00 : f32
    %jit3A_3362 = arith.constant -1.000000e+00 : f32
    %broadcast_in_dim3A_3363 = vector.broadcast %jit3A_3361 : f32 to vector<64x1024xf32>
    %broadcast_in_dim3A_3364 = vector.broadcast %jit3A_3362 : f32 to vector<64x1024xf32>
    %select_n3A_3365 = arith.select %gt3A_3360, %broadcast_in_dim3A_3363, %broadcast_in_dim3A_3364 : vector<64x1024xi1>, vector<64x1024xf32>
    %slice3A_3366 = vector.extract_strided_slice %get3A_1 {offsets = [0, 43], sizes = [64, 1], strides = [1, 1]} : vector<64x64xf32> to vector<64x1xf32>
    %dot_general3A_3367 = arith.constant dense<0.000000e+00> : vector<1x1024xf32>
    %dot_general3A_3368 = tpu.matmul %slice3A_3366, %select_n3A_3365, %dot_general3A_3367 {dimension_numbers = #tpu.dot_dimension_numbers<[0], [0], [1], [1], [0, 1, 1, 1], [], []>, transpose_lhs_hint = false} : vector<64x1xf32>, vector<64x1024xf32>, vector<1x1024xf32> -> vector<1x1024xf32>
    %gt3A_3369 = arith.constant 4.450000e+01 : f32
    %gt3A_3370 = vector.broadcast %gt3A_3369 : f32 to vector<64x1024xf32>
    %gt3A_3371 = arith.cmpf ogt, %transpose3A_2884, %gt3A_3370 : vector<64x1024xf32>
    %jit3A_3372 = arith.constant 1.000000e+00 : f32
    %jit3A_3373 = arith.constant -1.000000e+00 : f32
    %broadcast_in_dim3A_3374 = vector.broadcast %jit3A_3372 : f32 to vector<64x1024xf32>
    %broadcast_in_dim3A_3375 = vector.broadcast %jit3A_3373 : f32 to vector<64x1024xf32>
    %select_n3A_3376 = arith.select %gt3A_3371, %broadcast_in_dim3A_3374, %broadcast_in_dim3A_3375 : vector<64x1024xi1>, vector<64x1024xf32>
    %slice3A_3377 = vector.extract_strided_slice %get3A_1 {offsets = [0, 44], sizes = [64, 1], strides = [1, 1]} : vector<64x64xf32> to vector<64x1xf32>
    %dot_general3A_3378 = arith.constant dense<0.000000e+00> : vector<1x1024xf32>
    %dot_general3A_3379 = tpu.matmul %slice3A_3377, %select_n3A_3376, %dot_general3A_3378 {dimension_numbers = #tpu.dot_dimension_numbers<[0], [0], [1], [1], [0, 1, 1, 1], [], []>, transpose_lhs_hint = false} : vector<64x1xf32>, vector<64x1024xf32>, vector<1x1024xf32> -> vector<1x1024xf32>
    %gt3A_3380 = arith.constant 4.550000e+01 : f32
    %gt3A_3381 = vector.broadcast %gt3A_3380 : f32 to vector<64x1024xf32>
    %gt3A_3382 = arith.cmpf ogt, %transpose3A_2884, %gt3A_3381 : vector<64x1024xf32>
    %jit3A_3383 = arith.constant 1.000000e+00 : f32
    %jit3A_3384 = arith.constant -1.000000e+00 : f32
    %broadcast_in_dim3A_3385 = vector.broadcast %jit3A_3383 : f32 to vector<64x1024xf32>
    %broadcast_in_dim3A_3386 = vector.broadcast %jit3A_3384 : f32 to vector<64x1024xf32>
    %select_n3A_3387 = arith.select %gt3A_3382, %broadcast_in_dim3A_3385, %broadcast_in_dim3A_3386 : vector<64x1024xi1>, vector<64x1024xf32>
    %slice3A_3388 = vector.extract_strided_slice %get3A_1 {offsets = [0, 45], sizes = [64, 1], strides = [1, 1]} : vector<64x64xf32> to vector<64x1xf32>
    %dot_general3A_3389 = arith.constant dense<0.000000e+00> : vector<1x1024xf32>
    %dot_general3A_3390 = tpu.matmul %slice3A_3388, %select_n3A_3387, %dot_general3A_3389 {dimension_numbers = #tpu.dot_dimension_numbers<[0], [0], [1], [1], [0, 1, 1, 1], [], []>, transpose_lhs_hint = false} : vector<64x1xf32>, vector<64x1024xf32>, vector<1x1024xf32> -> vector<1x1024xf32>
    %gt3A_3391 = arith.constant 4.650000e+01 : f32
    %gt3A_3392 = vector.broadcast %gt3A_3391 : f32 to vector<64x1024xf32>
    %gt3A_3393 = arith.cmpf ogt, %transpose3A_2884, %gt3A_3392 : vector<64x1024xf32>
    %jit3A_3394 = arith.constant 1.000000e+00 : f32
    %jit3A_3395 = arith.constant -1.000000e+00 : f32
    %broadcast_in_dim3A_3396 = vector.broadcast %jit3A_3394 : f32 to vector<64x1024xf32>
    %broadcast_in_dim3A_3397 = vector.broadcast %jit3A_3395 : f32 to vector<64x1024xf32>
    %select_n3A_3398 = arith.select %gt3A_3393, %broadcast_in_dim3A_3396, %broadcast_in_dim3A_3397 : vector<64x1024xi1>, vector<64x1024xf32>
    %slice3A_3399 = vector.extract_strided_slice %get3A_1 {offsets = [0, 46], sizes = [64, 1], strides = [1, 1]} : vector<64x64xf32> to vector<64x1xf32>
    %dot_general3A_3400 = arith.constant dense<0.000000e+00> : vector<1x1024xf32>
    %dot_general3A_3401 = tpu.matmul %slice3A_3399, %select_n3A_3398, %dot_general3A_3400 {dimension_numbers = #tpu.dot_dimension_numbers<[0], [0], [1], [1], [0, 1, 1, 1], [], []>, transpose_lhs_hint = false} : vector<64x1xf32>, vector<64x1024xf32>, vector<1x1024xf32> -> vector<1x1024xf32>
    %gt3A_3402 = arith.constant 4.750000e+01 : f32
    %gt3A_3403 = vector.broadcast %gt3A_3402 : f32 to vector<64x1024xf32>
    %gt3A_3404 = arith.cmpf ogt, %transpose3A_2884, %gt3A_3403 : vector<64x1024xf32>
    %jit3A_3405 = arith.constant 1.000000e+00 : f32
    %jit3A_3406 = arith.constant -1.000000e+00 : f32
    %broadcast_in_dim3A_3407 = vector.broadcast %jit3A_3405 : f32 to vector<64x1024xf32>
    %broadcast_in_dim3A_3408 = vector.broadcast %jit3A_3406 : f32 to vector<64x1024xf32>
    %select_n3A_3409 = arith.select %gt3A_3404, %broadcast_in_dim3A_3407, %broadcast_in_dim3A_3408 : vector<64x1024xi1>, vector<64x1024xf32>
    %slice3A_3410 = vector.extract_strided_slice %get3A_1 {offsets = [0, 47], sizes = [64, 1], strides = [1, 1]} : vector<64x64xf32> to vector<64x1xf32>
    %dot_general3A_3411 = arith.constant dense<0.000000e+00> : vector<1x1024xf32>
    %dot_general3A_3412 = tpu.matmul %slice3A_3410, %select_n3A_3409, %dot_general3A_3411 {dimension_numbers = #tpu.dot_dimension_numbers<[0], [0], [1], [1], [0, 1, 1, 1], [], []>, transpose_lhs_hint = false} : vector<64x1xf32>, vector<64x1024xf32>, vector<1x1024xf32> -> vector<1x1024xf32>
    %gt3A_3413 = arith.constant 4.850000e+01 : f32
    %gt3A_3414 = vector.broadcast %gt3A_3413 : f32 to vector<64x1024xf32>
    %gt3A_3415 = arith.cmpf ogt, %transpose3A_2884, %gt3A_3414 : vector<64x1024xf32>
    %jit3A_3416 = arith.constant 1.000000e+00 : f32
    %jit3A_3417 = arith.constant -1.000000e+00 : f32
    %broadcast_in_dim3A_3418 = vector.broadcast %jit3A_3416 : f32 to vector<64x1024xf32>
    %broadcast_in_dim3A_3419 = vector.broadcast %jit3A_3417 : f32 to vector<64x1024xf32>
    %select_n3A_3420 = arith.select %gt3A_3415, %broadcast_in_dim3A_3418, %broadcast_in_dim3A_3419 : vector<64x1024xi1>, vector<64x1024xf32>
    %slice3A_3421 = vector.extract_strided_slice %get3A_1 {offsets = [0, 48], sizes = [64, 1], strides = [1, 1]} : vector<64x64xf32> to vector<64x1xf32>
    %dot_general3A_3422 = arith.constant dense<0.000000e+00> : vector<1x1024xf32>
    %dot_general3A_3423 = tpu.matmul %slice3A_3421, %select_n3A_3420, %dot_general3A_3422 {dimension_numbers = #tpu.dot_dimension_numbers<[0], [0], [1], [1], [0, 1, 1, 1], [], []>, transpose_lhs_hint = false} : vector<64x1xf32>, vector<64x1024xf32>, vector<1x1024xf32> -> vector<1x1024xf32>
    %gt3A_3424 = arith.constant 4.950000e+01 : f32
    %gt3A_3425 = vector.broadcast %gt3A_3424 : f32 to vector<64x1024xf32>
    %gt3A_3426 = arith.cmpf ogt, %transpose3A_2884, %gt3A_3425 : vector<64x1024xf32>
    %jit3A_3427 = arith.constant 1.000000e+00 : f32
    %jit3A_3428 = arith.constant -1.000000e+00 : f32
    %broadcast_in_dim3A_3429 = vector.broadcast %jit3A_3427 : f32 to vector<64x1024xf32>
    %broadcast_in_dim3A_3430 = vector.broadcast %jit3A_3428 : f32 to vector<64x1024xf32>
    %select_n3A_3431 = arith.select %gt3A_3426, %broadcast_in_dim3A_3429, %broadcast_in_dim3A_3430 : vector<64x1024xi1>, vector<64x1024xf32>
    %slice3A_3432 = vector.extract_strided_slice %get3A_1 {offsets = [0, 49], sizes = [64, 1], strides = [1, 1]} : vector<64x64xf32> to vector<64x1xf32>
    %dot_general3A_3433 = arith.constant dense<0.000000e+00> : vector<1x1024xf32>
    %dot_general3A_3434 = tpu.matmul %slice3A_3432, %select_n3A_3431, %dot_general3A_3433 {dimension_numbers = #tpu.dot_dimension_numbers<[0], [0], [1], [1], [0, 1, 1, 1], [], []>, transpose_lhs_hint = false} : vector<64x1xf32>, vector<64x1024xf32>, vector<1x1024xf32> -> vector<1x1024xf32>
    %gt3A_3435 = arith.constant 5.050000e+01 : f32
    %gt3A_3436 = vector.broadcast %gt3A_3435 : f32 to vector<64x1024xf32>
    %gt3A_3437 = arith.cmpf ogt, %transpose3A_2884, %gt3A_3436 : vector<64x1024xf32>
    %jit3A_3438 = arith.constant 1.000000e+00 : f32
    %jit3A_3439 = arith.constant -1.000000e+00 : f32
    %broadcast_in_dim3A_3440 = vector.broadcast %jit3A_3438 : f32 to vector<64x1024xf32>
    %broadcast_in_dim3A_3441 = vector.broadcast %jit3A_3439 : f32 to vector<64x1024xf32>
    %select_n3A_3442 = arith.select %gt3A_3437, %broadcast_in_dim3A_3440, %broadcast_in_dim3A_3441 : vector<64x1024xi1>, vector<64x1024xf32>
    %slice3A_3443 = vector.extract_strided_slice %get3A_1 {offsets = [0, 50], sizes = [64, 1], strides = [1, 1]} : vector<64x64xf32> to vector<64x1xf32>
    %dot_general3A_3444 = arith.constant dense<0.000000e+00> : vector<1x1024xf32>
    %dot_general3A_3445 = tpu.matmul %slice3A_3443, %select_n3A_3442, %dot_general3A_3444 {dimension_numbers = #tpu.dot_dimension_numbers<[0], [0], [1], [1], [0, 1, 1, 1], [], []>, transpose_lhs_hint = false} : vector<64x1xf32>, vector<64x1024xf32>, vector<1x1024xf32> -> vector<1x1024xf32>
    %gt3A_3446 = arith.constant 5.150000e+01 : f32
    %gt3A_3447 = vector.broadcast %gt3A_3446 : f32 to vector<64x1024xf32>
    %gt3A_3448 = arith.cmpf ogt, %transpose3A_2884, %gt3A_3447 : vector<64x1024xf32>
    %jit3A_3449 = arith.constant 1.000000e+00 : f32
    %jit3A_3450 = arith.constant -1.000000e+00 : f32
    %broadcast_in_dim3A_3451 = vector.broadcast %jit3A_3449 : f32 to vector<64x1024xf32>
    %broadcast_in_dim3A_3452 = vector.broadcast %jit3A_3450 : f32 to vector<64x1024xf32>
    %select_n3A_3453 = arith.select %gt3A_3448, %broadcast_in_dim3A_3451, %broadcast_in_dim3A_3452 : vector<64x1024xi1>, vector<64x1024xf32>
    %slice3A_3454 = vector.extract_strided_slice %get3A_1 {offsets = [0, 51], sizes = [64, 1], strides = [1, 1]} : vector<64x64xf32> to vector<64x1xf32>
    %dot_general3A_3455 = arith.constant dense<0.000000e+00> : vector<1x1024xf32>
    %dot_general3A_3456 = tpu.matmul %slice3A_3454, %select_n3A_3453, %dot_general3A_3455 {dimension_numbers = #tpu.dot_dimension_numbers<[0], [0], [1], [1], [0, 1, 1, 1], [], []>, transpose_lhs_hint = false} : vector<64x1xf32>, vector<64x1024xf32>, vector<1x1024xf32> -> vector<1x1024xf32>
    %gt3A_3457 = arith.constant 5.250000e+01 : f32
    %gt3A_3458 = vector.broadcast %gt3A_3457 : f32 to vector<64x1024xf32>
    %gt3A_3459 = arith.cmpf ogt, %transpose3A_2884, %gt3A_3458 : vector<64x1024xf32>
    %jit3A_3460 = arith.constant 1.000000e+00 : f32
    %jit3A_3461 = arith.constant -1.000000e+00 : f32
    %broadcast_in_dim3A_3462 = vector.broadcast %jit3A_3460 : f32 to vector<64x1024xf32>
    %broadcast_in_dim3A_3463 = vector.broadcast %jit3A_3461 : f32 to vector<64x1024xf32>
    %select_n3A_3464 = arith.select %gt3A_3459, %broadcast_in_dim3A_3462, %broadcast_in_dim3A_3463 : vector<64x1024xi1>, vector<64x1024xf32>
    %slice3A_3465 = vector.extract_strided_slice %get3A_1 {offsets = [0, 52], sizes = [64, 1], strides = [1, 1]} : vector<64x64xf32> to vector<64x1xf32>
    %dot_general3A_3466 = arith.constant dense<0.000000e+00> : vector<1x1024xf32>
    %dot_general3A_3467 = tpu.matmul %slice3A_3465, %select_n3A_3464, %dot_general3A_3466 {dimension_numbers = #tpu.dot_dimension_numbers<[0], [0], [1], [1], [0, 1, 1, 1], [], []>, transpose_lhs_hint = false} : vector<64x1xf32>, vector<64x1024xf32>, vector<1x1024xf32> -> vector<1x1024xf32>
    %gt3A_3468 = arith.constant 5.350000e+01 : f32
    %gt3A_3469 = vector.broadcast %gt3A_3468 : f32 to vector<64x1024xf32>
    %gt3A_3470 = arith.cmpf ogt, %transpose3A_2884, %gt3A_3469 : vector<64x1024xf32>
    %jit3A_3471 = arith.constant 1.000000e+00 : f32
    %jit3A_3472 = arith.constant -1.000000e+00 : f32
    %broadcast_in_dim3A_3473 = vector.broadcast %jit3A_3471 : f32 to vector<64x1024xf32>
    %broadcast_in_dim3A_3474 = vector.broadcast %jit3A_3472 : f32 to vector<64x1024xf32>
    %select_n3A_3475 = arith.select %gt3A_3470, %broadcast_in_dim3A_3473, %broadcast_in_dim3A_3474 : vector<64x1024xi1>, vector<64x1024xf32>
    %slice3A_3476 = vector.extract_strided_slice %get3A_1 {offsets = [0, 53], sizes = [64, 1], strides = [1, 1]} : vector<64x64xf32> to vector<64x1xf32>
    %dot_general3A_3477 = arith.constant dense<0.000000e+00> : vector<1x1024xf32>
    %dot_general3A_3478 = tpu.matmul %slice3A_3476, %select_n3A_3475, %dot_general3A_3477 {dimension_numbers = #tpu.dot_dimension_numbers<[0], [0], [1], [1], [0, 1, 1, 1], [], []>, transpose_lhs_hint = false} : vector<64x1xf32>, vector<64x1024xf32>, vector<1x1024xf32> -> vector<1x1024xf32>
    %gt3A_3479 = arith.constant 5.450000e+01 : f32
    %gt3A_3480 = vector.broadcast %gt3A_3479 : f32 to vector<64x1024xf32>
    %gt3A_3481 = arith.cmpf ogt, %transpose3A_2884, %gt3A_3480 : vector<64x1024xf32>
    %jit3A_3482 = arith.constant 1.000000e+00 : f32
    %jit3A_3483 = arith.constant -1.000000e+00 : f32
    %broadcast_in_dim3A_3484 = vector.broadcast %jit3A_3482 : f32 to vector<64x1024xf32>
    %broadcast_in_dim3A_3485 = vector.broadcast %jit3A_3483 : f32 to vector<64x1024xf32>
    %select_n3A_3486 = arith.select %gt3A_3481, %broadcast_in_dim3A_3484, %broadcast_in_dim3A_3485 : vector<64x1024xi1>, vector<64x1024xf32>
    %slice3A_3487 = vector.extract_strided_slice %get3A_1 {offsets = [0, 54], sizes = [64, 1], strides = [1, 1]} : vector<64x64xf32> to vector<64x1xf32>
    %dot_general3A_3488 = arith.constant dense<0.000000e+00> : vector<1x1024xf32>
    %dot_general3A_3489 = tpu.matmul %slice3A_3487, %select_n3A_3486, %dot_general3A_3488 {dimension_numbers = #tpu.dot_dimension_numbers<[0], [0], [1], [1], [0, 1, 1, 1], [], []>, transpose_lhs_hint = false} : vector<64x1xf32>, vector<64x1024xf32>, vector<1x1024xf32> -> vector<1x1024xf32>
    %gt3A_3490 = arith.constant 5.550000e+01 : f32
    %gt3A_3491 = vector.broadcast %gt3A_3490 : f32 to vector<64x1024xf32>
    %gt3A_3492 = arith.cmpf ogt, %transpose3A_2884, %gt3A_3491 : vector<64x1024xf32>
    %jit3A_3493 = arith.constant 1.000000e+00 : f32
    %jit3A_3494 = arith.constant -1.000000e+00 : f32
    %broadcast_in_dim3A_3495 = vector.broadcast %jit3A_3493 : f32 to vector<64x1024xf32>
    %broadcast_in_dim3A_3496 = vector.broadcast %jit3A_3494 : f32 to vector<64x1024xf32>
    %select_n3A_3497 = arith.select %gt3A_3492, %broadcast_in_dim3A_3495, %broadcast_in_dim3A_3496 : vector<64x1024xi1>, vector<64x1024xf32>
    %slice3A_3498 = vector.extract_strided_slice %get3A_1 {offsets = [0, 55], sizes = [64, 1], strides = [1, 1]} : vector<64x64xf32> to vector<64x1xf32>
    %dot_general3A_3499 = arith.constant dense<0.000000e+00> : vector<1x1024xf32>
    %dot_general3A_3500 = tpu.matmul %slice3A_3498, %select_n3A_3497, %dot_general3A_3499 {dimension_numbers = #tpu.dot_dimension_numbers<[0], [0], [1], [1], [0, 1, 1, 1], [], []>, transpose_lhs_hint = false} : vector<64x1xf32>, vector<64x1024xf32>, vector<1x1024xf32> -> vector<1x1024xf32>
    %gt3A_3501 = arith.constant 5.650000e+01 : f32
    %gt3A_3502 = vector.broadcast %gt3A_3501 : f32 to vector<64x1024xf32>
    %gt3A_3503 = arith.cmpf ogt, %transpose3A_2884, %gt3A_3502 : vector<64x1024xf32>
    %jit3A_3504 = arith.constant 1.000000e+00 : f32
    %jit3A_3505 = arith.constant -1.000000e+00 : f32
    %broadcast_in_dim3A_3506 = vector.broadcast %jit3A_3504 : f32 to vector<64x1024xf32>
    %broadcast_in_dim3A_3507 = vector.broadcast %jit3A_3505 : f32 to vector<64x1024xf32>
    %select_n3A_3508 = arith.select %gt3A_3503, %broadcast_in_dim3A_3506, %broadcast_in_dim3A_3507 : vector<64x1024xi1>, vector<64x1024xf32>
    %slice3A_3509 = vector.extract_strided_slice %get3A_1 {offsets = [0, 56], sizes = [64, 1], strides = [1, 1]} : vector<64x64xf32> to vector<64x1xf32>
    %dot_general3A_3510 = arith.constant dense<0.000000e+00> : vector<1x1024xf32>
    %dot_general3A_3511 = tpu.matmul %slice3A_3509, %select_n3A_3508, %dot_general3A_3510 {dimension_numbers = #tpu.dot_dimension_numbers<[0], [0], [1], [1], [0, 1, 1, 1], [], []>, transpose_lhs_hint = false} : vector<64x1xf32>, vector<64x1024xf32>, vector<1x1024xf32> -> vector<1x1024xf32>
    %gt3A_3512 = arith.constant 5.750000e+01 : f32
    %gt3A_3513 = vector.broadcast %gt3A_3512 : f32 to vector<64x1024xf32>
    %gt3A_3514 = arith.cmpf ogt, %transpose3A_2884, %gt3A_3513 : vector<64x1024xf32>
    %jit3A_3515 = arith.constant 1.000000e+00 : f32
    %jit3A_3516 = arith.constant -1.000000e+00 : f32
    %broadcast_in_dim3A_3517 = vector.broadcast %jit3A_3515 : f32 to vector<64x1024xf32>
    %broadcast_in_dim3A_3518 = vector.broadcast %jit3A_3516 : f32 to vector<64x1024xf32>
    %select_n3A_3519 = arith.select %gt3A_3514, %broadcast_in_dim3A_3517, %broadcast_in_dim3A_3518 : vector<64x1024xi1>, vector<64x1024xf32>
    %slice3A_3520 = vector.extract_strided_slice %get3A_1 {offsets = [0, 57], sizes = [64, 1], strides = [1, 1]} : vector<64x64xf32> to vector<64x1xf32>
    %dot_general3A_3521 = arith.constant dense<0.000000e+00> : vector<1x1024xf32>
    %dot_general3A_3522 = tpu.matmul %slice3A_3520, %select_n3A_3519, %dot_general3A_3521 {dimension_numbers = #tpu.dot_dimension_numbers<[0], [0], [1], [1], [0, 1, 1, 1], [], []>, transpose_lhs_hint = false} : vector<64x1xf32>, vector<64x1024xf32>, vector<1x1024xf32> -> vector<1x1024xf32>
    %gt3A_3523 = arith.constant 5.850000e+01 : f32
    %gt3A_3524 = vector.broadcast %gt3A_3523 : f32 to vector<64x1024xf32>
    %gt3A_3525 = arith.cmpf ogt, %transpose3A_2884, %gt3A_3524 : vector<64x1024xf32>
    %jit3A_3526 = arith.constant 1.000000e+00 : f32
    %jit3A_3527 = arith.constant -1.000000e+00 : f32
    %broadcast_in_dim3A_3528 = vector.broadcast %jit3A_3526 : f32 to vector<64x1024xf32>
    %broadcast_in_dim3A_3529 = vector.broadcast %jit3A_3527 : f32 to vector<64x1024xf32>
    %select_n3A_3530 = arith.select %gt3A_3525, %broadcast_in_dim3A_3528, %broadcast_in_dim3A_3529 : vector<64x1024xi1>, vector<64x1024xf32>
    %slice3A_3531 = vector.extract_strided_slice %get3A_1 {offsets = [0, 58], sizes = [64, 1], strides = [1, 1]} : vector<64x64xf32> to vector<64x1xf32>
    %dot_general3A_3532 = arith.constant dense<0.000000e+00> : vector<1x1024xf32>
    %dot_general3A_3533 = tpu.matmul %slice3A_3531, %select_n3A_3530, %dot_general3A_3532 {dimension_numbers = #tpu.dot_dimension_numbers<[0], [0], [1], [1], [0, 1, 1, 1], [], []>, transpose_lhs_hint = false} : vector<64x1xf32>, vector<64x1024xf32>, vector<1x1024xf32> -> vector<1x1024xf32>
    %gt3A_3534 = arith.constant 5.950000e+01 : f32
    %gt3A_3535 = vector.broadcast %gt3A_3534 : f32 to vector<64x1024xf32>
    %gt3A_3536 = arith.cmpf ogt, %transpose3A_2884, %gt3A_3535 : vector<64x1024xf32>
    %jit3A_3537 = arith.constant 1.000000e+00 : f32
    %jit3A_3538 = arith.constant -1.000000e+00 : f32
    %broadcast_in_dim3A_3539 = vector.broadcast %jit3A_3537 : f32 to vector<64x1024xf32>
    %broadcast_in_dim3A_3540 = vector.broadcast %jit3A_3538 : f32 to vector<64x1024xf32>
    %select_n3A_3541 = arith.select %gt3A_3536, %broadcast_in_dim3A_3539, %broadcast_in_dim3A_3540 : vector<64x1024xi1>, vector<64x1024xf32>
    %slice3A_3542 = vector.extract_strided_slice %get3A_1 {offsets = [0, 59], sizes = [64, 1], strides = [1, 1]} : vector<64x64xf32> to vector<64x1xf32>
    %dot_general3A_3543 = arith.constant dense<0.000000e+00> : vector<1x1024xf32>
    %dot_general3A_3544 = tpu.matmul %slice3A_3542, %select_n3A_3541, %dot_general3A_3543 {dimension_numbers = #tpu.dot_dimension_numbers<[0], [0], [1], [1], [0, 1, 1, 1], [], []>, transpose_lhs_hint = false} : vector<64x1xf32>, vector<64x1024xf32>, vector<1x1024xf32> -> vector<1x1024xf32>
    %gt3A_3545 = arith.constant 6.050000e+01 : f32
    %gt3A_3546 = vector.broadcast %gt3A_3545 : f32 to vector<64x1024xf32>
    %gt3A_3547 = arith.cmpf ogt, %transpose3A_2884, %gt3A_3546 : vector<64x1024xf32>
    %jit3A_3548 = arith.constant 1.000000e+00 : f32
    %jit3A_3549 = arith.constant -1.000000e+00 : f32
    %broadcast_in_dim3A_3550 = vector.broadcast %jit3A_3548 : f32 to vector<64x1024xf32>
    %broadcast_in_dim3A_3551 = vector.broadcast %jit3A_3549 : f32 to vector<64x1024xf32>
    %select_n3A_3552 = arith.select %gt3A_3547, %broadcast_in_dim3A_3550, %broadcast_in_dim3A_3551 : vector<64x1024xi1>, vector<64x1024xf32>
    %slice3A_3553 = vector.extract_strided_slice %get3A_1 {offsets = [0, 60], sizes = [64, 1], strides = [1, 1]} : vector<64x64xf32> to vector<64x1xf32>
    %dot_general3A_3554 = arith.constant dense<0.000000e+00> : vector<1x1024xf32>
    %dot_general3A_3555 = tpu.matmul %slice3A_3553, %select_n3A_3552, %dot_general3A_3554 {dimension_numbers = #tpu.dot_dimension_numbers<[0], [0], [1], [1], [0, 1, 1, 1], [], []>, transpose_lhs_hint = false} : vector<64x1xf32>, vector<64x1024xf32>, vector<1x1024xf32> -> vector<1x1024xf32>
    %gt3A_3556 = arith.constant 6.150000e+01 : f32
    %gt3A_3557 = vector.broadcast %gt3A_3556 : f32 to vector<64x1024xf32>
    %gt3A_3558 = arith.cmpf ogt, %transpose3A_2884, %gt3A_3557 : vector<64x1024xf32>
    %jit3A_3559 = arith.constant 1.000000e+00 : f32
    %jit3A_3560 = arith.constant -1.000000e+00 : f32
    %broadcast_in_dim3A_3561 = vector.broadcast %jit3A_3559 : f32 to vector<64x1024xf32>
    %broadcast_in_dim3A_3562 = vector.broadcast %jit3A_3560 : f32 to vector<64x1024xf32>
    %select_n3A_3563 = arith.select %gt3A_3558, %broadcast_in_dim3A_3561, %broadcast_in_dim3A_3562 : vector<64x1024xi1>, vector<64x1024xf32>
    %slice3A_3564 = vector.extract_strided_slice %get3A_1 {offsets = [0, 61], sizes = [64, 1], strides = [1, 1]} : vector<64x64xf32> to vector<64x1xf32>
    %dot_general3A_3565 = arith.constant dense<0.000000e+00> : vector<1x1024xf32>
    %dot_general3A_3566 = tpu.matmul %slice3A_3564, %select_n3A_3563, %dot_general3A_3565 {dimension_numbers = #tpu.dot_dimension_numbers<[0], [0], [1], [1], [0, 1, 1, 1], [], []>, transpose_lhs_hint = false} : vector<64x1xf32>, vector<64x1024xf32>, vector<1x1024xf32> -> vector<1x1024xf32>
    %gt3A_3567 = arith.constant 6.250000e+01 : f32
    %gt3A_3568 = vector.broadcast %gt3A_3567 : f32 to vector<64x1024xf32>
    %gt3A_3569 = arith.cmpf ogt, %transpose3A_2884, %gt3A_3568 : vector<64x1024xf32>
    %jit3A_3570 = arith.constant 1.000000e+00 : f32
    %jit3A_3571 = arith.constant -1.000000e+00 : f32
    %broadcast_in_dim3A_3572 = vector.broadcast %jit3A_3570 : f32 to vector<64x1024xf32>
    %broadcast_in_dim3A_3573 = vector.broadcast %jit3A_3571 : f32 to vector<64x1024xf32>
    %select_n3A_3574 = arith.select %gt3A_3569, %broadcast_in_dim3A_3572, %broadcast_in_dim3A_3573 : vector<64x1024xi1>, vector<64x1024xf32>
    %slice3A_3575 = vector.extract_strided_slice %get3A_1 {offsets = [0, 62], sizes = [64, 1], strides = [1, 1]} : vector<64x64xf32> to vector<64x1xf32>
    %dot_general3A_3576 = arith.constant dense<0.000000e+00> : vector<1x1024xf32>
    %dot_general3A_3577 = tpu.matmul %slice3A_3575, %select_n3A_3574, %dot_general3A_3576 {dimension_numbers = #tpu.dot_dimension_numbers<[0], [0], [1], [1], [0, 1, 1, 1], [], []>, transpose_lhs_hint = false} : vector<64x1xf32>, vector<64x1024xf32>, vector<1x1024xf32> -> vector<1x1024xf32>
    %gt3A_3578 = arith.constant 6.350000e+01 : f32
    %gt3A_3579 = vector.broadcast %gt3A_3578 : f32 to vector<64x1024xf32>
    %gt3A_3580 = arith.cmpf ogt, %transpose3A_2884, %gt3A_3579 : vector<64x1024xf32>
    %jit3A_3581 = arith.constant 1.000000e+00 : f32
    %jit3A_3582 = arith.constant -1.000000e+00 : f32
    %broadcast_in_dim3A_3583 = vector.broadcast %jit3A_3581 : f32 to vector<64x1024xf32>
    %broadcast_in_dim3A_3584 = vector.broadcast %jit3A_3582 : f32 to vector<64x1024xf32>
    %select_n3A_3585 = arith.select %gt3A_3580, %broadcast_in_dim3A_3583, %broadcast_in_dim3A_3584 : vector<64x1024xi1>, vector<64x1024xf32>
    %slice3A_3586 = vector.extract_strided_slice %get3A_1 {offsets = [0, 63], sizes = [64, 1], strides = [1, 1]} : vector<64x64xf32> to vector<64x1xf32>
    %dot_general3A_3587 = arith.constant dense<0.000000e+00> : vector<1x1024xf32>
    %dot_general3A_3588 = tpu.matmul %slice3A_3586, %select_n3A_3585, %dot_general3A_3587 {dimension_numbers = #tpu.dot_dimension_numbers<[0], [0], [1], [1], [0, 1, 1, 1], [], []>, transpose_lhs_hint = false} : vector<64x1xf32>, vector<64x1024xf32>, vector<1x1024xf32> -> vector<1x1024xf32>
    %concatenate3A_3589 = tpu.concatenate %dot_general3A_2895, %dot_general3A_2906, %dot_general3A_2917, %dot_general3A_2928, %dot_general3A_2939, %dot_general3A_2950, %dot_general3A_2961, %dot_general3A_2972, %dot_general3A_2983, %dot_general3A_2994, %dot_general3A_3005, %dot_general3A_3016, %dot_general3A_3027, %dot_general3A_3038, %dot_general3A_3049, %dot_general3A_3060, %dot_general3A_3071, %dot_general3A_3082, %dot_general3A_3093, %dot_general3A_3104, %dot_general3A_3115, %dot_general3A_3126, %dot_general3A_3137, %dot_general3A_3148, %dot_general3A_3159, %dot_general3A_3170, %dot_general3A_3181, %dot_general3A_3192, %dot_general3A_3203, %dot_general3A_3214, %dot_general3A_3225, %dot_general3A_3236, %dot_general3A_3247, %dot_general3A_3258, %dot_general3A_3269, %dot_general3A_3280, %dot_general3A_3291, %dot_general3A_3302, %dot_general3A_3313, %dot_general3A_3324, %dot_general3A_3335, %dot_general3A_3346, %dot_general3A_3357, %dot_general3A_3368, %dot_general3A_3379, %dot_general3A_3390, %dot_general3A_3401, %dot_general3A_3412, %dot_general3A_3423, %dot_general3A_3434, %dot_general3A_3445, %dot_general3A_3456, %dot_general3A_3467, %dot_general3A_3478, %dot_general3A_3489, %dot_general3A_3500, %dot_general3A_3511, %dot_general3A_3522, %dot_general3A_3533, %dot_general3A_3544, %dot_general3A_3555, %dot_general3A_3566, %dot_general3A_3577, %dot_general3A_3588 in 0 : vector<1x1024xf32>, vector<1x1024xf32>, vector<1x1024xf32>, vector<1x1024xf32>, vector<1x1024xf32>, vector<1x1024xf32>, vector<1x1024xf32>, vector<1x1024xf32>, vector<1x1024xf32>, vector<1x1024xf32>, vector<1x1024xf32>, vector<1x1024xf32>, vector<1x1024xf32>, vector<1x1024xf32>, vector<1x1024xf32>, vector<1x1024xf32>, vector<1x1024xf32>, vector<1x1024xf32>, vector<1x1024xf32>, vector<1x1024xf32>, vector<1x1024xf32>, vector<1x1024xf32>, vector<1x1024xf32>, vector<1x1024xf32>, vector<1x1024xf32>, vector<1x1024xf32>, vector<1x1024xf32>, vector<1x1024xf32>, vector<1x1024xf32>, vector<1x1024xf32>, vector<1x1024xf32>, vector<1x1024xf32>, vector<1x1024xf32>, vector<1x1024xf32>, vector<1x1024xf32>, vector<1x1024xf32>, vector<1x1024xf32>, vector<1x1024xf32>, vector<1x1024xf32>, vector<1x1024xf32>, vector<1x1024xf32>, vector<1x1024xf32>, vector<1x1024xf32>, vector<1x1024xf32>, vector<1x1024xf32>, vector<1x1024xf32>, vector<1x1024xf32>, vector<1x1024xf32>, vector<1x1024xf32>, vector<1x1024xf32>, vector<1x1024xf32>, vector<1x1024xf32>, vector<1x1024xf32>, vector<1x1024xf32>, vector<1x1024xf32>, vector<1x1024xf32>, vector<1x1024xf32>, vector<1x1024xf32>, vector<1x1024xf32>, vector<1x1024xf32>, vector<1x1024xf32>, vector<1x1024xf32>, vector<1x1024xf32>, vector<1x1024xf32> -> vector<64x1024xf32>
    %swap3A_3590 = arith.constant 4 : index
    %swap3A_3591 = arith.constant 0 : index
    %swap3A_3592 = arith.constant 0 : index
    %swap3A_3593 = vector.load %arg3[%swap3A_3590, %swap3A_3591, %swap3A_3592] : memref<5x64x1024xf32, #tpu.memory_space<vmem>>, vector<1x64x1024xf32>
    %swap3A_3594 = vector.shape_cast %swap3A_3593 : vector<1x64x1024xf32> to vector<64x1024xf32>
    %swap3A_3595 = vector.shape_cast %concatenate3A_3589 : vector<64x1024xf32> to vector<1x64x1024xf32>
    tpu.vector_store %arg3[%swap3A_3590, %swap3A_3591, %swap3A_3592], %swap3A_3595 {strides = array<i32>} : memref<5x64x1024xf32, #tpu.memory_space<vmem>>, vector<1x64x1024xf32>,
    return
  }
  func.func @transform_0(%arg0: i32) -> (i32, i32) {
    %c0_i32 = arith.constant 0 : i32
    %c0_i32_0 = arith.constant 0 : i32
    return %arg0, %c0_i32 : i32, i32
  }
  func.func @transform_1(%arg0: i32) -> (i32, i32) {
    %c0_i32 = arith.constant 0 : i32
    %c0_i32_0 = arith.constant 0 : i32
    %c0_i32_1 = arith.constant 0 : i32
    return %c0_i32, %c0_i32_0 : i32, i32
  }
  func.func @transform_2(%arg0: i32) -> (i32, i32, i32) {
    %c0_i32 = arith.constant 0 : i32
    %c0_i32_0 = arith.constant 0 : i32
    %c0_i32_1 = arith.constant 0 : i32
    return %arg0, %c0_i32, %c0_i32_0 : i32, i32, i32
  }
}

</mosaic_0001>

<sc_bundles>
// kernel: kernel.4.cloned.1.call-start
scs
__scs_entry_jumppad:
0x0: {  	(pc) =	sbr.rel $0x88, $3  }
0x1: {  	(tag) =	ssettag $0x0;
	lr =	simm.s32 $0x1  }
0x2: {  	[smem:$0x3F9E] =	sst lr;
	_ =	strace $0xD0000000  }
0x3: {  	_ = 	snop  }
0x4: {  	_ = 	snop  }
0x5: {  	_ = 	snop  }
0x6: {  	_ = 	snop  }
0x7: {  	_ = 	snop  }
__scs_overlays_trampoline_lowered:
0x8: {  	[smem:$0x3FAD] =	sst s0  }
0x9: {  	[smem:$0x3FAE] =	sst s1  }
0xa: {  	[smem:$0x3FAF] =	sst s2  }
0xb: {  	[smem:$0x3FB0] =	sst s3  }
0xc: {  	[smem:$0x3FB1] =	sst s4  }
0xd: {  	[smem:$0x3FB2] =	sst s5  }
0xe: {  	[smem:$0x3FB3] =	sst s6  }
0xf: {  	[smem:$0x3FB4] =	sst s7  }
0x10: {  	[smem:$0x3FB5] =	sst s8  }
0x11: {  	[smem:$0x3FB6] =	sst s9;
	s0 =	simm.s32 @!p0 $0x0  }
0x12: {  	s1 =	sld [smem:$0x3F9C];
	s0 =	simm.s32 @p0 $0x1  }
0x13: {  	[smem:$0x3FB7] =	sst s0;
	s0 =	simm.s32 @!p1 $0x0  }
0x14: {  	s2 =	sld [smem:$0x3F9B];
	s0 =	simm.s32 @p1 $0x1  }
0x15: {  	[smem:$0x3FB8] =	sst s0;
	s0 =	simm.s32 @!p2 $0x0  }
0x16: {  	s3 =	sld [smem:$0x3FDB];
	s0 =	simm.s32 @p2 $0x1  }
0x17: {  	s4 =	simm.s32 $0x1BF5;
	[smem:$0x3FBA] =	sst s0  }
0x18: {  	s0 =	sld [smem:$0x3F9D];
	_ =	swait.ge [sflag:s4], $0x0  }
0x19: {  	s7 =	sld [smem:$0x3F9E]  }
0x1a: {  	s8 =	sadd.s32 $0xFFFFE003, lr  }
0x1b: {  	s9 =	sadd.s32 $0xFFFFFEF7, lr;
	s5 =	simm.s32 $0xFFFFFFFF;
	p2 =	slt.u32 s8, $0xFFFFF086  }
0x1c: {  	p1 =	slt.u32 s9, $0xF7A;
	s5 =	simm.s32 @!p2 $0x0  }
0x1d: {  	s5 =	simm.s32 @p1 $0x1;
	p0 =	seq.s32 s7, s2  }
0x1e: {  	s7 =	smul.u32 @!p0 $0xF7A, s2;
	p2 =	seq.s32 @!p0 s5, $0x0  }
0x1f: {  	s9 =	smul.u32 $0xF7A, s1;
	s8 =	simm.s32 @!p0 $0x1BF5;
	p2 =	por !p2, p0  }
0x20: {  	[sflag:s8] =	ssyncset.s32 @!p0 $0xFFFFF086;
	s6 =	sadd.s32 @!p0 s3, s7;
	s7 =	simm.s32 @!p0 $0x108  }
0x21: {  	s3 =	sadd.s32 s3, s9;
	s6 =	sadd.s32 @!p0 $0x88, s6;
	s7 =	simm.s32 @p2 $0x1082  }
0x22: {  	[simem:s7], [sflag:s8] =	dma.local @!p0 [hbm:s6], $0xF7A  }
0x23: {  	s9 =	sor.u32 $0xD0000000, s2;
	s6 =	simm.s32 $0x108;
	_ =	swait.ge @!p0 [sflag:s8], $0x0  }
0x24: {  	s3 =	sadd.s32 $0x88, s3;
	s6 =	simm.s32 @!p1 $0x1082;
	[sflag:s4] =	ssyncset.s32 $0xFFFFF086  }
0x25: {  	[simem:s6], [sflag:s4] =	dma.local [hbm:s3], $0xF7A  }
0x26: {  	[smem:$0x3F9E] =	sst s1;
	(tag) =	ssettag s2;
	_ =	strace s9  }
0x27: {  	s1 =	sld [smem:$0x3FAE]  }
0x28: {  	s2 =	sld [smem:$0x3FAF]  }
0x29: {  	s4 =	sld [smem:$0x3FB1]  }
0x2a: {  	p0 =	seq.s32 s5, $0x0;
	s5 =	sld [smem:$0x3FB2]  }
0x2b: {  	s6 =	sld [smem:$0x3FB3]  }
0x2c: {  	s7 =	sld [smem:$0x3FB4]  }
0x2d: {  	s3 =	simm.s32 $0x108;
	s8 =	sld [smem:$0x3FB5]  }
0x2e: {  	s3 =	simm.s32 @!p0 $0x1082;
	s9 =	sld [smem:$0x3FB6]  }
0x2f: {  	lr =	sadd.s32 s0, s3;
	s0 =	sld [smem:$0x3FAD]  }
0x30: {  	s3 =	sld [smem:$0x3FB0]  }
0x31: {  	[smem:$0x3FB9] =	sst s10  }
0x32: {  	s10 =	sld [smem:$0x3FB7];
	_ =	sdelay $0x3  }
0x33: {  	p0 =	seq.s32 s10, $0x1;
	s10 =	sld [smem:$0x3FB9];
	_ =	sdelay $0x3  }
0x34: {  	[smem:$0x3FB9] =	sst s10  }
0x35: {  	s10 =	sld [smem:$0x3FB8];
	_ =	sdelay $0x3  }
0x36: {  	p1 =	seq.s32 s10, $0x1;
	s10 =	sld [smem:$0x3FB9];
	_ =	sdelay $0x3  }
0x37: {  	[smem:$0x3FB9] =	sst s10  }
0x38: {  	s10 =	sld [smem:$0x3FBA]  }
0x39: {  	_ = 	snop;
	(pc) =	sbr.ind lr, $3  }
0x3a: {  	_ = 	snop  }
0x3b: {  	_ = 	snop  }
0x3c: {  	p2 =	seq.s32 s10, $0x1;
	s10 =	sld [smem:$0x3FB9]  }
0x3d: {  	_ =	shalt  }
0x3e: {  	_ =	shalt  }
0x3f: {  	_ =	shalt  }
0x40: {  	_ =	shalt  }
0x41: {  	_ =	shalt  }
0x42: {  	_ =	shalt  }
0x43: {  	_ =	shalt  }
0x44: {  	_ =	shalt  }
0x45: {  	_ =	shalt  }
0x46: {  	_ =	shalt  }
0x47: {  	_ =	shalt  }
0x48: {  	_ =	shalt  }
0x49: {  	_ =	shalt  }
0x4a: {  	_ =	shalt  }
0x4b: {  	_ =	shalt  }
0x4c: {  	_ =	shalt  }
0x4d: {  	_ =	shalt  }
0x4e: {  	_ =	shalt  }
0x4f: {  	_ =	shalt  }
0x50: {  	_ =	shalt  }
0x51: {  	_ =	shalt  }
0x52: {  	_ =	shalt  }
0x53: {  	_ =	shalt  }
0x54: {  	_ =	shalt  }
0x55: {  	_ =	shalt  }
0x56: {  	_ =	shalt  }
0x57: {  	_ =	shalt  }
0x58: {  	_ =	shalt  }
0x59: {  	_ =	shalt  }
0x5a: {  	_ =	shalt  }
0x5b: {  	_ =	shalt  }
0x5c: {  	_ =	shalt  }
0x5d: {  	_ =	shalt  }
0x5e: {  	_ =	shalt  }
0x5f: {  	_ =	shalt  }
0x60: {  	_ =	shalt  }
0x61: {  	_ =	shalt  }
0x62: {  	_ =	shalt  }
0x63: {  	_ =	shalt  }
0x64: {  	_ =	shalt  }
0x65: {  	_ =	shalt  }
0x66: {  	_ =	shalt  }
0x67: {  	_ =	shalt  }
0x68: {  	_ =	shalt  }
0x69: {  	_ =	shalt  }
0x6a: {  	_ =	shalt  }
0x6b: {  	_ =	shalt  }
0x6c: {  	_ =	shalt  }
0x6d: {  	_ =	shalt  }
0x6e: {  	_ =	shalt  }
0x6f: {  	_ =	shalt  }
0x70: {  	_ =	shalt  }
0x71: {  	_ =	shalt  }
0x72: {  	_ =	shalt  }
0x73: {  	_ =	shalt  }
0x74: {  	_ =	shalt  }
0x75: {  	_ =	shalt  }
0x76: {  	_ =	shalt  }
0x77: {  	_ =	shalt  }
0x78: {  	_ =	shalt  }
0x79: {  	_ =	shalt  }
0x7a: {  	_ =	shalt  }
0x7b: {  	_ =	shalt  }
0x7c: {  	_ =	shalt  }
0x7d: {  	_ =	shalt  }
0x7e: {  	_ =	shalt  }
0x7f: {  	_ =	shalt  }
0x80: {  	_ =	shalt  }
0x81: {  	_ =	shalt  }
0x82: {  	_ =	shalt  }
0x83: {  	_ =	shalt  }
0x84: {  	_ =	shalt  }
0x85: {  	_ =	shalt  }
0x86: {  	_ =	shalt  }
0x87: {  	_ =	shalt  }
.Lfunc_end0:
.L_simem_size_0:
called_computation_lowered:
.L_overlay_start_0:
0x88: {  	s2 =	sld [smem:$0x3FD9]  }
0x89: {  	s3 =	sld [smem:$0x3FFE];
	_ =	sdelay $0x1  }
0x8a: {  	s1 =	srdreg.scid  }
0x8b: {  	s0 =	sand.u32 $0x1, s1  }
0x8c: {  	s17 =	sshll.u32 s0, $0xA;
	s2 =	sadd.s32 s3, s2  }
0x8d: {  	s2 =	sadd.s32 s2, s17  }
0x8e: {  	[smem:$0x3FC5] =	sst s2  }
0x8f: {  	_ = 	snop  }
0x90: {  	s2 =	sld [smem:$0x3FD0];
	(tm) =	ssettm $0x1  }
0x91: {  	s18 =	sld [smem:$0x3FFB];
	_ =	sdelay $0x3  }
0x92: {  	_ =	strace s18  }
0x93: {  	s3 =	sld [smem:$0x3FFC];
	_ =	sdelay $0x3  }
0x94: {  	_ =	strace s3  }
0x95: {  	s3 =	sld [smem:$0x3FFD];
	_ =	sdelay $0x3  }
0x96: {  	_ =	strace s3  }
0x97: {  	_ =	strace $0x8FFFFFFF  }
0x98: {  	s19 =	sld [smem:$0x3FDB];
	_ =	sdelay $0x1  }
0x99: {  	s4 =	simm.s32 $_scs_section_size  }
0x9a: {  	s5 =	simm.s32 $_size__tile_overlayer_lowered;
	s6 =	simm.s32 $_tile_overlayer_lowered  }
0x9b: {  	s22 =	simm.s32 $0x1BFF;
	s21 =	sshll.u32 s6, $0x1;
	s3 =	sadd.s32 s4, s19  }
0x9c: {  	s7 =	simm.s32 $0x0;
	s20 =	sshll.u32 s5, $0x1;
	s5 =	sadd.s32 s21, s3  }
0x9d: {  	[timem:s7], [sflag:s22] =	dma.local [hbm:s5], s20  }
0x9e: {  	_ =	swait.ge [sflag:s22], s20  }
0x9f: {  	s4 =	ssub.s32 $0x0, s20;
	[sflag:s22] =	ssyncset.done $0x0  }
0xa0: {  	[sflag:s22] =	ssyncadd.s32 s4;
	_ =	sdelay $0x1  }
0xa1: {  	s23 =	simm.s32 $0x1B8B  }
0xa2: {  	_ =	swait.ge [sflag:s23], $0x1  }
0xa3: {  	[sflag:s23] =	ssyncset.done $0x0  }
0xa4: {  	s25 =	simm.s32 $0x1B8E;
	s24 =	sld [smem:$0x3FFE];
	[sflag:s23] =	ssyncadd.s32 $0xFFFFFFFF  }
0xa5: {  	s26 =	simm.s32 $execute0_lowered;
	[smem:$0x3FD2] =	sst s25  }
0xa6: {  	s5 =	sshll.u32 s26, $0x1;
	_ =	strace $0x80000046;
	[dreg:$0x1] =	wrdreg $0xFFFFFFFF  }
0xa7: {  	s28 =	simm.s32 $_size_execute0_lowered;
	s3 =	sadd.s32 s3, s5;
	[dreg:$0x0] =	wrdreg $0x0  }
0xa8: {  	s5 =	sshll.u32 s28, $0x1;
	[dreg:$0x2] =	wrdreg s3  }
0xa9: {  	[dreg:$0x3] =	wrdreg s5  }
0xaa: {  	[dreg:$0x4] =	wrdreg $0xC0  }
0xab: {  	_ =	task [dreg:s7], $0x5FFFF  }
0xac: {  	[dreg:$0x1] =	wrdreg $0xFFFFFFFF  }
0xad: {  	[dreg:$0x0] =	wrdreg $0x60  }
0xae: {  	[dreg:$0x2] =	wrdreg s24  }
0xaf: {  	[dreg:$0x3] =	wrdreg s2  }
0xb0: {  	[dreg:$0x4] =	wrdreg $0x9  }
0xb1: {  	_ =	task.clear_ibuf [dreg:s7], $0x5FFFF;
	_ =	strace $0x90000046  }
0xb2: {  	s29 =	simm.s32 $0x9;
	_ =	strace $0x80000048  }
0xb3: {  	_ =	swait.ge [sflag:s29], $0x1  }
0xb4: {  	[sflag:s29] =	ssyncadd.s32 $0xFFFFFFFF  }
0xb5: {  	_ =	strace $0x90000048  }
0xb6: {  	_ =	sfence  }
0xb7: {  	s30 =	sld [smem:$0x0];
	_ =	sdelay $0x2  }
0xb8: {  	s31 =	sshll.u32 s1, $0xD;
	s1 =	sshrl.u32 s1, $0x2  }
0xb9: {  	s3 =	sand.u32 $0x4000, s31;
	s1 =	sadd.s32 s1, s30  }
0xba: {  	s0 =	sor.u32 s3, s0;
	s1 =	sshll.u32 s1, $0x11  }
0xbb: {  	s0 =	sor.u32 s1, s0  }
0xbc: {  	s0 =	sadd.s32 $0x8F2B, s0  }
0xbd: {  	[sflag:s0] =	ssyncadd.remote.s32 $0x1  }
0xbe: {  	_ =	sfence.sel $0xFFFF  }
0xbf: {  	[dreg:$0x0] =	wrdreg $0xFFFFFFFF;
	(pc) =	sbr.abs _section_cstart, $3  }
0xc0: {  	[dreg:$0x1] =	wrdreg $0xFFFFFFFF  }
0xc1: {  	_ =	task.clear_ibuf [dreg:s7], $0x2FFFF;
	_ =	strace $0x9FFFFFFF  }
0xc2: {  	(tm) =	ssettm $0x7FFFFFFF  }
0xc3: {  	_ =	shalt  }
tec
execute0_lowered:
.L_overlay_start_1:
0x0: {  	(tag) =	ssettag $0x1  }
0x1: {  	s1 =	srdreg.scid;
	s0 =	stileid.u32  }
0x2: {  	s16 =	rddreg [dreg:$0x0];
	s17 =	sand.u32 $0x1, s1;
	s31 =	sshll.u32 s0, $0x1  }
0x3: {  	s3 =	rddreg [dreg:$0x1];
	s18 =	sor.u32 s17, s31  }
0x4: {  	s2 =	simm.s32 $0x0;
	s1 =	rddreg [dreg:$0x2];
	s4 =	smul.u32 $0x50, s18  }
0x5: {  	[smem:$0x7FF] =	sst s2  }
0x6: {  	_ =	strace $0x80000047;
	s4 =	sadd.s32 s3, s4;
	s3 =	simm.s32 $0x2  }
0x7: {  	[tilespmem:s2], [sflag:$0x2] =	stream.linear.gather [hbm4b:s4+s2], $0x280, $0x38;
	[tilespmem:$0x14280] =	vst v63  }
0x8: {  	_ =	swait.ge [sflag:s3], $0x280  }
0x9: {  	s6 =	simm.s32 $0x80;
	[sflag:s3] =	ssyncset.done $0x0  }
0xa: {  	s7 =	simm.s32 $0x280;
	s5 =	sadd.s32 $0x187400, s16;
	[sflag:s3] =	ssyncadd.s32 $0xFFFFFD80  }
0xb: {  	[tilespmem:s7], [sflag:$0x1] =	stream.indirect.gather [hbm4b:s5+s6], $0x80, s2, s6, $0xb8;
	[tilespmem:$0x14280] =	vst v63  }
0xc: {  	s8 =	simm.s32 $0x4280  }
0xd: {  	[tilespmem:s8], [sflag:$0x1] =	stream.indirect.gather [hbm4b:s5+s6], $0x80, s6, s6, $0xb8;
	[tilespmem:$0x14280] =	vst v63  }
0xe: {  	s9 =	simm.s32 $0x100;
	s10 =	simm.s32 $0x8280  }
0xf: {  	[tilespmem:s10], [sflag:$0x1] =	stream.indirect.gather [hbm4b:s5+s6], $0x80, s9, s6, $0xb8;
	[tilespmem:$0x14280] =	vst v63  }
0x10: {  	s11 =	simm.s32 $0x180;
	s12 =	simm.s32 $0xC280  }
0x11: {  	[tilespmem:s12], [sflag:$0x1] =	stream.indirect.gather [hbm4b:s5+s6], $0x80, s11, s6, $0xb8;
	[tilespmem:$0x14280] =	vst v63  }
0x12: {  	s13 =	simm.s32 $0x200;
	s14 =	simm.s32 $0x10280;
	s15 =	simm.s32 $0x1  }
0x13: {  	[tilespmem:s14], [sflag:$0x1] =	stream.indirect.gather [hbm4b:s5+s6], $0x80, s13, s6, $0xb8;
	[tilespmem:$0x14280] =	vst v63  }
0x14: {  	_ =	swait.ge [sflag:s15], $0x4000  }
0x15: {  	[sflag:s15] =	ssyncset.done $0x0  }
0x16: {  	[sflag:s15] =	ssyncadd.s32 $0xFFFFC000  }
0x17: {  	_ =	swait.ge [sflag:s15], $0x4000  }
0x18: {  	[sflag:s15] =	ssyncset.done $0x0  }
0x19: {  	[sflag:s15] =	ssyncadd.s32 $0xFFFFC000  }
0x1a: {  	_ =	swait.ge [sflag:s15], $0x4000  }
0x1b: {  	[sflag:s15] =	ssyncset.done $0x0  }
0x1c: {  	s17 =	ssub.s32 $0x2, s17;
	[sflag:s15] =	ssyncadd.s32 $0xFFFFC000  }
0x1d: {  	s19 =	sshrl.u32 s17, $0x1;
	_ =	swait.ge [sflag:s15], $0x4000  }
0x1e: {  	s17 =	ssub.s32 s17, s19;
	[sflag:s15] =	ssyncset.done $0x0  }
0x1f: {  	s18 =	smul.u32 $0x2800, s18;
	s17 =	smax.u32 s17, $0x1;
	[sflag:s15] =	ssyncadd.s32 $0xFFFFC000  }
0x20: {  	p0 =	sne.s32 s17, $0x1;
	_ =	swait.ge [sflag:s15], $0x4000  }
.Ltmp0:
0x21: {  	s16 =	sadd.s32 s18, s16;
	[sflag:s15] =	ssyncset.done $0x0;
	(pc) =	sbr.rel @!p0 .LBB2_2-.Ltmp0, $4  }
0x22: {  	s16 =	sadd.s32 $0xA00, s16;
	[sflag:s15] =	ssyncadd.s32 $0xFFFFC000  }
0x23: {  	[hbm4b:s16+s2] =	stream.linear.scatter [tilespmem:s7], [sflag:$0x2], $0x14000, $0x38;
	[tilespmem:$0x14280] =	vst v63  }
0x24: {  	_ =	swait.ge [sflag:s3], $0x14000  }
0x25: {  	s17 =	sadd.s32 $0xFFFFFFFF, s17;
	[sflag:s3] =	ssyncset.done $0x0  }
.LBB2_1:
0x26: {  	p0 =	sne.s32 s17, $0x1;
	s17 =	sadd.s32 $0xFFFFFFFF, s17;
	[sflag:s3] =	ssyncadd.s32 $0xFFFEC000  }
0x27: {  	[tilespmem:s2], [sflag:$0x2] =	stream.linear.gather [hbm4b:s4+s2], $0x280, $0x38;
	[tilespmem:$0x14280] =	vst v63  }
0x28: {  	_ =	swait.ge [sflag:s3], $0x280  }
0x29: {  	[sflag:s3] =	ssyncset.done $0x0  }
0x2a: {  	[sflag:s3] =	ssyncadd.s32 $0xFFFFFD80  }
0x2b: {  	[tilespmem:s7], [sflag:$0x1] =	stream.indirect.gather [hbm4b:s5+s6], $0x80, s2, s6, $0xb8;
	[tilespmem:$0x14280] =	vst v63  }
0x2c: {  	_ = 	snop  }
0x2d: {  	[tilespmem:s8], [sflag:$0x1] =	stream.indirect.gather [hbm4b:s5+s6], $0x80, s6, s6, $0xb8;
	[tilespmem:$0x14280] =	vst v63  }
0x2e: {  	_ = 	snop  }
0x2f: {  	[tilespmem:s10], [sflag:$0x1] =	stream.indirect.gather [hbm4b:s5+s6], $0x80, s9, s6, $0xb8;
	[tilespmem:$0x14280] =	vst v63  }
0x30: {  	_ = 	snop  }
0x31: {  	[tilespmem:s12], [sflag:$0x1] =	stream.indirect.gather [hbm4b:s5+s6], $0x80, s11, s6, $0xb8;
	[tilespmem:$0x14280] =	vst v63  }
0x32: {  	_ = 	snop  }
0x33: {  	[tilespmem:s14], [sflag:$0x1] =	stream.indirect.gather [hbm4b:s5+s6], $0x80, s13, s6, $0xb8;
	[tilespmem:$0x14280] =	vst v63  }
0x34: {  	_ =	swait.ge [sflag:s15], $0x4000  }
0x35: {  	[sflag:s15] =	ssyncset.done $0x0  }
0x36: {  	[sflag:s15] =	ssyncadd.s32 $0xFFFFC000  }
0x37: {  	_ =	swait.ge [sflag:s15], $0x4000  }
0x38: {  	[sflag:s15] =	ssyncset.done $0x0  }
0x39: {  	[sflag:s15] =	ssyncadd.s32 $0xFFFFC000  }
0x3a: {  	_ =	swait.ge [sflag:s15], $0x4000  }
0x3b: {  	[sflag:s15] =	ssyncset.done $0x0  }
0x3c: {  	[sflag:s15] =	ssyncadd.s32 $0xFFFFC000  }
0x3d: {  	_ =	swait.ge [sflag:s15], $0x4000  }
0x3e: {  	[sflag:s15] =	ssyncset.done $0x0  }
0x3f: {  	[sflag:s15] =	ssyncadd.s32 $0xFFFFC000  }
0x40: {  	_ =	swait.ge [sflag:s15], $0x4000  }
.Ltmp1:
0x41: {  	[sflag:s15] =	ssyncset.done $0x0;
	(pc) =	sbr.rel @p0 .LBB2_1-.Ltmp1, $4  }
0x42: {  	[sflag:s15] =	ssyncadd.s32 $0xFFFFC000  }
0x43: {  	[hbm4b:s16+s2] =	stream.linear.scatter [tilespmem:s7], [sflag:$0x2], $0x14000, $0x38;
	[tilespmem:$0x14280] =	vst v63  }
0x44: {  	_ =	swait.ge [sflag:s3], $0x14000  }
0x45: {  	[sflag:s3] =	ssyncset.done $0x0  }
.LBB2_2:
0x46: {  	[sflag:s3] =	ssyncadd.s32 $0xFFFEC000  }
0x47: {  	_ =	sfence.sel $0x180000  }
0x48: {  	[bflag:$0x0] =	sbarrier.arrive $0xFFFF  }
0x49: {  	p0 =	sne.s32 s0, $0x0;
	_ =	strace $0x90000047  }
0x4a: {  	s0 =	sadd.s32 @!p0 $0x100000, s1;
	[bflag:$0x2] =	sbarrier.arrive $0xFFFF  }
0x4b: {  	[sflag:s0] =	ssyncadd.tile.s32 @!p0 $0x1;
	_ =	shalt  }
.Lfunc_end2:
_tile_overlayer_lowered:
.L_overlay_start_2:
0x4c: {  	(tag) =	ssettag $0x2  }
0x4d: {  	s0 =	rddreg [dreg:$0x0];
	s2 =	stileid.u32  }
0x4e: {  	s1 =	rddreg [dreg:$0x1];
	p0 =	sne.s32 s2, $0x0  }
0x4f: {  	s3 =	rddreg [dreg:$0x2];
	[bflag:$0x3] =	sbarrier.arrive $0xFFFF;
	s2 =	simm.s32 @!p0 $0x1C02  }
0x50: {  	[timem:s3], [sflag:s2] =	dma.local @!p0 [hbm:s0], s1  }
0x51: {  	s0 =	simm.s32 @!p0 $0x2  }
0x52: {  	_ =	swait.ge @!p0 [sflag:s0], s1  }
0x53: {  	s1 =	ssub.s32 @!p0 $0x0, s1;
	[sflag:s0] =	ssyncset.done @!p0 $0x0  }
0x54: {  	[sflag:s0] =	ssyncadd.s32 @!p0 s1  }
0x55: {  	[bflag:$0x3] =	sbarrier.arrive $0xFFFF  }
0x56: {  	_ =	shalt  }

</sc_bundles>
